<compile_context>
chip_gen: v7x
topology: tpu7x:2x2x1
jax: 0.10.2.dev20260603
libtpu: 0.0.44.dev20260713+nightly
codegen_flags: <defaults>
</compile_context>

<pallas_src>
import functools

import jax
import jax.numpy as jnp
from jax import lax
from jax.experimental import pallas as pl
from jax.experimental.pallas import tpu as pltpu
from jax.experimental.pallas import tpu_sc as plsc

VOCAB = 1000000
EMBED_DIM = 64
SKIP_DIM = 16
OUT_DIM = EMBED_DIM + SKIP_DIM

NC = 2
NS = 16
NW = NC * NS

B = 4096
L = 200
LT = L // 8
BPW = B // NW
NBUF = 2


def _body(x4, s4, item_hbm, skip_hbm, out_hbm,
          rawx, rawst, item_bufs, plane_bufs, skip_vm,
          sem_g, sem_w):
    wid = lax.axis_index("s") * NC + lax.axis_index("c")

    pltpu.sync_copy(x4.at[:, wid], rawx)
    pltpu.sync_copy(s4.at[:, wid], rawst)
    pltpu.sync_copy(skip_hbm, skip_vm.at[pl.ds(8, 2 * SKIP_DIM)])

    iota = lax.iota(jnp.int32, 16)
    eight = jnp.full((16,), 8, jnp.int32)
    dcols = [iota + (j * 16) for j in range(4)]
    dtvs = [lax.div(c, eight) for c in dcols]
    hvs = [lax.rem(c, eight) * 128 for c in dcols]

    def fire_gather(l, p):
        lt = lax.div(l, 8)
        li = lax.rem(l, 8)
        return pltpu.async_copy(
            item_hbm.at[rawx.at[lt, li]], item_bufs[p], sem_g[p])

    def fire_write(l, p):
        return pltpu.async_copy(
            plane_bufs[p], out_hbm.at[l, :, wid], sem_w[p])

    for p in range(NBUF):
        fire_gather(p, p)

    def super_body(i, carry):
        for p in range(NBUF):
            l = i * NBUF + p
            lt = lax.div(l, 8)
            li = lax.rem(l, 8)
            pltpu.make_async_copy(
                item_hbm.at[rawx.at[lt, li]], item_bufs[p], sem_g[p]).wait()
            @pl.when(i >= 1)
            def _wait_prev():
                pltpu.make_async_copy(
                    plane_bufs[p], out_hbm.at[l - NBUF, :, wid],
                    sem_w[p]).wait()

            item = item_bufs[p]
            plane = plane_bufs[p]
            def kbody(k, carry3):
                rowoff = lax.rem(iota + k, jnp.full((16,), 16, jnp.int32))
                for j in range(4):
                    rows = [rowoff + b0 for b0 in range(0, BPW, 16)]
                    vs = [plsc.load_gather(item, [r, dcols[j]])
                          for r in rows]
                    for m in range(8):
                        plsc.store_scatter(
                            plane, [dtvs[j], hvs[j] + rows[m]], vs[m])
                return carry3

            lax.fori_loop(0, 16, kbody, 0)
            masks = [rawst[lt, li, pl.ds(bg * 16, 16)] != 0
                     for bg in range(8)]
            for ds0 in range(0, SKIP_DIM, 4):
                tsplats = []
                for ds in range(ds0, ds0 + 4):
                    dsplat = jnp.full((16,), 8 + ds, jnp.int32)
                    tsplats.append((plsc.load_gather(skip_vm, [dsplat]),
                                    plsc.load_gather(skip_vm,
                                                     [dsplat + SKIP_DIM])))
                for ds in range(ds0, ds0 + 4):
                    t0, t1 = tsplats[ds - ds0]
                    dt = EMBED_DIM // 8 + ds // 8
                    din = ds % 8
                    sels = [jnp.where(masks[bg], t1, t0) for bg in range(8)]
                    for bg in range(8):
                        plane[dt, pl.ds(din * 128 + bg * 16, 16)] = sels[bg]

            @pl.when(i < (L // NBUF) - 1)
            def _prefetch():
                fire_gather(l + NBUF, p)

            fire_write(l, p)
        return carry

    lax.fori_loop(0, L // NBUF, super_body, 0)

    for p in range(NBUF):
        l = L - NBUF + p
        pltpu.make_async_copy(
            plane_bufs[p], out_hbm.at[l, :, wid], sem_w[p]).wait()


def _entry(x4, s4, item_hbm, skip_hbm, out_hbm, *scratch):
    rawx = scratch[0]
    rawst = scratch[1]
    item_bufs = scratch[2:2 + NBUF]
    plane_bufs = scratch[2 + NBUF:2 + 2 * NBUF]
    skip_vm = scratch[2 + 2 * NBUF]
    sem_g = scratch[3 + 2 * NBUF:3 + 3 * NBUF]
    sem_w = scratch[3 + 3 * NBUF:3 + 4 * NBUF]
    _body(x4, s4, item_hbm, skip_hbm, out_hbm,
          rawx, rawst, item_bufs, plane_bufs, skip_vm, sem_g, sem_w)


def kernel(x, skip_status, item_table, skip_table):
    x4 = x.reshape(NW, BPW, LT, 8).transpose(2, 0, 3, 1)
    s4 = skip_status.reshape(NW, BPW, LT, 8).transpose(2, 0, 3, 1)

    mesh = plsc.VectorSubcoreMesh(core_axis_name="c", subcore_axis_name="s")
    scratch = (
        [pltpu.VMEM((LT, 8, BPW), jnp.int32),
         pltpu.VMEM((LT, 8, BPW), jnp.int32)] +
        [pltpu.VMEM((BPW, EMBED_DIM), jnp.float32) for _ in range(NBUF)] +
        [pltpu.VMEM((OUT_DIM // 8, 8 * BPW), jnp.float32)
         for _ in range(NBUF)] +
        [pltpu.VMEM((8 + 2 * SKIP_DIM,), jnp.float32)] +
        [pltpu.SemaphoreType.DMA for _ in range(2 * NBUF)]
    )
    run = functools.partial(
        pl.kernel,
        out_type=jax.ShapeDtypeStruct((L, OUT_DIM // 8, NW, 8 * BPW),
                                      jnp.float32),
        mesh=mesh,
        scratch_types=scratch,
        compiler_params=pltpu.CompilerParams(use_tc_tiling_on_sc=False,
                                             needs_layout_passes=False),
    )(_entry)
    out5 = run(x4, s4, item_table, skip_table.reshape(2 * SKIP_DIM))
    out6 = out5.reshape(L, OUT_DIM // 8, NW, 8, BPW)
    return out6.transpose(2, 4, 0, 1, 3).reshape(B, L, OUT_DIM)

# --- scband reference (transcript-rebuilt; emitter-appended) ---
"""Pipeline reference for scband-embedding-layer-7086696038861 (READ-ONLY COPY).

The authoritative reference and input builder live on the scoring server;
editing this copy changes nothing except your own understanding.
"""

import jax, jax.numpy as jnp
import numpy as np

VOCAB = 1000000
EMBED_DIM = 64
SKIP_DIM = 16
B = 4096
L = 200

def setup_inputs(seed: int = 0) -> dict:
    key = jax.random.key(seed)
    k1, k2, k3, k4 = jax.random.split(key, 4)
    x = jax.random.randint(k1, (B, L), 0, VOCAB, dtype=jnp.int64 if jax.config.jax_enable_x64 else jnp.int32).astype(jnp.int32)
    skip_status = jax.random.randint(k2, (B, L), 0, 2).astype(jnp.int32)
    item_table = jax.random.normal(k3, (VOCAB, EMBED_DIM), dtype=jnp.float32)
    skip_table = jax.random.normal(k4, (2, SKIP_DIM), dtype=jnp.float32)
    return {"x": x, "skip_status": skip_status, "item_table": item_table, "skip_table": skip_table}

def reference(x, skip_status, item_table, skip_table):
    item_embedded = jnp.take(item_table, x, axis=0)
    # skip_status.shape[1] == x.shape[1] -> concat path
    if skip_status.shape[1] == x.shape[1]:
        skip_embedded = jnp.take(skip_table, skip_status, axis=0)
        combined = jnp.concatenate((item_embedded, skip_embedded), axis=2)
    else:
        combined = item_embedded
    return combined

if __name__ == "__main__":
    import jax
    _d = setup_inputs()
    print(jax.jit(kernel)(*tuple(_d.values())))

</pallas_src>

<mosaic_0001>
#map = affine_map<(d0, d1) -> (0, 0, 0, 0)>
#map1 = affine_map<(d0, d1) -> (0, 0)>
#map2 = affine_map<(d0, d1) -> (0)>
module attributes {stable_mosaic.version = 14 : i64} {
  func.func @_entry(%arg0: i32, %arg1: i32, %arg2: memref<25x32x8x128xi32, #tpu.memory_space<hbm>>, %arg3: memref<25x32x8x128xi32, #tpu.memory_space<hbm>>, %arg4: memref<1000000x64xf32, #tpu.memory_space<hbm>>, %arg5: memref<32xf32, #tpu.memory_space<hbm>>, %arg6: memref<200x10x32x1024xf32, #tpu.memory_space<hbm>>, %arg7: memref<25x8x128xi32, #tpu.memory_space<vmem>>, %arg8: memref<25x8x128xi32, #tpu.memory_space<vmem>>, %arg9: memref<128x64xf32, #tpu.memory_space<vmem>>, %arg10: memref<128x64xf32, #tpu.memory_space<vmem>>, %arg11: memref<10x1024xf32, #tpu.memory_space<vmem>>, %arg12: memref<10x1024xf32, #tpu.memory_space<vmem>>, %arg13: memref<40xf32, #tpu.memory_space<vmem>>, %arg14: memref<!tpu.dma_semaphore, #tpu.memory_space<semaphore_mem>>, %arg15: memref<!tpu.dma_semaphore, #tpu.memory_space<semaphore_mem>>, %arg16: memref<!tpu.dma_semaphore, #tpu.memory_space<semaphore_mem>>, %arg17: memref<!tpu.dma_semaphore, #tpu.memory_space<semaphore_mem>>) attributes {dimension_semantics = [#tpu.dimension_semantics<core_parallel>, #tpu.dimension_semantics<subcore_parallel>], iteration_bounds = array<i64: 2, 16>, scalar_prefetch = 0 : i64, scratch_operands = 11 : i64, tpu.core_type = #tpu.core_type<sc_vector_subcore>, window_params = [{transform_indices = #map}, {transform_indices = #map}, {transform_indices = #map1}, {transform_indices = #map2}, {transform_indices = #map}]} {
    %mul3A = arith.constant 2 : i32
    %mul3A_0 = arith.muli %arg1, %mul3A : i32
    %add3A = arith.addi %mul3A_0, %arg0 : i32
    "tpu.region"() ({
      %run_scoped3A = tpu.sem_alloc : memref<!tpu.dma_semaphore, #tpu.memory_space<semaphore_mem>>
      %dma_start3A_77 = arith.constant 0 : i32
      %dma_start3A_78 = arith.constant 0 : i32
      %dma_start3A_79 = arith.constant 0 : i32
      %dma_start3A_80 = tpu.memref_slice %arg2[%dma_start3A_77, %add3A, %dma_start3A_78, %dma_start3A_79] : memref<25x32x8x128xi32, #tpu.memory_space<hbm>> -> memref<25x1x8x128xi32, #tpu.memory_space<hbm>>
      %dma_start3A_81 = tpu.memref_squeeze %dma_start3A_80 : memref<25x1x8x128xi32, #tpu.memory_space<hbm>> -> memref<25x8x128xi32, #tpu.memory_space<hbm>>
      %dma_start3A_82 = arith.constant 0 : i32
      %dma_start3A_83 = arith.constant 0 : i32
      %dma_start3A_84 = arith.constant 0 : i32
      %dma_start3A_85 = tpu.memref_slice %arg2[%dma_start3A_82, %add3A, %dma_start3A_83, %dma_start3A_84] : memref<25x32x8x128xi32, #tpu.memory_space<hbm>> -> memref<25x1x8x128xi32, #tpu.memory_space<hbm>>
      %dma_start3A_86 = tpu.memref_squeeze %dma_start3A_85 : memref<25x1x8x128xi32, #tpu.memory_space<hbm>> -> memref<25x8x128xi32, #tpu.memory_space<hbm>>
      tpu.enqueue_dma source(%dma_start3A_86 : memref<25x8x128xi32, #tpu.memory_space<hbm>>) target(%arg7 : memref<25x8x128xi32, #tpu.memory_space<vmem>>) target_semaphore(%run_scoped3A : memref<!tpu.dma_semaphore, #tpu.memory_space<semaphore_mem>>)
      %dma_wait3A_87 = arith.constant 0 : i32
      %dma_wait3A_88 = arith.constant 0 : i32
      %dma_wait3A_89 = arith.constant 0 : i32
      %dma_wait3A_90 = tpu.memref_slice %arg2[%dma_wait3A_87, %add3A, %dma_wait3A_88, %dma_wait3A_89] : memref<25x32x8x128xi32, #tpu.memory_space<hbm>> -> memref<25x1x8x128xi32, #tpu.memory_space<hbm>>
      %dma_wait3A_91 = tpu.memref_squeeze %dma_wait3A_90 : memref<25x1x8x128xi32, #tpu.memory_space<hbm>> -> memref<25x8x128xi32, #tpu.memory_space<hbm>>
      %dma_wait3A_92 = arith.constant 0 : i32
      %dma_wait3A_93 = arith.constant 0 : i32
      %dma_wait3A_94 = arith.constant 0 : i32
      %dma_wait3A_95 = tpu.memref_slice %arg2[%dma_wait3A_92, %add3A, %dma_wait3A_93, %dma_wait3A_94] : memref<25x32x8x128xi32, #tpu.memory_space<hbm>> -> memref<25x1x8x128xi32, #tpu.memory_space<hbm>>
      %dma_wait3A_96 = tpu.memref_squeeze %dma_wait3A_95 : memref<25x1x8x128xi32, #tpu.memory_space<hbm>> -> memref<25x8x128xi32, #tpu.memory_space<hbm>>
      tpu.wait_dma2 semaphore(%run_scoped3A : memref<!tpu.dma_semaphore, #tpu.memory_space<semaphore_mem>>) src(%dma_wait3A_96 : memref<25x8x128xi32, #tpu.memory_space<hbm>>) dst(%arg7 : memref<25x8x128xi32, #tpu.memory_space<vmem>>)
      tpu.yield
    }) : () -> ()
    "tpu.region"() ({
      %run_scoped3A = tpu.sem_alloc : memref<!tpu.dma_semaphore, #tpu.memory_space<semaphore_mem>>
      %dma_start3A_77 = arith.constant 0 : i32
      %dma_start3A_78 = arith.constant 0 : i32
      %dma_start3A_79 = arith.constant 0 : i32
      %dma_start3A_80 = tpu.memref_slice %arg3[%dma_start3A_77, %add3A, %dma_start3A_78, %dma_start3A_79] : memref<25x32x8x128xi32, #tpu.memory_space<hbm>> -> memref<25x1x8x128xi32, #tpu.memory_space<hbm>>
      %dma_start3A_81 = tpu.memref_squeeze %dma_start3A_80 : memref<25x1x8x128xi32, #tpu.memory_space<hbm>> -> memref<25x8x128xi32, #tpu.memory_space<hbm>>
      %dma_start3A_82 = arith.constant 0 : i32
      %dma_start3A_83 = arith.constant 0 : i32
      %dma_start3A_84 = arith.constant 0 : i32
      %dma_start3A_85 = tpu.memref_slice %arg3[%dma_start3A_82, %add3A, %dma_start3A_83, %dma_start3A_84] : memref<25x32x8x128xi32, #tpu.memory_space<hbm>> -> memref<25x1x8x128xi32, #tpu.memory_space<hbm>>
      %dma_start3A_86 = tpu.memref_squeeze %dma_start3A_85 : memref<25x1x8x128xi32, #tpu.memory_space<hbm>> -> memref<25x8x128xi32, #tpu.memory_space<hbm>>
      tpu.enqueue_dma source(%dma_start3A_86 : memref<25x8x128xi32, #tpu.memory_space<hbm>>) target(%arg8 : memref<25x8x128xi32, #tpu.memory_space<vmem>>) target_semaphore(%run_scoped3A : memref<!tpu.dma_semaphore, #tpu.memory_space<semaphore_mem>>)
      %dma_wait3A_87 = arith.constant 0 : i32
      %dma_wait3A_88 = arith.constant 0 : i32
      %dma_wait3A_89 = arith.constant 0 : i32
      %dma_wait3A_90 = tpu.memref_slice %arg3[%dma_wait3A_87, %add3A, %dma_wait3A_88, %dma_wait3A_89] : memref<25x32x8x128xi32, #tpu.memory_space<hbm>> -> memref<25x1x8x128xi32, #tpu.memory_space<hbm>>
      %dma_wait3A_91 = tpu.memref_squeeze %dma_wait3A_90 : memref<25x1x8x128xi32, #tpu.memory_space<hbm>> -> memref<25x8x128xi32, #tpu.memory_space<hbm>>
      %dma_wait3A_92 = arith.constant 0 : i32
      %dma_wait3A_93 = arith.constant 0 : i32
      %dma_wait3A_94 = arith.constant 0 : i32
      %dma_wait3A_95 = tpu.memref_slice %arg3[%dma_wait3A_92, %add3A, %dma_wait3A_93, %dma_wait3A_94] : memref<25x32x8x128xi32, #tpu.memory_space<hbm>> -> memref<25x1x8x128xi32, #tpu.memory_space<hbm>>
      %dma_wait3A_96 = tpu.memref_squeeze %dma_wait3A_95 : memref<25x1x8x128xi32, #tpu.memory_space<hbm>> -> memref<25x8x128xi32, #tpu.memory_space<hbm>>
      tpu.wait_dma2 semaphore(%run_scoped3A : memref<!tpu.dma_semaphore, #tpu.memory_space<semaphore_mem>>) src(%dma_wait3A_96 : memref<25x8x128xi32, #tpu.memory_space<hbm>>) dst(%arg8 : memref<25x8x128xi32, #tpu.memory_space<vmem>>)
      tpu.yield
    }) : () -> ()
    "tpu.region"() ({
      %run_scoped3A = tpu.sem_alloc : memref<!tpu.dma_semaphore, #tpu.memory_space<semaphore_mem>>
      %dma_start3A_77 = arith.constant 8 : i32
      %dma_start3A_78 = tpu.memref_slice %arg13[%dma_start3A_77] : memref<40xf32, #tpu.memory_space<vmem>> -> memref<32xf32, #tpu.memory_space<vmem>>
      %dma_start3A_79 = arith.constant 8 : i32
      %dma_start3A_80 = tpu.memref_slice %arg13[%dma_start3A_79] : memref<40xf32, #tpu.memory_space<vmem>> -> memref<32xf32, #tpu.memory_space<vmem>>
      tpu.enqueue_dma source(%arg5 : memref<32xf32, #tpu.memory_space<hbm>>) target(%dma_start3A_80 : memref<32xf32, #tpu.memory_space<vmem>>) target_semaphore(%run_scoped3A : memref<!tpu.dma_semaphore, #tpu.memory_space<semaphore_mem>>)
      %dma_wait3A_81 = arith.constant 8 : i32
      %dma_wait3A_82 = tpu.memref_slice %arg13[%dma_wait3A_81] : memref<40xf32, #tpu.memory_space<vmem>> -> memref<32xf32, #tpu.memory_space<vmem>>
      %dma_wait3A_83 = arith.constant 8 : i32
      %dma_wait3A_84 = tpu.memref_slice %arg13[%dma_wait3A_83] : memref<40xf32, #tpu.memory_space<vmem>> -> memref<32xf32, #tpu.memory_space<vmem>>
      tpu.wait_dma2 semaphore(%run_scoped3A : memref<!tpu.dma_semaphore, #tpu.memory_space<semaphore_mem>>) src(%arg5 : memref<32xf32, #tpu.memory_space<hbm>>) dst(%dma_wait3A_84 : memref<32xf32, #tpu.memory_space<vmem>>)
      tpu.yield
    }) : () -> ()
    %iota3A = tpu.iota {dimensions = array<i32: 0>} : vector<16xi32>
    %broadcast_in_dim3A = arith.constant 8 : i32
    %broadcast_in_dim3A_1 = vector.broadcast %broadcast_in_dim3A : i32 to vector<16xi32>
    %add3A_2 = arith.constant 0 : i32
    %add3A_3 = vector.broadcast %add3A_2 : i32 to vector<16xi32>
    %add3A_4 = arith.addi %iota3A, %add3A_3 : vector<16xi32>
    %add3A_5 = arith.constant 16 : i32
    %add3A_6 = vector.broadcast %add3A_5 : i32 to vector<16xi32>
    %add3A_7 = arith.addi %iota3A, %add3A_6 : vector<16xi32>
    %add3A_8 = arith.constant 32 : i32
    %add3A_9 = vector.broadcast %add3A_8 : i32 to vector<16xi32>
    %add3A_10 = arith.addi %iota3A, %add3A_9 : vector<16xi32>
    %add3A_11 = arith.constant 48 : i32
    %add3A_12 = vector.broadcast %add3A_11 : i32 to vector<16xi32>
    %add3A_13 = arith.addi %iota3A, %add3A_12 : vector<16xi32>
    %div3A = arith.divsi %add3A_4, %broadcast_in_dim3A_1 : vector<16xi32>
    %div3A_14 = arith.divsi %add3A_7, %broadcast_in_dim3A_1 : vector<16xi32>
    %div3A_15 = arith.divsi %add3A_10, %broadcast_in_dim3A_1 : vector<16xi32>
    %div3A_16 = arith.divsi %add3A_13, %broadcast_in_dim3A_1 : vector<16xi32>
    %rem3A = arith.remsi %add3A_4, %broadcast_in_dim3A_1 : vector<16xi32>
    %mul3A_17 = arith.constant 128 : i32
    %mul3A_18 = vector.broadcast %mul3A_17 : i32 to vector<16xi32>
    %mul3A_19 = arith.muli %rem3A, %mul3A_18 : vector<16xi32>
    %rem3A_20 = arith.remsi %add3A_7, %broadcast_in_dim3A_1 : vector<16xi32>
    %mul3A_21 = arith.constant 128 : i32
    %mul3A_22 = vector.broadcast %mul3A_21 : i32 to vector<16xi32>
    %mul3A_23 = arith.muli %rem3A_20, %mul3A_22 : vector<16xi32>
    %rem3A_24 = arith.remsi %add3A_10, %broadcast_in_dim3A_1 : vector<16xi32>
    %mul3A_25 = arith.constant 128 : i32
    %mul3A_26 = vector.broadcast %mul3A_25 : i32 to vector<16xi32>
    %mul3A_27 = arith.muli %rem3A_24, %mul3A_26 : vector<16xi32>
    %rem3A_28 = arith.remsi %add3A_13, %broadcast_in_dim3A_1 : vector<16xi32>
    %mul3A_29 = arith.constant 128 : i32
    %mul3A_30 = vector.broadcast %mul3A_29 : i32 to vector<16xi32>
    %mul3A_31 = arith.muli %rem3A_28, %mul3A_30 : vector<16xi32>
    %div3A_32 = arith.constant 0 : i32
    %div3A_33 = arith.constant 8 : i32
    %div3A_34 = arith.divsi %div3A_32, %div3A_33 : i32
    %rem3A_35 = arith.constant 0 : i32
    %rem3A_36 = arith.constant 8 : i32
    %rem3A_37 = arith.remsi %rem3A_35, %rem3A_36 : i32
    %dma_start3A = arith.constant 0 : i32
    %dma_start3A_38 = tpu.memref_slice %arg7[%div3A_34, %rem3A_37, %dma_start3A] : memref<25x8x128xi32, #tpu.memory_space<vmem>> -> memref<1x1x128xi32, #tpu.memory_space<vmem>>
    %dma_start3A_39 = tpu.memref_squeeze %dma_start3A_38 : memref<1x1x128xi32, #tpu.memory_space<vmem>> -> memref<128xi32, #tpu.memory_space<vmem>>
    %dma_start3A_40 = arith.constant 0 : i32
    %dma_start3A_41 = arith.constant 0 : i32
    %dma_start3A_42 = tpu.memref_slice %arg4[%dma_start3A_40, %dma_start3A_41] : memref<1000000x64xf32, #tpu.memory_space<hbm>> -> memref<1000000x64xf32, #tpu.memory_space<hbm>>
    tpu.enqueue_indirect_dma source(%dma_start3A_42 : memref<1000000x64xf32, #tpu.memory_space<hbm>>) target(%arg9 : memref<128x64xf32, #tpu.memory_space<vmem>>) offsets(%dma_start3A_39 : memref<128xi32, #tpu.memory_space<vmem>>) semaphore(%arg14 : memref<!tpu.dma_semaphore, #tpu.memory_space<semaphore_mem>>)
    %div3A_43 = arith.constant 1 : i32
    %div3A_44 = arith.constant 8 : i32
    %div3A_45 = arith.divsi %div3A_43, %div3A_44 : i32
    %rem3A_46 = arith.constant 1 : i32
    %rem3A_47 = arith.constant 8 : i32
    %rem3A_48 = arith.remsi %rem3A_46, %rem3A_47 : i32
    %dma_start3A_49 = arith.constant 0 : i32
    %dma_start3A_50 = tpu.memref_slice %arg7[%div3A_45, %rem3A_48, %dma_start3A_49] : memref<25x8x128xi32, #tpu.memory_space<vmem>> -> memref<1x1x128xi32, #tpu.memory_space<vmem>>
    %dma_start3A_51 = tpu.memref_squeeze %dma_start3A_50 : memref<1x1x128xi32, #tpu.memory_space<vmem>> -> memref<128xi32, #tpu.memory_space<vmem>>
    %dma_start3A_52 = arith.constant 0 : i32
    %dma_start3A_53 = arith.constant 0 : i32
    %dma_start3A_54 = tpu.memref_slice %arg4[%dma_start3A_52, %dma_start3A_53] : memref<1000000x64xf32, #tpu.memory_space<hbm>> -> memref<1000000x64xf32, #tpu.memory_space<hbm>>
    tpu.enqueue_indirect_dma source(%dma_start3A_54 : memref<1000000x64xf32, #tpu.memory_space<hbm>>) target(%arg10 : memref<128x64xf32, #tpu.memory_space<vmem>>) offsets(%dma_start3A_51 : memref<128xi32, #tpu.memory_space<vmem>>) semaphore(%arg15 : memref<!tpu.dma_semaphore, #tpu.memory_space<semaphore_mem>>)
    %scan3A = arith.constant 0 : i32
    %scan3A_55 = arith.constant 0 : i32
    %scan3A_56 = arith.constant 100 : i32
    %scan3A_57 = arith.addi %scan3A_55, %scan3A_56 : i32
    %scan3A_58 = arith.constant 1 : i32
    scf.for %scan3A_77 = %scan3A_55 to %scan3A_57 step %scan3A_58  : i32 {
      %mul3A_78 = arith.constant 2 : i32
      %mul3A_79 = arith.muli %scan3A_77, %mul3A_78 : i32
      %add3A_80 = arith.constant 0 : i32
      %add3A_81 = arith.addi %mul3A_79, %add3A_80 : i32
      %div3A_82 = arith.constant 8 : i32
      %div3A_83 = arith.divsi %add3A_81, %div3A_82 : i32
      %rem3A_84 = arith.constant 8 : i32
      %rem3A_85 = arith.remsi %add3A_81, %rem3A_84 : i32
      %dma_wait3A_86 = arith.constant 0 : i32
      %dma_wait3A_87 = tpu.memref_slice %arg7[%div3A_83, %rem3A_85, %dma_wait3A_86] : memref<25x8x128xi32, #tpu.memory_space<vmem>> -> memref<1x1x128xi32, #tpu.memory_space<vmem>>
      %dma_wait3A_88 = tpu.memref_squeeze %dma_wait3A_87 : memref<1x1x128xi32, #tpu.memory_space<vmem>> -> memref<128xi32, #tpu.memory_space<vmem>>
      %dma_wait3A_89 = arith.constant 0 : i32
      %dma_wait3A_90 = arith.constant 0 : i32
      %dma_wait3A_91 = tpu.memref_slice %arg4[%dma_wait3A_89, %dma_wait3A_90] : memref<1000000x64xf32, #tpu.memory_space<hbm>> -> memref<1000000x64xf32, #tpu.memory_space<hbm>>
      tpu.wait_indirect_dma semaphore(%arg14 : memref<!tpu.dma_semaphore, #tpu.memory_space<semaphore_mem>>) src(%dma_wait3A_91 : memref<1000000x64xf32, #tpu.memory_space<hbm>>) dst(%arg9 : memref<128x64xf32, #tpu.memory_space<vmem>>)
      %ge3A = arith.constant 1 : i32
      %ge3A_92 = arith.cmpi sge, %scan3A_77, %ge3A : i32
      %convert_element_type3A = arith.extui %ge3A_92 : i1 to i32
      %cond3A = arith.constant 0 : i32
      %cond3A_93 = arith.cmpi ne, %convert_element_type3A, %cond3A : i32
      scf.if %cond3A_93 {
        %sub3A = arith.constant 2 : i32
        %sub3A_1761 = arith.subi %add3A_81, %sub3A : i32
        %dma_wait3A_1762 = arith.constant 0 : i32
        %dma_wait3A_1763 = arith.constant 0 : i32
        %dma_wait3A_1764 = tpu.memref_slice %arg6[%sub3A_1761, %dma_wait3A_1762, %add3A, %dma_wait3A_1763] : memref<200x10x32x1024xf32, #tpu.memory_space<hbm>> -> memref<1x10x1x1024xf32, #tpu.memory_space<hbm>>
        %dma_wait3A_1765 = tpu.memref_squeeze %dma_wait3A_1764 : memref<1x10x1x1024xf32, #tpu.memory_space<hbm>> -> memref<10x1024xf32, #tpu.memory_space<hbm>>
        %dma_wait3A_1766 = arith.constant 0 : i32
        %dma_wait3A_1767 = arith.constant 0 : i32
        %dma_wait3A_1768 = tpu.memref_slice %arg6[%sub3A_1761, %dma_wait3A_1766, %add3A, %dma_wait3A_1767] : memref<200x10x32x1024xf32, #tpu.memory_space<hbm>> -> memref<1x10x1x1024xf32, #tpu.memory_space<hbm>>
        %dma_wait3A_1769 = tpu.memref_squeeze %dma_wait3A_1768 : memref<1x10x1x1024xf32, #tpu.memory_space<hbm>> -> memref<10x1024xf32, #tpu.memory_space<hbm>>
        tpu.wait_dma2 semaphore(%arg16 : memref<!tpu.dma_semaphore, #tpu.memory_space<semaphore_mem>>) src(%arg11 : memref<10x1024xf32, #tpu.memory_space<vmem>>) dst(%dma_wait3A_1769 : memref<10x1024xf32, #tpu.memory_space<hbm>>)
      } else {
      }
      %scan3A_94 = arith.constant 0 : i32
      %scan3A_95 = arith.constant 0 : i32
      %scan3A_96 = arith.constant 16 : i32
      %scan3A_97 = arith.addi %scan3A_95, %scan3A_96 : i32
      %scan3A_98 = arith.constant 1 : i32
      scf.for %scan3A_1761 = %scan3A_95 to %scan3A_97 step %scan3A_98  : i32 {
        %add3A_1762 = vector.broadcast %scan3A_1761 : i32 to vector<16xi32>
        %add3A_1763 = arith.addi %iota3A, %add3A_1762 : vector<16xi32>
        %broadcast_in_dim3A_1764 = arith.constant 16 : i32
        %broadcast_in_dim3A_1765 = vector.broadcast %broadcast_in_dim3A_1764 : i32 to vector<16xi32>
        %rem3A_1766 = arith.remsi %add3A_1763, %broadcast_in_dim3A_1765 : vector<16xi32>
        %add3A_1767 = arith.constant 0 : i32
        %add3A_1768 = vector.broadcast %add3A_1767 : i32 to vector<16xi32>
        %add3A_1769 = arith.addi %rem3A_1766, %add3A_1768 : vector<16xi32>
        %add3A_1770 = arith.constant 16 : i32
        %add3A_1771 = vector.broadcast %add3A_1770 : i32 to vector<16xi32>
        %add3A_1772 = arith.addi %rem3A_1766, %add3A_1771 : vector<16xi32>
        %add3A_1773 = arith.constant 32 : i32
        %add3A_1774 = vector.broadcast %add3A_1773 : i32 to vector<16xi32>
        %add3A_1775 = arith.addi %rem3A_1766, %add3A_1774 : vector<16xi32>
        %add3A_1776 = arith.constant 48 : i32
        %add3A_1777 = vector.broadcast %add3A_1776 : i32 to vector<16xi32>
        %add3A_1778 = arith.addi %rem3A_1766, %add3A_1777 : vector<16xi32>
        %add3A_1779 = arith.constant 64 : i32
        %add3A_1780 = vector.broadcast %add3A_1779 : i32 to vector<16xi32>
        %add3A_1781 = arith.addi %rem3A_1766, %add3A_1780 : vector<16xi32>
        %add3A_1782 = arith.constant 80 : i32
        %add3A_1783 = vector.broadcast %add3A_1782 : i32 to vector<16xi32>
        %add3A_1784 = arith.addi %rem3A_1766, %add3A_1783 : vector<16xi32>
        %add3A_1785 = arith.constant 96 : i32
        %add3A_1786 = vector.broadcast %add3A_1785 : i32 to vector<16xi32>
        %add3A_1787 = arith.addi %rem3A_1766, %add3A_1786 : vector<16xi32>
        %add3A_1788 = arith.constant 112 : i32
        %add3A_1789 = vector.broadcast %add3A_1788 : i32 to vector<16xi32>
        %add3A_1790 = arith.addi %rem3A_1766, %add3A_1789 : vector<16xi32>
        %gather3A_1791 = tpu.vector_load_idx %arg9[%add3A_1769, %add3A_4] : memref<128x64xf32, #tpu.memory_space<vmem>>[vector<16xi32>, vector<16xi32>], vector<16xf32>,
        %gather3A_1792 = tpu.vector_load_idx %arg9[%add3A_1772, %add3A_4] : memref<128x64xf32, #tpu.memory_space<vmem>>[vector<16xi32>, vector<16xi32>], vector<16xf32>,
        %gather3A_1793 = tpu.vector_load_idx %arg9[%add3A_1775, %add3A_4] : memref<128x64xf32, #tpu.memory_space<vmem>>[vector<16xi32>, vector<16xi32>], vector<16xf32>,
        %gather3A_1794 = tpu.vector_load_idx %arg9[%add3A_1778, %add3A_4] : memref<128x64xf32, #tpu.memory_space<vmem>>[vector<16xi32>, vector<16xi32>], vector<16xf32>,
        %gather3A_1795 = tpu.vector_load_idx %arg9[%add3A_1781, %add3A_4] : memref<128x64xf32, #tpu.memory_space<vmem>>[vector<16xi32>, vector<16xi32>], vector<16xf32>,
        %gather3A_1796 = tpu.vector_load_idx %arg9[%add3A_1784, %add3A_4] : memref<128x64xf32, #tpu.memory_space<vmem>>[vector<16xi32>, vector<16xi32>], vector<16xf32>,
        %gather3A_1797 = tpu.vector_load_idx %arg9[%add3A_1787, %add3A_4] : memref<128x64xf32, #tpu.memory_space<vmem>>[vector<16xi32>, vector<16xi32>], vector<16xf32>,
        %gather3A_1798 = tpu.vector_load_idx %arg9[%add3A_1790, %add3A_4] : memref<128x64xf32, #tpu.memory_space<vmem>>[vector<16xi32>, vector<16xi32>], vector<16xf32>,
        %add3A_1799 = arith.addi %mul3A_19, %add3A_1769 : vector<16xi32>
        tpu.vector_store_idx %arg11[%div3A, %add3A_1799], %gather3A_1791 : memref<10x1024xf32, #tpu.memory_space<vmem>>[vector<16xi32>, vector<16xi32>], vector<16xf32>,
        %add3A_1800 = arith.addi %mul3A_19, %add3A_1772 : vector<16xi32>
        tpu.vector_store_idx %arg11[%div3A, %add3A_1800], %gather3A_1792 : memref<10x1024xf32, #tpu.memory_space<vmem>>[vector<16xi32>, vector<16xi32>], vector<16xf32>,
        %add3A_1801 = arith.addi %mul3A_19, %add3A_1775 : vector<16xi32>
        tpu.vector_store_idx %arg11[%div3A, %add3A_1801], %gather3A_1793 : memref<10x1024xf32, #tpu.memory_space<vmem>>[vector<16xi32>, vector<16xi32>], vector<16xf32>,
        %add3A_1802 = arith.addi %mul3A_19, %add3A_1778 : vector<16xi32>
        tpu.vector_store_idx %arg11[%div3A, %add3A_1802], %gather3A_1794 : memref<10x1024xf32, #tpu.memory_space<vmem>>[vector<16xi32>, vector<16xi32>], vector<16xf32>,
        %add3A_1803 = arith.addi %mul3A_19, %add3A_1781 : vector<16xi32>
        tpu.vector_store_idx %arg11[%div3A, %add3A_1803], %gather3A_1795 : memref<10x1024xf32, #tpu.memory_space<vmem>>[vector<16xi32>, vector<16xi32>], vector<16xf32>,
        %add3A_1804 = arith.addi %mul3A_19, %add3A_1784 : vector<16xi32>
        tpu.vector_store_idx %arg11[%div3A, %add3A_1804], %gather3A_1796 : memref<10x1024xf32, #tpu.memory_space<vmem>>[vector<16xi32>, vector<16xi32>], vector<16xf32>,
        %add3A_1805 = arith.addi %mul3A_19, %add3A_1787 : vector<16xi32>
        tpu.vector_store_idx %arg11[%div3A, %add3A_1805], %gather3A_1797 : memref<10x1024xf32, #tpu.memory_space<vmem>>[vector<16xi32>, vector<16xi32>], vector<16xf32>,
        %add3A_1806 = arith.addi %mul3A_19, %add3A_1790 : vector<16xi32>
        tpu.vector_store_idx %arg11[%div3A, %add3A_1806], %gather3A_1798 : memref<10x1024xf32, #tpu.memory_space<vmem>>[vector<16xi32>, vector<16xi32>], vector<16xf32>,
        %add3A_1807 = arith.constant 0 : i32
        %add3A_1808 = vector.broadcast %add3A_1807 : i32 to vector<16xi32>
        %add3A_1809 = arith.addi %rem3A_1766, %add3A_1808 : vector<16xi32>
        %add3A_1810 = arith.constant 16 : i32
        %add3A_1811 = vector.broadcast %add3A_1810 : i32 to vector<16xi32>
        %add3A_1812 = arith.addi %rem3A_1766, %add3A_1811 : vector<16xi32>
        %add3A_1813 = arith.constant 32 : i32
        %add3A_1814 = vector.broadcast %add3A_1813 : i32 to vector<16xi32>
        %add3A_1815 = arith.addi %rem3A_1766, %add3A_1814 : vector<16xi32>
        %add3A_1816 = arith.constant 48 : i32
        %add3A_1817 = vector.broadcast %add3A_1816 : i32 to vector<16xi32>
        %add3A_1818 = arith.addi %rem3A_1766, %add3A_1817 : vector<16xi32>
        %add3A_1819 = arith.constant 64 : i32
        %add3A_1820 = vector.broadcast %add3A_1819 : i32 to vector<16xi32>
        %add3A_1821 = arith.addi %rem3A_1766, %add3A_1820 : vector<16xi32>
        %add3A_1822 = arith.constant 80 : i32
        %add3A_1823 = vector.broadcast %add3A_1822 : i32 to vector<16xi32>
        %add3A_1824 = arith.addi %rem3A_1766, %add3A_1823 : vector<16xi32>
        %add3A_1825 = arith.constant 96 : i32
        %add3A_1826 = vector.broadcast %add3A_1825 : i32 to vector<16xi32>
        %add3A_1827 = arith.addi %rem3A_1766, %add3A_1826 : vector<16xi32>
        %add3A_1828 = arith.constant 112 : i32
        %add3A_1829 = vector.broadcast %add3A_1828 : i32 to vector<16xi32>
        %add3A_1830 = arith.addi %rem3A_1766, %add3A_1829 : vector<16xi32>
        %gather3A_1831 = tpu.vector_load_idx %arg9[%add3A_1809, %add3A_7] : memref<128x64xf32, #tpu.memory_space<vmem>>[vector<16xi32>, vector<16xi32>], vector<16xf32>,
        %gather3A_1832 = tpu.vector_load_idx %arg9[%add3A_1812, %add3A_7] : memref<128x64xf32, #tpu.memory_space<vmem>>[vector<16xi32>, vector<16xi32>], vector<16xf32>,
        %gather3A_1833 = tpu.vector_load_idx %arg9[%add3A_1815, %add3A_7] : memref<128x64xf32, #tpu.memory_space<vmem>>[vector<16xi32>, vector<16xi32>], vector<16xf32>,
        %gather3A_1834 = tpu.vector_load_idx %arg9[%add3A_1818, %add3A_7] : memref<128x64xf32, #tpu.memory_space<vmem>>[vector<16xi32>, vector<16xi32>], vector<16xf32>,
        %gather3A_1835 = tpu.vector_load_idx %arg9[%add3A_1821, %add3A_7] : memref<128x64xf32, #tpu.memory_space<vmem>>[vector<16xi32>, vector<16xi32>], vector<16xf32>,
        %gather3A_1836 = tpu.vector_load_idx %arg9[%add3A_1824, %add3A_7] : memref<128x64xf32, #tpu.memory_space<vmem>>[vector<16xi32>, vector<16xi32>], vector<16xf32>,
        %gather3A_1837 = tpu.vector_load_idx %arg9[%add3A_1827, %add3A_7] : memref<128x64xf32, #tpu.memory_space<vmem>>[vector<16xi32>, vector<16xi32>], vector<16xf32>,
        %gather3A_1838 = tpu.vector_load_idx %arg9[%add3A_1830, %add3A_7] : memref<128x64xf32, #tpu.memory_space<vmem>>[vector<16xi32>, vector<16xi32>], vector<16xf32>,
        %add3A_1839 = arith.addi %mul3A_23, %add3A_1809 : vector<16xi32>
        tpu.vector_store_idx %arg11[%div3A_14, %add3A_1839], %gather3A_1831 : memref<10x1024xf32, #tpu.memory_space<vmem>>[vector<16xi32>, vector<16xi32>], vector<16xf32>,
        %add3A_1840 = arith.addi %mul3A_23, %add3A_1812 : vector<16xi32>
        tpu.vector_store_idx %arg11[%div3A_14, %add3A_1840], %gather3A_1832 : memref<10x1024xf32, #tpu.memory_space<vmem>>[vector<16xi32>, vector<16xi32>], vector<16xf32>,
        %add3A_1841 = arith.addi %mul3A_23, %add3A_1815 : vector<16xi32>
        tpu.vector_store_idx %arg11[%div3A_14, %add3A_1841], %gather3A_1833 : memref<10x1024xf32, #tpu.memory_space<vmem>>[vector<16xi32>, vector<16xi32>], vector<16xf32>,
        %add3A_1842 = arith.addi %mul3A_23, %add3A_1818 : vector<16xi32>
        tpu.vector_store_idx %arg11[%div3A_14, %add3A_1842], %gather3A_1834 : memref<10x1024xf32, #tpu.memory_space<vmem>>[vector<16xi32>, vector<16xi32>], vector<16xf32>,
        %add3A_1843 = arith.addi %mul3A_23, %add3A_1821 : vector<16xi32>
        tpu.vector_store_idx %arg11[%div3A_14, %add3A_1843], %gather3A_1835 : memref<10x1024xf32, #tpu.memory_space<vmem>>[vector<16xi32>, vector<16xi32>], vector<16xf32>,
        %add3A_1844 = arith.addi %mul3A_23, %add3A_1824 : vector<16xi32>
        tpu.vector_store_idx %arg11[%div3A_14, %add3A_1844], %gather3A_1836 : memref<10x1024xf32, #tpu.memory_space<vmem>>[vector<16xi32>, vector<16xi32>], vector<16xf32>,
        %add3A_1845 = arith.addi %mul3A_23, %add3A_1827 : vector<16xi32>
        tpu.vector_store_idx %arg11[%div3A_14, %add3A_1845], %gather3A_1837 : memref<10x1024xf32, #tpu.memory_space<vmem>>[vector<16xi32>, vector<16xi32>], vector<16xf32>,
        %add3A_1846 = arith.addi %mul3A_23, %add3A_1830 : vector<16xi32>
        tpu.vector_store_idx %arg11[%div3A_14, %add3A_1846], %gather3A_1838 : memref<10x1024xf32, #tpu.memory_space<vmem>>[vector<16xi32>, vector<16xi32>], vector<16xf32>,
        %add3A_1847 = arith.constant 0 : i32
        %add3A_1848 = vector.broadcast %add3A_1847 : i32 to vector<16xi32>
        %add3A_1849 = arith.addi %rem3A_1766, %add3A_1848 : vector<16xi32>
        %add3A_1850 = arith.constant 16 : i32
        %add3A_1851 = vector.broadcast %add3A_1850 : i32 to vector<16xi32>
        %add3A_1852 = arith.addi %rem3A_1766, %add3A_1851 : vector<16xi32>
        %add3A_1853 = arith.constant 32 : i32
        %add3A_1854 = vector.broadcast %add3A_1853 : i32 to vector<16xi32>
        %add3A_1855 = arith.addi %rem3A_1766, %add3A_1854 : vector<16xi32>
        %add3A_1856 = arith.constant 48 : i32
        %add3A_1857 = vector.broadcast %add3A_1856 : i32 to vector<16xi32>
        %add3A_1858 = arith.addi %rem3A_1766, %add3A_1857 : vector<16xi32>
        %add3A_1859 = arith.constant 64 : i32
        %add3A_1860 = vector.broadcast %add3A_1859 : i32 to vector<16xi32>
        %add3A_1861 = arith.addi %rem3A_1766, %add3A_1860 : vector<16xi32>
        %add3A_1862 = arith.constant 80 : i32
        %add3A_1863 = vector.broadcast %add3A_1862 : i32 to vector<16xi32>
        %add3A_1864 = arith.addi %rem3A_1766, %add3A_1863 : vector<16xi32>
        %add3A_1865 = arith.constant 96 : i32
        %add3A_1866 = vector.broadcast %add3A_1865 : i32 to vector<16xi32>
        %add3A_1867 = arith.addi %rem3A_1766, %add3A_1866 : vector<16xi32>
        %add3A_1868 = arith.constant 112 : i32
        %add3A_1869 = vector.broadcast %add3A_1868 : i32 to vector<16xi32>
        %add3A_1870 = arith.addi %rem3A_1766, %add3A_1869 : vector<16xi32>
        %gather3A_1871 = tpu.vector_load_idx %arg9[%add3A_1849, %add3A_10] : memref<128x64xf32, #tpu.memory_space<vmem>>[vector<16xi32>, vector<16xi32>], vector<16xf32>,
        %gather3A_1872 = tpu.vector_load_idx %arg9[%add3A_1852, %add3A_10] : memref<128x64xf32, #tpu.memory_space<vmem>>[vector<16xi32>, vector<16xi32>], vector<16xf32>,
        %gather3A_1873 = tpu.vector_load_idx %arg9[%add3A_1855, %add3A_10] : memref<128x64xf32, #tpu.memory_space<vmem>>[vector<16xi32>, vector<16xi32>], vector<16xf32>,
        %gather3A_1874 = tpu.vector_load_idx %arg9[%add3A_1858, %add3A_10] : memref<128x64xf32, #tpu.memory_space<vmem>>[vector<16xi32>, vector<16xi32>], vector<16xf32>,
        %gather3A_1875 = tpu.vector_load_idx %arg9[%add3A_1861, %add3A_10] : memref<128x64xf32, #tpu.memory_space<vmem>>[vector<16xi32>, vector<16xi32>], vector<16xf32>,
        %gather3A_1876 = tpu.vector_load_idx %arg9[%add3A_1864, %add3A_10] : memref<128x64xf32, #tpu.memory_space<vmem>>[vector<16xi32>, vector<16xi32>], vector<16xf32>,
        %gather3A_1877 = tpu.vector_load_idx %arg9[%add3A_1867, %add3A_10] : memref<128x64xf32, #tpu.memory_space<vmem>>[vector<16xi32>, vector<16xi32>], vector<16xf32>,
        %gather3A_1878 = tpu.vector_load_idx %arg9[%add3A_1870, %add3A_10] : memref<128x64xf32, #tpu.memory_space<vmem>>[vector<16xi32>, vector<16xi32>], vector<16xf32>,
        %add3A_1879 = arith.addi %mul3A_27, %add3A_1849 : vector<16xi32>
        tpu.vector_store_idx %arg11[%div3A_15, %add3A_1879], %gather3A_1871 : memref<10x1024xf32, #tpu.memory_space<vmem>>[vector<16xi32>, vector<16xi32>], vector<16xf32>,
        %add3A_1880 = arith.addi %mul3A_27, %add3A_1852 : vector<16xi32>
        tpu.vector_store_idx %arg11[%div3A_15, %add3A_1880], %gather3A_1872 : memref<10x1024xf32, #tpu.memory_space<vmem>>[vector<16xi32>, vector<16xi32>], vector<16xf32>,
        %add3A_1881 = arith.addi %mul3A_27, %add3A_1855 : vector<16xi32>
        tpu.vector_store_idx %arg11[%div3A_15, %add3A_1881], %gather3A_1873 : memref<10x1024xf32, #tpu.memory_space<vmem>>[vector<16xi32>, vector<16xi32>], vector<16xf32>,
        %add3A_1882 = arith.addi %mul3A_27, %add3A_1858 : vector<16xi32>
        tpu.vector_store_idx %arg11[%div3A_15, %add3A_1882], %gather3A_1874 : memref<10x1024xf32, #tpu.memory_space<vmem>>[vector<16xi32>, vector<16xi32>], vector<16xf32>,
        %add3A_1883 = arith.addi %mul3A_27, %add3A_1861 : vector<16xi32>
        tpu.vector_store_idx %arg11[%div3A_15, %add3A_1883], %gather3A_1875 : memref<10x1024xf32, #tpu.memory_space<vmem>>[vector<16xi32>, vector<16xi32>], vector<16xf32>,
        %add3A_1884 = arith.addi %mul3A_27, %add3A_1864 : vector<16xi32>
        tpu.vector_store_idx %arg11[%div3A_15, %add3A_1884], %gather3A_1876 : memref<10x1024xf32, #tpu.memory_space<vmem>>[vector<16xi32>, vector<16xi32>], vector<16xf32>,
        %add3A_1885 = arith.addi %mul3A_27, %add3A_1867 : vector<16xi32>
        tpu.vector_store_idx %arg11[%div3A_15, %add3A_1885], %gather3A_1877 : memref<10x1024xf32, #tpu.memory_space<vmem>>[vector<16xi32>, vector<16xi32>], vector<16xf32>,
        %add3A_1886 = arith.addi %mul3A_27, %add3A_1870 : vector<16xi32>
        tpu.vector_store_idx %arg11[%div3A_15, %add3A_1886], %gather3A_1878 : memref<10x1024xf32, #tpu.memory_space<vmem>>[vector<16xi32>, vector<16xi32>], vector<16xf32>,
        %add3A_1887 = arith.constant 0 : i32
        %add3A_1888 = vector.broadcast %add3A_1887 : i32 to vector<16xi32>
        %add3A_1889 = arith.addi %rem3A_1766, %add3A_1888 : vector<16xi32>
        %add3A_1890 = arith.constant 16 : i32
        %add3A_1891 = vector.broadcast %add3A_1890 : i32 to vector<16xi32>
        %add3A_1892 = arith.addi %rem3A_1766, %add3A_1891 : vector<16xi32>
        %add3A_1893 = arith.constant 32 : i32
        %add3A_1894 = vector.broadcast %add3A_1893 : i32 to vector<16xi32>
        %add3A_1895 = arith.addi %rem3A_1766, %add3A_1894 : vector<16xi32>
        %add3A_1896 = arith.constant 48 : i32
        %add3A_1897 = vector.broadcast %add3A_1896 : i32 to vector<16xi32>
        %add3A_1898 = arith.addi %rem3A_1766, %add3A_1897 : vector<16xi32>
        %add3A_1899 = arith.constant 64 : i32
        %add3A_1900 = vector.broadcast %add3A_1899 : i32 to vector<16xi32>
        %add3A_1901 = arith.addi %rem3A_1766, %add3A_1900 : vector<16xi32>
        %add3A_1902 = arith.constant 80 : i32
        %add3A_1903 = vector.broadcast %add3A_1902 : i32 to vector<16xi32>
        %add3A_1904 = arith.addi %rem3A_1766, %add3A_1903 : vector<16xi32>
        %add3A_1905 = arith.constant 96 : i32
        %add3A_1906 = vector.broadcast %add3A_1905 : i32 to vector<16xi32>
        %add3A_1907 = arith.addi %rem3A_1766, %add3A_1906 : vector<16xi32>
        %add3A_1908 = arith.constant 112 : i32
        %add3A_1909 = vector.broadcast %add3A_1908 : i32 to vector<16xi32>
        %add3A_1910 = arith.addi %rem3A_1766, %add3A_1909 : vector<16xi32>
        %gather3A_1911 = tpu.vector_load_idx %arg9[%add3A_1889, %add3A_13] : memref<128x64xf32, #tpu.memory_space<vmem>>[vector<16xi32>, vector<16xi32>], vector<16xf32>,
        %gather3A_1912 = tpu.vector_load_idx %arg9[%add3A_1892, %add3A_13] : memref<128x64xf32, #tpu.memory_space<vmem>>[vector<16xi32>, vector<16xi32>], vector<16xf32>,
        %gather3A_1913 = tpu.vector_load_idx %arg9[%add3A_1895, %add3A_13] : memref<128x64xf32, #tpu.memory_space<vmem>>[vector<16xi32>, vector<16xi32>], vector<16xf32>,
        %gather3A_1914 = tpu.vector_load_idx %arg9[%add3A_1898, %add3A_13] : memref<128x64xf32, #tpu.memory_space<vmem>>[vector<16xi32>, vector<16xi32>], vector<16xf32>,
        %gather3A_1915 = tpu.vector_load_idx %arg9[%add3A_1901, %add3A_13] : memref<128x64xf32, #tpu.memory_space<vmem>>[vector<16xi32>, vector<16xi32>], vector<16xf32>,
        %gather3A_1916 = tpu.vector_load_idx %arg9[%add3A_1904, %add3A_13] : memref<128x64xf32, #tpu.memory_space<vmem>>[vector<16xi32>, vector<16xi32>], vector<16xf32>,
        %gather3A_1917 = tpu.vector_load_idx %arg9[%add3A_1907, %add3A_13] : memref<128x64xf32, #tpu.memory_space<vmem>>[vector<16xi32>, vector<16xi32>], vector<16xf32>,
        %gather3A_1918 = tpu.vector_load_idx %arg9[%add3A_1910, %add3A_13] : memref<128x64xf32, #tpu.memory_space<vmem>>[vector<16xi32>, vector<16xi32>], vector<16xf32>,
        %add3A_1919 = arith.addi %mul3A_31, %add3A_1889 : vector<16xi32>
        tpu.vector_store_idx %arg11[%div3A_16, %add3A_1919], %gather3A_1911 : memref<10x1024xf32, #tpu.memory_space<vmem>>[vector<16xi32>, vector<16xi32>], vector<16xf32>,
        %add3A_1920 = arith.addi %mul3A_31, %add3A_1892 : vector<16xi32>
        tpu.vector_store_idx %arg11[%div3A_16, %add3A_1920], %gather3A_1912 : memref<10x1024xf32, #tpu.memory_space<vmem>>[vector<16xi32>, vector<16xi32>], vector<16xf32>,
        %add3A_1921 = arith.addi %mul3A_31, %add3A_1895 : vector<16xi32>
        tpu.vector_store_idx %arg11[%div3A_16, %add3A_1921], %gather3A_1913 : memref<10x1024xf32, #tpu.memory_space<vmem>>[vector<16xi32>, vector<16xi32>], vector<16xf32>,
        %add3A_1922 = arith.addi %mul3A_31, %add3A_1898 : vector<16xi32>
        tpu.vector_store_idx %arg11[%div3A_16, %add3A_1922], %gather3A_1914 : memref<10x1024xf32, #tpu.memory_space<vmem>>[vector<16xi32>, vector<16xi32>], vector<16xf32>,
        %add3A_1923 = arith.addi %mul3A_31, %add3A_1901 : vector<16xi32>
        tpu.vector_store_idx %arg11[%div3A_16, %add3A_1923], %gather3A_1915 : memref<10x1024xf32, #tpu.memory_space<vmem>>[vector<16xi32>, vector<16xi32>], vector<16xf32>,
        %add3A_1924 = arith.addi %mul3A_31, %add3A_1904 : vector<16xi32>
        tpu.vector_store_idx %arg11[%div3A_16, %add3A_1924], %gather3A_1916 : memref<10x1024xf32, #tpu.memory_space<vmem>>[vector<16xi32>, vector<16xi32>], vector<16xf32>,
        %add3A_1925 = arith.addi %mul3A_31, %add3A_1907 : vector<16xi32>
        tpu.vector_store_idx %arg11[%div3A_16, %add3A_1925], %gather3A_1917 : memref<10x1024xf32, #tpu.memory_space<vmem>>[vector<16xi32>, vector<16xi32>], vector<16xf32>,
        %add3A_1926 = arith.addi %mul3A_31, %add3A_1910 : vector<16xi32>
        tpu.vector_store_idx %arg11[%div3A_16, %add3A_1926], %gather3A_1918 : memref<10x1024xf32, #tpu.memory_space<vmem>>[vector<16xi32>, vector<16xi32>], vector<16xf32>,
      }
      %scan3A_99 = arith.constant 16 : i32
      %get3A = arith.index_cast %div3A_83 : i32 to index
      %get3A_100 = arith.index_cast %rem3A_85 : i32 to index
      %get3A_101 = arith.constant 0 : index
      %get3A_102 = tpu.vector_load %arg8[%get3A, %get3A_100, %get3A_101] {strides = array<i32>} : memref<25x8x128xi32, #tpu.memory_space<vmem>>, vector<16xi32>,
      %ne3A = arith.constant 0 : i32
      %ne3A_103 = vector.broadcast %ne3A : i32 to vector<16xi32>
      %ne3A_104 = arith.cmpi ne, %get3A_102, %ne3A_103 : vector<16xi32>
      %get3A_105 = arith.index_cast %div3A_83 : i32 to index
      %get3A_106 = arith.index_cast %rem3A_85 : i32 to index
      %get3A_107 = arith.constant 16 : index
      %get3A_108 = tpu.vector_load %arg8[%get3A_105, %get3A_106, %get3A_107] {strides = array<i32>} : memref<25x8x128xi32, #tpu.memory_space<vmem>>, vector<16xi32>,
      %ne3A_109 = arith.constant 0 : i32
      %ne3A_110 = vector.broadcast %ne3A_109 : i32 to vector<16xi32>
      %ne3A_111 = arith.cmpi ne, %get3A_108, %ne3A_110 : vector<16xi32>
      %get3A_112 = arith.index_cast %div3A_83 : i32 to index
      %get3A_113 = arith.index_cast %rem3A_85 : i32 to index
      %get3A_114 = arith.constant 32 : index
      %get3A_115 = tpu.vector_load %arg8[%get3A_112, %get3A_113, %get3A_114] {strides = array<i32>} : memref<25x8x128xi32, #tpu.memory_space<vmem>>, vector<16xi32>,
      %ne3A_116 = arith.constant 0 : i32
      %ne3A_117 = vector.broadcast %ne3A_116 : i32 to vector<16xi32>
      %ne3A_118 = arith.cmpi ne, %get3A_115, %ne3A_117 : vector<16xi32>
      %get3A_119 = arith.index_cast %div3A_83 : i32 to index
      %get3A_120 = arith.index_cast %rem3A_85 : i32 to index
      %get3A_121 = arith.constant 48 : index
      %get3A_122 = tpu.vector_load %arg8[%get3A_119, %get3A_120, %get3A_121] {strides = array<i32>} : memref<25x8x128xi32, #tpu.memory_space<vmem>>, vector<16xi32>,
      %ne3A_123 = arith.constant 0 : i32
      %ne3A_124 = vector.broadcast %ne3A_123 : i32 to vector<16xi32>
      %ne3A_125 = arith.cmpi ne, %get3A_122, %ne3A_124 : vector<16xi32>
      %get3A_126 = arith.index_cast %div3A_83 : i32 to index
      %get3A_127 = arith.index_cast %rem3A_85 : i32 to index
      %get3A_128 = arith.constant 64 : index
      %get3A_129 = tpu.vector_load %arg8[%get3A_126, %get3A_127, %get3A_128] {strides = array<i32>} : memref<25x8x128xi32, #tpu.memory_space<vmem>>, vector<16xi32>,
      %ne3A_130 = arith.constant 0 : i32
      %ne3A_131 = vector.broadcast %ne3A_130 : i32 to vector<16xi32>
      %ne3A_132 = arith.cmpi ne, %get3A_129, %ne3A_131 : vector<16xi32>
      %get3A_133 = arith.index_cast %div3A_83 : i32 to index
      %get3A_134 = arith.index_cast %rem3A_85 : i32 to index
      %get3A_135 = arith.constant 80 : index
      %get3A_136 = tpu.vector_load %arg8[%get3A_133, %get3A_134, %get3A_135] {strides = array<i32>} : memref<25x8x128xi32, #tpu.memory_space<vmem>>, vector<16xi32>,
      %ne3A_137 = arith.constant 0 : i32
      %ne3A_138 = vector.broadcast %ne3A_137 : i32 to vector<16xi32>
      %ne3A_139 = arith.cmpi ne, %get3A_136, %ne3A_138 : vector<16xi32>
      %get3A_140 = arith.index_cast %div3A_83 : i32 to index
      %get3A_141 = arith.index_cast %rem3A_85 : i32 to index
      %get3A_142 = arith.constant 96 : index
      %get3A_143 = tpu.vector_load %arg8[%get3A_140, %get3A_141, %get3A_142] {strides = array<i32>} : memref<25x8x128xi32, #tpu.memory_space<vmem>>, vector<16xi32>,
      %ne3A_144 = arith.constant 0 : i32
      %ne3A_145 = vector.broadcast %ne3A_144 : i32 to vector<16xi32>
      %ne3A_146 = arith.cmpi ne, %get3A_143, %ne3A_145 : vector<16xi32>
      %get3A_147 = arith.index_cast %div3A_83 : i32 to index
      %get3A_148 = arith.index_cast %rem3A_85 : i32 to index
      %get3A_149 = arith.constant 112 : index
      %get3A_150 = tpu.vector_load %arg8[%get3A_147, %get3A_148, %get3A_149] {strides = array<i32>} : memref<25x8x128xi32, #tpu.memory_space<vmem>>, vector<16xi32>,
      %ne3A_151 = arith.constant 0 : i32
      %ne3A_152 = vector.broadcast %ne3A_151 : i32 to vector<16xi32>
      %ne3A_153 = arith.cmpi ne, %get3A_150, %ne3A_152 : vector<16xi32>
      %broadcast_in_dim3A_154 = arith.constant 8 : i32
      %broadcast_in_dim3A_155 = vector.broadcast %broadcast_in_dim3A_154 : i32 to vector<16xi32>
      %gather3A = tpu.vector_load_idx %arg13[%broadcast_in_dim3A_155] : memref<40xf32, #tpu.memory_space<vmem>>[vector<16xi32>], vector<16xf32>,
      %add3A_156 = arith.constant 16 : i32
      %add3A_157 = vector.broadcast %add3A_156 : i32 to vector<16xi32>
      %add3A_158 = arith.addi %broadcast_in_dim3A_155, %add3A_157 : vector<16xi32>
      %gather3A_159 = tpu.vector_load_idx %arg13[%add3A_158] : memref<40xf32, #tpu.memory_space<vmem>>[vector<16xi32>], vector<16xf32>,
      %broadcast_in_dim3A_160 = arith.constant 9 : i32
      %broadcast_in_dim3A_161 = vector.broadcast %broadcast_in_dim3A_160 : i32 to vector<16xi32>
      %gather3A_162 = tpu.vector_load_idx %arg13[%broadcast_in_dim3A_161] : memref<40xf32, #tpu.memory_space<vmem>>[vector<16xi32>], vector<16xf32>,
      %add3A_163 = arith.constant 16 : i32
      %add3A_164 = vector.broadcast %add3A_163 : i32 to vector<16xi32>
      %add3A_165 = arith.addi %broadcast_in_dim3A_161, %add3A_164 : vector<16xi32>
      %gather3A_166 = tpu.vector_load_idx %arg13[%add3A_165] : memref<40xf32, #tpu.memory_space<vmem>>[vector<16xi32>], vector<16xf32>,
      %broadcast_in_dim3A_167 = arith.constant 10 : i32
      %broadcast_in_dim3A_168 = vector.broadcast %broadcast_in_dim3A_167 : i32 to vector<16xi32>
      %gather3A_169 = tpu.vector_load_idx %arg13[%broadcast_in_dim3A_168] : memref<40xf32, #tpu.memory_space<vmem>>[vector<16xi32>], vector<16xf32>,
      %add3A_170 = arith.constant 16 : i32
      %add3A_171 = vector.broadcast %add3A_170 : i32 to vector<16xi32>
      %add3A_172 = arith.addi %broadcast_in_dim3A_168, %add3A_171 : vector<16xi32>
      %gather3A_173 = tpu.vector_load_idx %arg13[%add3A_172] : memref<40xf32, #tpu.memory_space<vmem>>[vector<16xi32>], vector<16xf32>,
      %broadcast_in_dim3A_174 = arith.constant 11 : i32
      %broadcast_in_dim3A_175 = vector.broadcast %broadcast_in_dim3A_174 : i32 to vector<16xi32>
      %gather3A_176 = tpu.vector_load_idx %arg13[%broadcast_in_dim3A_175] : memref<40xf32, #tpu.memory_space<vmem>>[vector<16xi32>], vector<16xf32>,
      %add3A_177 = arith.constant 16 : i32
      %add3A_178 = vector.broadcast %add3A_177 : i32 to vector<16xi32>
      %add3A_179 = arith.addi %broadcast_in_dim3A_175, %add3A_178 : vector<16xi32>
      %gather3A_180 = tpu.vector_load_idx %arg13[%add3A_179] : memref<40xf32, #tpu.memory_space<vmem>>[vector<16xi32>], vector<16xf32>,
      %select_n3A = arith.select %ne3A_104, %gather3A_159, %gather3A : vector<16xi1>, vector<16xf32>
      %select_n3A_181 = arith.select %ne3A_111, %gather3A_159, %gather3A : vector<16xi1>, vector<16xf32>
      %select_n3A_182 = arith.select %ne3A_118, %gather3A_159, %gather3A : vector<16xi1>, vector<16xf32>
      %select_n3A_183 = arith.select %ne3A_125, %gather3A_159, %gather3A : vector<16xi1>, vector<16xf32>
      %select_n3A_184 = arith.select %ne3A_132, %gather3A_159, %gather3A : vector<16xi1>, vector<16xf32>
      %select_n3A_185 = arith.select %ne3A_139, %gather3A_159, %gather3A : vector<16xi1>, vector<16xf32>
      %select_n3A_186 = arith.select %ne3A_146, %gather3A_159, %gather3A : vector<16xi1>, vector<16xf32>
      %select_n3A_187 = arith.select %ne3A_153, %gather3A_159, %gather3A : vector<16xi1>, vector<16xf32>
      %swap3A = arith.constant 8 : i32
      %swap3A_188 = arith.index_cast %swap3A : i32 to index
      %swap3A_189 = arith.constant 0 : index
      %swap3A_190 = tpu.vector_load %arg11[%swap3A_188, %swap3A_189] {strides = array<i32>} : memref<10x1024xf32, #tpu.memory_space<vmem>>, vector<16xf32>,
      tpu.vector_store %arg11[%swap3A_188, %swap3A_189], %select_n3A {strides = array<i32>} : memref<10x1024xf32, #tpu.memory_space<vmem>>, vector<16xf32>,
      %swap3A_191 = arith.constant 8 : i32
      %swap3A_192 = arith.index_cast %swap3A_191 : i32 to index
      %swap3A_193 = arith.constant 16 : index
      %swap3A_194 = tpu.vector_load %arg11[%swap3A_192, %swap3A_193] {strides = array<i32>} : memref<10x1024xf32, #tpu.memory_space<vmem>>, vector<16xf32>,
      tpu.vector_store %arg11[%swap3A_192, %swap3A_193], %select_n3A_181 {strides = array<i32>} : memref<10x1024xf32, #tpu.memory_space<vmem>>, vector<16xf32>,
      %swap3A_195 = arith.constant 8 : i32
      %swap3A_196 = arith.index_cast %swap3A_195 : i32 to index
      %swap3A_197 = arith.constant 32 : index
      %swap3A_198 = tpu.vector_load %arg11[%swap3A_196, %swap3A_197] {strides = array<i32>} : memref<10x1024xf32, #tpu.memory_space<vmem>>, vector<16xf32>,
      tpu.vector_store %arg11[%swap3A_196, %swap3A_197], %select_n3A_182 {strides = array<i32>} : memref<10x1024xf32, #tpu.memory_space<vmem>>, vector<16xf32>,
      %swap3A_199 = arith.constant 8 : i32
      %swap3A_200 = arith.index_cast %swap3A_199 : i32 to index
      %swap3A_201 = arith.constant 48 : index
      %swap3A_202 = tpu.vector_load %arg11[%swap3A_200, %swap3A_201] {strides = array<i32>} : memref<10x1024xf32, #tpu.memory_space<vmem>>, vector<16xf32>,
      tpu.vector_store %arg11[%swap3A_200, %swap3A_201], %select_n3A_183 {strides = array<i32>} : memref<10x1024xf32, #tpu.memory_space<vmem>>, vector<16xf32>,
      %swap3A_203 = arith.constant 8 : i32
      %swap3A_204 = arith.index_cast %swap3A_203 : i32 to index
      %swap3A_205 = arith.constant 64 : index
      %swap3A_206 = tpu.vector_load %arg11[%swap3A_204, %swap3A_205] {strides = array<i32>} : memref<10x1024xf32, #tpu.memory_space<vmem>>, vector<16xf32>,
      tpu.vector_store %arg11[%swap3A_204, %swap3A_205], %select_n3A_184 {strides = array<i32>} : memref<10x1024xf32, #tpu.memory_space<vmem>>, vector<16xf32>,
      %swap3A_207 = arith.constant 8 : i32
      %swap3A_208 = arith.index_cast %swap3A_207 : i32 to index
      %swap3A_209 = arith.constant 80 : index
      %swap3A_210 = tpu.vector_load %arg11[%swap3A_208, %swap3A_209] {strides = array<i32>} : memref<10x1024xf32, #tpu.memory_space<vmem>>, vector<16xf32>,
      tpu.vector_store %arg11[%swap3A_208, %swap3A_209], %select_n3A_185 {strides = array<i32>} : memref<10x1024xf32, #tpu.memory_space<vmem>>, vector<16xf32>,
      %swap3A_211 = arith.constant 8 : i32
      %swap3A_212 = arith.index_cast %swap3A_211 : i32 to index
      %swap3A_213 = arith.constant 96 : index
      %swap3A_214 = tpu.vector_load %arg11[%swap3A_212, %swap3A_213] {strides = array<i32>} : memref<10x1024xf32, #tpu.memory_space<vmem>>, vector<16xf32>,
      tpu.vector_store %arg11[%swap3A_212, %swap3A_213], %select_n3A_186 {strides = array<i32>} : memref<10x1024xf32, #tpu.memory_space<vmem>>, vector<16xf32>,
      %swap3A_215 = arith.constant 8 : i32
      %swap3A_216 = arith.index_cast %swap3A_215 : i32 to index
      %swap3A_217 = arith.constant 112 : index
      %swap3A_218 = tpu.vector_load %arg11[%swap3A_216, %swap3A_217] {strides = array<i32>} : memref<10x1024xf32, #tpu.memory_space<vmem>>, vector<16xf32>,
      tpu.vector_store %arg11[%swap3A_216, %swap3A_217], %select_n3A_187 {strides = array<i32>} : memref<10x1024xf32, #tpu.memory_space<vmem>>, vector<16xf32>,
      %select_n3A_219 = arith.select %ne3A_104, %gather3A_166, %gather3A_162 : vector<16xi1>, vector<16xf32>
      %select_n3A_220 = arith.select %ne3A_111, %gather3A_166, %gather3A_162 : vector<16xi1>, vector<16xf32>
      %select_n3A_221 = arith.select %ne3A_118, %gather3A_166, %gather3A_162 : vector<16xi1>, vector<16xf32>
      %select_n3A_222 = arith.select %ne3A_125, %gather3A_166, %gather3A_162 : vector<16xi1>, vector<16xf32>
      %select_n3A_223 = arith.select %ne3A_132, %gather3A_166, %gather3A_162 : vector<16xi1>, vector<16xf32>
      %select_n3A_224 = arith.select %ne3A_139, %gather3A_166, %gather3A_162 : vector<16xi1>, vector<16xf32>
      %select_n3A_225 = arith.select %ne3A_146, %gather3A_166, %gather3A_162 : vector<16xi1>, vector<16xf32>
      %select_n3A_226 = arith.select %ne3A_153, %gather3A_166, %gather3A_162 : vector<16xi1>, vector<16xf32>
      %swap3A_227 = arith.constant 8 : i32
      %swap3A_228 = arith.index_cast %swap3A_227 : i32 to index
      %swap3A_229 = arith.constant 128 : index
      %swap3A_230 = tpu.vector_load %arg11[%swap3A_228, %swap3A_229] {strides = array<i32>} : memref<10x1024xf32, #tpu.memory_space<vmem>>, vector<16xf32>,
      tpu.vector_store %arg11[%swap3A_228, %swap3A_229], %select_n3A_219 {strides = array<i32>} : memref<10x1024xf32, #tpu.memory_space<vmem>>, vector<16xf32>,
      %swap3A_231 = arith.constant 8 : i32
      %swap3A_232 = arith.index_cast %swap3A_231 : i32 to index
      %swap3A_233 = arith.constant 144 : index
      %swap3A_234 = tpu.vector_load %arg11[%swap3A_232, %swap3A_233] {strides = array<i32>} : memref<10x1024xf32, #tpu.memory_space<vmem>>, vector<16xf32>,
      tpu.vector_store %arg11[%swap3A_232, %swap3A_233], %select_n3A_220 {strides = array<i32>} : memref<10x1024xf32, #tpu.memory_space<vmem>>, vector<16xf32>,
      %swap3A_235 = arith.constant 8 : i32
      %swap3A_236 = arith.index_cast %swap3A_235 : i32 to index
      %swap3A_237 = arith.constant 160 : index
      %swap3A_238 = tpu.vector_load %arg11[%swap3A_236, %swap3A_237] {strides = array<i32>} : memref<10x1024xf32, #tpu.memory_space<vmem>>, vector<16xf32>,
      tpu.vector_store %arg11[%swap3A_236, %swap3A_237], %select_n3A_221 {strides = array<i32>} : memref<10x1024xf32, #tpu.memory_space<vmem>>, vector<16xf32>,
      %swap3A_239 = arith.constant 8 : i32
      %swap3A_240 = arith.index_cast %swap3A_239 : i32 to index
      %swap3A_241 = arith.constant 176 : index
      %swap3A_242 = tpu.vector_load %arg11[%swap3A_240, %swap3A_241] {strides = array<i32>} : memref<10x1024xf32, #tpu.memory_space<vmem>>, vector<16xf32>,
      tpu.vector_store %arg11[%swap3A_240, %swap3A_241], %select_n3A_222 {strides = array<i32>} : memref<10x1024xf32, #tpu.memory_space<vmem>>, vector<16xf32>,
      %swap3A_243 = arith.constant 8 : i32
      %swap3A_244 = arith.index_cast %swap3A_243 : i32 to index
      %swap3A_245 = arith.constant 192 : index
      %swap3A_246 = tpu.vector_load %arg11[%swap3A_244, %swap3A_245] {strides = array<i32>} : memref<10x1024xf32, #tpu.memory_space<vmem>>, vector<16xf32>,
      tpu.vector_store %arg11[%swap3A_244, %swap3A_245], %select_n3A_223 {strides = array<i32>} : memref<10x1024xf32, #tpu.memory_space<vmem>>, vector<16xf32>,
      %swap3A_247 = arith.constant 8 : i32
      %swap3A_248 = arith.index_cast %swap3A_247 : i32 to index
      %swap3A_249 = arith.constant 208 : index
      %swap3A_250 = tpu.vector_load %arg11[%swap3A_248, %swap3A_249] {strides = array<i32>} : memref<10x1024xf32, #tpu.memory_space<vmem>>, vector<16xf32>,
      tpu.vector_store %arg11[%swap3A_248, %swap3A_249], %select_n3A_224 {strides = array<i32>} : memref<10x1024xf32, #tpu.memory_space<vmem>>, vector<16xf32>,
      %swap3A_251 = arith.constant 8 : i32
      %swap3A_252 = arith.index_cast %swap3A_251 : i32 to index
      %swap3A_253 = arith.constant 224 : index
      %swap3A_254 = tpu.vector_load %arg11[%swap3A_252, %swap3A_253] {strides = array<i32>} : memref<10x1024xf32, #tpu.memory_space<vmem>>, vector<16xf32>,
      tpu.vector_store %arg11[%swap3A_252, %swap3A_253], %select_n3A_225 {strides = array<i32>} : memref<10x1024xf32, #tpu.memory_space<vmem>>, vector<16xf32>,
      %swap3A_255 = arith.constant 8 : i32
      %swap3A_256 = arith.index_cast %swap3A_255 : i32 to index
      %swap3A_257 = arith.constant 240 : index
      %swap3A_258 = tpu.vector_load %arg11[%swap3A_256, %swap3A_257] {strides = array<i32>} : memref<10x1024xf32, #tpu.memory_space<vmem>>, vector<16xf32>,
      tpu.vector_store %arg11[%swap3A_256, %swap3A_257], %select_n3A_226 {strides = array<i32>} : memref<10x1024xf32, #tpu.memory_space<vmem>>, vector<16xf32>,
      %select_n3A_259 = arith.select %ne3A_104, %gather3A_173, %gather3A_169 : vector<16xi1>, vector<16xf32>
      %select_n3A_260 = arith.select %ne3A_111, %gather3A_173, %gather3A_169 : vector<16xi1>, vector<16xf32>
      %select_n3A_261 = arith.select %ne3A_118, %gather3A_173, %gather3A_169 : vector<16xi1>, vector<16xf32>
      %select_n3A_262 = arith.select %ne3A_125, %gather3A_173, %gather3A_169 : vector<16xi1>, vector<16xf32>
      %select_n3A_263 = arith.select %ne3A_132, %gather3A_173, %gather3A_169 : vector<16xi1>, vector<16xf32>
      %select_n3A_264 = arith.select %ne3A_139, %gather3A_173, %gather3A_169 : vector<16xi1>, vector<16xf32>
      %select_n3A_265 = arith.select %ne3A_146, %gather3A_173, %gather3A_169 : vector<16xi1>, vector<16xf32>
      %select_n3A_266 = arith.select %ne3A_153, %gather3A_173, %gather3A_169 : vector<16xi1>, vector<16xf32>
      %swap3A_267 = arith.constant 8 : i32
      %swap3A_268 = arith.index_cast %swap3A_267 : i32 to index
      %swap3A_269 = arith.constant 256 : index
      %swap3A_270 = tpu.vector_load %arg11[%swap3A_268, %swap3A_269] {strides = array<i32>} : memref<10x1024xf32, #tpu.memory_space<vmem>>, vector<16xf32>,
      tpu.vector_store %arg11[%swap3A_268, %swap3A_269], %select_n3A_259 {strides = array<i32>} : memref<10x1024xf32, #tpu.memory_space<vmem>>, vector<16xf32>,
      %swap3A_271 = arith.constant 8 : i32
      %swap3A_272 = arith.index_cast %swap3A_271 : i32 to index
      %swap3A_273 = arith.constant 272 : index
      %swap3A_274 = tpu.vector_load %arg11[%swap3A_272, %swap3A_273] {strides = array<i32>} : memref<10x1024xf32, #tpu.memory_space<vmem>>, vector<16xf32>,
      tpu.vector_store %arg11[%swap3A_272, %swap3A_273], %select_n3A_260 {strides = array<i32>} : memref<10x1024xf32, #tpu.memory_space<vmem>>, vector<16xf32>,
      %swap3A_275 = arith.constant 8 : i32
      %swap3A_276 = arith.index_cast %swap3A_275 : i32 to index
      %swap3A_277 = arith.constant 288 : index
      %swap3A_278 = tpu.vector_load %arg11[%swap3A_276, %swap3A_277] {strides = array<i32>} : memref<10x1024xf32, #tpu.memory_space<vmem>>, vector<16xf32>,
      tpu.vector_store %arg11[%swap3A_276, %swap3A_277], %select_n3A_261 {strides = array<i32>} : memref<10x1024xf32, #tpu.memory_space<vmem>>, vector<16xf32>,
      %swap3A_279 = arith.constant 8 : i32
      %swap3A_280 = arith.index_cast %swap3A_279 : i32 to index
      %swap3A_281 = arith.constant 304 : index
      %swap3A_282 = tpu.vector_load %arg11[%swap3A_280, %swap3A_281] {strides = array<i32>} : memref<10x1024xf32, #tpu.memory_space<vmem>>, vector<16xf32>,
      tpu.vector_store %arg11[%swap3A_280, %swap3A_281], %select_n3A_262 {strides = array<i32>} : memref<10x1024xf32, #tpu.memory_space<vmem>>, vector<16xf32>,
      %swap3A_283 = arith.constant 8 : i32
      %swap3A_284 = arith.index_cast %swap3A_283 : i32 to index
      %swap3A_285 = arith.constant 320 : index
      %swap3A_286 = tpu.vector_load %arg11[%swap3A_284, %swap3A_285] {strides = array<i32>} : memref<10x1024xf32, #tpu.memory_space<vmem>>, vector<16xf32>,
      tpu.vector_store %arg11[%swap3A_284, %swap3A_285], %select_n3A_263 {strides = array<i32>} : memref<10x1024xf32, #tpu.memory_space<vmem>>, vector<16xf32>,
      %swap3A_287 = arith.constant 8 : i32
      %swap3A_288 = arith.index_cast %swap3A_287 : i32 to index
      %swap3A_289 = arith.constant 336 : index
      %swap3A_290 = tpu.vector_load %arg11[%swap3A_288, %swap3A_289] {strides = array<i32>} : memref<10x1024xf32, #tpu.memory_space<vmem>>, vector<16xf32>,
      tpu.vector_store %arg11[%swap3A_288, %swap3A_289], %select_n3A_264 {strides = array<i32>} : memref<10x1024xf32, #tpu.memory_space<vmem>>, vector<16xf32>,
      %swap3A_291 = arith.constant 8 : i32
      %swap3A_292 = arith.index_cast %swap3A_291 : i32 to index
      %swap3A_293 = arith.constant 352 : index
      %swap3A_294 = tpu.vector_load %arg11[%swap3A_292, %swap3A_293] {strides = array<i32>} : memref<10x1024xf32, #tpu.memory_space<vmem>>, vector<16xf32>,
      tpu.vector_store %arg11[%swap3A_292, %swap3A_293], %select_n3A_265 {strides = array<i32>} : memref<10x1024xf32, #tpu.memory_space<vmem>>, vector<16xf32>,
      %swap3A_295 = arith.constant 8 : i32
      %swap3A_296 = arith.index_cast %swap3A_295 : i32 to index
      %swap3A_297 = arith.constant 368 : index
      %swap3A_298 = tpu.vector_load %arg11[%swap3A_296, %swap3A_297] {strides = array<i32>} : memref<10x1024xf32, #tpu.memory_space<vmem>>, vector<16xf32>,
      tpu.vector_store %arg11[%swap3A_296, %swap3A_297], %select_n3A_266 {strides = array<i32>} : memref<10x1024xf32, #tpu.memory_space<vmem>>, vector<16xf32>,
      %select_n3A_299 = arith.select %ne3A_104, %gather3A_180, %gather3A_176 : vector<16xi1>, vector<16xf32>
      %select_n3A_300 = arith.select %ne3A_111, %gather3A_180, %gather3A_176 : vector<16xi1>, vector<16xf32>
      %select_n3A_301 = arith.select %ne3A_118, %gather3A_180, %gather3A_176 : vector<16xi1>, vector<16xf32>
      %select_n3A_302 = arith.select %ne3A_125, %gather3A_180, %gather3A_176 : vector<16xi1>, vector<16xf32>
      %select_n3A_303 = arith.select %ne3A_132, %gather3A_180, %gather3A_176 : vector<16xi1>, vector<16xf32>
      %select_n3A_304 = arith.select %ne3A_139, %gather3A_180, %gather3A_176 : vector<16xi1>, vector<16xf32>
      %select_n3A_305 = arith.select %ne3A_146, %gather3A_180, %gather3A_176 : vector<16xi1>, vector<16xf32>
      %select_n3A_306 = arith.select %ne3A_153, %gather3A_180, %gather3A_176 : vector<16xi1>, vector<16xf32>
      %swap3A_307 = arith.constant 8 : i32
      %swap3A_308 = arith.index_cast %swap3A_307 : i32 to index
      %swap3A_309 = arith.constant 384 : index
      %swap3A_310 = tpu.vector_load %arg11[%swap3A_308, %swap3A_309] {strides = array<i32>} : memref<10x1024xf32, #tpu.memory_space<vmem>>, vector<16xf32>,
      tpu.vector_store %arg11[%swap3A_308, %swap3A_309], %select_n3A_299 {strides = array<i32>} : memref<10x1024xf32, #tpu.memory_space<vmem>>, vector<16xf32>,
      %swap3A_311 = arith.constant 8 : i32
      %swap3A_312 = arith.index_cast %swap3A_311 : i32 to index
      %swap3A_313 = arith.constant 400 : index
      %swap3A_314 = tpu.vector_load %arg11[%swap3A_312, %swap3A_313] {strides = array<i32>} : memref<10x1024xf32, #tpu.memory_space<vmem>>, vector<16xf32>,
      tpu.vector_store %arg11[%swap3A_312, %swap3A_313], %select_n3A_300 {strides = array<i32>} : memref<10x1024xf32, #tpu.memory_space<vmem>>, vector<16xf32>,
      %swap3A_315 = arith.constant 8 : i32
      %swap3A_316 = arith.index_cast %swap3A_315 : i32 to index
      %swap3A_317 = arith.constant 416 : index
      %swap3A_318 = tpu.vector_load %arg11[%swap3A_316, %swap3A_317] {strides = array<i32>} : memref<10x1024xf32, #tpu.memory_space<vmem>>, vector<16xf32>,
      tpu.vector_store %arg11[%swap3A_316, %swap3A_317], %select_n3A_301 {strides = array<i32>} : memref<10x1024xf32, #tpu.memory_space<vmem>>, vector<16xf32>,
      %swap3A_319 = arith.constant 8 : i32
      %swap3A_320 = arith.index_cast %swap3A_319 : i32 to index
      %swap3A_321 = arith.constant 432 : index
      %swap3A_322 = tpu.vector_load %arg11[%swap3A_320, %swap3A_321] {strides = array<i32>} : memref<10x1024xf32, #tpu.memory_space<vmem>>, vector<16xf32>,
      tpu.vector_store %arg11[%swap3A_320, %swap3A_321], %select_n3A_302 {strides = array<i32>} : memref<10x1024xf32, #tpu.memory_space<vmem>>, vector<16xf32>,
      %swap3A_323 = arith.constant 8 : i32
      %swap3A_324 = arith.index_cast %swap3A_323 : i32 to index
      %swap3A_325 = arith.constant 448 : index
      %swap3A_326 = tpu.vector_load %arg11[%swap3A_324, %swap3A_325] {strides = array<i32>} : memref<10x1024xf32, #tpu.memory_space<vmem>>, vector<16xf32>,
      tpu.vector_store %arg11[%swap3A_324, %swap3A_325], %select_n3A_303 {strides = array<i32>} : memref<10x1024xf32, #tpu.memory_space<vmem>>, vector<16xf32>,
      %swap3A_327 = arith.constant 8 : i32
      %swap3A_328 = arith.index_cast %swap3A_327 : i32 to index
      %swap3A_329 = arith.constant 464 : index
      %swap3A_330 = tpu.vector_load %arg11[%swap3A_328, %swap3A_329] {strides = array<i32>} : memref<10x1024xf32, #tpu.memory_space<vmem>>, vector<16xf32>,
      tpu.vector_store %arg11[%swap3A_328, %swap3A_329], %select_n3A_304 {strides = array<i32>} : memref<10x1024xf32, #tpu.memory_space<vmem>>, vector<16xf32>,
      %swap3A_331 = arith.constant 8 : i32
      %swap3A_332 = arith.index_cast %swap3A_331 : i32 to index
      %swap3A_333 = arith.constant 480 : index
      %swap3A_334 = tpu.vector_load %arg11[%swap3A_332, %swap3A_333] {strides = array<i32>} : memref<10x1024xf32, #tpu.memory_space<vmem>>, vector<16xf32>,
      tpu.vector_store %arg11[%swap3A_332, %swap3A_333], %select_n3A_305 {strides = array<i32>} : memref<10x1024xf32, #tpu.memory_space<vmem>>, vector<16xf32>,
      %swap3A_335 = arith.constant 8 : i32
      %swap3A_336 = arith.index_cast %swap3A_335 : i32 to index
      %swap3A_337 = arith.constant 496 : index
      %swap3A_338 = tpu.vector_load %arg11[%swap3A_336, %swap3A_337] {strides = array<i32>} : memref<10x1024xf32, #tpu.memory_space<vmem>>, vector<16xf32>,
      tpu.vector_store %arg11[%swap3A_336, %swap3A_337], %select_n3A_306 {strides = array<i32>} : memref<10x1024xf32, #tpu.memory_space<vmem>>, vector<16xf32>,
      %broadcast_in_dim3A_339 = arith.constant 12 : i32
      %broadcast_in_dim3A_340 = vector.broadcast %broadcast_in_dim3A_339 : i32 to vector<16xi32>
      %gather3A_341 = tpu.vector_load_idx %arg13[%broadcast_in_dim3A_340] : memref<40xf32, #tpu.memory_space<vmem>>[vector<16xi32>], vector<16xf32>,
      %add3A_342 = arith.constant 16 : i32
      %add3A_343 = vector.broadcast %add3A_342 : i32 to vector<16xi32>
      %add3A_344 = arith.addi %broadcast_in_dim3A_340, %add3A_343 : vector<16xi32>
      %gather3A_345 = tpu.vector_load_idx %arg13[%add3A_344] : memref<40xf32, #tpu.memory_space<vmem>>[vector<16xi32>], vector<16xf32>,
      %broadcast_in_dim3A_346 = arith.constant 13 : i32
      %broadcast_in_dim3A_347 = vector.broadcast %broadcast_in_dim3A_346 : i32 to vector<16xi32>
      %gather3A_348 = tpu.vector_load_idx %arg13[%broadcast_in_dim3A_347] : memref<40xf32, #tpu.memory_space<vmem>>[vector<16xi32>], vector<16xf32>,
      %add3A_349 = arith.constant 16 : i32
      %add3A_350 = vector.broadcast %add3A_349 : i32 to vector<16xi32>
      %add3A_351 = arith.addi %broadcast_in_dim3A_347, %add3A_350 : vector<16xi32>
      %gather3A_352 = tpu.vector_load_idx %arg13[%add3A_351] : memref<40xf32, #tpu.memory_space<vmem>>[vector<16xi32>], vector<16xf32>,
      %broadcast_in_dim3A_353 = arith.constant 14 : i32
      %broadcast_in_dim3A_354 = vector.broadcast %broadcast_in_dim3A_353 : i32 to vector<16xi32>
      %gather3A_355 = tpu.vector_load_idx %arg13[%broadcast_in_dim3A_354] : memref<40xf32, #tpu.memory_space<vmem>>[vector<16xi32>], vector<16xf32>,
      %add3A_356 = arith.constant 16 : i32
      %add3A_357 = vector.broadcast %add3A_356 : i32 to vector<16xi32>
      %add3A_358 = arith.addi %broadcast_in_dim3A_354, %add3A_357 : vector<16xi32>
      %gather3A_359 = tpu.vector_load_idx %arg13[%add3A_358] : memref<40xf32, #tpu.memory_space<vmem>>[vector<16xi32>], vector<16xf32>,
      %broadcast_in_dim3A_360 = arith.constant 15 : i32
      %broadcast_in_dim3A_361 = vector.broadcast %broadcast_in_dim3A_360 : i32 to vector<16xi32>
      %gather3A_362 = tpu.vector_load_idx %arg13[%broadcast_in_dim3A_361] : memref<40xf32, #tpu.memory_space<vmem>>[vector<16xi32>], vector<16xf32>,
      %add3A_363 = arith.constant 16 : i32
      %add3A_364 = vector.broadcast %add3A_363 : i32 to vector<16xi32>
      %add3A_365 = arith.addi %broadcast_in_dim3A_361, %add3A_364 : vector<16xi32>
      %gather3A_366 = tpu.vector_load_idx %arg13[%add3A_365] : memref<40xf32, #tpu.memory_space<vmem>>[vector<16xi32>], vector<16xf32>,
      %select_n3A_367 = arith.select %ne3A_104, %gather3A_345, %gather3A_341 : vector<16xi1>, vector<16xf32>
      %select_n3A_368 = arith.select %ne3A_111, %gather3A_345, %gather3A_341 : vector<16xi1>, vector<16xf32>
      %select_n3A_369 = arith.select %ne3A_118, %gather3A_345, %gather3A_341 : vector<16xi1>, vector<16xf32>
      %select_n3A_370 = arith.select %ne3A_125, %gather3A_345, %gather3A_341 : vector<16xi1>, vector<16xf32>
      %select_n3A_371 = arith.select %ne3A_132, %gather3A_345, %gather3A_341 : vector<16xi1>, vector<16xf32>
      %select_n3A_372 = arith.select %ne3A_139, %gather3A_345, %gather3A_341 : vector<16xi1>, vector<16xf32>
      %select_n3A_373 = arith.select %ne3A_146, %gather3A_345, %gather3A_341 : vector<16xi1>, vector<16xf32>
      %select_n3A_374 = arith.select %ne3A_153, %gather3A_345, %gather3A_341 : vector<16xi1>, vector<16xf32>
      %swap3A_375 = arith.constant 8 : i32
      %swap3A_376 = arith.index_cast %swap3A_375 : i32 to index
      %swap3A_377 = arith.constant 512 : index
      %swap3A_378 = tpu.vector_load %arg11[%swap3A_376, %swap3A_377] {strides = array<i32>} : memref<10x1024xf32, #tpu.memory_space<vmem>>, vector<16xf32>,
      tpu.vector_store %arg11[%swap3A_376, %swap3A_377], %select_n3A_367 {strides = array<i32>} : memref<10x1024xf32, #tpu.memory_space<vmem>>, vector<16xf32>,
      %swap3A_379 = arith.constant 8 : i32
      %swap3A_380 = arith.index_cast %swap3A_379 : i32 to index
      %swap3A_381 = arith.constant 528 : index
      %swap3A_382 = tpu.vector_load %arg11[%swap3A_380, %swap3A_381] {strides = array<i32>} : memref<10x1024xf32, #tpu.memory_space<vmem>>, vector<16xf32>,
      tpu.vector_store %arg11[%swap3A_380, %swap3A_381], %select_n3A_368 {strides = array<i32>} : memref<10x1024xf32, #tpu.memory_space<vmem>>, vector<16xf32>,
      %swap3A_383 = arith.constant 8 : i32
      %swap3A_384 = arith.index_cast %swap3A_383 : i32 to index
      %swap3A_385 = arith.constant 544 : index
      %swap3A_386 = tpu.vector_load %arg11[%swap3A_384, %swap3A_385] {strides = array<i32>} : memref<10x1024xf32, #tpu.memory_space<vmem>>, vector<16xf32>,
      tpu.vector_store %arg11[%swap3A_384, %swap3A_385], %select_n3A_369 {strides = array<i32>} : memref<10x1024xf32, #tpu.memory_space<vmem>>, vector<16xf32>,
      %swap3A_387 = arith.constant 8 : i32
      %swap3A_388 = arith.index_cast %swap3A_387 : i32 to index
      %swap3A_389 = arith.constant 560 : index
      %swap3A_390 = tpu.vector_load %arg11[%swap3A_388, %swap3A_389] {strides = array<i32>} : memref<10x1024xf32, #tpu.memory_space<vmem>>, vector<16xf32>,
      tpu.vector_store %arg11[%swap3A_388, %swap3A_389], %select_n3A_370 {strides = array<i32>} : memref<10x1024xf32, #tpu.memory_space<vmem>>, vector<16xf32>,
      %swap3A_391 = arith.constant 8 : i32
      %swap3A_392 = arith.index_cast %swap3A_391 : i32 to index
      %swap3A_393 = arith.constant 576 : index
      %swap3A_394 = tpu.vector_load %arg11[%swap3A_392, %swap3A_393] {strides = array<i32>} : memref<10x1024xf32, #tpu.memory_space<vmem>>, vector<16xf32>,
      tpu.vector_store %arg11[%swap3A_392, %swap3A_393], %select_n3A_371 {strides = array<i32>} : memref<10x1024xf32, #tpu.memory_space<vmem>>, vector<16xf32>,
      %swap3A_395 = arith.constant 8 : i32
      %swap3A_396 = arith.index_cast %swap3A_395 : i32 to index
      %swap3A_397 = arith.constant 592 : index
      %swap3A_398 = tpu.vector_load %arg11[%swap3A_396, %swap3A_397] {strides = array<i32>} : memref<10x1024xf32, #tpu.memory_space<vmem>>, vector<16xf32>,
      tpu.vector_store %arg11[%swap3A_396, %swap3A_397], %select_n3A_372 {strides = array<i32>} : memref<10x1024xf32, #tpu.memory_space<vmem>>, vector<16xf32>,
      %swap3A_399 = arith.constant 8 : i32
      %swap3A_400 = arith.index_cast %swap3A_399 : i32 to index
      %swap3A_401 = arith.constant 608 : index
      %swap3A_402 = tpu.vector_load %arg11[%swap3A_400, %swap3A_401] {strides = array<i32>} : memref<10x1024xf32, #tpu.memory_space<vmem>>, vector<16xf32>,
      tpu.vector_store %arg11[%swap3A_400, %swap3A_401], %select_n3A_373 {strides = array<i32>} : memref<10x1024xf32, #tpu.memory_space<vmem>>, vector<16xf32>,
      %swap3A_403 = arith.constant 8 : i32
      %swap3A_404 = arith.index_cast %swap3A_403 : i32 to index
      %swap3A_405 = arith.constant 624 : index
      %swap3A_406 = tpu.vector_load %arg11[%swap3A_404, %swap3A_405] {strides = array<i32>} : memref<10x1024xf32, #tpu.memory_space<vmem>>, vector<16xf32>,
      tpu.vector_store %arg11[%swap3A_404, %swap3A_405], %select_n3A_374 {strides = array<i32>} : memref<10x1024xf32, #tpu.memory_space<vmem>>, vector<16xf32>,
      %select_n3A_407 = arith.select %ne3A_104, %gather3A_352, %gather3A_348 : vector<16xi1>, vector<16xf32>
      %select_n3A_408 = arith.select %ne3A_111, %gather3A_352, %gather3A_348 : vector<16xi1>, vector<16xf32>
      %select_n3A_409 = arith.select %ne3A_118, %gather3A_352, %gather3A_348 : vector<16xi1>, vector<16xf32>
      %select_n3A_410 = arith.select %ne3A_125, %gather3A_352, %gather3A_348 : vector<16xi1>, vector<16xf32>
      %select_n3A_411 = arith.select %ne3A_132, %gather3A_352, %gather3A_348 : vector<16xi1>, vector<16xf32>
      %select_n3A_412 = arith.select %ne3A_139, %gather3A_352, %gather3A_348 : vector<16xi1>, vector<16xf32>
      %select_n3A_413 = arith.select %ne3A_146, %gather3A_352, %gather3A_348 : vector<16xi1>, vector<16xf32>
      %select_n3A_414 = arith.select %ne3A_153, %gather3A_352, %gather3A_348 : vector<16xi1>, vector<16xf32>
      %swap3A_415 = arith.constant 8 : i32
      %swap3A_416 = arith.index_cast %swap3A_415 : i32 to index
      %swap3A_417 = arith.constant 640 : index
      %swap3A_418 = tpu.vector_load %arg11[%swap3A_416, %swap3A_417] {strides = array<i32>} : memref<10x1024xf32, #tpu.memory_space<vmem>>, vector<16xf32>,
      tpu.vector_store %arg11[%swap3A_416, %swap3A_417], %select_n3A_407 {strides = array<i32>} : memref<10x1024xf32, #tpu.memory_space<vmem>>, vector<16xf32>,
      %swap3A_419 = arith.constant 8 : i32
      %swap3A_420 = arith.index_cast %swap3A_419 : i32 to index
      %swap3A_421 = arith.constant 656 : index
      %swap3A_422 = tpu.vector_load %arg11[%swap3A_420, %swap3A_421] {strides = array<i32>} : memref<10x1024xf32, #tpu.memory_space<vmem>>, vector<16xf32>,
      tpu.vector_store %arg11[%swap3A_420, %swap3A_421], %select_n3A_408 {strides = array<i32>} : memref<10x1024xf32, #tpu.memory_space<vmem>>, vector<16xf32>,
      %swap3A_423 = arith.constant 8 : i32
      %swap3A_424 = arith.index_cast %swap3A_423 : i32 to index
      %swap3A_425 = arith.constant 672 : index
      %swap3A_426 = tpu.vector_load %arg11[%swap3A_424, %swap3A_425] {strides = array<i32>} : memref<10x1024xf32, #tpu.memory_space<vmem>>, vector<16xf32>,
      tpu.vector_store %arg11[%swap3A_424, %swap3A_425], %select_n3A_409 {strides = array<i32>} : memref<10x1024xf32, #tpu.memory_space<vmem>>, vector<16xf32>,
      %swap3A_427 = arith.constant 8 : i32
      %swap3A_428 = arith.index_cast %swap3A_427 : i32 to index
      %swap3A_429 = arith.constant 688 : index
      %swap3A_430 = tpu.vector_load %arg11[%swap3A_428, %swap3A_429] {strides = array<i32>} : memref<10x1024xf32, #tpu.memory_space<vmem>>, vector<16xf32>,
      tpu.vector_store %arg11[%swap3A_428, %swap3A_429], %select_n3A_410 {strides = array<i32>} : memref<10x1024xf32, #tpu.memory_space<vmem>>, vector<16xf32>,
      %swap3A_431 = arith.constant 8 : i32
      %swap3A_432 = arith.index_cast %swap3A_431 : i32 to index
      %swap3A_433 = arith.constant 704 : index
      %swap3A_434 = tpu.vector_load %arg11[%swap3A_432, %swap3A_433] {strides = array<i32>} : memref<10x1024xf32, #tpu.memory_space<vmem>>, vector<16xf32>,
      tpu.vector_store %arg11[%swap3A_432, %swap3A_433], %select_n3A_411 {strides = array<i32>} : memref<10x1024xf32, #tpu.memory_space<vmem>>, vector<16xf32>,
      %swap3A_435 = arith.constant 8 : i32
      %swap3A_436 = arith.index_cast %swap3A_435 : i32 to index
      %swap3A_437 = arith.constant 720 : index
      %swap3A_438 = tpu.vector_load %arg11[%swap3A_436, %swap3A_437] {strides = array<i32>} : memref<10x1024xf32, #tpu.memory_space<vmem>>, vector<16xf32>,
      tpu.vector_store %arg11[%swap3A_436, %swap3A_437], %select_n3A_412 {strides = array<i32>} : memref<10x1024xf32, #tpu.memory_space<vmem>>, vector<16xf32>,
      %swap3A_439 = arith.constant 8 : i32
      %swap3A_440 = arith.index_cast %swap3A_439 : i32 to index
      %swap3A_441 = arith.constant 736 : index
      %swap3A_442 = tpu.vector_load %arg11[%swap3A_440, %swap3A_441] {strides = array<i32>} : memref<10x1024xf32, #tpu.memory_space<vmem>>, vector<16xf32>,
      tpu.vector_store %arg11[%swap3A_440, %swap3A_441], %select_n3A_413 {strides = array<i32>} : memref<10x1024xf32, #tpu.memory_space<vmem>>, vector<16xf32>,
      %swap3A_443 = arith.constant 8 : i32
      %swap3A_444 = arith.index_cast %swap3A_443 : i32 to index
      %swap3A_445 = arith.constant 752 : index
      %swap3A_446 = tpu.vector_load %arg11[%swap3A_444, %swap3A_445] {strides = array<i32>} : memref<10x1024xf32, #tpu.memory_space<vmem>>, vector<16xf32>,
      tpu.vector_store %arg11[%swap3A_444, %swap3A_445], %select_n3A_414 {strides = array<i32>} : memref<10x1024xf32, #tpu.memory_space<vmem>>, vector<16xf32>,
      %select_n3A_447 = arith.select %ne3A_104, %gather3A_359, %gather3A_355 : vector<16xi1>, vector<16xf32>
      %select_n3A_448 = arith.select %ne3A_111, %gather3A_359, %gather3A_355 : vector<16xi1>, vector<16xf32>
      %select_n3A_449 = arith.select %ne3A_118, %gather3A_359, %gather3A_355 : vector<16xi1>, vector<16xf32>
      %select_n3A_450 = arith.select %ne3A_125, %gather3A_359, %gather3A_355 : vector<16xi1>, vector<16xf32>
      %select_n3A_451 = arith.select %ne3A_132, %gather3A_359, %gather3A_355 : vector<16xi1>, vector<16xf32>
      %select_n3A_452 = arith.select %ne3A_139, %gather3A_359, %gather3A_355 : vector<16xi1>, vector<16xf32>
      %select_n3A_453 = arith.select %ne3A_146, %gather3A_359, %gather3A_355 : vector<16xi1>, vector<16xf32>
      %select_n3A_454 = arith.select %ne3A_153, %gather3A_359, %gather3A_355 : vector<16xi1>, vector<16xf32>
      %swap3A_455 = arith.constant 8 : i32
      %swap3A_456 = arith.index_cast %swap3A_455 : i32 to index
      %swap3A_457 = arith.constant 768 : index
      %swap3A_458 = tpu.vector_load %arg11[%swap3A_456, %swap3A_457] {strides = array<i32>} : memref<10x1024xf32, #tpu.memory_space<vmem>>, vector<16xf32>,
      tpu.vector_store %arg11[%swap3A_456, %swap3A_457], %select_n3A_447 {strides = array<i32>} : memref<10x1024xf32, #tpu.memory_space<vmem>>, vector<16xf32>,
      %swap3A_459 = arith.constant 8 : i32
      %swap3A_460 = arith.index_cast %swap3A_459 : i32 to index
      %swap3A_461 = arith.constant 784 : index
      %swap3A_462 = tpu.vector_load %arg11[%swap3A_460, %swap3A_461] {strides = array<i32>} : memref<10x1024xf32, #tpu.memory_space<vmem>>, vector<16xf32>,
      tpu.vector_store %arg11[%swap3A_460, %swap3A_461], %select_n3A_448 {strides = array<i32>} : memref<10x1024xf32, #tpu.memory_space<vmem>>, vector<16xf32>,
      %swap3A_463 = arith.constant 8 : i32
      %swap3A_464 = arith.index_cast %swap3A_463 : i32 to index
      %swap3A_465 = arith.constant 800 : index
      %swap3A_466 = tpu.vector_load %arg11[%swap3A_464, %swap3A_465] {strides = array<i32>} : memref<10x1024xf32, #tpu.memory_space<vmem>>, vector<16xf32>,
      tpu.vector_store %arg11[%swap3A_464, %swap3A_465], %select_n3A_449 {strides = array<i32>} : memref<10x1024xf32, #tpu.memory_space<vmem>>, vector<16xf32>,
      %swap3A_467 = arith.constant 8 : i32
      %swap3A_468 = arith.index_cast %swap3A_467 : i32 to index
      %swap3A_469 = arith.constant 816 : index
      %swap3A_470 = tpu.vector_load %arg11[%swap3A_468, %swap3A_469] {strides = array<i32>} : memref<10x1024xf32, #tpu.memory_space<vmem>>, vector<16xf32>,
      tpu.vector_store %arg11[%swap3A_468, %swap3A_469], %select_n3A_450 {strides = array<i32>} : memref<10x1024xf32, #tpu.memory_space<vmem>>, vector<16xf32>,
      %swap3A_471 = arith.constant 8 : i32
      %swap3A_472 = arith.index_cast %swap3A_471 : i32 to index
      %swap3A_473 = arith.constant 832 : index
      %swap3A_474 = tpu.vector_load %arg11[%swap3A_472, %swap3A_473] {strides = array<i32>} : memref<10x1024xf32, #tpu.memory_space<vmem>>, vector<16xf32>,
      tpu.vector_store %arg11[%swap3A_472, %swap3A_473], %select_n3A_451 {strides = array<i32>} : memref<10x1024xf32, #tpu.memory_space<vmem>>, vector<16xf32>,
      %swap3A_475 = arith.constant 8 : i32
      %swap3A_476 = arith.index_cast %swap3A_475 : i32 to index
      %swap3A_477 = arith.constant 848 : index
      %swap3A_478 = tpu.vector_load %arg11[%swap3A_476, %swap3A_477] {strides = array<i32>} : memref<10x1024xf32, #tpu.memory_space<vmem>>, vector<16xf32>,
      tpu.vector_store %arg11[%swap3A_476, %swap3A_477], %select_n3A_452 {strides = array<i32>} : memref<10x1024xf32, #tpu.memory_space<vmem>>, vector<16xf32>,
      %swap3A_479 = arith.constant 8 : i32
      %swap3A_480 = arith.index_cast %swap3A_479 : i32 to index
      %swap3A_481 = arith.constant 864 : index
      %swap3A_482 = tpu.vector_load %arg11[%swap3A_480, %swap3A_481] {strides = array<i32>} : memref<10x1024xf32, #tpu.memory_space<vmem>>, vector<16xf32>,
      tpu.vector_store %arg11[%swap3A_480, %swap3A_481], %select_n3A_453 {strides = array<i32>} : memref<10x1024xf32, #tpu.memory_space<vmem>>, vector<16xf32>,
      %swap3A_483 = arith.constant 8 : i32
      %swap3A_484 = arith.index_cast %swap3A_483 : i32 to index
      %swap3A_485 = arith.constant 880 : index
      %swap3A_486 = tpu.vector_load %arg11[%swap3A_484, %swap3A_485] {strides = array<i32>} : memref<10x1024xf32, #tpu.memory_space<vmem>>, vector<16xf32>,
      tpu.vector_store %arg11[%swap3A_484, %swap3A_485], %select_n3A_454 {strides = array<i32>} : memref<10x1024xf32, #tpu.memory_space<vmem>>, vector<16xf32>,
      %select_n3A_487 = arith.select %ne3A_104, %gather3A_366, %gather3A_362 : vector<16xi1>, vector<16xf32>
      %select_n3A_488 = arith.select %ne3A_111, %gather3A_366, %gather3A_362 : vector<16xi1>, vector<16xf32>
      %select_n3A_489 = arith.select %ne3A_118, %gather3A_366, %gather3A_362 : vector<16xi1>, vector<16xf32>
      %select_n3A_490 = arith.select %ne3A_125, %gather3A_366, %gather3A_362 : vector<16xi1>, vector<16xf32>
      %select_n3A_491 = arith.select %ne3A_132, %gather3A_366, %gather3A_362 : vector<16xi1>, vector<16xf32>
      %select_n3A_492 = arith.select %ne3A_139, %gather3A_366, %gather3A_362 : vector<16xi1>, vector<16xf32>
      %select_n3A_493 = arith.select %ne3A_146, %gather3A_366, %gather3A_362 : vector<16xi1>, vector<16xf32>
      %select_n3A_494 = arith.select %ne3A_153, %gather3A_366, %gather3A_362 : vector<16xi1>, vector<16xf32>
      %swap3A_495 = arith.constant 8 : i32
      %swap3A_496 = arith.index_cast %swap3A_495 : i32 to index
      %swap3A_497 = arith.constant 896 : index
      %swap3A_498 = tpu.vector_load %arg11[%swap3A_496, %swap3A_497] {strides = array<i32>} : memref<10x1024xf32, #tpu.memory_space<vmem>>, vector<16xf32>,
      tpu.vector_store %arg11[%swap3A_496, %swap3A_497], %select_n3A_487 {strides = array<i32>} : memref<10x1024xf32, #tpu.memory_space<vmem>>, vector<16xf32>,
      %swap3A_499 = arith.constant 8 : i32
      %swap3A_500 = arith.index_cast %swap3A_499 : i32 to index
      %swap3A_501 = arith.constant 912 : index
      %swap3A_502 = tpu.vector_load %arg11[%swap3A_500, %swap3A_501] {strides = array<i32>} : memref<10x1024xf32, #tpu.memory_space<vmem>>, vector<16xf32>,
      tpu.vector_store %arg11[%swap3A_500, %swap3A_501], %select_n3A_488 {strides = array<i32>} : memref<10x1024xf32, #tpu.memory_space<vmem>>, vector<16xf32>,
      %swap3A_503 = arith.constant 8 : i32
      %swap3A_504 = arith.index_cast %swap3A_503 : i32 to index
      %swap3A_505 = arith.constant 928 : index
      %swap3A_506 = tpu.vector_load %arg11[%swap3A_504, %swap3A_505] {strides = array<i32>} : memref<10x1024xf32, #tpu.memory_space<vmem>>, vector<16xf32>,
      tpu.vector_store %arg11[%swap3A_504, %swap3A_505], %select_n3A_489 {strides = array<i32>} : memref<10x1024xf32, #tpu.memory_space<vmem>>, vector<16xf32>,
      %swap3A_507 = arith.constant 8 : i32
      %swap3A_508 = arith.index_cast %swap3A_507 : i32 to index
      %swap3A_509 = arith.constant 944 : index
      %swap3A_510 = tpu.vector_load %arg11[%swap3A_508, %swap3A_509] {strides = array<i32>} : memref<10x1024xf32, #tpu.memory_space<vmem>>, vector<16xf32>,
      tpu.vector_store %arg11[%swap3A_508, %swap3A_509], %select_n3A_490 {strides = array<i32>} : memref<10x1024xf32, #tpu.memory_space<vmem>>, vector<16xf32>,
      %swap3A_511 = arith.constant 8 : i32
      %swap3A_512 = arith.index_cast %swap3A_511 : i32 to index
      %swap3A_513 = arith.constant 960 : index
      %swap3A_514 = tpu.vector_load %arg11[%swap3A_512, %swap3A_513] {strides = array<i32>} : memref<10x1024xf32, #tpu.memory_space<vmem>>, vector<16xf32>,
      tpu.vector_store %arg11[%swap3A_512, %swap3A_513], %select_n3A_491 {strides = array<i32>} : memref<10x1024xf32, #tpu.memory_space<vmem>>, vector<16xf32>,
      %swap3A_515 = arith.constant 8 : i32
      %swap3A_516 = arith.index_cast %swap3A_515 : i32 to index
      %swap3A_517 = arith.constant 976 : index
      %swap3A_518 = tpu.vector_load %arg11[%swap3A_516, %swap3A_517] {strides = array<i32>} : memref<10x1024xf32, #tpu.memory_space<vmem>>, vector<16xf32>,
      tpu.vector_store %arg11[%swap3A_516, %swap3A_517], %select_n3A_492 {strides = array<i32>} : memref<10x1024xf32, #tpu.memory_space<vmem>>, vector<16xf32>,
      %swap3A_519 = arith.constant 8 : i32
      %swap3A_520 = arith.index_cast %swap3A_519 : i32 to index
      %swap3A_521 = arith.constant 992 : index
      %swap3A_522 = tpu.vector_load %arg11[%swap3A_520, %swap3A_521] {strides = array<i32>} : memref<10x1024xf32, #tpu.memory_space<vmem>>, vector<16xf32>,
      tpu.vector_store %arg11[%swap3A_520, %swap3A_521], %select_n3A_493 {strides = array<i32>} : memref<10x1024xf32, #tpu.memory_space<vmem>>, vector<16xf32>,
      %swap3A_523 = arith.constant 8 : i32
      %swap3A_524 = arith.index_cast %swap3A_523 : i32 to index
      %swap3A_525 = arith.constant 1008 : index
      %swap3A_526 = tpu.vector_load %arg11[%swap3A_524, %swap3A_525] {strides = array<i32>} : memref<10x1024xf32, #tpu.memory_space<vmem>>, vector<16xf32>,
      tpu.vector_store %arg11[%swap3A_524, %swap3A_525], %select_n3A_494 {strides = array<i32>} : memref<10x1024xf32, #tpu.memory_space<vmem>>, vector<16xf32>,
      %broadcast_in_dim3A_527 = arith.constant 16 : i32
      %broadcast_in_dim3A_528 = vector.broadcast %broadcast_in_dim3A_527 : i32 to vector<16xi32>
      %gather3A_529 = tpu.vector_load_idx %arg13[%broadcast_in_dim3A_528] : memref<40xf32, #tpu.memory_space<vmem>>[vector<16xi32>], vector<16xf32>,
      %add3A_530 = arith.constant 16 : i32
      %add3A_531 = vector.broadcast %add3A_530 : i32 to vector<16xi32>
      %add3A_532 = arith.addi %broadcast_in_dim3A_528, %add3A_531 : vector<16xi32>
      %gather3A_533 = tpu.vector_load_idx %arg13[%add3A_532] : memref<40xf32, #tpu.memory_space<vmem>>[vector<16xi32>], vector<16xf32>,
      %broadcast_in_dim3A_534 = arith.constant 17 : i32
      %broadcast_in_dim3A_535 = vector.broadcast %broadcast_in_dim3A_534 : i32 to vector<16xi32>
      %gather3A_536 = tpu.vector_load_idx %arg13[%broadcast_in_dim3A_535] : memref<40xf32, #tpu.memory_space<vmem>>[vector<16xi32>], vector<16xf32>,
      %add3A_537 = arith.constant 16 : i32
      %add3A_538 = vector.broadcast %add3A_537 : i32 to vector<16xi32>
      %add3A_539 = arith.addi %broadcast_in_dim3A_535, %add3A_538 : vector<16xi32>
      %gather3A_540 = tpu.vector_load_idx %arg13[%add3A_539] : memref<40xf32, #tpu.memory_space<vmem>>[vector<16xi32>], vector<16xf32>,
      %broadcast_in_dim3A_541 = arith.constant 18 : i32
      %broadcast_in_dim3A_542 = vector.broadcast %broadcast_in_dim3A_541 : i32 to vector<16xi32>
      %gather3A_543 = tpu.vector_load_idx %arg13[%broadcast_in_dim3A_542] : memref<40xf32, #tpu.memory_space<vmem>>[vector<16xi32>], vector<16xf32>,
      %add3A_544 = arith.constant 16 : i32
      %add3A_545 = vector.broadcast %add3A_544 : i32 to vector<16xi32>
      %add3A_546 = arith.addi %broadcast_in_dim3A_542, %add3A_545 : vector<16xi32>
      %gather3A_547 = tpu.vector_load_idx %arg13[%add3A_546] : memref<40xf32, #tpu.memory_space<vmem>>[vector<16xi32>], vector<16xf32>,
      %broadcast_in_dim3A_548 = arith.constant 19 : i32
      %broadcast_in_dim3A_549 = vector.broadcast %broadcast_in_dim3A_548 : i32 to vector<16xi32>
      %gather3A_550 = tpu.vector_load_idx %arg13[%broadcast_in_dim3A_549] : memref<40xf32, #tpu.memory_space<vmem>>[vector<16xi32>], vector<16xf32>,
      %add3A_551 = arith.constant 16 : i32
      %add3A_552 = vector.broadcast %add3A_551 : i32 to vector<16xi32>
      %add3A_553 = arith.addi %broadcast_in_dim3A_549, %add3A_552 : vector<16xi32>
      %gather3A_554 = tpu.vector_load_idx %arg13[%add3A_553] : memref<40xf32, #tpu.memory_space<vmem>>[vector<16xi32>], vector<16xf32>,
      %select_n3A_555 = arith.select %ne3A_104, %gather3A_533, %gather3A_529 : vector<16xi1>, vector<16xf32>
      %select_n3A_556 = arith.select %ne3A_111, %gather3A_533, %gather3A_529 : vector<16xi1>, vector<16xf32>
      %select_n3A_557 = arith.select %ne3A_118, %gather3A_533, %gather3A_529 : vector<16xi1>, vector<16xf32>
      %select_n3A_558 = arith.select %ne3A_125, %gather3A_533, %gather3A_529 : vector<16xi1>, vector<16xf32>
      %select_n3A_559 = arith.select %ne3A_132, %gather3A_533, %gather3A_529 : vector<16xi1>, vector<16xf32>
      %select_n3A_560 = arith.select %ne3A_139, %gather3A_533, %gather3A_529 : vector<16xi1>, vector<16xf32>
      %select_n3A_561 = arith.select %ne3A_146, %gather3A_533, %gather3A_529 : vector<16xi1>, vector<16xf32>
      %select_n3A_562 = arith.select %ne3A_153, %gather3A_533, %gather3A_529 : vector<16xi1>, vector<16xf32>
      %swap3A_563 = arith.constant 9 : i32
      %swap3A_564 = arith.index_cast %swap3A_563 : i32 to index
      %swap3A_565 = arith.constant 0 : index
      %swap3A_566 = tpu.vector_load %arg11[%swap3A_564, %swap3A_565] {strides = array<i32>} : memref<10x1024xf32, #tpu.memory_space<vmem>>, vector<16xf32>,
      tpu.vector_store %arg11[%swap3A_564, %swap3A_565], %select_n3A_555 {strides = array<i32>} : memref<10x1024xf32, #tpu.memory_space<vmem>>, vector<16xf32>,
      %swap3A_567 = arith.constant 9 : i32
      %swap3A_568 = arith.index_cast %swap3A_567 : i32 to index
      %swap3A_569 = arith.constant 16 : index
      %swap3A_570 = tpu.vector_load %arg11[%swap3A_568, %swap3A_569] {strides = array<i32>} : memref<10x1024xf32, #tpu.memory_space<vmem>>, vector<16xf32>,
      tpu.vector_store %arg11[%swap3A_568, %swap3A_569], %select_n3A_556 {strides = array<i32>} : memref<10x1024xf32, #tpu.memory_space<vmem>>, vector<16xf32>,
      %swap3A_571 = arith.constant 9 : i32
      %swap3A_572 = arith.index_cast %swap3A_571 : i32 to index
      %swap3A_573 = arith.constant 32 : index
      %swap3A_574 = tpu.vector_load %arg11[%swap3A_572, %swap3A_573] {strides = array<i32>} : memref<10x1024xf32, #tpu.memory_space<vmem>>, vector<16xf32>,
      tpu.vector_store %arg11[%swap3A_572, %swap3A_573], %select_n3A_557 {strides = array<i32>} : memref<10x1024xf32, #tpu.memory_space<vmem>>, vector<16xf32>,
      %swap3A_575 = arith.constant 9 : i32
      %swap3A_576 = arith.index_cast %swap3A_575 : i32 to index
      %swap3A_577 = arith.constant 48 : index
      %swap3A_578 = tpu.vector_load %arg11[%swap3A_576, %swap3A_577] {strides = array<i32>} : memref<10x1024xf32, #tpu.memory_space<vmem>>, vector<16xf32>,
      tpu.vector_store %arg11[%swap3A_576, %swap3A_577], %select_n3A_558 {strides = array<i32>} : memref<10x1024xf32, #tpu.memory_space<vmem>>, vector<16xf32>,
      %swap3A_579 = arith.constant 9 : i32
      %swap3A_580 = arith.index_cast %swap3A_579 : i32 to index
      %swap3A_581 = arith.constant 64 : index
      %swap3A_582 = tpu.vector_load %arg11[%swap3A_580, %swap3A_581] {strides = array<i32>} : memref<10x1024xf32, #tpu.memory_space<vmem>>, vector<16xf32>,
      tpu.vector_store %arg11[%swap3A_580, %swap3A_581], %select_n3A_559 {strides = array<i32>} : memref<10x1024xf32, #tpu.memory_space<vmem>>, vector<16xf32>,
      %swap3A_583 = arith.constant 9 : i32
      %swap3A_584 = arith.index_cast %swap3A_583 : i32 to index
      %swap3A_585 = arith.constant 80 : index
      %swap3A_586 = tpu.vector_load %arg11[%swap3A_584, %swap3A_585] {strides = array<i32>} : memref<10x1024xf32, #tpu.memory_space<vmem>>, vector<16xf32>,
      tpu.vector_store %arg11[%swap3A_584, %swap3A_585], %select_n3A_560 {strides = array<i32>} : memref<10x1024xf32, #tpu.memory_space<vmem>>, vector<16xf32>,
      %swap3A_587 = arith.constant 9 : i32
      %swap3A_588 = arith.index_cast %swap3A_587 : i32 to index
      %swap3A_589 = arith.constant 96 : index
      %swap3A_590 = tpu.vector_load %arg11[%swap3A_588, %swap3A_589] {strides = array<i32>} : memref<10x1024xf32, #tpu.memory_space<vmem>>, vector<16xf32>,
      tpu.vector_store %arg11[%swap3A_588, %swap3A_589], %select_n3A_561 {strides = array<i32>} : memref<10x1024xf32, #tpu.memory_space<vmem>>, vector<16xf32>,
      %swap3A_591 = arith.constant 9 : i32
      %swap3A_592 = arith.index_cast %swap3A_591 : i32 to index
      %swap3A_593 = arith.constant 112 : index
      %swap3A_594 = tpu.vector_load %arg11[%swap3A_592, %swap3A_593] {strides = array<i32>} : memref<10x1024xf32, #tpu.memory_space<vmem>>, vector<16xf32>,
      tpu.vector_store %arg11[%swap3A_592, %swap3A_593], %select_n3A_562 {strides = array<i32>} : memref<10x1024xf32, #tpu.memory_space<vmem>>, vector<16xf32>,
      %select_n3A_595 = arith.select %ne3A_104, %gather3A_540, %gather3A_536 : vector<16xi1>, vector<16xf32>
      %select_n3A_596 = arith.select %ne3A_111, %gather3A_540, %gather3A_536 : vector<16xi1>, vector<16xf32>
      %select_n3A_597 = arith.select %ne3A_118, %gather3A_540, %gather3A_536 : vector<16xi1>, vector<16xf32>
      %select_n3A_598 = arith.select %ne3A_125, %gather3A_540, %gather3A_536 : vector<16xi1>, vector<16xf32>
      %select_n3A_599 = arith.select %ne3A_132, %gather3A_540, %gather3A_536 : vector<16xi1>, vector<16xf32>
      %select_n3A_600 = arith.select %ne3A_139, %gather3A_540, %gather3A_536 : vector<16xi1>, vector<16xf32>
      %select_n3A_601 = arith.select %ne3A_146, %gather3A_540, %gather3A_536 : vector<16xi1>, vector<16xf32>
      %select_n3A_602 = arith.select %ne3A_153, %gather3A_540, %gather3A_536 : vector<16xi1>, vector<16xf32>
      %swap3A_603 = arith.constant 9 : i32
      %swap3A_604 = arith.index_cast %swap3A_603 : i32 to index
      %swap3A_605 = arith.constant 128 : index
      %swap3A_606 = tpu.vector_load %arg11[%swap3A_604, %swap3A_605] {strides = array<i32>} : memref<10x1024xf32, #tpu.memory_space<vmem>>, vector<16xf32>,
      tpu.vector_store %arg11[%swap3A_604, %swap3A_605], %select_n3A_595 {strides = array<i32>} : memref<10x1024xf32, #tpu.memory_space<vmem>>, vector<16xf32>,
      %swap3A_607 = arith.constant 9 : i32
      %swap3A_608 = arith.index_cast %swap3A_607 : i32 to index
      %swap3A_609 = arith.constant 144 : index
      %swap3A_610 = tpu.vector_load %arg11[%swap3A_608, %swap3A_609] {strides = array<i32>} : memref<10x1024xf32, #tpu.memory_space<vmem>>, vector<16xf32>,
      tpu.vector_store %arg11[%swap3A_608, %swap3A_609], %select_n3A_596 {strides = array<i32>} : memref<10x1024xf32, #tpu.memory_space<vmem>>, vector<16xf32>,
      %swap3A_611 = arith.constant 9 : i32
      %swap3A_612 = arith.index_cast %swap3A_611 : i32 to index
      %swap3A_613 = arith.constant 160 : index
      %swap3A_614 = tpu.vector_load %arg11[%swap3A_612, %swap3A_613] {strides = array<i32>} : memref<10x1024xf32, #tpu.memory_space<vmem>>, vector<16xf32>,
      tpu.vector_store %arg11[%swap3A_612, %swap3A_613], %select_n3A_597 {strides = array<i32>} : memref<10x1024xf32, #tpu.memory_space<vmem>>, vector<16xf32>,
      %swap3A_615 = arith.constant 9 : i32
      %swap3A_616 = arith.index_cast %swap3A_615 : i32 to index
      %swap3A_617 = arith.constant 176 : index
      %swap3A_618 = tpu.vector_load %arg11[%swap3A_616, %swap3A_617] {strides = array<i32>} : memref<10x1024xf32, #tpu.memory_space<vmem>>, vector<16xf32>,
      tpu.vector_store %arg11[%swap3A_616, %swap3A_617], %select_n3A_598 {strides = array<i32>} : memref<10x1024xf32, #tpu.memory_space<vmem>>, vector<16xf32>,
      %swap3A_619 = arith.constant 9 : i32
      %swap3A_620 = arith.index_cast %swap3A_619 : i32 to index
      %swap3A_621 = arith.constant 192 : index
      %swap3A_622 = tpu.vector_load %arg11[%swap3A_620, %swap3A_621] {strides = array<i32>} : memref<10x1024xf32, #tpu.memory_space<vmem>>, vector<16xf32>,
      tpu.vector_store %arg11[%swap3A_620, %swap3A_621], %select_n3A_599 {strides = array<i32>} : memref<10x1024xf32, #tpu.memory_space<vmem>>, vector<16xf32>,
      %swap3A_623 = arith.constant 9 : i32
      %swap3A_624 = arith.index_cast %swap3A_623 : i32 to index
      %swap3A_625 = arith.constant 208 : index
      %swap3A_626 = tpu.vector_load %arg11[%swap3A_624, %swap3A_625] {strides = array<i32>} : memref<10x1024xf32, #tpu.memory_space<vmem>>, vector<16xf32>,
      tpu.vector_store %arg11[%swap3A_624, %swap3A_625], %select_n3A_600 {strides = array<i32>} : memref<10x1024xf32, #tpu.memory_space<vmem>>, vector<16xf32>,
      %swap3A_627 = arith.constant 9 : i32
      %swap3A_628 = arith.index_cast %swap3A_627 : i32 to index
      %swap3A_629 = arith.constant 224 : index
      %swap3A_630 = tpu.vector_load %arg11[%swap3A_628, %swap3A_629] {strides = array<i32>} : memref<10x1024xf32, #tpu.memory_space<vmem>>, vector<16xf32>,
      tpu.vector_store %arg11[%swap3A_628, %swap3A_629], %select_n3A_601 {strides = array<i32>} : memref<10x1024xf32, #tpu.memory_space<vmem>>, vector<16xf32>,
      %swap3A_631 = arith.constant 9 : i32
      %swap3A_632 = arith.index_cast %swap3A_631 : i32 to index
      %swap3A_633 = arith.constant 240 : index
      %swap3A_634 = tpu.vector_load %arg11[%swap3A_632, %swap3A_633] {strides = array<i32>} : memref<10x1024xf32, #tpu.memory_space<vmem>>, vector<16xf32>,
      tpu.vector_store %arg11[%swap3A_632, %swap3A_633], %select_n3A_602 {strides = array<i32>} : memref<10x1024xf32, #tpu.memory_space<vmem>>, vector<16xf32>,
      %select_n3A_635 = arith.select %ne3A_104, %gather3A_547, %gather3A_543 : vector<16xi1>, vector<16xf32>
      %select_n3A_636 = arith.select %ne3A_111, %gather3A_547, %gather3A_543 : vector<16xi1>, vector<16xf32>
      %select_n3A_637 = arith.select %ne3A_118, %gather3A_547, %gather3A_543 : vector<16xi1>, vector<16xf32>
      %select_n3A_638 = arith.select %ne3A_125, %gather3A_547, %gather3A_543 : vector<16xi1>, vector<16xf32>
      %select_n3A_639 = arith.select %ne3A_132, %gather3A_547, %gather3A_543 : vector<16xi1>, vector<16xf32>
      %select_n3A_640 = arith.select %ne3A_139, %gather3A_547, %gather3A_543 : vector<16xi1>, vector<16xf32>
      %select_n3A_641 = arith.select %ne3A_146, %gather3A_547, %gather3A_543 : vector<16xi1>, vector<16xf32>
      %select_n3A_642 = arith.select %ne3A_153, %gather3A_547, %gather3A_543 : vector<16xi1>, vector<16xf32>
      %swap3A_643 = arith.constant 9 : i32
      %swap3A_644 = arith.index_cast %swap3A_643 : i32 to index
      %swap3A_645 = arith.constant 256 : index
      %swap3A_646 = tpu.vector_load %arg11[%swap3A_644, %swap3A_645] {strides = array<i32>} : memref<10x1024xf32, #tpu.memory_space<vmem>>, vector<16xf32>,
      tpu.vector_store %arg11[%swap3A_644, %swap3A_645], %select_n3A_635 {strides = array<i32>} : memref<10x1024xf32, #tpu.memory_space<vmem>>, vector<16xf32>,
      %swap3A_647 = arith.constant 9 : i32
      %swap3A_648 = arith.index_cast %swap3A_647 : i32 to index
      %swap3A_649 = arith.constant 272 : index
      %swap3A_650 = tpu.vector_load %arg11[%swap3A_648, %swap3A_649] {strides = array<i32>} : memref<10x1024xf32, #tpu.memory_space<vmem>>, vector<16xf32>,
      tpu.vector_store %arg11[%swap3A_648, %swap3A_649], %select_n3A_636 {strides = array<i32>} : memref<10x1024xf32, #tpu.memory_space<vmem>>, vector<16xf32>,
      %swap3A_651 = arith.constant 9 : i32
      %swap3A_652 = arith.index_cast %swap3A_651 : i32 to index
      %swap3A_653 = arith.constant 288 : index
      %swap3A_654 = tpu.vector_load %arg11[%swap3A_652, %swap3A_653] {strides = array<i32>} : memref<10x1024xf32, #tpu.memory_space<vmem>>, vector<16xf32>,
      tpu.vector_store %arg11[%swap3A_652, %swap3A_653], %select_n3A_637 {strides = array<i32>} : memref<10x1024xf32, #tpu.memory_space<vmem>>, vector<16xf32>,
      %swap3A_655 = arith.constant 9 : i32
      %swap3A_656 = arith.index_cast %swap3A_655 : i32 to index
      %swap3A_657 = arith.constant 304 : index
      %swap3A_658 = tpu.vector_load %arg11[%swap3A_656, %swap3A_657] {strides = array<i32>} : memref<10x1024xf32, #tpu.memory_space<vmem>>, vector<16xf32>,
      tpu.vector_store %arg11[%swap3A_656, %swap3A_657], %select_n3A_638 {strides = array<i32>} : memref<10x1024xf32, #tpu.memory_space<vmem>>, vector<16xf32>,
      %swap3A_659 = arith.constant 9 : i32
      %swap3A_660 = arith.index_cast %swap3A_659 : i32 to index
      %swap3A_661 = arith.constant 320 : index
      %swap3A_662 = tpu.vector_load %arg11[%swap3A_660, %swap3A_661] {strides = array<i32>} : memref<10x1024xf32, #tpu.memory_space<vmem>>, vector<16xf32>,
      tpu.vector_store %arg11[%swap3A_660, %swap3A_661], %select_n3A_639 {strides = array<i32>} : memref<10x1024xf32, #tpu.memory_space<vmem>>, vector<16xf32>,
      %swap3A_663 = arith.constant 9 : i32
      %swap3A_664 = arith.index_cast %swap3A_663 : i32 to index
      %swap3A_665 = arith.constant 336 : index
      %swap3A_666 = tpu.vector_load %arg11[%swap3A_664, %swap3A_665] {strides = array<i32>} : memref<10x1024xf32, #tpu.memory_space<vmem>>, vector<16xf32>,
      tpu.vector_store %arg11[%swap3A_664, %swap3A_665], %select_n3A_640 {strides = array<i32>} : memref<10x1024xf32, #tpu.memory_space<vmem>>, vector<16xf32>,
      %swap3A_667 = arith.constant 9 : i32
      %swap3A_668 = arith.index_cast %swap3A_667 : i32 to index
      %swap3A_669 = arith.constant 352 : index
      %swap3A_670 = tpu.vector_load %arg11[%swap3A_668, %swap3A_669] {strides = array<i32>} : memref<10x1024xf32, #tpu.memory_space<vmem>>, vector<16xf32>,
      tpu.vector_store %arg11[%swap3A_668, %swap3A_669], %select_n3A_641 {strides = array<i32>} : memref<10x1024xf32, #tpu.memory_space<vmem>>, vector<16xf32>,
      %swap3A_671 = arith.constant 9 : i32
      %swap3A_672 = arith.index_cast %swap3A_671 : i32 to index
      %swap3A_673 = arith.constant 368 : index
      %swap3A_674 = tpu.vector_load %arg11[%swap3A_672, %swap3A_673] {strides = array<i32>} : memref<10x1024xf32, #tpu.memory_space<vmem>>, vector<16xf32>,
      tpu.vector_store %arg11[%swap3A_672, %swap3A_673], %select_n3A_642 {strides = array<i32>} : memref<10x1024xf32, #tpu.memory_space<vmem>>, vector<16xf32>,
      %select_n3A_675 = arith.select %ne3A_104, %gather3A_554, %gather3A_550 : vector<16xi1>, vector<16xf32>
      %select_n3A_676 = arith.select %ne3A_111, %gather3A_554, %gather3A_550 : vector<16xi1>, vector<16xf32>
      %select_n3A_677 = arith.select %ne3A_118, %gather3A_554, %gather3A_550 : vector<16xi1>, vector<16xf32>
      %select_n3A_678 = arith.select %ne3A_125, %gather3A_554, %gather3A_550 : vector<16xi1>, vector<16xf32>
      %select_n3A_679 = arith.select %ne3A_132, %gather3A_554, %gather3A_550 : vector<16xi1>, vector<16xf32>
      %select_n3A_680 = arith.select %ne3A_139, %gather3A_554, %gather3A_550 : vector<16xi1>, vector<16xf32>
      %select_n3A_681 = arith.select %ne3A_146, %gather3A_554, %gather3A_550 : vector<16xi1>, vector<16xf32>
      %select_n3A_682 = arith.select %ne3A_153, %gather3A_554, %gather3A_550 : vector<16xi1>, vector<16xf32>
      %swap3A_683 = arith.constant 9 : i32
      %swap3A_684 = arith.index_cast %swap3A_683 : i32 to index
      %swap3A_685 = arith.constant 384 : index
      %swap3A_686 = tpu.vector_load %arg11[%swap3A_684, %swap3A_685] {strides = array<i32>} : memref<10x1024xf32, #tpu.memory_space<vmem>>, vector<16xf32>,
      tpu.vector_store %arg11[%swap3A_684, %swap3A_685], %select_n3A_675 {strides = array<i32>} : memref<10x1024xf32, #tpu.memory_space<vmem>>, vector<16xf32>,
      %swap3A_687 = arith.constant 9 : i32
      %swap3A_688 = arith.index_cast %swap3A_687 : i32 to index
      %swap3A_689 = arith.constant 400 : index
      %swap3A_690 = tpu.vector_load %arg11[%swap3A_688, %swap3A_689] {strides = array<i32>} : memref<10x1024xf32, #tpu.memory_space<vmem>>, vector<16xf32>,
      tpu.vector_store %arg11[%swap3A_688, %swap3A_689], %select_n3A_676 {strides = array<i32>} : memref<10x1024xf32, #tpu.memory_space<vmem>>, vector<16xf32>,
      %swap3A_691 = arith.constant 9 : i32
      %swap3A_692 = arith.index_cast %swap3A_691 : i32 to index
      %swap3A_693 = arith.constant 416 : index
      %swap3A_694 = tpu.vector_load %arg11[%swap3A_692, %swap3A_693] {strides = array<i32>} : memref<10x1024xf32, #tpu.memory_space<vmem>>, vector<16xf32>,
      tpu.vector_store %arg11[%swap3A_692, %swap3A_693], %select_n3A_677 {strides = array<i32>} : memref<10x1024xf32, #tpu.memory_space<vmem>>, vector<16xf32>,
      %swap3A_695 = arith.constant 9 : i32
      %swap3A_696 = arith.index_cast %swap3A_695 : i32 to index
      %swap3A_697 = arith.constant 432 : index
      %swap3A_698 = tpu.vector_load %arg11[%swap3A_696, %swap3A_697] {strides = array<i32>} : memref<10x1024xf32, #tpu.memory_space<vmem>>, vector<16xf32>,
      tpu.vector_store %arg11[%swap3A_696, %swap3A_697], %select_n3A_678 {strides = array<i32>} : memref<10x1024xf32, #tpu.memory_space<vmem>>, vector<16xf32>,
      %swap3A_699 = arith.constant 9 : i32
      %swap3A_700 = arith.index_cast %swap3A_699 : i32 to index
      %swap3A_701 = arith.constant 448 : index
      %swap3A_702 = tpu.vector_load %arg11[%swap3A_700, %swap3A_701] {strides = array<i32>} : memref<10x1024xf32, #tpu.memory_space<vmem>>, vector<16xf32>,
      tpu.vector_store %arg11[%swap3A_700, %swap3A_701], %select_n3A_679 {strides = array<i32>} : memref<10x1024xf32, #tpu.memory_space<vmem>>, vector<16xf32>,
      %swap3A_703 = arith.constant 9 : i32
      %swap3A_704 = arith.index_cast %swap3A_703 : i32 to index
      %swap3A_705 = arith.constant 464 : index
      %swap3A_706 = tpu.vector_load %arg11[%swap3A_704, %swap3A_705] {strides = array<i32>} : memref<10x1024xf32, #tpu.memory_space<vmem>>, vector<16xf32>,
      tpu.vector_store %arg11[%swap3A_704, %swap3A_705], %select_n3A_680 {strides = array<i32>} : memref<10x1024xf32, #tpu.memory_space<vmem>>, vector<16xf32>,
      %swap3A_707 = arith.constant 9 : i32
      %swap3A_708 = arith.index_cast %swap3A_707 : i32 to index
      %swap3A_709 = arith.constant 480 : index
      %swap3A_710 = tpu.vector_load %arg11[%swap3A_708, %swap3A_709] {strides = array<i32>} : memref<10x1024xf32, #tpu.memory_space<vmem>>, vector<16xf32>,
      tpu.vector_store %arg11[%swap3A_708, %swap3A_709], %select_n3A_681 {strides = array<i32>} : memref<10x1024xf32, #tpu.memory_space<vmem>>, vector<16xf32>,
      %swap3A_711 = arith.constant 9 : i32
      %swap3A_712 = arith.index_cast %swap3A_711 : i32 to index
      %swap3A_713 = arith.constant 496 : index
      %swap3A_714 = tpu.vector_load %arg11[%swap3A_712, %swap3A_713] {strides = array<i32>} : memref<10x1024xf32, #tpu.memory_space<vmem>>, vector<16xf32>,
      tpu.vector_store %arg11[%swap3A_712, %swap3A_713], %select_n3A_682 {strides = array<i32>} : memref<10x1024xf32, #tpu.memory_space<vmem>>, vector<16xf32>,
      %broadcast_in_dim3A_715 = arith.constant 20 : i32
      %broadcast_in_dim3A_716 = vector.broadcast %broadcast_in_dim3A_715 : i32 to vector<16xi32>
      %gather3A_717 = tpu.vector_load_idx %arg13[%broadcast_in_dim3A_716] : memref<40xf32, #tpu.memory_space<vmem>>[vector<16xi32>], vector<16xf32>,
      %add3A_718 = arith.constant 16 : i32
      %add3A_719 = vector.broadcast %add3A_718 : i32 to vector<16xi32>
      %add3A_720 = arith.addi %broadcast_in_dim3A_716, %add3A_719 : vector<16xi32>
      %gather3A_721 = tpu.vector_load_idx %arg13[%add3A_720] : memref<40xf32, #tpu.memory_space<vmem>>[vector<16xi32>], vector<16xf32>,
      %broadcast_in_dim3A_722 = arith.constant 21 : i32
      %broadcast_in_dim3A_723 = vector.broadcast %broadcast_in_dim3A_722 : i32 to vector<16xi32>
      %gather3A_724 = tpu.vector_load_idx %arg13[%broadcast_in_dim3A_723] : memref<40xf32, #tpu.memory_space<vmem>>[vector<16xi32>], vector<16xf32>,
      %add3A_725 = arith.constant 16 : i32
      %add3A_726 = vector.broadcast %add3A_725 : i32 to vector<16xi32>
      %add3A_727 = arith.addi %broadcast_in_dim3A_723, %add3A_726 : vector<16xi32>
      %gather3A_728 = tpu.vector_load_idx %arg13[%add3A_727] : memref<40xf32, #tpu.memory_space<vmem>>[vector<16xi32>], vector<16xf32>,
      %broadcast_in_dim3A_729 = arith.constant 22 : i32
      %broadcast_in_dim3A_730 = vector.broadcast %broadcast_in_dim3A_729 : i32 to vector<16xi32>
      %gather3A_731 = tpu.vector_load_idx %arg13[%broadcast_in_dim3A_730] : memref<40xf32, #tpu.memory_space<vmem>>[vector<16xi32>], vector<16xf32>,
      %add3A_732 = arith.constant 16 : i32
      %add3A_733 = vector.broadcast %add3A_732 : i32 to vector<16xi32>
      %add3A_734 = arith.addi %broadcast_in_dim3A_730, %add3A_733 : vector<16xi32>
      %gather3A_735 = tpu.vector_load_idx %arg13[%add3A_734] : memref<40xf32, #tpu.memory_space<vmem>>[vector<16xi32>], vector<16xf32>,
      %broadcast_in_dim3A_736 = arith.constant 23 : i32
      %broadcast_in_dim3A_737 = vector.broadcast %broadcast_in_dim3A_736 : i32 to vector<16xi32>
      %gather3A_738 = tpu.vector_load_idx %arg13[%broadcast_in_dim3A_737] : memref<40xf32, #tpu.memory_space<vmem>>[vector<16xi32>], vector<16xf32>,
      %add3A_739 = arith.constant 16 : i32
      %add3A_740 = vector.broadcast %add3A_739 : i32 to vector<16xi32>
      %add3A_741 = arith.addi %broadcast_in_dim3A_737, %add3A_740 : vector<16xi32>
      %gather3A_742 = tpu.vector_load_idx %arg13[%add3A_741] : memref<40xf32, #tpu.memory_space<vmem>>[vector<16xi32>], vector<16xf32>,
      %select_n3A_743 = arith.select %ne3A_104, %gather3A_721, %gather3A_717 : vector<16xi1>, vector<16xf32>
      %select_n3A_744 = arith.select %ne3A_111, %gather3A_721, %gather3A_717 : vector<16xi1>, vector<16xf32>
      %select_n3A_745 = arith.select %ne3A_118, %gather3A_721, %gather3A_717 : vector<16xi1>, vector<16xf32>
      %select_n3A_746 = arith.select %ne3A_125, %gather3A_721, %gather3A_717 : vector<16xi1>, vector<16xf32>
      %select_n3A_747 = arith.select %ne3A_132, %gather3A_721, %gather3A_717 : vector<16xi1>, vector<16xf32>
      %select_n3A_748 = arith.select %ne3A_139, %gather3A_721, %gather3A_717 : vector<16xi1>, vector<16xf32>
      %select_n3A_749 = arith.select %ne3A_146, %gather3A_721, %gather3A_717 : vector<16xi1>, vector<16xf32>
      %select_n3A_750 = arith.select %ne3A_153, %gather3A_721, %gather3A_717 : vector<16xi1>, vector<16xf32>
      %swap3A_751 = arith.constant 9 : i32
      %swap3A_752 = arith.index_cast %swap3A_751 : i32 to index
      %swap3A_753 = arith.constant 512 : index
      %swap3A_754 = tpu.vector_load %arg11[%swap3A_752, %swap3A_753] {strides = array<i32>} : memref<10x1024xf32, #tpu.memory_space<vmem>>, vector<16xf32>,
      tpu.vector_store %arg11[%swap3A_752, %swap3A_753], %select_n3A_743 {strides = array<i32>} : memref<10x1024xf32, #tpu.memory_space<vmem>>, vector<16xf32>,
      %swap3A_755 = arith.constant 9 : i32
      %swap3A_756 = arith.index_cast %swap3A_755 : i32 to index
      %swap3A_757 = arith.constant 528 : index
      %swap3A_758 = tpu.vector_load %arg11[%swap3A_756, %swap3A_757] {strides = array<i32>} : memref<10x1024xf32, #tpu.memory_space<vmem>>, vector<16xf32>,
      tpu.vector_store %arg11[%swap3A_756, %swap3A_757], %select_n3A_744 {strides = array<i32>} : memref<10x1024xf32, #tpu.memory_space<vmem>>, vector<16xf32>,
      %swap3A_759 = arith.constant 9 : i32
      %swap3A_760 = arith.index_cast %swap3A_759 : i32 to index
      %swap3A_761 = arith.constant 544 : index
      %swap3A_762 = tpu.vector_load %arg11[%swap3A_760, %swap3A_761] {strides = array<i32>} : memref<10x1024xf32, #tpu.memory_space<vmem>>, vector<16xf32>,
      tpu.vector_store %arg11[%swap3A_760, %swap3A_761], %select_n3A_745 {strides = array<i32>} : memref<10x1024xf32, #tpu.memory_space<vmem>>, vector<16xf32>,
      %swap3A_763 = arith.constant 9 : i32
      %swap3A_764 = arith.index_cast %swap3A_763 : i32 to index
      %swap3A_765 = arith.constant 560 : index
      %swap3A_766 = tpu.vector_load %arg11[%swap3A_764, %swap3A_765] {strides = array<i32>} : memref<10x1024xf32, #tpu.memory_space<vmem>>, vector<16xf32>,
      tpu.vector_store %arg11[%swap3A_764, %swap3A_765], %select_n3A_746 {strides = array<i32>} : memref<10x1024xf32, #tpu.memory_space<vmem>>, vector<16xf32>,
      %swap3A_767 = arith.constant 9 : i32
      %swap3A_768 = arith.index_cast %swap3A_767 : i32 to index
      %swap3A_769 = arith.constant 576 : index
      %swap3A_770 = tpu.vector_load %arg11[%swap3A_768, %swap3A_769] {strides = array<i32>} : memref<10x1024xf32, #tpu.memory_space<vmem>>, vector<16xf32>,
      tpu.vector_store %arg11[%swap3A_768, %swap3A_769], %select_n3A_747 {strides = array<i32>} : memref<10x1024xf32, #tpu.memory_space<vmem>>, vector<16xf32>,
      %swap3A_771 = arith.constant 9 : i32
      %swap3A_772 = arith.index_cast %swap3A_771 : i32 to index
      %swap3A_773 = arith.constant 592 : index
      %swap3A_774 = tpu.vector_load %arg11[%swap3A_772, %swap3A_773] {strides = array<i32>} : memref<10x1024xf32, #tpu.memory_space<vmem>>, vector<16xf32>,
      tpu.vector_store %arg11[%swap3A_772, %swap3A_773], %select_n3A_748 {strides = array<i32>} : memref<10x1024xf32, #tpu.memory_space<vmem>>, vector<16xf32>,
      %swap3A_775 = arith.constant 9 : i32
      %swap3A_776 = arith.index_cast %swap3A_775 : i32 to index
      %swap3A_777 = arith.constant 608 : index
      %swap3A_778 = tpu.vector_load %arg11[%swap3A_776, %swap3A_777] {strides = array<i32>} : memref<10x1024xf32, #tpu.memory_space<vmem>>, vector<16xf32>,
      tpu.vector_store %arg11[%swap3A_776, %swap3A_777], %select_n3A_749 {strides = array<i32>} : memref<10x1024xf32, #tpu.memory_space<vmem>>, vector<16xf32>,
      %swap3A_779 = arith.constant 9 : i32
      %swap3A_780 = arith.index_cast %swap3A_779 : i32 to index
      %swap3A_781 = arith.constant 624 : index
      %swap3A_782 = tpu.vector_load %arg11[%swap3A_780, %swap3A_781] {strides = array<i32>} : memref<10x1024xf32, #tpu.memory_space<vmem>>, vector<16xf32>,
      tpu.vector_store %arg11[%swap3A_780, %swap3A_781], %select_n3A_750 {strides = array<i32>} : memref<10x1024xf32, #tpu.memory_space<vmem>>, vector<16xf32>,
      %select_n3A_783 = arith.select %ne3A_104, %gather3A_728, %gather3A_724 : vector<16xi1>, vector<16xf32>
      %select_n3A_784 = arith.select %ne3A_111, %gather3A_728, %gather3A_724 : vector<16xi1>, vector<16xf32>
      %select_n3A_785 = arith.select %ne3A_118, %gather3A_728, %gather3A_724 : vector<16xi1>, vector<16xf32>
      %select_n3A_786 = arith.select %ne3A_125, %gather3A_728, %gather3A_724 : vector<16xi1>, vector<16xf32>
      %select_n3A_787 = arith.select %ne3A_132, %gather3A_728, %gather3A_724 : vector<16xi1>, vector<16xf32>
      %select_n3A_788 = arith.select %ne3A_139, %gather3A_728, %gather3A_724 : vector<16xi1>, vector<16xf32>
      %select_n3A_789 = arith.select %ne3A_146, %gather3A_728, %gather3A_724 : vector<16xi1>, vector<16xf32>
      %select_n3A_790 = arith.select %ne3A_153, %gather3A_728, %gather3A_724 : vector<16xi1>, vector<16xf32>
      %swap3A_791 = arith.constant 9 : i32
      %swap3A_792 = arith.index_cast %swap3A_791 : i32 to index
      %swap3A_793 = arith.constant 640 : index
      %swap3A_794 = tpu.vector_load %arg11[%swap3A_792, %swap3A_793] {strides = array<i32>} : memref<10x1024xf32, #tpu.memory_space<vmem>>, vector<16xf32>,
      tpu.vector_store %arg11[%swap3A_792, %swap3A_793], %select_n3A_783 {strides = array<i32>} : memref<10x1024xf32, #tpu.memory_space<vmem>>, vector<16xf32>,
      %swap3A_795 = arith.constant 9 : i32
      %swap3A_796 = arith.index_cast %swap3A_795 : i32 to index
      %swap3A_797 = arith.constant 656 : index
      %swap3A_798 = tpu.vector_load %arg11[%swap3A_796, %swap3A_797] {strides = array<i32>} : memref<10x1024xf32, #tpu.memory_space<vmem>>, vector<16xf32>,
      tpu.vector_store %arg11[%swap3A_796, %swap3A_797], %select_n3A_784 {strides = array<i32>} : memref<10x1024xf32, #tpu.memory_space<vmem>>, vector<16xf32>,
      %swap3A_799 = arith.constant 9 : i32
      %swap3A_800 = arith.index_cast %swap3A_799 : i32 to index
      %swap3A_801 = arith.constant 672 : index
      %swap3A_802 = tpu.vector_load %arg11[%swap3A_800, %swap3A_801] {strides = array<i32>} : memref<10x1024xf32, #tpu.memory_space<vmem>>, vector<16xf32>,
      tpu.vector_store %arg11[%swap3A_800, %swap3A_801], %select_n3A_785 {strides = array<i32>} : memref<10x1024xf32, #tpu.memory_space<vmem>>, vector<16xf32>,
      %swap3A_803 = arith.constant 9 : i32
      %swap3A_804 = arith.index_cast %swap3A_803 : i32 to index
      %swap3A_805 = arith.constant 688 : index
      %swap3A_806 = tpu.vector_load %arg11[%swap3A_804, %swap3A_805] {strides = array<i32>} : memref<10x1024xf32, #tpu.memory_space<vmem>>, vector<16xf32>,
      tpu.vector_store %arg11[%swap3A_804, %swap3A_805], %select_n3A_786 {strides = array<i32>} : memref<10x1024xf32, #tpu.memory_space<vmem>>, vector<16xf32>,
      %swap3A_807 = arith.constant 9 : i32
      %swap3A_808 = arith.index_cast %swap3A_807 : i32 to index
      %swap3A_809 = arith.constant 704 : index
      %swap3A_810 = tpu.vector_load %arg11[%swap3A_808, %swap3A_809] {strides = array<i32>} : memref<10x1024xf32, #tpu.memory_space<vmem>>, vector<16xf32>,
      tpu.vector_store %arg11[%swap3A_808, %swap3A_809], %select_n3A_787 {strides = array<i32>} : memref<10x1024xf32, #tpu.memory_space<vmem>>, vector<16xf32>,
      %swap3A_811 = arith.constant 9 : i32
      %swap3A_812 = arith.index_cast %swap3A_811 : i32 to index
      %swap3A_813 = arith.constant 720 : index
      %swap3A_814 = tpu.vector_load %arg11[%swap3A_812, %swap3A_813] {strides = array<i32>} : memref<10x1024xf32, #tpu.memory_space<vmem>>, vector<16xf32>,
      tpu.vector_store %arg11[%swap3A_812, %swap3A_813], %select_n3A_788 {strides = array<i32>} : memref<10x1024xf32, #tpu.memory_space<vmem>>, vector<16xf32>,
      %swap3A_815 = arith.constant 9 : i32
      %swap3A_816 = arith.index_cast %swap3A_815 : i32 to index
      %swap3A_817 = arith.constant 736 : index
      %swap3A_818 = tpu.vector_load %arg11[%swap3A_816, %swap3A_817] {strides = array<i32>} : memref<10x1024xf32, #tpu.memory_space<vmem>>, vector<16xf32>,
      tpu.vector_store %arg11[%swap3A_816, %swap3A_817], %select_n3A_789 {strides = array<i32>} : memref<10x1024xf32, #tpu.memory_space<vmem>>, vector<16xf32>,
      %swap3A_819 = arith.constant 9 : i32
      %swap3A_820 = arith.index_cast %swap3A_819 : i32 to index
      %swap3A_821 = arith.constant 752 : index
      %swap3A_822 = tpu.vector_load %arg11[%swap3A_820, %swap3A_821] {strides = array<i32>} : memref<10x1024xf32, #tpu.memory_space<vmem>>, vector<16xf32>,
      tpu.vector_store %arg11[%swap3A_820, %swap3A_821], %select_n3A_790 {strides = array<i32>} : memref<10x1024xf32, #tpu.memory_space<vmem>>, vector<16xf32>,
      %select_n3A_823 = arith.select %ne3A_104, %gather3A_735, %gather3A_731 : vector<16xi1>, vector<16xf32>
      %select_n3A_824 = arith.select %ne3A_111, %gather3A_735, %gather3A_731 : vector<16xi1>, vector<16xf32>
      %select_n3A_825 = arith.select %ne3A_118, %gather3A_735, %gather3A_731 : vector<16xi1>, vector<16xf32>
      %select_n3A_826 = arith.select %ne3A_125, %gather3A_735, %gather3A_731 : vector<16xi1>, vector<16xf32>
      %select_n3A_827 = arith.select %ne3A_132, %gather3A_735, %gather3A_731 : vector<16xi1>, vector<16xf32>
      %select_n3A_828 = arith.select %ne3A_139, %gather3A_735, %gather3A_731 : vector<16xi1>, vector<16xf32>
      %select_n3A_829 = arith.select %ne3A_146, %gather3A_735, %gather3A_731 : vector<16xi1>, vector<16xf32>
      %select_n3A_830 = arith.select %ne3A_153, %gather3A_735, %gather3A_731 : vector<16xi1>, vector<16xf32>
      %swap3A_831 = arith.constant 9 : i32
      %swap3A_832 = arith.index_cast %swap3A_831 : i32 to index
      %swap3A_833 = arith.constant 768 : index
      %swap3A_834 = tpu.vector_load %arg11[%swap3A_832, %swap3A_833] {strides = array<i32>} : memref<10x1024xf32, #tpu.memory_space<vmem>>, vector<16xf32>,
      tpu.vector_store %arg11[%swap3A_832, %swap3A_833], %select_n3A_823 {strides = array<i32>} : memref<10x1024xf32, #tpu.memory_space<vmem>>, vector<16xf32>,
      %swap3A_835 = arith.constant 9 : i32
      %swap3A_836 = arith.index_cast %swap3A_835 : i32 to index
      %swap3A_837 = arith.constant 784 : index
      %swap3A_838 = tpu.vector_load %arg11[%swap3A_836, %swap3A_837] {strides = array<i32>} : memref<10x1024xf32, #tpu.memory_space<vmem>>, vector<16xf32>,
      tpu.vector_store %arg11[%swap3A_836, %swap3A_837], %select_n3A_824 {strides = array<i32>} : memref<10x1024xf32, #tpu.memory_space<vmem>>, vector<16xf32>,
      %swap3A_839 = arith.constant 9 : i32
      %swap3A_840 = arith.index_cast %swap3A_839 : i32 to index
      %swap3A_841 = arith.constant 800 : index
      %swap3A_842 = tpu.vector_load %arg11[%swap3A_840, %swap3A_841] {strides = array<i32>} : memref<10x1024xf32, #tpu.memory_space<vmem>>, vector<16xf32>,
      tpu.vector_store %arg11[%swap3A_840, %swap3A_841], %select_n3A_825 {strides = array<i32>} : memref<10x1024xf32, #tpu.memory_space<vmem>>, vector<16xf32>,
      %swap3A_843 = arith.constant 9 : i32
      %swap3A_844 = arith.index_cast %swap3A_843 : i32 to index
      %swap3A_845 = arith.constant 816 : index
      %swap3A_846 = tpu.vector_load %arg11[%swap3A_844, %swap3A_845] {strides = array<i32>} : memref<10x1024xf32, #tpu.memory_space<vmem>>, vector<16xf32>,
      tpu.vector_store %arg11[%swap3A_844, %swap3A_845], %select_n3A_826 {strides = array<i32>} : memref<10x1024xf32, #tpu.memory_space<vmem>>, vector<16xf32>,
      %swap3A_847 = arith.constant 9 : i32
      %swap3A_848 = arith.index_cast %swap3A_847 : i32 to index
      %swap3A_849 = arith.constant 832 : index
      %swap3A_850 = tpu.vector_load %arg11[%swap3A_848, %swap3A_849] {strides = array<i32>} : memref<10x1024xf32, #tpu.memory_space<vmem>>, vector<16xf32>,
      tpu.vector_store %arg11[%swap3A_848, %swap3A_849], %select_n3A_827 {strides = array<i32>} : memref<10x1024xf32, #tpu.memory_space<vmem>>, vector<16xf32>,
      %swap3A_851 = arith.constant 9 : i32
      %swap3A_852 = arith.index_cast %swap3A_851 : i32 to index
      %swap3A_853 = arith.constant 848 : index
      %swap3A_854 = tpu.vector_load %arg11[%swap3A_852, %swap3A_853] {strides = array<i32>} : memref<10x1024xf32, #tpu.memory_space<vmem>>, vector<16xf32>,
      tpu.vector_store %arg11[%swap3A_852, %swap3A_853], %select_n3A_828 {strides = array<i32>} : memref<10x1024xf32, #tpu.memory_space<vmem>>, vector<16xf32>,
      %swap3A_855 = arith.constant 9 : i32
      %swap3A_856 = arith.index_cast %swap3A_855 : i32 to index
      %swap3A_857 = arith.constant 864 : index
      %swap3A_858 = tpu.vector_load %arg11[%swap3A_856, %swap3A_857] {strides = array<i32>} : memref<10x1024xf32, #tpu.memory_space<vmem>>, vector<16xf32>,
      tpu.vector_store %arg11[%swap3A_856, %swap3A_857], %select_n3A_829 {strides = array<i32>} : memref<10x1024xf32, #tpu.memory_space<vmem>>, vector<16xf32>,
      %swap3A_859 = arith.constant 9 : i32
      %swap3A_860 = arith.index_cast %swap3A_859 : i32 to index
      %swap3A_861 = arith.constant 880 : index
      %swap3A_862 = tpu.vector_load %arg11[%swap3A_860, %swap3A_861] {strides = array<i32>} : memref<10x1024xf32, #tpu.memory_space<vmem>>, vector<16xf32>,
      tpu.vector_store %arg11[%swap3A_860, %swap3A_861], %select_n3A_830 {strides = array<i32>} : memref<10x1024xf32, #tpu.memory_space<vmem>>, vector<16xf32>,
      %select_n3A_863 = arith.select %ne3A_104, %gather3A_742, %gather3A_738 : vector<16xi1>, vector<16xf32>
      %select_n3A_864 = arith.select %ne3A_111, %gather3A_742, %gather3A_738 : vector<16xi1>, vector<16xf32>
      %select_n3A_865 = arith.select %ne3A_118, %gather3A_742, %gather3A_738 : vector<16xi1>, vector<16xf32>
      %select_n3A_866 = arith.select %ne3A_125, %gather3A_742, %gather3A_738 : vector<16xi1>, vector<16xf32>
      %select_n3A_867 = arith.select %ne3A_132, %gather3A_742, %gather3A_738 : vector<16xi1>, vector<16xf32>
      %select_n3A_868 = arith.select %ne3A_139, %gather3A_742, %gather3A_738 : vector<16xi1>, vector<16xf32>
      %select_n3A_869 = arith.select %ne3A_146, %gather3A_742, %gather3A_738 : vector<16xi1>, vector<16xf32>
      %select_n3A_870 = arith.select %ne3A_153, %gather3A_742, %gather3A_738 : vector<16xi1>, vector<16xf32>
      %swap3A_871 = arith.constant 9 : i32
      %swap3A_872 = arith.index_cast %swap3A_871 : i32 to index
      %swap3A_873 = arith.constant 896 : index
      %swap3A_874 = tpu.vector_load %arg11[%swap3A_872, %swap3A_873] {strides = array<i32>} : memref<10x1024xf32, #tpu.memory_space<vmem>>, vector<16xf32>,
      tpu.vector_store %arg11[%swap3A_872, %swap3A_873], %select_n3A_863 {strides = array<i32>} : memref<10x1024xf32, #tpu.memory_space<vmem>>, vector<16xf32>,
      %swap3A_875 = arith.constant 9 : i32
      %swap3A_876 = arith.index_cast %swap3A_875 : i32 to index
      %swap3A_877 = arith.constant 912 : index
      %swap3A_878 = tpu.vector_load %arg11[%swap3A_876, %swap3A_877] {strides = array<i32>} : memref<10x1024xf32, #tpu.memory_space<vmem>>, vector<16xf32>,
      tpu.vector_store %arg11[%swap3A_876, %swap3A_877], %select_n3A_864 {strides = array<i32>} : memref<10x1024xf32, #tpu.memory_space<vmem>>, vector<16xf32>,
      %swap3A_879 = arith.constant 9 : i32
      %swap3A_880 = arith.index_cast %swap3A_879 : i32 to index
      %swap3A_881 = arith.constant 928 : index
      %swap3A_882 = tpu.vector_load %arg11[%swap3A_880, %swap3A_881] {strides = array<i32>} : memref<10x1024xf32, #tpu.memory_space<vmem>>, vector<16xf32>,
      tpu.vector_store %arg11[%swap3A_880, %swap3A_881], %select_n3A_865 {strides = array<i32>} : memref<10x1024xf32, #tpu.memory_space<vmem>>, vector<16xf32>,
      %swap3A_883 = arith.constant 9 : i32
      %swap3A_884 = arith.index_cast %swap3A_883 : i32 to index
      %swap3A_885 = arith.constant 944 : index
      %swap3A_886 = tpu.vector_load %arg11[%swap3A_884, %swap3A_885] {strides = array<i32>} : memref<10x1024xf32, #tpu.memory_space<vmem>>, vector<16xf32>,
      tpu.vector_store %arg11[%swap3A_884, %swap3A_885], %select_n3A_866 {strides = array<i32>} : memref<10x1024xf32, #tpu.memory_space<vmem>>, vector<16xf32>,
      %swap3A_887 = arith.constant 9 : i32
      %swap3A_888 = arith.index_cast %swap3A_887 : i32 to index
      %swap3A_889 = arith.constant 960 : index
      %swap3A_890 = tpu.vector_load %arg11[%swap3A_888, %swap3A_889] {strides = array<i32>} : memref<10x1024xf32, #tpu.memory_space<vmem>>, vector<16xf32>,
      tpu.vector_store %arg11[%swap3A_888, %swap3A_889], %select_n3A_867 {strides = array<i32>} : memref<10x1024xf32, #tpu.memory_space<vmem>>, vector<16xf32>,
      %swap3A_891 = arith.constant 9 : i32
      %swap3A_892 = arith.index_cast %swap3A_891 : i32 to index
      %swap3A_893 = arith.constant 976 : index
      %swap3A_894 = tpu.vector_load %arg11[%swap3A_892, %swap3A_893] {strides = array<i32>} : memref<10x1024xf32, #tpu.memory_space<vmem>>, vector<16xf32>,
      tpu.vector_store %arg11[%swap3A_892, %swap3A_893], %select_n3A_868 {strides = array<i32>} : memref<10x1024xf32, #tpu.memory_space<vmem>>, vector<16xf32>,
      %swap3A_895 = arith.constant 9 : i32
      %swap3A_896 = arith.index_cast %swap3A_895 : i32 to index
      %swap3A_897 = arith.constant 992 : index
      %swap3A_898 = tpu.vector_load %arg11[%swap3A_896, %swap3A_897] {strides = array<i32>} : memref<10x1024xf32, #tpu.memory_space<vmem>>, vector<16xf32>,
      tpu.vector_store %arg11[%swap3A_896, %swap3A_897], %select_n3A_869 {strides = array<i32>} : memref<10x1024xf32, #tpu.memory_space<vmem>>, vector<16xf32>,
      %swap3A_899 = arith.constant 9 : i32
      %swap3A_900 = arith.index_cast %swap3A_899 : i32 to index
      %swap3A_901 = arith.constant 1008 : index
      %swap3A_902 = tpu.vector_load %arg11[%swap3A_900, %swap3A_901] {strides = array<i32>} : memref<10x1024xf32, #tpu.memory_space<vmem>>, vector<16xf32>,
      tpu.vector_store %arg11[%swap3A_900, %swap3A_901], %select_n3A_870 {strides = array<i32>} : memref<10x1024xf32, #tpu.memory_space<vmem>>, vector<16xf32>,
      %lt3A = arith.constant 99 : i32
      %lt3A_903 = arith.cmpi slt, %scan3A_77, %lt3A : i32
      %convert_element_type3A_904 = arith.extui %lt3A_903 : i1 to i32
      %cond3A_905 = arith.constant 0 : i32
      %cond3A_906 = arith.cmpi ne, %convert_element_type3A_904, %cond3A_905 : i32
      scf.if %cond3A_906 {
        %add3A_1761 = arith.constant 2 : i32
        %add3A_1762 = arith.addi %add3A_81, %add3A_1761 : i32
        %div3A_1763 = arith.constant 8 : i32
        %div3A_1764 = arith.divsi %add3A_1762, %div3A_1763 : i32
        %rem3A_1765 = arith.constant 8 : i32
        %rem3A_1766 = arith.remsi %add3A_1762, %rem3A_1765 : i32
        %dma_start3A_1767 = arith.constant 0 : i32
        %dma_start3A_1768 = tpu.memref_slice %arg7[%div3A_1764, %rem3A_1766, %dma_start3A_1767] : memref<25x8x128xi32, #tpu.memory_space<vmem>> -> memref<1x1x128xi32, #tpu.memory_space<vmem>>
        %dma_start3A_1769 = tpu.memref_squeeze %dma_start3A_1768 : memref<1x1x128xi32, #tpu.memory_space<vmem>> -> memref<128xi32, #tpu.memory_space<vmem>>
        %dma_start3A_1770 = arith.constant 0 : i32
        %dma_start3A_1771 = arith.constant 0 : i32
        %dma_start3A_1772 = tpu.memref_slice %arg4[%dma_start3A_1770, %dma_start3A_1771] : memref<1000000x64xf32, #tpu.memory_space<hbm>> -> memref<1000000x64xf32, #tpu.memory_space<hbm>>
        tpu.enqueue_indirect_dma source(%dma_start3A_1772 : memref<1000000x64xf32, #tpu.memory_space<hbm>>) target(%arg9 : memref<128x64xf32, #tpu.memory_space<vmem>>) offsets(%dma_start3A_1769 : memref<128xi32, #tpu.memory_space<vmem>>) semaphore(%arg14 : memref<!tpu.dma_semaphore, #tpu.memory_space<semaphore_mem>>)
      } else {
      }
      %dma_start3A_907 = arith.constant 0 : i32
      %dma_start3A_908 = arith.constant 0 : i32
      %dma_start3A_909 = tpu.memref_slice %arg6[%add3A_81, %dma_start3A_907, %add3A, %dma_start3A_908] : memref<200x10x32x1024xf32, #tpu.memory_space<hbm>> -> memref<1x10x1x1024xf32, #tpu.memory_space<hbm>>
      %dma_start3A_910 = tpu.memref_squeeze %dma_start3A_909 : memref<1x10x1x1024xf32, #tpu.memory_space<hbm>> -> memref<10x1024xf32, #tpu.memory_space<hbm>>
      %dma_start3A_911 = arith.constant 0 : i32
      %dma_start3A_912 = arith.constant 0 : i32
      %dma_start3A_913 = tpu.memref_slice %arg6[%add3A_81, %dma_start3A_911, %add3A, %dma_start3A_912] : memref<200x10x32x1024xf32, #tpu.memory_space<hbm>> -> memref<1x10x1x1024xf32, #tpu.memory_space<hbm>>
      %dma_start3A_914 = tpu.memref_squeeze %dma_start3A_913 : memref<1x10x1x1024xf32, #tpu.memory_space<hbm>> -> memref<10x1024xf32, #tpu.memory_space<hbm>>
      tpu.enqueue_dma source(%arg11 : memref<10x1024xf32, #tpu.memory_space<vmem>>) target(%dma_start3A_914 : memref<10x1024xf32, #tpu.memory_space<hbm>>) target_semaphore(%arg16 : memref<!tpu.dma_semaphore, #tpu.memory_space<semaphore_mem>>)
      %mul3A_915 = arith.constant 2 : i32
      %mul3A_916 = arith.muli %scan3A_77, %mul3A_915 : i32
      %add3A_917 = arith.constant 1 : i32
      %add3A_918 = arith.addi %mul3A_916, %add3A_917 : i32
      %div3A_919 = arith.constant 8 : i32
      %div3A_920 = arith.divsi %add3A_918, %div3A_919 : i32
      %rem3A_921 = arith.constant 8 : i32
      %rem3A_922 = arith.remsi %add3A_918, %rem3A_921 : i32
      %dma_wait3A_923 = arith.constant 0 : i32
      %dma_wait3A_924 = tpu.memref_slice %arg7[%div3A_920, %rem3A_922, %dma_wait3A_923] : memref<25x8x128xi32, #tpu.memory_space<vmem>> -> memref<1x1x128xi32, #tpu.memory_space<vmem>>
      %dma_wait3A_925 = tpu.memref_squeeze %dma_wait3A_924 : memref<1x1x128xi32, #tpu.memory_space<vmem>> -> memref<128xi32, #tpu.memory_space<vmem>>
      %dma_wait3A_926 = arith.constant 0 : i32
      %dma_wait3A_927 = arith.constant 0 : i32
      %dma_wait3A_928 = tpu.memref_slice %arg4[%dma_wait3A_926, %dma_wait3A_927] : memref<1000000x64xf32, #tpu.memory_space<hbm>> -> memref<1000000x64xf32, #tpu.memory_space<hbm>>
      tpu.wait_indirect_dma semaphore(%arg15 : memref<!tpu.dma_semaphore, #tpu.memory_space<semaphore_mem>>) src(%dma_wait3A_928 : memref<1000000x64xf32, #tpu.memory_space<hbm>>) dst(%arg10 : memref<128x64xf32, #tpu.memory_space<vmem>>)
      %ge3A_929 = arith.constant 1 : i32
      %ge3A_930 = arith.cmpi sge, %scan3A_77, %ge3A_929 : i32
      %convert_element_type3A_931 = arith.extui %ge3A_930 : i1 to i32
      %cond3A_932 = arith.constant 0 : i32
      %cond3A_933 = arith.cmpi ne, %convert_element_type3A_931, %cond3A_932 : i32
      scf.if %cond3A_933 {
        %sub3A = arith.constant 2 : i32
        %sub3A_1761 = arith.subi %add3A_918, %sub3A : i32
        %dma_wait3A_1762 = arith.constant 0 : i32
        %dma_wait3A_1763 = arith.constant 0 : i32
        %dma_wait3A_1764 = tpu.memref_slice %arg6[%sub3A_1761, %dma_wait3A_1762, %add3A, %dma_wait3A_1763] : memref<200x10x32x1024xf32, #tpu.memory_space<hbm>> -> memref<1x10x1x1024xf32, #tpu.memory_space<hbm>>
        %dma_wait3A_1765 = tpu.memref_squeeze %dma_wait3A_1764 : memref<1x10x1x1024xf32, #tpu.memory_space<hbm>> -> memref<10x1024xf32, #tpu.memory_space<hbm>>
        %dma_wait3A_1766 = arith.constant 0 : i32
        %dma_wait3A_1767 = arith.constant 0 : i32
        %dma_wait3A_1768 = tpu.memref_slice %arg6[%sub3A_1761, %dma_wait3A_1766, %add3A, %dma_wait3A_1767] : memref<200x10x32x1024xf32, #tpu.memory_space<hbm>> -> memref<1x10x1x1024xf32, #tpu.memory_space<hbm>>
        %dma_wait3A_1769 = tpu.memref_squeeze %dma_wait3A_1768 : memref<1x10x1x1024xf32, #tpu.memory_space<hbm>> -> memref<10x1024xf32, #tpu.memory_space<hbm>>
        tpu.wait_dma2 semaphore(%arg17 : memref<!tpu.dma_semaphore, #tpu.memory_space<semaphore_mem>>) src(%arg12 : memref<10x1024xf32, #tpu.memory_space<vmem>>) dst(%dma_wait3A_1769 : memref<10x1024xf32, #tpu.memory_space<hbm>>)
      } else {
      }
      %scan3A_934 = arith.constant 0 : i32
      %scan3A_935 = arith.constant 0 : i32
      %scan3A_936 = arith.constant 16 : i32
      %scan3A_937 = arith.addi %scan3A_935, %scan3A_936 : i32
      %scan3A_938 = arith.constant 1 : i32
      scf.for %scan3A_1761 = %scan3A_935 to %scan3A_937 step %scan3A_938  : i32 {
        %add3A_1762 = vector.broadcast %scan3A_1761 : i32 to vector<16xi32>
        %add3A_1763 = arith.addi %iota3A, %add3A_1762 : vector<16xi32>
        %broadcast_in_dim3A_1764 = arith.constant 16 : i32
        %broadcast_in_dim3A_1765 = vector.broadcast %broadcast_in_dim3A_1764 : i32 to vector<16xi32>
        %rem3A_1766 = arith.remsi %add3A_1763, %broadcast_in_dim3A_1765 : vector<16xi32>
        %add3A_1767 = arith.constant 0 : i32
        %add3A_1768 = vector.broadcast %add3A_1767 : i32 to vector<16xi32>
        %add3A_1769 = arith.addi %rem3A_1766, %add3A_1768 : vector<16xi32>
        %add3A_1770 = arith.constant 16 : i32
        %add3A_1771 = vector.broadcast %add3A_1770 : i32 to vector<16xi32>
        %add3A_1772 = arith.addi %rem3A_1766, %add3A_1771 : vector<16xi32>
        %add3A_1773 = arith.constant 32 : i32
        %add3A_1774 = vector.broadcast %add3A_1773 : i32 to vector<16xi32>
        %add3A_1775 = arith.addi %rem3A_1766, %add3A_1774 : vector<16xi32>
        %add3A_1776 = arith.constant 48 : i32
        %add3A_1777 = vector.broadcast %add3A_1776 : i32 to vector<16xi32>
        %add3A_1778 = arith.addi %rem3A_1766, %add3A_1777 : vector<16xi32>
        %add3A_1779 = arith.constant 64 : i32
        %add3A_1780 = vector.broadcast %add3A_1779 : i32 to vector<16xi32>
        %add3A_1781 = arith.addi %rem3A_1766, %add3A_1780 : vector<16xi32>
        %add3A_1782 = arith.constant 80 : i32
        %add3A_1783 = vector.broadcast %add3A_1782 : i32 to vector<16xi32>
        %add3A_1784 = arith.addi %rem3A_1766, %add3A_1783 : vector<16xi32>
        %add3A_1785 = arith.constant 96 : i32
        %add3A_1786 = vector.broadcast %add3A_1785 : i32 to vector<16xi32>
        %add3A_1787 = arith.addi %rem3A_1766, %add3A_1786 : vector<16xi32>
        %add3A_1788 = arith.constant 112 : i32
        %add3A_1789 = vector.broadcast %add3A_1788 : i32 to vector<16xi32>
        %add3A_1790 = arith.addi %rem3A_1766, %add3A_1789 : vector<16xi32>
        %gather3A_1791 = tpu.vector_load_idx %arg10[%add3A_1769, %add3A_4] : memref<128x64xf32, #tpu.memory_space<vmem>>[vector<16xi32>, vector<16xi32>], vector<16xf32>,
        %gather3A_1792 = tpu.vector_load_idx %arg10[%add3A_1772, %add3A_4] : memref<128x64xf32, #tpu.memory_space<vmem>>[vector<16xi32>, vector<16xi32>], vector<16xf32>,
        %gather3A_1793 = tpu.vector_load_idx %arg10[%add3A_1775, %add3A_4] : memref<128x64xf32, #tpu.memory_space<vmem>>[vector<16xi32>, vector<16xi32>], vector<16xf32>,
        %gather3A_1794 = tpu.vector_load_idx %arg10[%add3A_1778, %add3A_4] : memref<128x64xf32, #tpu.memory_space<vmem>>[vector<16xi32>, vector<16xi32>], vector<16xf32>,
        %gather3A_1795 = tpu.vector_load_idx %arg10[%add3A_1781, %add3A_4] : memref<128x64xf32, #tpu.memory_space<vmem>>[vector<16xi32>, vector<16xi32>], vector<16xf32>,
        %gather3A_1796 = tpu.vector_load_idx %arg10[%add3A_1784, %add3A_4] : memref<128x64xf32, #tpu.memory_space<vmem>>[vector<16xi32>, vector<16xi32>], vector<16xf32>,
        %gather3A_1797 = tpu.vector_load_idx %arg10[%add3A_1787, %add3A_4] : memref<128x64xf32, #tpu.memory_space<vmem>>[vector<16xi32>, vector<16xi32>], vector<16xf32>,
        %gather3A_1798 = tpu.vector_load_idx %arg10[%add3A_1790, %add3A_4] : memref<128x64xf32, #tpu.memory_space<vmem>>[vector<16xi32>, vector<16xi32>], vector<16xf32>,
        %add3A_1799 = arith.addi %mul3A_19, %add3A_1769 : vector<16xi32>
        tpu.vector_store_idx %arg12[%div3A, %add3A_1799], %gather3A_1791 : memref<10x1024xf32, #tpu.memory_space<vmem>>[vector<16xi32>, vector<16xi32>], vector<16xf32>,
        %add3A_1800 = arith.addi %mul3A_19, %add3A_1772 : vector<16xi32>
        tpu.vector_store_idx %arg12[%div3A, %add3A_1800], %gather3A_1792 : memref<10x1024xf32, #tpu.memory_space<vmem>>[vector<16xi32>, vector<16xi32>], vector<16xf32>,
        %add3A_1801 = arith.addi %mul3A_19, %add3A_1775 : vector<16xi32>
        tpu.vector_store_idx %arg12[%div3A, %add3A_1801], %gather3A_1793 : memref<10x1024xf32, #tpu.memory_space<vmem>>[vector<16xi32>, vector<16xi32>], vector<16xf32>,
        %add3A_1802 = arith.addi %mul3A_19, %add3A_1778 : vector<16xi32>
        tpu.vector_store_idx %arg12[%div3A, %add3A_1802], %gather3A_1794 : memref<10x1024xf32, #tpu.memory_space<vmem>>[vector<16xi32>, vector<16xi32>], vector<16xf32>,
        %add3A_1803 = arith.addi %mul3A_19, %add3A_1781 : vector<16xi32>
        tpu.vector_store_idx %arg12[%div3A, %add3A_1803], %gather3A_1795 : memref<10x1024xf32, #tpu.memory_space<vmem>>[vector<16xi32>, vector<16xi32>], vector<16xf32>,
        %add3A_1804 = arith.addi %mul3A_19, %add3A_1784 : vector<16xi32>
        tpu.vector_store_idx %arg12[%div3A, %add3A_1804], %gather3A_1796 : memref<10x1024xf32, #tpu.memory_space<vmem>>[vector<16xi32>, vector<16xi32>], vector<16xf32>,
        %add3A_1805 = arith.addi %mul3A_19, %add3A_1787 : vector<16xi32>
        tpu.vector_store_idx %arg12[%div3A, %add3A_1805], %gather3A_1797 : memref<10x1024xf32, #tpu.memory_space<vmem>>[vector<16xi32>, vector<16xi32>], vector<16xf32>,
        %add3A_1806 = arith.addi %mul3A_19, %add3A_1790 : vector<16xi32>
        tpu.vector_store_idx %arg12[%div3A, %add3A_1806], %gather3A_1798 : memref<10x1024xf32, #tpu.memory_space<vmem>>[vector<16xi32>, vector<16xi32>], vector<16xf32>,
        %add3A_1807 = arith.constant 0 : i32
        %add3A_1808 = vector.broadcast %add3A_1807 : i32 to vector<16xi32>
        %add3A_1809 = arith.addi %rem3A_1766, %add3A_1808 : vector<16xi32>
        %add3A_1810 = arith.constant 16 : i32
        %add3A_1811 = vector.broadcast %add3A_1810 : i32 to vector<16xi32>
        %add3A_1812 = arith.addi %rem3A_1766, %add3A_1811 : vector<16xi32>
        %add3A_1813 = arith.constant 32 : i32
        %add3A_1814 = vector.broadcast %add3A_1813 : i32 to vector<16xi32>
        %add3A_1815 = arith.addi %rem3A_1766, %add3A_1814 : vector<16xi32>
        %add3A_1816 = arith.constant 48 : i32
        %add3A_1817 = vector.broadcast %add3A_1816 : i32 to vector<16xi32>
        %add3A_1818 = arith.addi %rem3A_1766, %add3A_1817 : vector<16xi32>
        %add3A_1819 = arith.constant 64 : i32
        %add3A_1820 = vector.broadcast %add3A_1819 : i32 to vector<16xi32>
        %add3A_1821 = arith.addi %rem3A_1766, %add3A_1820 : vector<16xi32>
        %add3A_1822 = arith.constant 80 : i32
        %add3A_1823 = vector.broadcast %add3A_1822 : i32 to vector<16xi32>
        %add3A_1824 = arith.addi %rem3A_1766, %add3A_1823 : vector<16xi32>
        %add3A_1825 = arith.constant 96 : i32
        %add3A_1826 = vector.broadcast %add3A_1825 : i32 to vector<16xi32>
        %add3A_1827 = arith.addi %rem3A_1766, %add3A_1826 : vector<16xi32>
        %add3A_1828 = arith.constant 112 : i32
        %add3A_1829 = vector.broadcast %add3A_1828 : i32 to vector<16xi32>
        %add3A_1830 = arith.addi %rem3A_1766, %add3A_1829 : vector<16xi32>
        %gather3A_1831 = tpu.vector_load_idx %arg10[%add3A_1809, %add3A_7] : memref<128x64xf32, #tpu.memory_space<vmem>>[vector<16xi32>, vector<16xi32>], vector<16xf32>,
        %gather3A_1832 = tpu.vector_load_idx %arg10[%add3A_1812, %add3A_7] : memref<128x64xf32, #tpu.memory_space<vmem>>[vector<16xi32>, vector<16xi32>], vector<16xf32>,
        %gather3A_1833 = tpu.vector_load_idx %arg10[%add3A_1815, %add3A_7] : memref<128x64xf32, #tpu.memory_space<vmem>>[vector<16xi32>, vector<16xi32>], vector<16xf32>,
        %gather3A_1834 = tpu.vector_load_idx %arg10[%add3A_1818, %add3A_7] : memref<128x64xf32, #tpu.memory_space<vmem>>[vector<16xi32>, vector<16xi32>], vector<16xf32>,
        %gather3A_1835 = tpu.vector_load_idx %arg10[%add3A_1821, %add3A_7] : memref<128x64xf32, #tpu.memory_space<vmem>>[vector<16xi32>, vector<16xi32>], vector<16xf32>,
        %gather3A_1836 = tpu.vector_load_idx %arg10[%add3A_1824, %add3A_7] : memref<128x64xf32, #tpu.memory_space<vmem>>[vector<16xi32>, vector<16xi32>], vector<16xf32>,
        %gather3A_1837 = tpu.vector_load_idx %arg10[%add3A_1827, %add3A_7] : memref<128x64xf32, #tpu.memory_space<vmem>>[vector<16xi32>, vector<16xi32>], vector<16xf32>,
        %gather3A_1838 = tpu.vector_load_idx %arg10[%add3A_1830, %add3A_7] : memref<128x64xf32, #tpu.memory_space<vmem>>[vector<16xi32>, vector<16xi32>], vector<16xf32>,
        %add3A_1839 = arith.addi %mul3A_23, %add3A_1809 : vector<16xi32>
        tpu.vector_store_idx %arg12[%div3A_14, %add3A_1839], %gather3A_1831 : memref<10x1024xf32, #tpu.memory_space<vmem>>[vector<16xi32>, vector<16xi32>], vector<16xf32>,
        %add3A_1840 = arith.addi %mul3A_23, %add3A_1812 : vector<16xi32>
        tpu.vector_store_idx %arg12[%div3A_14, %add3A_1840], %gather3A_1832 : memref<10x1024xf32, #tpu.memory_space<vmem>>[vector<16xi32>, vector<16xi32>], vector<16xf32>,
        %add3A_1841 = arith.addi %mul3A_23, %add3A_1815 : vector<16xi32>
        tpu.vector_store_idx %arg12[%div3A_14, %add3A_1841], %gather3A_1833 : memref<10x1024xf32, #tpu.memory_space<vmem>>[vector<16xi32>, vector<16xi32>], vector<16xf32>,
        %add3A_1842 = arith.addi %mul3A_23, %add3A_1818 : vector<16xi32>
        tpu.vector_store_idx %arg12[%div3A_14, %add3A_1842], %gather3A_1834 : memref<10x1024xf32, #tpu.memory_space<vmem>>[vector<16xi32>, vector<16xi32>], vector<16xf32>,
        %add3A_1843 = arith.addi %mul3A_23, %add3A_1821 : vector<16xi32>
        tpu.vector_store_idx %arg12[%div3A_14, %add3A_1843], %gather3A_1835 : memref<10x1024xf32, #tpu.memory_space<vmem>>[vector<16xi32>, vector<16xi32>], vector<16xf32>,
        %add3A_1844 = arith.addi %mul3A_23, %add3A_1824 : vector<16xi32>
        tpu.vector_store_idx %arg12[%div3A_14, %add3A_1844], %gather3A_1836 : memref<10x1024xf32, #tpu.memory_space<vmem>>[vector<16xi32>, vector<16xi32>], vector<16xf32>,
        %add3A_1845 = arith.addi %mul3A_23, %add3A_1827 : vector<16xi32>
        tpu.vector_store_idx %arg12[%div3A_14, %add3A_1845], %gather3A_1837 : memref<10x1024xf32, #tpu.memory_space<vmem>>[vector<16xi32>, vector<16xi32>], vector<16xf32>,
        %add3A_1846 = arith.addi %mul3A_23, %add3A_1830 : vector<16xi32>
        tpu.vector_store_idx %arg12[%div3A_14, %add3A_1846], %gather3A_1838 : memref<10x1024xf32, #tpu.memory_space<vmem>>[vector<16xi32>, vector<16xi32>], vector<16xf32>,
        %add3A_1847 = arith.constant 0 : i32
        %add3A_1848 = vector.broadcast %add3A_1847 : i32 to vector<16xi32>
        %add3A_1849 = arith.addi %rem3A_1766, %add3A_1848 : vector<16xi32>
        %add3A_1850 = arith.constant 16 : i32
        %add3A_1851 = vector.broadcast %add3A_1850 : i32 to vector<16xi32>
        %add3A_1852 = arith.addi %rem3A_1766, %add3A_1851 : vector<16xi32>
        %add3A_1853 = arith.constant 32 : i32
        %add3A_1854 = vector.broadcast %add3A_1853 : i32 to vector<16xi32>
        %add3A_1855 = arith.addi %rem3A_1766, %add3A_1854 : vector<16xi32>
        %add3A_1856 = arith.constant 48 : i32
        %add3A_1857 = vector.broadcast %add3A_1856 : i32 to vector<16xi32>
        %add3A_1858 = arith.addi %rem3A_1766, %add3A_1857 : vector<16xi32>
        %add3A_1859 = arith.constant 64 : i32
        %add3A_1860 = vector.broadcast %add3A_1859 : i32 to vector<16xi32>
        %add3A_1861 = arith.addi %rem3A_1766, %add3A_1860 : vector<16xi32>
        %add3A_1862 = arith.constant 80 : i32
        %add3A_1863 = vector.broadcast %add3A_1862 : i32 to vector<16xi32>
        %add3A_1864 = arith.addi %rem3A_1766, %add3A_1863 : vector<16xi32>
        %add3A_1865 = arith.constant 96 : i32
        %add3A_1866 = vector.broadcast %add3A_1865 : i32 to vector<16xi32>
        %add3A_1867 = arith.addi %rem3A_1766, %add3A_1866 : vector<16xi32>
        %add3A_1868 = arith.constant 112 : i32
        %add3A_1869 = vector.broadcast %add3A_1868 : i32 to vector<16xi32>
        %add3A_1870 = arith.addi %rem3A_1766, %add3A_1869 : vector<16xi32>
        %gather3A_1871 = tpu.vector_load_idx %arg10[%add3A_1849, %add3A_10] : memref<128x64xf32, #tpu.memory_space<vmem>>[vector<16xi32>, vector<16xi32>], vector<16xf32>,
        %gather3A_1872 = tpu.vector_load_idx %arg10[%add3A_1852, %add3A_10] : memref<128x64xf32, #tpu.memory_space<vmem>>[vector<16xi32>, vector<16xi32>], vector<16xf32>,
        %gather3A_1873 = tpu.vector_load_idx %arg10[%add3A_1855, %add3A_10] : memref<128x64xf32, #tpu.memory_space<vmem>>[vector<16xi32>, vector<16xi32>], vector<16xf32>,
        %gather3A_1874 = tpu.vector_load_idx %arg10[%add3A_1858, %add3A_10] : memref<128x64xf32, #tpu.memory_space<vmem>>[vector<16xi32>, vector<16xi32>], vector<16xf32>,
        %gather3A_1875 = tpu.vector_load_idx %arg10[%add3A_1861, %add3A_10] : memref<128x64xf32, #tpu.memory_space<vmem>>[vector<16xi32>, vector<16xi32>], vector<16xf32>,
        %gather3A_1876 = tpu.vector_load_idx %arg10[%add3A_1864, %add3A_10] : memref<128x64xf32, #tpu.memory_space<vmem>>[vector<16xi32>, vector<16xi32>], vector<16xf32>,
        %gather3A_1877 = tpu.vector_load_idx %arg10[%add3A_1867, %add3A_10] : memref<128x64xf32, #tpu.memory_space<vmem>>[vector<16xi32>, vector<16xi32>], vector<16xf32>,
        %gather3A_1878 = tpu.vector_load_idx %arg10[%add3A_1870, %add3A_10] : memref<128x64xf32, #tpu.memory_space<vmem>>[vector<16xi32>, vector<16xi32>], vector<16xf32>,
        %add3A_1879 = arith.addi %mul3A_27, %add3A_1849 : vector<16xi32>
        tpu.vector_store_idx %arg12[%div3A_15, %add3A_1879], %gather3A_1871 : memref<10x1024xf32, #tpu.memory_space<vmem>>[vector<16xi32>, vector<16xi32>], vector<16xf32>,
        %add3A_1880 = arith.addi %mul3A_27, %add3A_1852 : vector<16xi32>
        tpu.vector_store_idx %arg12[%div3A_15, %add3A_1880], %gather3A_1872 : memref<10x1024xf32, #tpu.memory_space<vmem>>[vector<16xi32>, vector<16xi32>], vector<16xf32>,
        %add3A_1881 = arith.addi %mul3A_27, %add3A_1855 : vector<16xi32>
        tpu.vector_store_idx %arg12[%div3A_15, %add3A_1881], %gather3A_1873 : memref<10x1024xf32, #tpu.memory_space<vmem>>[vector<16xi32>, vector<16xi32>], vector<16xf32>,
        %add3A_1882 = arith.addi %mul3A_27, %add3A_1858 : vector<16xi32>
        tpu.vector_store_idx %arg12[%div3A_15, %add3A_1882], %gather3A_1874 : memref<10x1024xf32, #tpu.memory_space<vmem>>[vector<16xi32>, vector<16xi32>], vector<16xf32>,
        %add3A_1883 = arith.addi %mul3A_27, %add3A_1861 : vector<16xi32>
        tpu.vector_store_idx %arg12[%div3A_15, %add3A_1883], %gather3A_1875 : memref<10x1024xf32, #tpu.memory_space<vmem>>[vector<16xi32>, vector<16xi32>], vector<16xf32>,
        %add3A_1884 = arith.addi %mul3A_27, %add3A_1864 : vector<16xi32>
        tpu.vector_store_idx %arg12[%div3A_15, %add3A_1884], %gather3A_1876 : memref<10x1024xf32, #tpu.memory_space<vmem>>[vector<16xi32>, vector<16xi32>], vector<16xf32>,
        %add3A_1885 = arith.addi %mul3A_27, %add3A_1867 : vector<16xi32>
        tpu.vector_store_idx %arg12[%div3A_15, %add3A_1885], %gather3A_1877 : memref<10x1024xf32, #tpu.memory_space<vmem>>[vector<16xi32>, vector<16xi32>], vector<16xf32>,
        %add3A_1886 = arith.addi %mul3A_27, %add3A_1870 : vector<16xi32>
        tpu.vector_store_idx %arg12[%div3A_15, %add3A_1886], %gather3A_1878 : memref<10x1024xf32, #tpu.memory_space<vmem>>[vector<16xi32>, vector<16xi32>], vector<16xf32>,
        %add3A_1887 = arith.constant 0 : i32
        %add3A_1888 = vector.broadcast %add3A_1887 : i32 to vector<16xi32>
        %add3A_1889 = arith.addi %rem3A_1766, %add3A_1888 : vector<16xi32>
        %add3A_1890 = arith.constant 16 : i32
        %add3A_1891 = vector.broadcast %add3A_1890 : i32 to vector<16xi32>
        %add3A_1892 = arith.addi %rem3A_1766, %add3A_1891 : vector<16xi32>
        %add3A_1893 = arith.constant 32 : i32
        %add3A_1894 = vector.broadcast %add3A_1893 : i32 to vector<16xi32>
        %add3A_1895 = arith.addi %rem3A_1766, %add3A_1894 : vector<16xi32>
        %add3A_1896 = arith.constant 48 : i32
        %add3A_1897 = vector.broadcast %add3A_1896 : i32 to vector<16xi32>
        %add3A_1898 = arith.addi %rem3A_1766, %add3A_1897 : vector<16xi32>
        %add3A_1899 = arith.constant 64 : i32
        %add3A_1900 = vector.broadcast %add3A_1899 : i32 to vector<16xi32>
        %add3A_1901 = arith.addi %rem3A_1766, %add3A_1900 : vector<16xi32>
        %add3A_1902 = arith.constant 80 : i32
        %add3A_1903 = vector.broadcast %add3A_1902 : i32 to vector<16xi32>
        %add3A_1904 = arith.addi %rem3A_1766, %add3A_1903 : vector<16xi32>
        %add3A_1905 = arith.constant 96 : i32
        %add3A_1906 = vector.broadcast %add3A_1905 : i32 to vector<16xi32>
        %add3A_1907 = arith.addi %rem3A_1766, %add3A_1906 : vector<16xi32>
        %add3A_1908 = arith.constant 112 : i32
        %add3A_1909 = vector.broadcast %add3A_1908 : i32 to vector<16xi32>
        %add3A_1910 = arith.addi %rem3A_1766, %add3A_1909 : vector<16xi32>
        %gather3A_1911 = tpu.vector_load_idx %arg10[%add3A_1889, %add3A_13] : memref<128x64xf32, #tpu.memory_space<vmem>>[vector<16xi32>, vector<16xi32>], vector<16xf32>,
        %gather3A_1912 = tpu.vector_load_idx %arg10[%add3A_1892, %add3A_13] : memref<128x64xf32, #tpu.memory_space<vmem>>[vector<16xi32>, vector<16xi32>], vector<16xf32>,
        %gather3A_1913 = tpu.vector_load_idx %arg10[%add3A_1895, %add3A_13] : memref<128x64xf32, #tpu.memory_space<vmem>>[vector<16xi32>, vector<16xi32>], vector<16xf32>,
        %gather3A_1914 = tpu.vector_load_idx %arg10[%add3A_1898, %add3A_13] : memref<128x64xf32, #tpu.memory_space<vmem>>[vector<16xi32>, vector<16xi32>], vector<16xf32>,
        %gather3A_1915 = tpu.vector_load_idx %arg10[%add3A_1901, %add3A_13] : memref<128x64xf32, #tpu.memory_space<vmem>>[vector<16xi32>, vector<16xi32>], vector<16xf32>,
        %gather3A_1916 = tpu.vector_load_idx %arg10[%add3A_1904, %add3A_13] : memref<128x64xf32, #tpu.memory_space<vmem>>[vector<16xi32>, vector<16xi32>], vector<16xf32>,
        %gather3A_1917 = tpu.vector_load_idx %arg10[%add3A_1907, %add3A_13] : memref<128x64xf32, #tpu.memory_space<vmem>>[vector<16xi32>, vector<16xi32>], vector<16xf32>,
        %gather3A_1918 = tpu.vector_load_idx %arg10[%add3A_1910, %add3A_13] : memref<128x64xf32, #tpu.memory_space<vmem>>[vector<16xi32>, vector<16xi32>], vector<16xf32>,
        %add3A_1919 = arith.addi %mul3A_31, %add3A_1889 : vector<16xi32>
        tpu.vector_store_idx %arg12[%div3A_16, %add3A_1919], %gather3A_1911 : memref<10x1024xf32, #tpu.memory_space<vmem>>[vector<16xi32>, vector<16xi32>], vector<16xf32>,
        %add3A_1920 = arith.addi %mul3A_31, %add3A_1892 : vector<16xi32>
        tpu.vector_store_idx %arg12[%div3A_16, %add3A_1920], %gather3A_1912 : memref<10x1024xf32, #tpu.memory_space<vmem>>[vector<16xi32>, vector<16xi32>], vector<16xf32>,
        %add3A_1921 = arith.addi %mul3A_31, %add3A_1895 : vector<16xi32>
        tpu.vector_store_idx %arg12[%div3A_16, %add3A_1921], %gather3A_1913 : memref<10x1024xf32, #tpu.memory_space<vmem>>[vector<16xi32>, vector<16xi32>], vector<16xf32>,
        %add3A_1922 = arith.addi %mul3A_31, %add3A_1898 : vector<16xi32>
        tpu.vector_store_idx %arg12[%div3A_16, %add3A_1922], %gather3A_1914 : memref<10x1024xf32, #tpu.memory_space<vmem>>[vector<16xi32>, vector<16xi32>], vector<16xf32>,
        %add3A_1923 = arith.addi %mul3A_31, %add3A_1901 : vector<16xi32>
        tpu.vector_store_idx %arg12[%div3A_16, %add3A_1923], %gather3A_1915 : memref<10x1024xf32, #tpu.memory_space<vmem>>[vector<16xi32>, vector<16xi32>], vector<16xf32>,
        %add3A_1924 = arith.addi %mul3A_31, %add3A_1904 : vector<16xi32>
        tpu.vector_store_idx %arg12[%div3A_16, %add3A_1924], %gather3A_1916 : memref<10x1024xf32, #tpu.memory_space<vmem>>[vector<16xi32>, vector<16xi32>], vector<16xf32>,
        %add3A_1925 = arith.addi %mul3A_31, %add3A_1907 : vector<16xi32>
        tpu.vector_store_idx %arg12[%div3A_16, %add3A_1925], %gather3A_1917 : memref<10x1024xf32, #tpu.memory_space<vmem>>[vector<16xi32>, vector<16xi32>], vector<16xf32>,
        %add3A_1926 = arith.addi %mul3A_31, %add3A_1910 : vector<16xi32>
        tpu.vector_store_idx %arg12[%div3A_16, %add3A_1926], %gather3A_1918 : memref<10x1024xf32, #tpu.memory_space<vmem>>[vector<16xi32>, vector<16xi32>], vector<16xf32>,
      }
      %scan3A_939 = arith.constant 16 : i32
      %get3A_940 = arith.index_cast %div3A_920 : i32 to index
      %get3A_941 = arith.index_cast %rem3A_922 : i32 to index
      %get3A_942 = arith.constant 0 : index
      %get3A_943 = tpu.vector_load %arg8[%get3A_940, %get3A_941, %get3A_942] {strides = array<i32>} : memref<25x8x128xi32, #tpu.memory_space<vmem>>, vector<16xi32>,
      %ne3A_944 = arith.constant 0 : i32
      %ne3A_945 = vector.broadcast %ne3A_944 : i32 to vector<16xi32>
      %ne3A_946 = arith.cmpi ne, %get3A_943, %ne3A_945 : vector<16xi32>
      %get3A_947 = arith.index_cast %div3A_920 : i32 to index
      %get3A_948 = arith.index_cast %rem3A_922 : i32 to index
      %get3A_949 = arith.constant 16 : index
      %get3A_950 = tpu.vector_load %arg8[%get3A_947, %get3A_948, %get3A_949] {strides = array<i32>} : memref<25x8x128xi32, #tpu.memory_space<vmem>>, vector<16xi32>,
      %ne3A_951 = arith.constant 0 : i32
      %ne3A_952 = vector.broadcast %ne3A_951 : i32 to vector<16xi32>
      %ne3A_953 = arith.cmpi ne, %get3A_950, %ne3A_952 : vector<16xi32>
      %get3A_954 = arith.index_cast %div3A_920 : i32 to index
      %get3A_955 = arith.index_cast %rem3A_922 : i32 to index
      %get3A_956 = arith.constant 32 : index
      %get3A_957 = tpu.vector_load %arg8[%get3A_954, %get3A_955, %get3A_956] {strides = array<i32>} : memref<25x8x128xi32, #tpu.memory_space<vmem>>, vector<16xi32>,
      %ne3A_958 = arith.constant 0 : i32
      %ne3A_959 = vector.broadcast %ne3A_958 : i32 to vector<16xi32>
      %ne3A_960 = arith.cmpi ne, %get3A_957, %ne3A_959 : vector<16xi32>
      %get3A_961 = arith.index_cast %div3A_920 : i32 to index
      %get3A_962 = arith.index_cast %rem3A_922 : i32 to index
      %get3A_963 = arith.constant 48 : index
      %get3A_964 = tpu.vector_load %arg8[%get3A_961, %get3A_962, %get3A_963] {strides = array<i32>} : memref<25x8x128xi32, #tpu.memory_space<vmem>>, vector<16xi32>,
      %ne3A_965 = arith.constant 0 : i32
      %ne3A_966 = vector.broadcast %ne3A_965 : i32 to vector<16xi32>
      %ne3A_967 = arith.cmpi ne, %get3A_964, %ne3A_966 : vector<16xi32>
      %get3A_968 = arith.index_cast %div3A_920 : i32 to index
      %get3A_969 = arith.index_cast %rem3A_922 : i32 to index
      %get3A_970 = arith.constant 64 : index
      %get3A_971 = tpu.vector_load %arg8[%get3A_968, %get3A_969, %get3A_970] {strides = array<i32>} : memref<25x8x128xi32, #tpu.memory_space<vmem>>, vector<16xi32>,
      %ne3A_972 = arith.constant 0 : i32
      %ne3A_973 = vector.broadcast %ne3A_972 : i32 to vector<16xi32>
      %ne3A_974 = arith.cmpi ne, %get3A_971, %ne3A_973 : vector<16xi32>
      %get3A_975 = arith.index_cast %div3A_920 : i32 to index
      %get3A_976 = arith.index_cast %rem3A_922 : i32 to index
      %get3A_977 = arith.constant 80 : index
      %get3A_978 = tpu.vector_load %arg8[%get3A_975, %get3A_976, %get3A_977] {strides = array<i32>} : memref<25x8x128xi32, #tpu.memory_space<vmem>>, vector<16xi32>,
      %ne3A_979 = arith.constant 0 : i32
      %ne3A_980 = vector.broadcast %ne3A_979 : i32 to vector<16xi32>
      %ne3A_981 = arith.cmpi ne, %get3A_978, %ne3A_980 : vector<16xi32>
      %get3A_982 = arith.index_cast %div3A_920 : i32 to index
      %get3A_983 = arith.index_cast %rem3A_922 : i32 to index
      %get3A_984 = arith.constant 96 : index
      %get3A_985 = tpu.vector_load %arg8[%get3A_982, %get3A_983, %get3A_984] {strides = array<i32>} : memref<25x8x128xi32, #tpu.memory_space<vmem>>, vector<16xi32>,
      %ne3A_986 = arith.constant 0 : i32
      %ne3A_987 = vector.broadcast %ne3A_986 : i32 to vector<16xi32>
      %ne3A_988 = arith.cmpi ne, %get3A_985, %ne3A_987 : vector<16xi32>
      %get3A_989 = arith.index_cast %div3A_920 : i32 to index
      %get3A_990 = arith.index_cast %rem3A_922 : i32 to index
      %get3A_991 = arith.constant 112 : index
      %get3A_992 = tpu.vector_load %arg8[%get3A_989, %get3A_990, %get3A_991] {strides = array<i32>} : memref<25x8x128xi32, #tpu.memory_space<vmem>>, vector<16xi32>,
      %ne3A_993 = arith.constant 0 : i32
      %ne3A_994 = vector.broadcast %ne3A_993 : i32 to vector<16xi32>
      %ne3A_995 = arith.cmpi ne, %get3A_992, %ne3A_994 : vector<16xi32>
      %broadcast_in_dim3A_996 = arith.constant 8 : i32
      %broadcast_in_dim3A_997 = vector.broadcast %broadcast_in_dim3A_996 : i32 to vector<16xi32>
      %gather3A_998 = tpu.vector_load_idx %arg13[%broadcast_in_dim3A_997] : memref<40xf32, #tpu.memory_space<vmem>>[vector<16xi32>], vector<16xf32>,
      %add3A_999 = arith.constant 16 : i32
      %add3A_1000 = vector.broadcast %add3A_999 : i32 to vector<16xi32>
      %add3A_1001 = arith.addi %broadcast_in_dim3A_997, %add3A_1000 : vector<16xi32>
      %gather3A_1002 = tpu.vector_load_idx %arg13[%add3A_1001] : memref<40xf32, #tpu.memory_space<vmem>>[vector<16xi32>], vector<16xf32>,
      %broadcast_in_dim3A_1003 = arith.constant 9 : i32
      %broadcast_in_dim3A_1004 = vector.broadcast %broadcast_in_dim3A_1003 : i32 to vector<16xi32>
      %gather3A_1005 = tpu.vector_load_idx %arg13[%broadcast_in_dim3A_1004] : memref<40xf32, #tpu.memory_space<vmem>>[vector<16xi32>], vector<16xf32>,
      %add3A_1006 = arith.constant 16 : i32
      %add3A_1007 = vector.broadcast %add3A_1006 : i32 to vector<16xi32>
      %add3A_1008 = arith.addi %broadcast_in_dim3A_1004, %add3A_1007 : vector<16xi32>
      %gather3A_1009 = tpu.vector_load_idx %arg13[%add3A_1008] : memref<40xf32, #tpu.memory_space<vmem>>[vector<16xi32>], vector<16xf32>,
      %broadcast_in_dim3A_1010 = arith.constant 10 : i32
      %broadcast_in_dim3A_1011 = vector.broadcast %broadcast_in_dim3A_1010 : i32 to vector<16xi32>
      %gather3A_1012 = tpu.vector_load_idx %arg13[%broadcast_in_dim3A_1011] : memref<40xf32, #tpu.memory_space<vmem>>[vector<16xi32>], vector<16xf32>,
      %add3A_1013 = arith.constant 16 : i32
      %add3A_1014 = vector.broadcast %add3A_1013 : i32 to vector<16xi32>
      %add3A_1015 = arith.addi %broadcast_in_dim3A_1011, %add3A_1014 : vector<16xi32>
      %gather3A_1016 = tpu.vector_load_idx %arg13[%add3A_1015] : memref<40xf32, #tpu.memory_space<vmem>>[vector<16xi32>], vector<16xf32>,
      %broadcast_in_dim3A_1017 = arith.constant 11 : i32
      %broadcast_in_dim3A_1018 = vector.broadcast %broadcast_in_dim3A_1017 : i32 to vector<16xi32>
      %gather3A_1019 = tpu.vector_load_idx %arg13[%broadcast_in_dim3A_1018] : memref<40xf32, #tpu.memory_space<vmem>>[vector<16xi32>], vector<16xf32>,
      %add3A_1020 = arith.constant 16 : i32
      %add3A_1021 = vector.broadcast %add3A_1020 : i32 to vector<16xi32>
      %add3A_1022 = arith.addi %broadcast_in_dim3A_1018, %add3A_1021 : vector<16xi32>
      %gather3A_1023 = tpu.vector_load_idx %arg13[%add3A_1022] : memref<40xf32, #tpu.memory_space<vmem>>[vector<16xi32>], vector<16xf32>,
      %select_n3A_1024 = arith.select %ne3A_946, %gather3A_1002, %gather3A_998 : vector<16xi1>, vector<16xf32>
      %select_n3A_1025 = arith.select %ne3A_953, %gather3A_1002, %gather3A_998 : vector<16xi1>, vector<16xf32>
      %select_n3A_1026 = arith.select %ne3A_960, %gather3A_1002, %gather3A_998 : vector<16xi1>, vector<16xf32>
      %select_n3A_1027 = arith.select %ne3A_967, %gather3A_1002, %gather3A_998 : vector<16xi1>, vector<16xf32>
      %select_n3A_1028 = arith.select %ne3A_974, %gather3A_1002, %gather3A_998 : vector<16xi1>, vector<16xf32>
      %select_n3A_1029 = arith.select %ne3A_981, %gather3A_1002, %gather3A_998 : vector<16xi1>, vector<16xf32>
      %select_n3A_1030 = arith.select %ne3A_988, %gather3A_1002, %gather3A_998 : vector<16xi1>, vector<16xf32>
      %select_n3A_1031 = arith.select %ne3A_995, %gather3A_1002, %gather3A_998 : vector<16xi1>, vector<16xf32>
      %swap3A_1032 = arith.constant 8 : i32
      %swap3A_1033 = arith.index_cast %swap3A_1032 : i32 to index
      %swap3A_1034 = arith.constant 0 : index
      %swap3A_1035 = tpu.vector_load %arg12[%swap3A_1033, %swap3A_1034] {strides = array<i32>} : memref<10x1024xf32, #tpu.memory_space<vmem>>, vector<16xf32>,
      tpu.vector_store %arg12[%swap3A_1033, %swap3A_1034], %select_n3A_1024 {strides = array<i32>} : memref<10x1024xf32, #tpu.memory_space<vmem>>, vector<16xf32>,
      %swap3A_1036 = arith.constant 8 : i32
      %swap3A_1037 = arith.index_cast %swap3A_1036 : i32 to index
      %swap3A_1038 = arith.constant 16 : index
      %swap3A_1039 = tpu.vector_load %arg12[%swap3A_1037, %swap3A_1038] {strides = array<i32>} : memref<10x1024xf32, #tpu.memory_space<vmem>>, vector<16xf32>,
      tpu.vector_store %arg12[%swap3A_1037, %swap3A_1038], %select_n3A_1025 {strides = array<i32>} : memref<10x1024xf32, #tpu.memory_space<vmem>>, vector<16xf32>,
      %swap3A_1040 = arith.constant 8 : i32
      %swap3A_1041 = arith.index_cast %swap3A_1040 : i32 to index
      %swap3A_1042 = arith.constant 32 : index
      %swap3A_1043 = tpu.vector_load %arg12[%swap3A_1041, %swap3A_1042] {strides = array<i32>} : memref<10x1024xf32, #tpu.memory_space<vmem>>, vector<16xf32>,
      tpu.vector_store %arg12[%swap3A_1041, %swap3A_1042], %select_n3A_1026 {strides = array<i32>} : memref<10x1024xf32, #tpu.memory_space<vmem>>, vector<16xf32>,
      %swap3A_1044 = arith.constant 8 : i32
      %swap3A_1045 = arith.index_cast %swap3A_1044 : i32 to index
      %swap3A_1046 = arith.constant 48 : index
      %swap3A_1047 = tpu.vector_load %arg12[%swap3A_1045, %swap3A_1046] {strides = array<i32>} : memref<10x1024xf32, #tpu.memory_space<vmem>>, vector<16xf32>,
      tpu.vector_store %arg12[%swap3A_1045, %swap3A_1046], %select_n3A_1027 {strides = array<i32>} : memref<10x1024xf32, #tpu.memory_space<vmem>>, vector<16xf32>,
      %swap3A_1048 = arith.constant 8 : i32
      %swap3A_1049 = arith.index_cast %swap3A_1048 : i32 to index
      %swap3A_1050 = arith.constant 64 : index
      %swap3A_1051 = tpu.vector_load %arg12[%swap3A_1049, %swap3A_1050] {strides = array<i32>} : memref<10x1024xf32, #tpu.memory_space<vmem>>, vector<16xf32>,
      tpu.vector_store %arg12[%swap3A_1049, %swap3A_1050], %select_n3A_1028 {strides = array<i32>} : memref<10x1024xf32, #tpu.memory_space<vmem>>, vector<16xf32>,
      %swap3A_1052 = arith.constant 8 : i32
      %swap3A_1053 = arith.index_cast %swap3A_1052 : i32 to index
      %swap3A_1054 = arith.constant 80 : index
      %swap3A_1055 = tpu.vector_load %arg12[%swap3A_1053, %swap3A_1054] {strides = array<i32>} : memref<10x1024xf32, #tpu.memory_space<vmem>>, vector<16xf32>,
      tpu.vector_store %arg12[%swap3A_1053, %swap3A_1054], %select_n3A_1029 {strides = array<i32>} : memref<10x1024xf32, #tpu.memory_space<vmem>>, vector<16xf32>,
      %swap3A_1056 = arith.constant 8 : i32
      %swap3A_1057 = arith.index_cast %swap3A_1056 : i32 to index
      %swap3A_1058 = arith.constant 96 : index
      %swap3A_1059 = tpu.vector_load %arg12[%swap3A_1057, %swap3A_1058] {strides = array<i32>} : memref<10x1024xf32, #tpu.memory_space<vmem>>, vector<16xf32>,
      tpu.vector_store %arg12[%swap3A_1057, %swap3A_1058], %select_n3A_1030 {strides = array<i32>} : memref<10x1024xf32, #tpu.memory_space<vmem>>, vector<16xf32>,
      %swap3A_1060 = arith.constant 8 : i32
      %swap3A_1061 = arith.index_cast %swap3A_1060 : i32 to index
      %swap3A_1062 = arith.constant 112 : index
      %swap3A_1063 = tpu.vector_load %arg12[%swap3A_1061, %swap3A_1062] {strides = array<i32>} : memref<10x1024xf32, #tpu.memory_space<vmem>>, vector<16xf32>,
      tpu.vector_store %arg12[%swap3A_1061, %swap3A_1062], %select_n3A_1031 {strides = array<i32>} : memref<10x1024xf32, #tpu.memory_space<vmem>>, vector<16xf32>,
      %select_n3A_1064 = arith.select %ne3A_946, %gather3A_1009, %gather3A_1005 : vector<16xi1>, vector<16xf32>
      %select_n3A_1065 = arith.select %ne3A_953, %gather3A_1009, %gather3A_1005 : vector<16xi1>, vector<16xf32>
      %select_n3A_1066 = arith.select %ne3A_960, %gather3A_1009, %gather3A_1005 : vector<16xi1>, vector<16xf32>
      %select_n3A_1067 = arith.select %ne3A_967, %gather3A_1009, %gather3A_1005 : vector<16xi1>, vector<16xf32>
      %select_n3A_1068 = arith.select %ne3A_974, %gather3A_1009, %gather3A_1005 : vector<16xi1>, vector<16xf32>
      %select_n3A_1069 = arith.select %ne3A_981, %gather3A_1009, %gather3A_1005 : vector<16xi1>, vector<16xf32>
      %select_n3A_1070 = arith.select %ne3A_988, %gather3A_1009, %gather3A_1005 : vector<16xi1>, vector<16xf32>
      %select_n3A_1071 = arith.select %ne3A_995, %gather3A_1009, %gather3A_1005 : vector<16xi1>, vector<16xf32>
      %swap3A_1072 = arith.constant 8 : i32
      %swap3A_1073 = arith.index_cast %swap3A_1072 : i32 to index
      %swap3A_1074 = arith.constant 128 : index
      %swap3A_1075 = tpu.vector_load %arg12[%swap3A_1073, %swap3A_1074] {strides = array<i32>} : memref<10x1024xf32, #tpu.memory_space<vmem>>, vector<16xf32>,
      tpu.vector_store %arg12[%swap3A_1073, %swap3A_1074], %select_n3A_1064 {strides = array<i32>} : memref<10x1024xf32, #tpu.memory_space<vmem>>, vector<16xf32>,
      %swap3A_1076 = arith.constant 8 : i32
      %swap3A_1077 = arith.index_cast %swap3A_1076 : i32 to index
      %swap3A_1078 = arith.constant 144 : index
      %swap3A_1079 = tpu.vector_load %arg12[%swap3A_1077, %swap3A_1078] {strides = array<i32>} : memref<10x1024xf32, #tpu.memory_space<vmem>>, vector<16xf32>,
      tpu.vector_store %arg12[%swap3A_1077, %swap3A_1078], %select_n3A_1065 {strides = array<i32>} : memref<10x1024xf32, #tpu.memory_space<vmem>>, vector<16xf32>,
      %swap3A_1080 = arith.constant 8 : i32
      %swap3A_1081 = arith.index_cast %swap3A_1080 : i32 to index
      %swap3A_1082 = arith.constant 160 : index
      %swap3A_1083 = tpu.vector_load %arg12[%swap3A_1081, %swap3A_1082] {strides = array<i32>} : memref<10x1024xf32, #tpu.memory_space<vmem>>, vector<16xf32>,
      tpu.vector_store %arg12[%swap3A_1081, %swap3A_1082], %select_n3A_1066 {strides = array<i32>} : memref<10x1024xf32, #tpu.memory_space<vmem>>, vector<16xf32>,
      %swap3A_1084 = arith.constant 8 : i32
      %swap3A_1085 = arith.index_cast %swap3A_1084 : i32 to index
      %swap3A_1086 = arith.constant 176 : index
      %swap3A_1087 = tpu.vector_load %arg12[%swap3A_1085, %swap3A_1086] {strides = array<i32>} : memref<10x1024xf32, #tpu.memory_space<vmem>>, vector<16xf32>,
      tpu.vector_store %arg12[%swap3A_1085, %swap3A_1086], %select_n3A_1067 {strides = array<i32>} : memref<10x1024xf32, #tpu.memory_space<vmem>>, vector<16xf32>,
      %swap3A_1088 = arith.constant 8 : i32
      %swap3A_1089 = arith.index_cast %swap3A_1088 : i32 to index
      %swap3A_1090 = arith.constant 192 : index
      %swap3A_1091 = tpu.vector_load %arg12[%swap3A_1089, %swap3A_1090] {strides = array<i32>} : memref<10x1024xf32, #tpu.memory_space<vmem>>, vector<16xf32>,
      tpu.vector_store %arg12[%swap3A_1089, %swap3A_1090], %select_n3A_1068 {strides = array<i32>} : memref<10x1024xf32, #tpu.memory_space<vmem>>, vector<16xf32>,
      %swap3A_1092 = arith.constant 8 : i32
      %swap3A_1093 = arith.index_cast %swap3A_1092 : i32 to index
      %swap3A_1094 = arith.constant 208 : index
      %swap3A_1095 = tpu.vector_load %arg12[%swap3A_1093, %swap3A_1094] {strides = array<i32>} : memref<10x1024xf32, #tpu.memory_space<vmem>>, vector<16xf32>,
      tpu.vector_store %arg12[%swap3A_1093, %swap3A_1094], %select_n3A_1069 {strides = array<i32>} : memref<10x1024xf32, #tpu.memory_space<vmem>>, vector<16xf32>,
      %swap3A_1096 = arith.constant 8 : i32
      %swap3A_1097 = arith.index_cast %swap3A_1096 : i32 to index
      %swap3A_1098 = arith.constant 224 : index
      %swap3A_1099 = tpu.vector_load %arg12[%swap3A_1097, %swap3A_1098] {strides = array<i32>} : memref<10x1024xf32, #tpu.memory_space<vmem>>, vector<16xf32>,
      tpu.vector_store %arg12[%swap3A_1097, %swap3A_1098], %select_n3A_1070 {strides = array<i32>} : memref<10x1024xf32, #tpu.memory_space<vmem>>, vector<16xf32>,
      %swap3A_1100 = arith.constant 8 : i32
      %swap3A_1101 = arith.index_cast %swap3A_1100 : i32 to index
      %swap3A_1102 = arith.constant 240 : index
      %swap3A_1103 = tpu.vector_load %arg12[%swap3A_1101, %swap3A_1102] {strides = array<i32>} : memref<10x1024xf32, #tpu.memory_space<vmem>>, vector<16xf32>,
      tpu.vector_store %arg12[%swap3A_1101, %swap3A_1102], %select_n3A_1071 {strides = array<i32>} : memref<10x1024xf32, #tpu.memory_space<vmem>>, vector<16xf32>,
      %select_n3A_1104 = arith.select %ne3A_946, %gather3A_1016, %gather3A_1012 : vector<16xi1>, vector<16xf32>
      %select_n3A_1105 = arith.select %ne3A_953, %gather3A_1016, %gather3A_1012 : vector<16xi1>, vector<16xf32>
      %select_n3A_1106 = arith.select %ne3A_960, %gather3A_1016, %gather3A_1012 : vector<16xi1>, vector<16xf32>
      %select_n3A_1107 = arith.select %ne3A_967, %gather3A_1016, %gather3A_1012 : vector<16xi1>, vector<16xf32>
      %select_n3A_1108 = arith.select %ne3A_974, %gather3A_1016, %gather3A_1012 : vector<16xi1>, vector<16xf32>
      %select_n3A_1109 = arith.select %ne3A_981, %gather3A_1016, %gather3A_1012 : vector<16xi1>, vector<16xf32>
      %select_n3A_1110 = arith.select %ne3A_988, %gather3A_1016, %gather3A_1012 : vector<16xi1>, vector<16xf32>
      %select_n3A_1111 = arith.select %ne3A_995, %gather3A_1016, %gather3A_1012 : vector<16xi1>, vector<16xf32>
      %swap3A_1112 = arith.constant 8 : i32
      %swap3A_1113 = arith.index_cast %swap3A_1112 : i32 to index
      %swap3A_1114 = arith.constant 256 : index
      %swap3A_1115 = tpu.vector_load %arg12[%swap3A_1113, %swap3A_1114] {strides = array<i32>} : memref<10x1024xf32, #tpu.memory_space<vmem>>, vector<16xf32>,
      tpu.vector_store %arg12[%swap3A_1113, %swap3A_1114], %select_n3A_1104 {strides = array<i32>} : memref<10x1024xf32, #tpu.memory_space<vmem>>, vector<16xf32>,
      %swap3A_1116 = arith.constant 8 : i32
      %swap3A_1117 = arith.index_cast %swap3A_1116 : i32 to index
      %swap3A_1118 = arith.constant 272 : index
      %swap3A_1119 = tpu.vector_load %arg12[%swap3A_1117, %swap3A_1118] {strides = array<i32>} : memref<10x1024xf32, #tpu.memory_space<vmem>>, vector<16xf32>,
      tpu.vector_store %arg12[%swap3A_1117, %swap3A_1118], %select_n3A_1105 {strides = array<i32>} : memref<10x1024xf32, #tpu.memory_space<vmem>>, vector<16xf32>,
      %swap3A_1120 = arith.constant 8 : i32
      %swap3A_1121 = arith.index_cast %swap3A_1120 : i32 to index
      %swap3A_1122 = arith.constant 288 : index
      %swap3A_1123 = tpu.vector_load %arg12[%swap3A_1121, %swap3A_1122] {strides = array<i32>} : memref<10x1024xf32, #tpu.memory_space<vmem>>, vector<16xf32>,
      tpu.vector_store %arg12[%swap3A_1121, %swap3A_1122], %select_n3A_1106 {strides = array<i32>} : memref<10x1024xf32, #tpu.memory_space<vmem>>, vector<16xf32>,
      %swap3A_1124 = arith.constant 8 : i32
      %swap3A_1125 = arith.index_cast %swap3A_1124 : i32 to index
      %swap3A_1126 = arith.constant 304 : index
      %swap3A_1127 = tpu.vector_load %arg12[%swap3A_1125, %swap3A_1126] {strides = array<i32>} : memref<10x1024xf32, #tpu.memory_space<vmem>>, vector<16xf32>,
      tpu.vector_store %arg12[%swap3A_1125, %swap3A_1126], %select_n3A_1107 {strides = array<i32>} : memref<10x1024xf32, #tpu.memory_space<vmem>>, vector<16xf32>,
      %swap3A_1128 = arith.constant 8 : i32
      %swap3A_1129 = arith.index_cast %swap3A_1128 : i32 to index
      %swap3A_1130 = arith.constant 320 : index
      %swap3A_1131 = tpu.vector_load %arg12[%swap3A_1129, %swap3A_1130] {strides = array<i32>} : memref<10x1024xf32, #tpu.memory_space<vmem>>, vector<16xf32>,
      tpu.vector_store %arg12[%swap3A_1129, %swap3A_1130], %select_n3A_1108 {strides = array<i32>} : memref<10x1024xf32, #tpu.memory_space<vmem>>, vector<16xf32>,
      %swap3A_1132 = arith.constant 8 : i32
      %swap3A_1133 = arith.index_cast %swap3A_1132 : i32 to index
      %swap3A_1134 = arith.constant 336 : index
      %swap3A_1135 = tpu.vector_load %arg12[%swap3A_1133, %swap3A_1134] {strides = array<i32>} : memref<10x1024xf32, #tpu.memory_space<vmem>>, vector<16xf32>,
      tpu.vector_store %arg12[%swap3A_1133, %swap3A_1134], %select_n3A_1109 {strides = array<i32>} : memref<10x1024xf32, #tpu.memory_space<vmem>>, vector<16xf32>,
      %swap3A_1136 = arith.constant 8 : i32
      %swap3A_1137 = arith.index_cast %swap3A_1136 : i32 to index
      %swap3A_1138 = arith.constant 352 : index
      %swap3A_1139 = tpu.vector_load %arg12[%swap3A_1137, %swap3A_1138] {strides = array<i32>} : memref<10x1024xf32, #tpu.memory_space<vmem>>, vector<16xf32>,
      tpu.vector_store %arg12[%swap3A_1137, %swap3A_1138], %select_n3A_1110 {strides = array<i32>} : memref<10x1024xf32, #tpu.memory_space<vmem>>, vector<16xf32>,
      %swap3A_1140 = arith.constant 8 : i32
      %swap3A_1141 = arith.index_cast %swap3A_1140 : i32 to index
      %swap3A_1142 = arith.constant 368 : index
      %swap3A_1143 = tpu.vector_load %arg12[%swap3A_1141, %swap3A_1142] {strides = array<i32>} : memref<10x1024xf32, #tpu.memory_space<vmem>>, vector<16xf32>,
      tpu.vector_store %arg12[%swap3A_1141, %swap3A_1142], %select_n3A_1111 {strides = array<i32>} : memref<10x1024xf32, #tpu.memory_space<vmem>>, vector<16xf32>,
      %select_n3A_1144 = arith.select %ne3A_946, %gather3A_1023, %gather3A_1019 : vector<16xi1>, vector<16xf32>
      %select_n3A_1145 = arith.select %ne3A_953, %gather3A_1023, %gather3A_1019 : vector<16xi1>, vector<16xf32>
      %select_n3A_1146 = arith.select %ne3A_960, %gather3A_1023, %gather3A_1019 : vector<16xi1>, vector<16xf32>
      %select_n3A_1147 = arith.select %ne3A_967, %gather3A_1023, %gather3A_1019 : vector<16xi1>, vector<16xf32>
      %select_n3A_1148 = arith.select %ne3A_974, %gather3A_1023, %gather3A_1019 : vector<16xi1>, vector<16xf32>
      %select_n3A_1149 = arith.select %ne3A_981, %gather3A_1023, %gather3A_1019 : vector<16xi1>, vector<16xf32>
      %select_n3A_1150 = arith.select %ne3A_988, %gather3A_1023, %gather3A_1019 : vector<16xi1>, vector<16xf32>
      %select_n3A_1151 = arith.select %ne3A_995, %gather3A_1023, %gather3A_1019 : vector<16xi1>, vector<16xf32>
      %swap3A_1152 = arith.constant 8 : i32
      %swap3A_1153 = arith.index_cast %swap3A_1152 : i32 to index
      %swap3A_1154 = arith.constant 384 : index
      %swap3A_1155 = tpu.vector_load %arg12[%swap3A_1153, %swap3A_1154] {strides = array<i32>} : memref<10x1024xf32, #tpu.memory_space<vmem>>, vector<16xf32>,
      tpu.vector_store %arg12[%swap3A_1153, %swap3A_1154], %select_n3A_1144 {strides = array<i32>} : memref<10x1024xf32, #tpu.memory_space<vmem>>, vector<16xf32>,
      %swap3A_1156 = arith.constant 8 : i32
      %swap3A_1157 = arith.index_cast %swap3A_1156 : i32 to index
      %swap3A_1158 = arith.constant 400 : index
      %swap3A_1159 = tpu.vector_load %arg12[%swap3A_1157, %swap3A_1158] {strides = array<i32>} : memref<10x1024xf32, #tpu.memory_space<vmem>>, vector<16xf32>,
      tpu.vector_store %arg12[%swap3A_1157, %swap3A_1158], %select_n3A_1145 {strides = array<i32>} : memref<10x1024xf32, #tpu.memory_space<vmem>>, vector<16xf32>,
      %swap3A_1160 = arith.constant 8 : i32
      %swap3A_1161 = arith.index_cast %swap3A_1160 : i32 to index
      %swap3A_1162 = arith.constant 416 : index
      %swap3A_1163 = tpu.vector_load %arg12[%swap3A_1161, %swap3A_1162] {strides = array<i32>} : memref<10x1024xf32, #tpu.memory_space<vmem>>, vector<16xf32>,
      tpu.vector_store %arg12[%swap3A_1161, %swap3A_1162], %select_n3A_1146 {strides = array<i32>} : memref<10x1024xf32, #tpu.memory_space<vmem>>, vector<16xf32>,
      %swap3A_1164 = arith.constant 8 : i32
      %swap3A_1165 = arith.index_cast %swap3A_1164 : i32 to index
      %swap3A_1166 = arith.constant 432 : index
      %swap3A_1167 = tpu.vector_load %arg12[%swap3A_1165, %swap3A_1166] {strides = array<i32>} : memref<10x1024xf32, #tpu.memory_space<vmem>>, vector<16xf32>,
      tpu.vector_store %arg12[%swap3A_1165, %swap3A_1166], %select_n3A_1147 {strides = array<i32>} : memref<10x1024xf32, #tpu.memory_space<vmem>>, vector<16xf32>,
      %swap3A_1168 = arith.constant 8 : i32
      %swap3A_1169 = arith.index_cast %swap3A_1168 : i32 to index
      %swap3A_1170 = arith.constant 448 : index
      %swap3A_1171 = tpu.vector_load %arg12[%swap3A_1169, %swap3A_1170] {strides = array<i32>} : memref<10x1024xf32, #tpu.memory_space<vmem>>, vector<16xf32>,
      tpu.vector_store %arg12[%swap3A_1169, %swap3A_1170], %select_n3A_1148 {strides = array<i32>} : memref<10x1024xf32, #tpu.memory_space<vmem>>, vector<16xf32>,
      %swap3A_1172 = arith.constant 8 : i32
      %swap3A_1173 = arith.index_cast %swap3A_1172 : i32 to index
      %swap3A_1174 = arith.constant 464 : index
      %swap3A_1175 = tpu.vector_load %arg12[%swap3A_1173, %swap3A_1174] {strides = array<i32>} : memref<10x1024xf32, #tpu.memory_space<vmem>>, vector<16xf32>,
      tpu.vector_store %arg12[%swap3A_1173, %swap3A_1174], %select_n3A_1149 {strides = array<i32>} : memref<10x1024xf32, #tpu.memory_space<vmem>>, vector<16xf32>,
      %swap3A_1176 = arith.constant 8 : i32
      %swap3A_1177 = arith.index_cast %swap3A_1176 : i32 to index
      %swap3A_1178 = arith.constant 480 : index
      %swap3A_1179 = tpu.vector_load %arg12[%swap3A_1177, %swap3A_1178] {strides = array<i32>} : memref<10x1024xf32, #tpu.memory_space<vmem>>, vector<16xf32>,
      tpu.vector_store %arg12[%swap3A_1177, %swap3A_1178], %select_n3A_1150 {strides = array<i32>} : memref<10x1024xf32, #tpu.memory_space<vmem>>, vector<16xf32>,
      %swap3A_1180 = arith.constant 8 : i32
      %swap3A_1181 = arith.index_cast %swap3A_1180 : i32 to index
      %swap3A_1182 = arith.constant 496 : index
      %swap3A_1183 = tpu.vector_load %arg12[%swap3A_1181, %swap3A_1182] {strides = array<i32>} : memref<10x1024xf32, #tpu.memory_space<vmem>>, vector<16xf32>,
      tpu.vector_store %arg12[%swap3A_1181, %swap3A_1182], %select_n3A_1151 {strides = array<i32>} : memref<10x1024xf32, #tpu.memory_space<vmem>>, vector<16xf32>,
      %broadcast_in_dim3A_1184 = arith.constant 12 : i32
      %broadcast_in_dim3A_1185 = vector.broadcast %broadcast_in_dim3A_1184 : i32 to vector<16xi32>
      %gather3A_1186 = tpu.vector_load_idx %arg13[%broadcast_in_dim3A_1185] : memref<40xf32, #tpu.memory_space<vmem>>[vector<16xi32>], vector<16xf32>,
      %add3A_1187 = arith.constant 16 : i32
      %add3A_1188 = vector.broadcast %add3A_1187 : i32 to vector<16xi32>
      %add3A_1189 = arith.addi %broadcast_in_dim3A_1185, %add3A_1188 : vector<16xi32>
      %gather3A_1190 = tpu.vector_load_idx %arg13[%add3A_1189] : memref<40xf32, #tpu.memory_space<vmem>>[vector<16xi32>], vector<16xf32>,
      %broadcast_in_dim3A_1191 = arith.constant 13 : i32
      %broadcast_in_dim3A_1192 = vector.broadcast %broadcast_in_dim3A_1191 : i32 to vector<16xi32>
      %gather3A_1193 = tpu.vector_load_idx %arg13[%broadcast_in_dim3A_1192] : memref<40xf32, #tpu.memory_space<vmem>>[vector<16xi32>], vector<16xf32>,
      %add3A_1194 = arith.constant 16 : i32
      %add3A_1195 = vector.broadcast %add3A_1194 : i32 to vector<16xi32>
      %add3A_1196 = arith.addi %broadcast_in_dim3A_1192, %add3A_1195 : vector<16xi32>
      %gather3A_1197 = tpu.vector_load_idx %arg13[%add3A_1196] : memref<40xf32, #tpu.memory_space<vmem>>[vector<16xi32>], vector<16xf32>,
      %broadcast_in_dim3A_1198 = arith.constant 14 : i32
      %broadcast_in_dim3A_1199 = vector.broadcast %broadcast_in_dim3A_1198 : i32 to vector<16xi32>
      %gather3A_1200 = tpu.vector_load_idx %arg13[%broadcast_in_dim3A_1199] : memref<40xf32, #tpu.memory_space<vmem>>[vector<16xi32>], vector<16xf32>,
      %add3A_1201 = arith.constant 16 : i32
      %add3A_1202 = vector.broadcast %add3A_1201 : i32 to vector<16xi32>
      %add3A_1203 = arith.addi %broadcast_in_dim3A_1199, %add3A_1202 : vector<16xi32>
      %gather3A_1204 = tpu.vector_load_idx %arg13[%add3A_1203] : memref<40xf32, #tpu.memory_space<vmem>>[vector<16xi32>], vector<16xf32>,
      %broadcast_in_dim3A_1205 = arith.constant 15 : i32
      %broadcast_in_dim3A_1206 = vector.broadcast %broadcast_in_dim3A_1205 : i32 to vector<16xi32>
      %gather3A_1207 = tpu.vector_load_idx %arg13[%broadcast_in_dim3A_1206] : memref<40xf32, #tpu.memory_space<vmem>>[vector<16xi32>], vector<16xf32>,
      %add3A_1208 = arith.constant 16 : i32
      %add3A_1209 = vector.broadcast %add3A_1208 : i32 to vector<16xi32>
      %add3A_1210 = arith.addi %broadcast_in_dim3A_1206, %add3A_1209 : vector<16xi32>
      %gather3A_1211 = tpu.vector_load_idx %arg13[%add3A_1210] : memref<40xf32, #tpu.memory_space<vmem>>[vector<16xi32>], vector<16xf32>,
      %select_n3A_1212 = arith.select %ne3A_946, %gather3A_1190, %gather3A_1186 : vector<16xi1>, vector<16xf32>
      %select_n3A_1213 = arith.select %ne3A_953, %gather3A_1190, %gather3A_1186 : vector<16xi1>, vector<16xf32>
      %select_n3A_1214 = arith.select %ne3A_960, %gather3A_1190, %gather3A_1186 : vector<16xi1>, vector<16xf32>
      %select_n3A_1215 = arith.select %ne3A_967, %gather3A_1190, %gather3A_1186 : vector<16xi1>, vector<16xf32>
      %select_n3A_1216 = arith.select %ne3A_974, %gather3A_1190, %gather3A_1186 : vector<16xi1>, vector<16xf32>
      %select_n3A_1217 = arith.select %ne3A_981, %gather3A_1190, %gather3A_1186 : vector<16xi1>, vector<16xf32>
      %select_n3A_1218 = arith.select %ne3A_988, %gather3A_1190, %gather3A_1186 : vector<16xi1>, vector<16xf32>
      %select_n3A_1219 = arith.select %ne3A_995, %gather3A_1190, %gather3A_1186 : vector<16xi1>, vector<16xf32>
      %swap3A_1220 = arith.constant 8 : i32
      %swap3A_1221 = arith.index_cast %swap3A_1220 : i32 to index
      %swap3A_1222 = arith.constant 512 : index
      %swap3A_1223 = tpu.vector_load %arg12[%swap3A_1221, %swap3A_1222] {strides = array<i32>} : memref<10x1024xf32, #tpu.memory_space<vmem>>, vector<16xf32>,
      tpu.vector_store %arg12[%swap3A_1221, %swap3A_1222], %select_n3A_1212 {strides = array<i32>} : memref<10x1024xf32, #tpu.memory_space<vmem>>, vector<16xf32>,
      %swap3A_1224 = arith.constant 8 : i32
      %swap3A_1225 = arith.index_cast %swap3A_1224 : i32 to index
      %swap3A_1226 = arith.constant 528 : index
      %swap3A_1227 = tpu.vector_load %arg12[%swap3A_1225, %swap3A_1226] {strides = array<i32>} : memref<10x1024xf32, #tpu.memory_space<vmem>>, vector<16xf32>,
      tpu.vector_store %arg12[%swap3A_1225, %swap3A_1226], %select_n3A_1213 {strides = array<i32>} : memref<10x1024xf32, #tpu.memory_space<vmem>>, vector<16xf32>,
      %swap3A_1228 = arith.constant 8 : i32
      %swap3A_1229 = arith.index_cast %swap3A_1228 : i32 to index
      %swap3A_1230 = arith.constant 544 : index
      %swap3A_1231 = tpu.vector_load %arg12[%swap3A_1229, %swap3A_1230] {strides = array<i32>} : memref<10x1024xf32, #tpu.memory_space<vmem>>, vector<16xf32>,
      tpu.vector_store %arg12[%swap3A_1229, %swap3A_1230], %select_n3A_1214 {strides = array<i32>} : memref<10x1024xf32, #tpu.memory_space<vmem>>, vector<16xf32>,
      %swap3A_1232 = arith.constant 8 : i32
      %swap3A_1233 = arith.index_cast %swap3A_1232 : i32 to index
      %swap3A_1234 = arith.constant 560 : index
      %swap3A_1235 = tpu.vector_load %arg12[%swap3A_1233, %swap3A_1234] {strides = array<i32>} : memref<10x1024xf32, #tpu.memory_space<vmem>>, vector<16xf32>,
      tpu.vector_store %arg12[%swap3A_1233, %swap3A_1234], %select_n3A_1215 {strides = array<i32>} : memref<10x1024xf32, #tpu.memory_space<vmem>>, vector<16xf32>,
      %swap3A_1236 = arith.constant 8 : i32
      %swap3A_1237 = arith.index_cast %swap3A_1236 : i32 to index
      %swap3A_1238 = arith.constant 576 : index
      %swap3A_1239 = tpu.vector_load %arg12[%swap3A_1237, %swap3A_1238] {strides = array<i32>} : memref<10x1024xf32, #tpu.memory_space<vmem>>, vector<16xf32>,
      tpu.vector_store %arg12[%swap3A_1237, %swap3A_1238], %select_n3A_1216 {strides = array<i32>} : memref<10x1024xf32, #tpu.memory_space<vmem>>, vector<16xf32>,
      %swap3A_1240 = arith.constant 8 : i32
      %swap3A_1241 = arith.index_cast %swap3A_1240 : i32 to index
      %swap3A_1242 = arith.constant 592 : index
      %swap3A_1243 = tpu.vector_load %arg12[%swap3A_1241, %swap3A_1242] {strides = array<i32>} : memref<10x1024xf32, #tpu.memory_space<vmem>>, vector<16xf32>,
      tpu.vector_store %arg12[%swap3A_1241, %swap3A_1242], %select_n3A_1217 {strides = array<i32>} : memref<10x1024xf32, #tpu.memory_space<vmem>>, vector<16xf32>,
      %swap3A_1244 = arith.constant 8 : i32
      %swap3A_1245 = arith.index_cast %swap3A_1244 : i32 to index
      %swap3A_1246 = arith.constant 608 : index
      %swap3A_1247 = tpu.vector_load %arg12[%swap3A_1245, %swap3A_1246] {strides = array<i32>} : memref<10x1024xf32, #tpu.memory_space<vmem>>, vector<16xf32>,
      tpu.vector_store %arg12[%swap3A_1245, %swap3A_1246], %select_n3A_1218 {strides = array<i32>} : memref<10x1024xf32, #tpu.memory_space<vmem>>, vector<16xf32>,
      %swap3A_1248 = arith.constant 8 : i32
      %swap3A_1249 = arith.index_cast %swap3A_1248 : i32 to index
      %swap3A_1250 = arith.constant 624 : index
      %swap3A_1251 = tpu.vector_load %arg12[%swap3A_1249, %swap3A_1250] {strides = array<i32>} : memref<10x1024xf32, #tpu.memory_space<vmem>>, vector<16xf32>,
      tpu.vector_store %arg12[%swap3A_1249, %swap3A_1250], %select_n3A_1219 {strides = array<i32>} : memref<10x1024xf32, #tpu.memory_space<vmem>>, vector<16xf32>,
      %select_n3A_1252 = arith.select %ne3A_946, %gather3A_1197, %gather3A_1193 : vector<16xi1>, vector<16xf32>
      %select_n3A_1253 = arith.select %ne3A_953, %gather3A_1197, %gather3A_1193 : vector<16xi1>, vector<16xf32>
      %select_n3A_1254 = arith.select %ne3A_960, %gather3A_1197, %gather3A_1193 : vector<16xi1>, vector<16xf32>
      %select_n3A_1255 = arith.select %ne3A_967, %gather3A_1197, %gather3A_1193 : vector<16xi1>, vector<16xf32>
      %select_n3A_1256 = arith.select %ne3A_974, %gather3A_1197, %gather3A_1193 : vector<16xi1>, vector<16xf32>
      %select_n3A_1257 = arith.select %ne3A_981, %gather3A_1197, %gather3A_1193 : vector<16xi1>, vector<16xf32>
      %select_n3A_1258 = arith.select %ne3A_988, %gather3A_1197, %gather3A_1193 : vector<16xi1>, vector<16xf32>
      %select_n3A_1259 = arith.select %ne3A_995, %gather3A_1197, %gather3A_1193 : vector<16xi1>, vector<16xf32>
      %swap3A_1260 = arith.constant 8 : i32
      %swap3A_1261 = arith.index_cast %swap3A_1260 : i32 to index
      %swap3A_1262 = arith.constant 640 : index
      %swap3A_1263 = tpu.vector_load %arg12[%swap3A_1261, %swap3A_1262] {strides = array<i32>} : memref<10x1024xf32, #tpu.memory_space<vmem>>, vector<16xf32>,
      tpu.vector_store %arg12[%swap3A_1261, %swap3A_1262], %select_n3A_1252 {strides = array<i32>} : memref<10x1024xf32, #tpu.memory_space<vmem>>, vector<16xf32>,
      %swap3A_1264 = arith.constant 8 : i32
      %swap3A_1265 = arith.index_cast %swap3A_1264 : i32 to index
      %swap3A_1266 = arith.constant 656 : index
      %swap3A_1267 = tpu.vector_load %arg12[%swap3A_1265, %swap3A_1266] {strides = array<i32>} : memref<10x1024xf32, #tpu.memory_space<vmem>>, vector<16xf32>,
      tpu.vector_store %arg12[%swap3A_1265, %swap3A_1266], %select_n3A_1253 {strides = array<i32>} : memref<10x1024xf32, #tpu.memory_space<vmem>>, vector<16xf32>,
      %swap3A_1268 = arith.constant 8 : i32
      %swap3A_1269 = arith.index_cast %swap3A_1268 : i32 to index
      %swap3A_1270 = arith.constant 672 : index
      %swap3A_1271 = tpu.vector_load %arg12[%swap3A_1269, %swap3A_1270] {strides = array<i32>} : memref<10x1024xf32, #tpu.memory_space<vmem>>, vector<16xf32>,
      tpu.vector_store %arg12[%swap3A_1269, %swap3A_1270], %select_n3A_1254 {strides = array<i32>} : memref<10x1024xf32, #tpu.memory_space<vmem>>, vector<16xf32>,
      %swap3A_1272 = arith.constant 8 : i32
      %swap3A_1273 = arith.index_cast %swap3A_1272 : i32 to index
      %swap3A_1274 = arith.constant 688 : index
      %swap3A_1275 = tpu.vector_load %arg12[%swap3A_1273, %swap3A_1274] {strides = array<i32>} : memref<10x1024xf32, #tpu.memory_space<vmem>>, vector<16xf32>,
      tpu.vector_store %arg12[%swap3A_1273, %swap3A_1274], %select_n3A_1255 {strides = array<i32>} : memref<10x1024xf32, #tpu.memory_space<vmem>>, vector<16xf32>,
      %swap3A_1276 = arith.constant 8 : i32
      %swap3A_1277 = arith.index_cast %swap3A_1276 : i32 to index
      %swap3A_1278 = arith.constant 704 : index
      %swap3A_1279 = tpu.vector_load %arg12[%swap3A_1277, %swap3A_1278] {strides = array<i32>} : memref<10x1024xf32, #tpu.memory_space<vmem>>, vector<16xf32>,
      tpu.vector_store %arg12[%swap3A_1277, %swap3A_1278], %select_n3A_1256 {strides = array<i32>} : memref<10x1024xf32, #tpu.memory_space<vmem>>, vector<16xf32>,
      %swap3A_1280 = arith.constant 8 : i32
      %swap3A_1281 = arith.index_cast %swap3A_1280 : i32 to index
      %swap3A_1282 = arith.constant 720 : index
      %swap3A_1283 = tpu.vector_load %arg12[%swap3A_1281, %swap3A_1282] {strides = array<i32>} : memref<10x1024xf32, #tpu.memory_space<vmem>>, vector<16xf32>,
      tpu.vector_store %arg12[%swap3A_1281, %swap3A_1282], %select_n3A_1257 {strides = array<i32>} : memref<10x1024xf32, #tpu.memory_space<vmem>>, vector<16xf32>,
      %swap3A_1284 = arith.constant 8 : i32
      %swap3A_1285 = arith.index_cast %swap3A_1284 : i32 to index
      %swap3A_1286 = arith.constant 736 : index
      %swap3A_1287 = tpu.vector_load %arg12[%swap3A_1285, %swap3A_1286] {strides = array<i32>} : memref<10x1024xf32, #tpu.memory_space<vmem>>, vector<16xf32>,
      tpu.vector_store %arg12[%swap3A_1285, %swap3A_1286], %select_n3A_1258 {strides = array<i32>} : memref<10x1024xf32, #tpu.memory_space<vmem>>, vector<16xf32>,
      %swap3A_1288 = arith.constant 8 : i32
      %swap3A_1289 = arith.index_cast %swap3A_1288 : i32 to index
      %swap3A_1290 = arith.constant 752 : index
      %swap3A_1291 = tpu.vector_load %arg12[%swap3A_1289, %swap3A_1290] {strides = array<i32>} : memref<10x1024xf32, #tpu.memory_space<vmem>>, vector<16xf32>,
      tpu.vector_store %arg12[%swap3A_1289, %swap3A_1290], %select_n3A_1259 {strides = array<i32>} : memref<10x1024xf32, #tpu.memory_space<vmem>>, vector<16xf32>,
      %select_n3A_1292 = arith.select %ne3A_946, %gather3A_1204, %gather3A_1200 : vector<16xi1>, vector<16xf32>
      %select_n3A_1293 = arith.select %ne3A_953, %gather3A_1204, %gather3A_1200 : vector<16xi1>, vector<16xf32>
      %select_n3A_1294 = arith.select %ne3A_960, %gather3A_1204, %gather3A_1200 : vector<16xi1>, vector<16xf32>
      %select_n3A_1295 = arith.select %ne3A_967, %gather3A_1204, %gather3A_1200 : vector<16xi1>, vector<16xf32>
      %select_n3A_1296 = arith.select %ne3A_974, %gather3A_1204, %gather3A_1200 : vector<16xi1>, vector<16xf32>
      %select_n3A_1297 = arith.select %ne3A_981, %gather3A_1204, %gather3A_1200 : vector<16xi1>, vector<16xf32>
      %select_n3A_1298 = arith.select %ne3A_988, %gather3A_1204, %gather3A_1200 : vector<16xi1>, vector<16xf32>
      %select_n3A_1299 = arith.select %ne3A_995, %gather3A_1204, %gather3A_1200 : vector<16xi1>, vector<16xf32>
      %swap3A_1300 = arith.constant 8 : i32
      %swap3A_1301 = arith.index_cast %swap3A_1300 : i32 to index
      %swap3A_1302 = arith.constant 768 : index
      %swap3A_1303 = tpu.vector_load %arg12[%swap3A_1301, %swap3A_1302] {strides = array<i32>} : memref<10x1024xf32, #tpu.memory_space<vmem>>, vector<16xf32>,
      tpu.vector_store %arg12[%swap3A_1301, %swap3A_1302], %select_n3A_1292 {strides = array<i32>} : memref<10x1024xf32, #tpu.memory_space<vmem>>, vector<16xf32>,
      %swap3A_1304 = arith.constant 8 : i32
      %swap3A_1305 = arith.index_cast %swap3A_1304 : i32 to index
      %swap3A_1306 = arith.constant 784 : index
      %swap3A_1307 = tpu.vector_load %arg12[%swap3A_1305, %swap3A_1306] {strides = array<i32>} : memref<10x1024xf32, #tpu.memory_space<vmem>>, vector<16xf32>,
      tpu.vector_store %arg12[%swap3A_1305, %swap3A_1306], %select_n3A_1293 {strides = array<i32>} : memref<10x1024xf32, #tpu.memory_space<vmem>>, vector<16xf32>,
      %swap3A_1308 = arith.constant 8 : i32
      %swap3A_1309 = arith.index_cast %swap3A_1308 : i32 to index
      %swap3A_1310 = arith.constant 800 : index
      %swap3A_1311 = tpu.vector_load %arg12[%swap3A_1309, %swap3A_1310] {strides = array<i32>} : memref<10x1024xf32, #tpu.memory_space<vmem>>, vector<16xf32>,
      tpu.vector_store %arg12[%swap3A_1309, %swap3A_1310], %select_n3A_1294 {strides = array<i32>} : memref<10x1024xf32, #tpu.memory_space<vmem>>, vector<16xf32>,
      %swap3A_1312 = arith.constant 8 : i32
      %swap3A_1313 = arith.index_cast %swap3A_1312 : i32 to index
      %swap3A_1314 = arith.constant 816 : index
      %swap3A_1315 = tpu.vector_load %arg12[%swap3A_1313, %swap3A_1314] {strides = array<i32>} : memref<10x1024xf32, #tpu.memory_space<vmem>>, vector<16xf32>,
      tpu.vector_store %arg12[%swap3A_1313, %swap3A_1314], %select_n3A_1295 {strides = array<i32>} : memref<10x1024xf32, #tpu.memory_space<vmem>>, vector<16xf32>,
      %swap3A_1316 = arith.constant 8 : i32
      %swap3A_1317 = arith.index_cast %swap3A_1316 : i32 to index
      %swap3A_1318 = arith.constant 832 : index
      %swap3A_1319 = tpu.vector_load %arg12[%swap3A_1317, %swap3A_1318] {strides = array<i32>} : memref<10x1024xf32, #tpu.memory_space<vmem>>, vector<16xf32>,
      tpu.vector_store %arg12[%swap3A_1317, %swap3A_1318], %select_n3A_1296 {strides = array<i32>} : memref<10x1024xf32, #tpu.memory_space<vmem>>, vector<16xf32>,
      %swap3A_1320 = arith.constant 8 : i32
      %swap3A_1321 = arith.index_cast %swap3A_1320 : i32 to index
      %swap3A_1322 = arith.constant 848 : index
      %swap3A_1323 = tpu.vector_load %arg12[%swap3A_1321, %swap3A_1322] {strides = array<i32>} : memref<10x1024xf32, #tpu.memory_space<vmem>>, vector<16xf32>,
      tpu.vector_store %arg12[%swap3A_1321, %swap3A_1322], %select_n3A_1297 {strides = array<i32>} : memref<10x1024xf32, #tpu.memory_space<vmem>>, vector<16xf32>,
      %swap3A_1324 = arith.constant 8 : i32
      %swap3A_1325 = arith.index_cast %swap3A_1324 : i32 to index
      %swap3A_1326 = arith.constant 864 : index
      %swap3A_1327 = tpu.vector_load %arg12[%swap3A_1325, %swap3A_1326] {strides = array<i32>} : memref<10x1024xf32, #tpu.memory_space<vmem>>, vector<16xf32>,
      tpu.vector_store %arg12[%swap3A_1325, %swap3A_1326], %select_n3A_1298 {strides = array<i32>} : memref<10x1024xf32, #tpu.memory_space<vmem>>, vector<16xf32>,
      %swap3A_1328 = arith.constant 8 : i32
      %swap3A_1329 = arith.index_cast %swap3A_1328 : i32 to index
      %swap3A_1330 = arith.constant 880 : index
      %swap3A_1331 = tpu.vector_load %arg12[%swap3A_1329, %swap3A_1330] {strides = array<i32>} : memref<10x1024xf32, #tpu.memory_space<vmem>>, vector<16xf32>,
      tpu.vector_store %arg12[%swap3A_1329, %swap3A_1330], %select_n3A_1299 {strides = array<i32>} : memref<10x1024xf32, #tpu.memory_space<vmem>>, vector<16xf32>,
      %select_n3A_1332 = arith.select %ne3A_946, %gather3A_1211, %gather3A_1207 : vector<16xi1>, vector<16xf32>
      %select_n3A_1333 = arith.select %ne3A_953, %gather3A_1211, %gather3A_1207 : vector<16xi1>, vector<16xf32>
      %select_n3A_1334 = arith.select %ne3A_960, %gather3A_1211, %gather3A_1207 : vector<16xi1>, vector<16xf32>
      %select_n3A_1335 = arith.select %ne3A_967, %gather3A_1211, %gather3A_1207 : vector<16xi1>, vector<16xf32>
      %select_n3A_1336 = arith.select %ne3A_974, %gather3A_1211, %gather3A_1207 : vector<16xi1>, vector<16xf32>
      %select_n3A_1337 = arith.select %ne3A_981, %gather3A_1211, %gather3A_1207 : vector<16xi1>, vector<16xf32>
      %select_n3A_1338 = arith.select %ne3A_988, %gather3A_1211, %gather3A_1207 : vector<16xi1>, vector<16xf32>
      %select_n3A_1339 = arith.select %ne3A_995, %gather3A_1211, %gather3A_1207 : vector<16xi1>, vector<16xf32>
      %swap3A_1340 = arith.constant 8 : i32
      %swap3A_1341 = arith.index_cast %swap3A_1340 : i32 to index
      %swap3A_1342 = arith.constant 896 : index
      %swap3A_1343 = tpu.vector_load %arg12[%swap3A_1341, %swap3A_1342] {strides = array<i32>} : memref<10x1024xf32, #tpu.memory_space<vmem>>, vector<16xf32>,
      tpu.vector_store %arg12[%swap3A_1341, %swap3A_1342], %select_n3A_1332 {strides = array<i32>} : memref<10x1024xf32, #tpu.memory_space<vmem>>, vector<16xf32>,
      %swap3A_1344 = arith.constant 8 : i32
      %swap3A_1345 = arith.index_cast %swap3A_1344 : i32 to index
      %swap3A_1346 = arith.constant 912 : index
      %swap3A_1347 = tpu.vector_load %arg12[%swap3A_1345, %swap3A_1346] {strides = array<i32>} : memref<10x1024xf32, #tpu.memory_space<vmem>>, vector<16xf32>,
      tpu.vector_store %arg12[%swap3A_1345, %swap3A_1346], %select_n3A_1333 {strides = array<i32>} : memref<10x1024xf32, #tpu.memory_space<vmem>>, vector<16xf32>,
      %swap3A_1348 = arith.constant 8 : i32
      %swap3A_1349 = arith.index_cast %swap3A_1348 : i32 to index
      %swap3A_1350 = arith.constant 928 : index
      %swap3A_1351 = tpu.vector_load %arg12[%swap3A_1349, %swap3A_1350] {strides = array<i32>} : memref<10x1024xf32, #tpu.memory_space<vmem>>, vector<16xf32>,
      tpu.vector_store %arg12[%swap3A_1349, %swap3A_1350], %select_n3A_1334 {strides = array<i32>} : memref<10x1024xf32, #tpu.memory_space<vmem>>, vector<16xf32>,
      %swap3A_1352 = arith.constant 8 : i32
      %swap3A_1353 = arith.index_cast %swap3A_1352 : i32 to index
      %swap3A_1354 = arith.constant 944 : index
      %swap3A_1355 = tpu.vector_load %arg12[%swap3A_1353, %swap3A_1354] {strides = array<i32>} : memref<10x1024xf32, #tpu.memory_space<vmem>>, vector<16xf32>,
      tpu.vector_store %arg12[%swap3A_1353, %swap3A_1354], %select_n3A_1335 {strides = array<i32>} : memref<10x1024xf32, #tpu.memory_space<vmem>>, vector<16xf32>,
      %swap3A_1356 = arith.constant 8 : i32
      %swap3A_1357 = arith.index_cast %swap3A_1356 : i32 to index
      %swap3A_1358 = arith.constant 960 : index
      %swap3A_1359 = tpu.vector_load %arg12[%swap3A_1357, %swap3A_1358] {strides = array<i32>} : memref<10x1024xf32, #tpu.memory_space<vmem>>, vector<16xf32>,
      tpu.vector_store %arg12[%swap3A_1357, %swap3A_1358], %select_n3A_1336 {strides = array<i32>} : memref<10x1024xf32, #tpu.memory_space<vmem>>, vector<16xf32>,
      %swap3A_1360 = arith.constant 8 : i32
      %swap3A_1361 = arith.index_cast %swap3A_1360 : i32 to index
      %swap3A_1362 = arith.constant 976 : index
      %swap3A_1363 = tpu.vector_load %arg12[%swap3A_1361, %swap3A_1362] {strides = array<i32>} : memref<10x1024xf32, #tpu.memory_space<vmem>>, vector<16xf32>,
      tpu.vector_store %arg12[%swap3A_1361, %swap3A_1362], %select_n3A_1337 {strides = array<i32>} : memref<10x1024xf32, #tpu.memory_space<vmem>>, vector<16xf32>,
      %swap3A_1364 = arith.constant 8 : i32
      %swap3A_1365 = arith.index_cast %swap3A_1364 : i32 to index
      %swap3A_1366 = arith.constant 992 : index
      %swap3A_1367 = tpu.vector_load %arg12[%swap3A_1365, %swap3A_1366] {strides = array<i32>} : memref<10x1024xf32, #tpu.memory_space<vmem>>, vector<16xf32>,
      tpu.vector_store %arg12[%swap3A_1365, %swap3A_1366], %select_n3A_1338 {strides = array<i32>} : memref<10x1024xf32, #tpu.memory_space<vmem>>, vector<16xf32>,
      %swap3A_1368 = arith.constant 8 : i32
      %swap3A_1369 = arith.index_cast %swap3A_1368 : i32 to index
      %swap3A_1370 = arith.constant 1008 : index
      %swap3A_1371 = tpu.vector_load %arg12[%swap3A_1369, %swap3A_1370] {strides = array<i32>} : memref<10x1024xf32, #tpu.memory_space<vmem>>, vector<16xf32>,
      tpu.vector_store %arg12[%swap3A_1369, %swap3A_1370], %select_n3A_1339 {strides = array<i32>} : memref<10x1024xf32, #tpu.memory_space<vmem>>, vector<16xf32>,
      %broadcast_in_dim3A_1372 = arith.constant 16 : i32
      %broadcast_in_dim3A_1373 = vector.broadcast %broadcast_in_dim3A_1372 : i32 to vector<16xi32>
      %gather3A_1374 = tpu.vector_load_idx %arg13[%broadcast_in_dim3A_1373] : memref<40xf32, #tpu.memory_space<vmem>>[vector<16xi32>], vector<16xf32>,
      %add3A_1375 = arith.constant 16 : i32
      %add3A_1376 = vector.broadcast %add3A_1375 : i32 to vector<16xi32>
      %add3A_1377 = arith.addi %broadcast_in_dim3A_1373, %add3A_1376 : vector<16xi32>
      %gather3A_1378 = tpu.vector_load_idx %arg13[%add3A_1377] : memref<40xf32, #tpu.memory_space<vmem>>[vector<16xi32>], vector<16xf32>,
      %broadcast_in_dim3A_1379 = arith.constant 17 : i32
      %broadcast_in_dim3A_1380 = vector.broadcast %broadcast_in_dim3A_1379 : i32 to vector<16xi32>
      %gather3A_1381 = tpu.vector_load_idx %arg13[%broadcast_in_dim3A_1380] : memref<40xf32, #tpu.memory_space<vmem>>[vector<16xi32>], vector<16xf32>,
      %add3A_1382 = arith.constant 16 : i32
      %add3A_1383 = vector.broadcast %add3A_1382 : i32 to vector<16xi32>
      %add3A_1384 = arith.addi %broadcast_in_dim3A_1380, %add3A_1383 : vector<16xi32>
      %gather3A_1385 = tpu.vector_load_idx %arg13[%add3A_1384] : memref<40xf32, #tpu.memory_space<vmem>>[vector<16xi32>], vector<16xf32>,
      %broadcast_in_dim3A_1386 = arith.constant 18 : i32
      %broadcast_in_dim3A_1387 = vector.broadcast %broadcast_in_dim3A_1386 : i32 to vector<16xi32>
      %gather3A_1388 = tpu.vector_load_idx %arg13[%broadcast_in_dim3A_1387] : memref<40xf32, #tpu.memory_space<vmem>>[vector<16xi32>], vector<16xf32>,
      %add3A_1389 = arith.constant 16 : i32
      %add3A_1390 = vector.broadcast %add3A_1389 : i32 to vector<16xi32>
      %add3A_1391 = arith.addi %broadcast_in_dim3A_1387, %add3A_1390 : vector<16xi32>
      %gather3A_1392 = tpu.vector_load_idx %arg13[%add3A_1391] : memref<40xf32, #tpu.memory_space<vmem>>[vector<16xi32>], vector<16xf32>,
      %broadcast_in_dim3A_1393 = arith.constant 19 : i32
      %broadcast_in_dim3A_1394 = vector.broadcast %broadcast_in_dim3A_1393 : i32 to vector<16xi32>
      %gather3A_1395 = tpu.vector_load_idx %arg13[%broadcast_in_dim3A_1394] : memref<40xf32, #tpu.memory_space<vmem>>[vector<16xi32>], vector<16xf32>,
      %add3A_1396 = arith.constant 16 : i32
      %add3A_1397 = vector.broadcast %add3A_1396 : i32 to vector<16xi32>
      %add3A_1398 = arith.addi %broadcast_in_dim3A_1394, %add3A_1397 : vector<16xi32>
      %gather3A_1399 = tpu.vector_load_idx %arg13[%add3A_1398] : memref<40xf32, #tpu.memory_space<vmem>>[vector<16xi32>], vector<16xf32>,
      %select_n3A_1400 = arith.select %ne3A_946, %gather3A_1378, %gather3A_1374 : vector<16xi1>, vector<16xf32>
      %select_n3A_1401 = arith.select %ne3A_953, %gather3A_1378, %gather3A_1374 : vector<16xi1>, vector<16xf32>
      %select_n3A_1402 = arith.select %ne3A_960, %gather3A_1378, %gather3A_1374 : vector<16xi1>, vector<16xf32>
      %select_n3A_1403 = arith.select %ne3A_967, %gather3A_1378, %gather3A_1374 : vector<16xi1>, vector<16xf32>
      %select_n3A_1404 = arith.select %ne3A_974, %gather3A_1378, %gather3A_1374 : vector<16xi1>, vector<16xf32>
      %select_n3A_1405 = arith.select %ne3A_981, %gather3A_1378, %gather3A_1374 : vector<16xi1>, vector<16xf32>
      %select_n3A_1406 = arith.select %ne3A_988, %gather3A_1378, %gather3A_1374 : vector<16xi1>, vector<16xf32>
      %select_n3A_1407 = arith.select %ne3A_995, %gather3A_1378, %gather3A_1374 : vector<16xi1>, vector<16xf32>
      %swap3A_1408 = arith.constant 9 : i32
      %swap3A_1409 = arith.index_cast %swap3A_1408 : i32 to index
      %swap3A_1410 = arith.constant 0 : index
      %swap3A_1411 = tpu.vector_load %arg12[%swap3A_1409, %swap3A_1410] {strides = array<i32>} : memref<10x1024xf32, #tpu.memory_space<vmem>>, vector<16xf32>,
      tpu.vector_store %arg12[%swap3A_1409, %swap3A_1410], %select_n3A_1400 {strides = array<i32>} : memref<10x1024xf32, #tpu.memory_space<vmem>>, vector<16xf32>,
      %swap3A_1412 = arith.constant 9 : i32
      %swap3A_1413 = arith.index_cast %swap3A_1412 : i32 to index
      %swap3A_1414 = arith.constant 16 : index
      %swap3A_1415 = tpu.vector_load %arg12[%swap3A_1413, %swap3A_1414] {strides = array<i32>} : memref<10x1024xf32, #tpu.memory_space<vmem>>, vector<16xf32>,
      tpu.vector_store %arg12[%swap3A_1413, %swap3A_1414], %select_n3A_1401 {strides = array<i32>} : memref<10x1024xf32, #tpu.memory_space<vmem>>, vector<16xf32>,
      %swap3A_1416 = arith.constant 9 : i32
      %swap3A_1417 = arith.index_cast %swap3A_1416 : i32 to index
      %swap3A_1418 = arith.constant 32 : index
      %swap3A_1419 = tpu.vector_load %arg12[%swap3A_1417, %swap3A_1418] {strides = array<i32>} : memref<10x1024xf32, #tpu.memory_space<vmem>>, vector<16xf32>,
      tpu.vector_store %arg12[%swap3A_1417, %swap3A_1418], %select_n3A_1402 {strides = array<i32>} : memref<10x1024xf32, #tpu.memory_space<vmem>>, vector<16xf32>,
      %swap3A_1420 = arith.constant 9 : i32
      %swap3A_1421 = arith.index_cast %swap3A_1420 : i32 to index
      %swap3A_1422 = arith.constant 48 : index
      %swap3A_1423 = tpu.vector_load %arg12[%swap3A_1421, %swap3A_1422] {strides = array<i32>} : memref<10x1024xf32, #tpu.memory_space<vmem>>, vector<16xf32>,
      tpu.vector_store %arg12[%swap3A_1421, %swap3A_1422], %select_n3A_1403 {strides = array<i32>} : memref<10x1024xf32, #tpu.memory_space<vmem>>, vector<16xf32>,
      %swap3A_1424 = arith.constant 9 : i32
      %swap3A_1425 = arith.index_cast %swap3A_1424 : i32 to index
      %swap3A_1426 = arith.constant 64 : index
      %swap3A_1427 = tpu.vector_load %arg12[%swap3A_1425, %swap3A_1426] {strides = array<i32>} : memref<10x1024xf32, #tpu.memory_space<vmem>>, vector<16xf32>,
      tpu.vector_store %arg12[%swap3A_1425, %swap3A_1426], %select_n3A_1404 {strides = array<i32>} : memref<10x1024xf32, #tpu.memory_space<vmem>>, vector<16xf32>,
      %swap3A_1428 = arith.constant 9 : i32
      %swap3A_1429 = arith.index_cast %swap3A_1428 : i32 to index
      %swap3A_1430 = arith.constant 80 : index
      %swap3A_1431 = tpu.vector_load %arg12[%swap3A_1429, %swap3A_1430] {strides = array<i32>} : memref<10x1024xf32, #tpu.memory_space<vmem>>, vector<16xf32>,
      tpu.vector_store %arg12[%swap3A_1429, %swap3A_1430], %select_n3A_1405 {strides = array<i32>} : memref<10x1024xf32, #tpu.memory_space<vmem>>, vector<16xf32>,
      %swap3A_1432 = arith.constant 9 : i32
      %swap3A_1433 = arith.index_cast %swap3A_1432 : i32 to index
      %swap3A_1434 = arith.constant 96 : index
      %swap3A_1435 = tpu.vector_load %arg12[%swap3A_1433, %swap3A_1434] {strides = array<i32>} : memref<10x1024xf32, #tpu.memory_space<vmem>>, vector<16xf32>,
      tpu.vector_store %arg12[%swap3A_1433, %swap3A_1434], %select_n3A_1406 {strides = array<i32>} : memref<10x1024xf32, #tpu.memory_space<vmem>>, vector<16xf32>,
      %swap3A_1436 = arith.constant 9 : i32
      %swap3A_1437 = arith.index_cast %swap3A_1436 : i32 to index
      %swap3A_1438 = arith.constant 112 : index
      %swap3A_1439 = tpu.vector_load %arg12[%swap3A_1437, %swap3A_1438] {strides = array<i32>} : memref<10x1024xf32, #tpu.memory_space<vmem>>, vector<16xf32>,
      tpu.vector_store %arg12[%swap3A_1437, %swap3A_1438], %select_n3A_1407 {strides = array<i32>} : memref<10x1024xf32, #tpu.memory_space<vmem>>, vector<16xf32>,
      %select_n3A_1440 = arith.select %ne3A_946, %gather3A_1385, %gather3A_1381 : vector<16xi1>, vector<16xf32>
      %select_n3A_1441 = arith.select %ne3A_953, %gather3A_1385, %gather3A_1381 : vector<16xi1>, vector<16xf32>
      %select_n3A_1442 = arith.select %ne3A_960, %gather3A_1385, %gather3A_1381 : vector<16xi1>, vector<16xf32>
      %select_n3A_1443 = arith.select %ne3A_967, %gather3A_1385, %gather3A_1381 : vector<16xi1>, vector<16xf32>
      %select_n3A_1444 = arith.select %ne3A_974, %gather3A_1385, %gather3A_1381 : vector<16xi1>, vector<16xf32>
      %select_n3A_1445 = arith.select %ne3A_981, %gather3A_1385, %gather3A_1381 : vector<16xi1>, vector<16xf32>
      %select_n3A_1446 = arith.select %ne3A_988, %gather3A_1385, %gather3A_1381 : vector<16xi1>, vector<16xf32>
      %select_n3A_1447 = arith.select %ne3A_995, %gather3A_1385, %gather3A_1381 : vector<16xi1>, vector<16xf32>
      %swap3A_1448 = arith.constant 9 : i32
      %swap3A_1449 = arith.index_cast %swap3A_1448 : i32 to index
      %swap3A_1450 = arith.constant 128 : index
      %swap3A_1451 = tpu.vector_load %arg12[%swap3A_1449, %swap3A_1450] {strides = array<i32>} : memref<10x1024xf32, #tpu.memory_space<vmem>>, vector<16xf32>,
      tpu.vector_store %arg12[%swap3A_1449, %swap3A_1450], %select_n3A_1440 {strides = array<i32>} : memref<10x1024xf32, #tpu.memory_space<vmem>>, vector<16xf32>,
      %swap3A_1452 = arith.constant 9 : i32
      %swap3A_1453 = arith.index_cast %swap3A_1452 : i32 to index
      %swap3A_1454 = arith.constant 144 : index
      %swap3A_1455 = tpu.vector_load %arg12[%swap3A_1453, %swap3A_1454] {strides = array<i32>} : memref<10x1024xf32, #tpu.memory_space<vmem>>, vector<16xf32>,
      tpu.vector_store %arg12[%swap3A_1453, %swap3A_1454], %select_n3A_1441 {strides = array<i32>} : memref<10x1024xf32, #tpu.memory_space<vmem>>, vector<16xf32>,
      %swap3A_1456 = arith.constant 9 : i32
      %swap3A_1457 = arith.index_cast %swap3A_1456 : i32 to index
      %swap3A_1458 = arith.constant 160 : index
      %swap3A_1459 = tpu.vector_load %arg12[%swap3A_1457, %swap3A_1458] {strides = array<i32>} : memref<10x1024xf32, #tpu.memory_space<vmem>>, vector<16xf32>,
      tpu.vector_store %arg12[%swap3A_1457, %swap3A_1458], %select_n3A_1442 {strides = array<i32>} : memref<10x1024xf32, #tpu.memory_space<vmem>>, vector<16xf32>,
      %swap3A_1460 = arith.constant 9 : i32
      %swap3A_1461 = arith.index_cast %swap3A_1460 : i32 to index
      %swap3A_1462 = arith.constant 176 : index
      %swap3A_1463 = tpu.vector_load %arg12[%swap3A_1461, %swap3A_1462] {strides = array<i32>} : memref<10x1024xf32, #tpu.memory_space<vmem>>, vector<16xf32>,
      tpu.vector_store %arg12[%swap3A_1461, %swap3A_1462], %select_n3A_1443 {strides = array<i32>} : memref<10x1024xf32, #tpu.memory_space<vmem>>, vector<16xf32>,
      %swap3A_1464 = arith.constant 9 : i32
      %swap3A_1465 = arith.index_cast %swap3A_1464 : i32 to index
      %swap3A_1466 = arith.constant 192 : index
      %swap3A_1467 = tpu.vector_load %arg12[%swap3A_1465, %swap3A_1466] {strides = array<i32>} : memref<10x1024xf32, #tpu.memory_space<vmem>>, vector<16xf32>,
      tpu.vector_store %arg12[%swap3A_1465, %swap3A_1466], %select_n3A_1444 {strides = array<i32>} : memref<10x1024xf32, #tpu.memory_space<vmem>>, vector<16xf32>,
      %swap3A_1468 = arith.constant 9 : i32
      %swap3A_1469 = arith.index_cast %swap3A_1468 : i32 to index
      %swap3A_1470 = arith.constant 208 : index
      %swap3A_1471 = tpu.vector_load %arg12[%swap3A_1469, %swap3A_1470] {strides = array<i32>} : memref<10x1024xf32, #tpu.memory_space<vmem>>, vector<16xf32>,
      tpu.vector_store %arg12[%swap3A_1469, %swap3A_1470], %select_n3A_1445 {strides = array<i32>} : memref<10x1024xf32, #tpu.memory_space<vmem>>, vector<16xf32>,
      %swap3A_1472 = arith.constant 9 : i32
      %swap3A_1473 = arith.index_cast %swap3A_1472 : i32 to index
      %swap3A_1474 = arith.constant 224 : index
      %swap3A_1475 = tpu.vector_load %arg12[%swap3A_1473, %swap3A_1474] {strides = array<i32>} : memref<10x1024xf32, #tpu.memory_space<vmem>>, vector<16xf32>,
      tpu.vector_store %arg12[%swap3A_1473, %swap3A_1474], %select_n3A_1446 {strides = array<i32>} : memref<10x1024xf32, #tpu.memory_space<vmem>>, vector<16xf32>,
      %swap3A_1476 = arith.constant 9 : i32
      %swap3A_1477 = arith.index_cast %swap3A_1476 : i32 to index
      %swap3A_1478 = arith.constant 240 : index
      %swap3A_1479 = tpu.vector_load %arg12[%swap3A_1477, %swap3A_1478] {strides = array<i32>} : memref<10x1024xf32, #tpu.memory_space<vmem>>, vector<16xf32>,
      tpu.vector_store %arg12[%swap3A_1477, %swap3A_1478], %select_n3A_1447 {strides = array<i32>} : memref<10x1024xf32, #tpu.memory_space<vmem>>, vector<16xf32>,
      %select_n3A_1480 = arith.select %ne3A_946, %gather3A_1392, %gather3A_1388 : vector<16xi1>, vector<16xf32>
      %select_n3A_1481 = arith.select %ne3A_953, %gather3A_1392, %gather3A_1388 : vector<16xi1>, vector<16xf32>
      %select_n3A_1482 = arith.select %ne3A_960, %gather3A_1392, %gather3A_1388 : vector<16xi1>, vector<16xf32>
      %select_n3A_1483 = arith.select %ne3A_967, %gather3A_1392, %gather3A_1388 : vector<16xi1>, vector<16xf32>
      %select_n3A_1484 = arith.select %ne3A_974, %gather3A_1392, %gather3A_1388 : vector<16xi1>, vector<16xf32>
      %select_n3A_1485 = arith.select %ne3A_981, %gather3A_1392, %gather3A_1388 : vector<16xi1>, vector<16xf32>
      %select_n3A_1486 = arith.select %ne3A_988, %gather3A_1392, %gather3A_1388 : vector<16xi1>, vector<16xf32>
      %select_n3A_1487 = arith.select %ne3A_995, %gather3A_1392, %gather3A_1388 : vector<16xi1>, vector<16xf32>
      %swap3A_1488 = arith.constant 9 : i32
      %swap3A_1489 = arith.index_cast %swap3A_1488 : i32 to index
      %swap3A_1490 = arith.constant 256 : index
      %swap3A_1491 = tpu.vector_load %arg12[%swap3A_1489, %swap3A_1490] {strides = array<i32>} : memref<10x1024xf32, #tpu.memory_space<vmem>>, vector<16xf32>,
      tpu.vector_store %arg12[%swap3A_1489, %swap3A_1490], %select_n3A_1480 {strides = array<i32>} : memref<10x1024xf32, #tpu.memory_space<vmem>>, vector<16xf32>,
      %swap3A_1492 = arith.constant 9 : i32
      %swap3A_1493 = arith.index_cast %swap3A_1492 : i32 to index
      %swap3A_1494 = arith.constant 272 : index
      %swap3A_1495 = tpu.vector_load %arg12[%swap3A_1493, %swap3A_1494] {strides = array<i32>} : memref<10x1024xf32, #tpu.memory_space<vmem>>, vector<16xf32>,
      tpu.vector_store %arg12[%swap3A_1493, %swap3A_1494], %select_n3A_1481 {strides = array<i32>} : memref<10x1024xf32, #tpu.memory_space<vmem>>, vector<16xf32>,
      %swap3A_1496 = arith.constant 9 : i32
      %swap3A_1497 = arith.index_cast %swap3A_1496 : i32 to index
      %swap3A_1498 = arith.constant 288 : index
      %swap3A_1499 = tpu.vector_load %arg12[%swap3A_1497, %swap3A_1498] {strides = array<i32>} : memref<10x1024xf32, #tpu.memory_space<vmem>>, vector<16xf32>,
      tpu.vector_store %arg12[%swap3A_1497, %swap3A_1498], %select_n3A_1482 {strides = array<i32>} : memref<10x1024xf32, #tpu.memory_space<vmem>>, vector<16xf32>,
      %swap3A_1500 = arith.constant 9 : i32
      %swap3A_1501 = arith.index_cast %swap3A_1500 : i32 to index
      %swap3A_1502 = arith.constant 304 : index
      %swap3A_1503 = tpu.vector_load %arg12[%swap3A_1501, %swap3A_1502] {strides = array<i32>} : memref<10x1024xf32, #tpu.memory_space<vmem>>, vector<16xf32>,
      tpu.vector_store %arg12[%swap3A_1501, %swap3A_1502], %select_n3A_1483 {strides = array<i32>} : memref<10x1024xf32, #tpu.memory_space<vmem>>, vector<16xf32>,
      %swap3A_1504 = arith.constant 9 : i32
      %swap3A_1505 = arith.index_cast %swap3A_1504 : i32 to index
      %swap3A_1506 = arith.constant 320 : index
      %swap3A_1507 = tpu.vector_load %arg12[%swap3A_1505, %swap3A_1506] {strides = array<i32>} : memref<10x1024xf32, #tpu.memory_space<vmem>>, vector<16xf32>,
      tpu.vector_store %arg12[%swap3A_1505, %swap3A_1506], %select_n3A_1484 {strides = array<i32>} : memref<10x1024xf32, #tpu.memory_space<vmem>>, vector<16xf32>,
      %swap3A_1508 = arith.constant 9 : i32
      %swap3A_1509 = arith.index_cast %swap3A_1508 : i32 to index
      %swap3A_1510 = arith.constant 336 : index
      %swap3A_1511 = tpu.vector_load %arg12[%swap3A_1509, %swap3A_1510] {strides = array<i32>} : memref<10x1024xf32, #tpu.memory_space<vmem>>, vector<16xf32>,
      tpu.vector_store %arg12[%swap3A_1509, %swap3A_1510], %select_n3A_1485 {strides = array<i32>} : memref<10x1024xf32, #tpu.memory_space<vmem>>, vector<16xf32>,
      %swap3A_1512 = arith.constant 9 : i32
      %swap3A_1513 = arith.index_cast %swap3A_1512 : i32 to index
      %swap3A_1514 = arith.constant 352 : index
      %swap3A_1515 = tpu.vector_load %arg12[%swap3A_1513, %swap3A_1514] {strides = array<i32>} : memref<10x1024xf32, #tpu.memory_space<vmem>>, vector<16xf32>,
      tpu.vector_store %arg12[%swap3A_1513, %swap3A_1514], %select_n3A_1486 {strides = array<i32>} : memref<10x1024xf32, #tpu.memory_space<vmem>>, vector<16xf32>,
      %swap3A_1516 = arith.constant 9 : i32
      %swap3A_1517 = arith.index_cast %swap3A_1516 : i32 to index
      %swap3A_1518 = arith.constant 368 : index
      %swap3A_1519 = tpu.vector_load %arg12[%swap3A_1517, %swap3A_1518] {strides = array<i32>} : memref<10x1024xf32, #tpu.memory_space<vmem>>, vector<16xf32>,
      tpu.vector_store %arg12[%swap3A_1517, %swap3A_1518], %select_n3A_1487 {strides = array<i32>} : memref<10x1024xf32, #tpu.memory_space<vmem>>, vector<16xf32>,
      %select_n3A_1520 = arith.select %ne3A_946, %gather3A_1399, %gather3A_1395 : vector<16xi1>, vector<16xf32>
      %select_n3A_1521 = arith.select %ne3A_953, %gather3A_1399, %gather3A_1395 : vector<16xi1>, vector<16xf32>
      %select_n3A_1522 = arith.select %ne3A_960, %gather3A_1399, %gather3A_1395 : vector<16xi1>, vector<16xf32>
      %select_n3A_1523 = arith.select %ne3A_967, %gather3A_1399, %gather3A_1395 : vector<16xi1>, vector<16xf32>
      %select_n3A_1524 = arith.select %ne3A_974, %gather3A_1399, %gather3A_1395 : vector<16xi1>, vector<16xf32>
      %select_n3A_1525 = arith.select %ne3A_981, %gather3A_1399, %gather3A_1395 : vector<16xi1>, vector<16xf32>
      %select_n3A_1526 = arith.select %ne3A_988, %gather3A_1399, %gather3A_1395 : vector<16xi1>, vector<16xf32>
      %select_n3A_1527 = arith.select %ne3A_995, %gather3A_1399, %gather3A_1395 : vector<16xi1>, vector<16xf32>
      %swap3A_1528 = arith.constant 9 : i32
      %swap3A_1529 = arith.index_cast %swap3A_1528 : i32 to index
      %swap3A_1530 = arith.constant 384 : index
      %swap3A_1531 = tpu.vector_load %arg12[%swap3A_1529, %swap3A_1530] {strides = array<i32>} : memref<10x1024xf32, #tpu.memory_space<vmem>>, vector<16xf32>,
      tpu.vector_store %arg12[%swap3A_1529, %swap3A_1530], %select_n3A_1520 {strides = array<i32>} : memref<10x1024xf32, #tpu.memory_space<vmem>>, vector<16xf32>,
      %swap3A_1532 = arith.constant 9 : i32
      %swap3A_1533 = arith.index_cast %swap3A_1532 : i32 to index
      %swap3A_1534 = arith.constant 400 : index
      %swap3A_1535 = tpu.vector_load %arg12[%swap3A_1533, %swap3A_1534] {strides = array<i32>} : memref<10x1024xf32, #tpu.memory_space<vmem>>, vector<16xf32>,
      tpu.vector_store %arg12[%swap3A_1533, %swap3A_1534], %select_n3A_1521 {strides = array<i32>} : memref<10x1024xf32, #tpu.memory_space<vmem>>, vector<16xf32>,
      %swap3A_1536 = arith.constant 9 : i32
      %swap3A_1537 = arith.index_cast %swap3A_1536 : i32 to index
      %swap3A_1538 = arith.constant 416 : index
      %swap3A_1539 = tpu.vector_load %arg12[%swap3A_1537, %swap3A_1538] {strides = array<i32>} : memref<10x1024xf32, #tpu.memory_space<vmem>>, vector<16xf32>,
      tpu.vector_store %arg12[%swap3A_1537, %swap3A_1538], %select_n3A_1522 {strides = array<i32>} : memref<10x1024xf32, #tpu.memory_space<vmem>>, vector<16xf32>,
      %swap3A_1540 = arith.constant 9 : i32
      %swap3A_1541 = arith.index_cast %swap3A_1540 : i32 to index
      %swap3A_1542 = arith.constant 432 : index
      %swap3A_1543 = tpu.vector_load %arg12[%swap3A_1541, %swap3A_1542] {strides = array<i32>} : memref<10x1024xf32, #tpu.memory_space<vmem>>, vector<16xf32>,
      tpu.vector_store %arg12[%swap3A_1541, %swap3A_1542], %select_n3A_1523 {strides = array<i32>} : memref<10x1024xf32, #tpu.memory_space<vmem>>, vector<16xf32>,
      %swap3A_1544 = arith.constant 9 : i32
      %swap3A_1545 = arith.index_cast %swap3A_1544 : i32 to index
      %swap3A_1546 = arith.constant 448 : index
      %swap3A_1547 = tpu.vector_load %arg12[%swap3A_1545, %swap3A_1546] {strides = array<i32>} : memref<10x1024xf32, #tpu.memory_space<vmem>>, vector<16xf32>,
      tpu.vector_store %arg12[%swap3A_1545, %swap3A_1546], %select_n3A_1524 {strides = array<i32>} : memref<10x1024xf32, #tpu.memory_space<vmem>>, vector<16xf32>,
      %swap3A_1548 = arith.constant 9 : i32
      %swap3A_1549 = arith.index_cast %swap3A_1548 : i32 to index
      %swap3A_1550 = arith.constant 464 : index
      %swap3A_1551 = tpu.vector_load %arg12[%swap3A_1549, %swap3A_1550] {strides = array<i32>} : memref<10x1024xf32, #tpu.memory_space<vmem>>, vector<16xf32>,
      tpu.vector_store %arg12[%swap3A_1549, %swap3A_1550], %select_n3A_1525 {strides = array<i32>} : memref<10x1024xf32, #tpu.memory_space<vmem>>, vector<16xf32>,
      %swap3A_1552 = arith.constant 9 : i32
      %swap3A_1553 = arith.index_cast %swap3A_1552 : i32 to index
      %swap3A_1554 = arith.constant 480 : index
      %swap3A_1555 = tpu.vector_load %arg12[%swap3A_1553, %swap3A_1554] {strides = array<i32>} : memref<10x1024xf32, #tpu.memory_space<vmem>>, vector<16xf32>,
      tpu.vector_store %arg12[%swap3A_1553, %swap3A_1554], %select_n3A_1526 {strides = array<i32>} : memref<10x1024xf32, #tpu.memory_space<vmem>>, vector<16xf32>,
      %swap3A_1556 = arith.constant 9 : i32
      %swap3A_1557 = arith.index_cast %swap3A_1556 : i32 to index
      %swap3A_1558 = arith.constant 496 : index
      %swap3A_1559 = tpu.vector_load %arg12[%swap3A_1557, %swap3A_1558] {strides = array<i32>} : memref<10x1024xf32, #tpu.memory_space<vmem>>, vector<16xf32>,
      tpu.vector_store %arg12[%swap3A_1557, %swap3A_1558], %select_n3A_1527 {strides = array<i32>} : memref<10x1024xf32, #tpu.memory_space<vmem>>, vector<16xf32>,
      %broadcast_in_dim3A_1560 = arith.constant 20 : i32
      %broadcast_in_dim3A_1561 = vector.broadcast %broadcast_in_dim3A_1560 : i32 to vector<16xi32>
      %gather3A_1562 = tpu.vector_load_idx %arg13[%broadcast_in_dim3A_1561] : memref<40xf32, #tpu.memory_space<vmem>>[vector<16xi32>], vector<16xf32>,
      %add3A_1563 = arith.constant 16 : i32
      %add3A_1564 = vector.broadcast %add3A_1563 : i32 to vector<16xi32>
      %add3A_1565 = arith.addi %broadcast_in_dim3A_1561, %add3A_1564 : vector<16xi32>
      %gather3A_1566 = tpu.vector_load_idx %arg13[%add3A_1565] : memref<40xf32, #tpu.memory_space<vmem>>[vector<16xi32>], vector<16xf32>,
      %broadcast_in_dim3A_1567 = arith.constant 21 : i32
      %broadcast_in_dim3A_1568 = vector.broadcast %broadcast_in_dim3A_1567 : i32 to vector<16xi32>
      %gather3A_1569 = tpu.vector_load_idx %arg13[%broadcast_in_dim3A_1568] : memref<40xf32, #tpu.memory_space<vmem>>[vector<16xi32>], vector<16xf32>,
      %add3A_1570 = arith.constant 16 : i32
      %add3A_1571 = vector.broadcast %add3A_1570 : i32 to vector<16xi32>
      %add3A_1572 = arith.addi %broadcast_in_dim3A_1568, %add3A_1571 : vector<16xi32>
      %gather3A_1573 = tpu.vector_load_idx %arg13[%add3A_1572] : memref<40xf32, #tpu.memory_space<vmem>>[vector<16xi32>], vector<16xf32>,
      %broadcast_in_dim3A_1574 = arith.constant 22 : i32
      %broadcast_in_dim3A_1575 = vector.broadcast %broadcast_in_dim3A_1574 : i32 to vector<16xi32>
      %gather3A_1576 = tpu.vector_load_idx %arg13[%broadcast_in_dim3A_1575] : memref<40xf32, #tpu.memory_space<vmem>>[vector<16xi32>], vector<16xf32>,
      %add3A_1577 = arith.constant 16 : i32
      %add3A_1578 = vector.broadcast %add3A_1577 : i32 to vector<16xi32>
      %add3A_1579 = arith.addi %broadcast_in_dim3A_1575, %add3A_1578 : vector<16xi32>
      %gather3A_1580 = tpu.vector_load_idx %arg13[%add3A_1579] : memref<40xf32, #tpu.memory_space<vmem>>[vector<16xi32>], vector<16xf32>,
      %broadcast_in_dim3A_1581 = arith.constant 23 : i32
      %broadcast_in_dim3A_1582 = vector.broadcast %broadcast_in_dim3A_1581 : i32 to vector<16xi32>
      %gather3A_1583 = tpu.vector_load_idx %arg13[%broadcast_in_dim3A_1582] : memref<40xf32, #tpu.memory_space<vmem>>[vector<16xi32>], vector<16xf32>,
      %add3A_1584 = arith.constant 16 : i32
      %add3A_1585 = vector.broadcast %add3A_1584 : i32 to vector<16xi32>
      %add3A_1586 = arith.addi %broadcast_in_dim3A_1582, %add3A_1585 : vector<16xi32>
      %gather3A_1587 = tpu.vector_load_idx %arg13[%add3A_1586] : memref<40xf32, #tpu.memory_space<vmem>>[vector<16xi32>], vector<16xf32>,
      %select_n3A_1588 = arith.select %ne3A_946, %gather3A_1566, %gather3A_1562 : vector<16xi1>, vector<16xf32>
      %select_n3A_1589 = arith.select %ne3A_953, %gather3A_1566, %gather3A_1562 : vector<16xi1>, vector<16xf32>
      %select_n3A_1590 = arith.select %ne3A_960, %gather3A_1566, %gather3A_1562 : vector<16xi1>, vector<16xf32>
      %select_n3A_1591 = arith.select %ne3A_967, %gather3A_1566, %gather3A_1562 : vector<16xi1>, vector<16xf32>
      %select_n3A_1592 = arith.select %ne3A_974, %gather3A_1566, %gather3A_1562 : vector<16xi1>, vector<16xf32>
      %select_n3A_1593 = arith.select %ne3A_981, %gather3A_1566, %gather3A_1562 : vector<16xi1>, vector<16xf32>
      %select_n3A_1594 = arith.select %ne3A_988, %gather3A_1566, %gather3A_1562 : vector<16xi1>, vector<16xf32>
      %select_n3A_1595 = arith.select %ne3A_995, %gather3A_1566, %gather3A_1562 : vector<16xi1>, vector<16xf32>
      %swap3A_1596 = arith.constant 9 : i32
      %swap3A_1597 = arith.index_cast %swap3A_1596 : i32 to index
      %swap3A_1598 = arith.constant 512 : index
      %swap3A_1599 = tpu.vector_load %arg12[%swap3A_1597, %swap3A_1598] {strides = array<i32>} : memref<10x1024xf32, #tpu.memory_space<vmem>>, vector<16xf32>,
      tpu.vector_store %arg12[%swap3A_1597, %swap3A_1598], %select_n3A_1588 {strides = array<i32>} : memref<10x1024xf32, #tpu.memory_space<vmem>>, vector<16xf32>,
      %swap3A_1600 = arith.constant 9 : i32
      %swap3A_1601 = arith.index_cast %swap3A_1600 : i32 to index
      %swap3A_1602 = arith.constant 528 : index
      %swap3A_1603 = tpu.vector_load %arg12[%swap3A_1601, %swap3A_1602] {strides = array<i32>} : memref<10x1024xf32, #tpu.memory_space<vmem>>, vector<16xf32>,
      tpu.vector_store %arg12[%swap3A_1601, %swap3A_1602], %select_n3A_1589 {strides = array<i32>} : memref<10x1024xf32, #tpu.memory_space<vmem>>, vector<16xf32>,
      %swap3A_1604 = arith.constant 9 : i32
      %swap3A_1605 = arith.index_cast %swap3A_1604 : i32 to index
      %swap3A_1606 = arith.constant 544 : index
      %swap3A_1607 = tpu.vector_load %arg12[%swap3A_1605, %swap3A_1606] {strides = array<i32>} : memref<10x1024xf32, #tpu.memory_space<vmem>>, vector<16xf32>,
      tpu.vector_store %arg12[%swap3A_1605, %swap3A_1606], %select_n3A_1590 {strides = array<i32>} : memref<10x1024xf32, #tpu.memory_space<vmem>>, vector<16xf32>,
      %swap3A_1608 = arith.constant 9 : i32
      %swap3A_1609 = arith.index_cast %swap3A_1608 : i32 to index
      %swap3A_1610 = arith.constant 560 : index
      %swap3A_1611 = tpu.vector_load %arg12[%swap3A_1609, %swap3A_1610] {strides = array<i32>} : memref<10x1024xf32, #tpu.memory_space<vmem>>, vector<16xf32>,
      tpu.vector_store %arg12[%swap3A_1609, %swap3A_1610], %select_n3A_1591 {strides = array<i32>} : memref<10x1024xf32, #tpu.memory_space<vmem>>, vector<16xf32>,
      %swap3A_1612 = arith.constant 9 : i32
      %swap3A_1613 = arith.index_cast %swap3A_1612 : i32 to index
      %swap3A_1614 = arith.constant 576 : index
      %swap3A_1615 = tpu.vector_load %arg12[%swap3A_1613, %swap3A_1614] {strides = array<i32>} : memref<10x1024xf32, #tpu.memory_space<vmem>>, vector<16xf32>,
      tpu.vector_store %arg12[%swap3A_1613, %swap3A_1614], %select_n3A_1592 {strides = array<i32>} : memref<10x1024xf32, #tpu.memory_space<vmem>>, vector<16xf32>,
      %swap3A_1616 = arith.constant 9 : i32
      %swap3A_1617 = arith.index_cast %swap3A_1616 : i32 to index
      %swap3A_1618 = arith.constant 592 : index
      %swap3A_1619 = tpu.vector_load %arg12[%swap3A_1617, %swap3A_1618] {strides = array<i32>} : memref<10x1024xf32, #tpu.memory_space<vmem>>, vector<16xf32>,
      tpu.vector_store %arg12[%swap3A_1617, %swap3A_1618], %select_n3A_1593 {strides = array<i32>} : memref<10x1024xf32, #tpu.memory_space<vmem>>, vector<16xf32>,
      %swap3A_1620 = arith.constant 9 : i32
      %swap3A_1621 = arith.index_cast %swap3A_1620 : i32 to index
      %swap3A_1622 = arith.constant 608 : index
      %swap3A_1623 = tpu.vector_load %arg12[%swap3A_1621, %swap3A_1622] {strides = array<i32>} : memref<10x1024xf32, #tpu.memory_space<vmem>>, vector<16xf32>,
      tpu.vector_store %arg12[%swap3A_1621, %swap3A_1622], %select_n3A_1594 {strides = array<i32>} : memref<10x1024xf32, #tpu.memory_space<vmem>>, vector<16xf32>,
      %swap3A_1624 = arith.constant 9 : i32
      %swap3A_1625 = arith.index_cast %swap3A_1624 : i32 to index
      %swap3A_1626 = arith.constant 624 : index
      %swap3A_1627 = tpu.vector_load %arg12[%swap3A_1625, %swap3A_1626] {strides = array<i32>} : memref<10x1024xf32, #tpu.memory_space<vmem>>, vector<16xf32>,
      tpu.vector_store %arg12[%swap3A_1625, %swap3A_1626], %select_n3A_1595 {strides = array<i32>} : memref<10x1024xf32, #tpu.memory_space<vmem>>, vector<16xf32>,
      %select_n3A_1628 = arith.select %ne3A_946, %gather3A_1573, %gather3A_1569 : vector<16xi1>, vector<16xf32>
      %select_n3A_1629 = arith.select %ne3A_953, %gather3A_1573, %gather3A_1569 : vector<16xi1>, vector<16xf32>
      %select_n3A_1630 = arith.select %ne3A_960, %gather3A_1573, %gather3A_1569 : vector<16xi1>, vector<16xf32>
      %select_n3A_1631 = arith.select %ne3A_967, %gather3A_1573, %gather3A_1569 : vector<16xi1>, vector<16xf32>
      %select_n3A_1632 = arith.select %ne3A_974, %gather3A_1573, %gather3A_1569 : vector<16xi1>, vector<16xf32>
      %select_n3A_1633 = arith.select %ne3A_981, %gather3A_1573, %gather3A_1569 : vector<16xi1>, vector<16xf32>
      %select_n3A_1634 = arith.select %ne3A_988, %gather3A_1573, %gather3A_1569 : vector<16xi1>, vector<16xf32>
      %select_n3A_1635 = arith.select %ne3A_995, %gather3A_1573, %gather3A_1569 : vector<16xi1>, vector<16xf32>
      %swap3A_1636 = arith.constant 9 : i32
      %swap3A_1637 = arith.index_cast %swap3A_1636 : i32 to index
      %swap3A_1638 = arith.constant 640 : index
      %swap3A_1639 = tpu.vector_load %arg12[%swap3A_1637, %swap3A_1638] {strides = array<i32>} : memref<10x1024xf32, #tpu.memory_space<vmem>>, vector<16xf32>,
      tpu.vector_store %arg12[%swap3A_1637, %swap3A_1638], %select_n3A_1628 {strides = array<i32>} : memref<10x1024xf32, #tpu.memory_space<vmem>>, vector<16xf32>,
      %swap3A_1640 = arith.constant 9 : i32
      %swap3A_1641 = arith.index_cast %swap3A_1640 : i32 to index
      %swap3A_1642 = arith.constant 656 : index
      %swap3A_1643 = tpu.vector_load %arg12[%swap3A_1641, %swap3A_1642] {strides = array<i32>} : memref<10x1024xf32, #tpu.memory_space<vmem>>, vector<16xf32>,
      tpu.vector_store %arg12[%swap3A_1641, %swap3A_1642], %select_n3A_1629 {strides = array<i32>} : memref<10x1024xf32, #tpu.memory_space<vmem>>, vector<16xf32>,
      %swap3A_1644 = arith.constant 9 : i32
      %swap3A_1645 = arith.index_cast %swap3A_1644 : i32 to index
      %swap3A_1646 = arith.constant 672 : index
      %swap3A_1647 = tpu.vector_load %arg12[%swap3A_1645, %swap3A_1646] {strides = array<i32>} : memref<10x1024xf32, #tpu.memory_space<vmem>>, vector<16xf32>,
      tpu.vector_store %arg12[%swap3A_1645, %swap3A_1646], %select_n3A_1630 {strides = array<i32>} : memref<10x1024xf32, #tpu.memory_space<vmem>>, vector<16xf32>,
      %swap3A_1648 = arith.constant 9 : i32
      %swap3A_1649 = arith.index_cast %swap3A_1648 : i32 to index
      %swap3A_1650 = arith.constant 688 : index
      %swap3A_1651 = tpu.vector_load %arg12[%swap3A_1649, %swap3A_1650] {strides = array<i32>} : memref<10x1024xf32, #tpu.memory_space<vmem>>, vector<16xf32>,
      tpu.vector_store %arg12[%swap3A_1649, %swap3A_1650], %select_n3A_1631 {strides = array<i32>} : memref<10x1024xf32, #tpu.memory_space<vmem>>, vector<16xf32>,
      %swap3A_1652 = arith.constant 9 : i32
      %swap3A_1653 = arith.index_cast %swap3A_1652 : i32 to index
      %swap3A_1654 = arith.constant 704 : index
      %swap3A_1655 = tpu.vector_load %arg12[%swap3A_1653, %swap3A_1654] {strides = array<i32>} : memref<10x1024xf32, #tpu.memory_space<vmem>>, vector<16xf32>,
      tpu.vector_store %arg12[%swap3A_1653, %swap3A_1654], %select_n3A_1632 {strides = array<i32>} : memref<10x1024xf32, #tpu.memory_space<vmem>>, vector<16xf32>,
      %swap3A_1656 = arith.constant 9 : i32
      %swap3A_1657 = arith.index_cast %swap3A_1656 : i32 to index
      %swap3A_1658 = arith.constant 720 : index
      %swap3A_1659 = tpu.vector_load %arg12[%swap3A_1657, %swap3A_1658] {strides = array<i32>} : memref<10x1024xf32, #tpu.memory_space<vmem>>, vector<16xf32>,
      tpu.vector_store %arg12[%swap3A_1657, %swap3A_1658], %select_n3A_1633 {strides = array<i32>} : memref<10x1024xf32, #tpu.memory_space<vmem>>, vector<16xf32>,
      %swap3A_1660 = arith.constant 9 : i32
      %swap3A_1661 = arith.index_cast %swap3A_1660 : i32 to index
      %swap3A_1662 = arith.constant 736 : index
      %swap3A_1663 = tpu.vector_load %arg12[%swap3A_1661, %swap3A_1662] {strides = array<i32>} : memref<10x1024xf32, #tpu.memory_space<vmem>>, vector<16xf32>,
      tpu.vector_store %arg12[%swap3A_1661, %swap3A_1662], %select_n3A_1634 {strides = array<i32>} : memref<10x1024xf32, #tpu.memory_space<vmem>>, vector<16xf32>,
      %swap3A_1664 = arith.constant 9 : i32
      %swap3A_1665 = arith.index_cast %swap3A_1664 : i32 to index
      %swap3A_1666 = arith.constant 752 : index
      %swap3A_1667 = tpu.vector_load %arg12[%swap3A_1665, %swap3A_1666] {strides = array<i32>} : memref<10x1024xf32, #tpu.memory_space<vmem>>, vector<16xf32>,
      tpu.vector_store %arg12[%swap3A_1665, %swap3A_1666], %select_n3A_1635 {strides = array<i32>} : memref<10x1024xf32, #tpu.memory_space<vmem>>, vector<16xf32>,
      %select_n3A_1668 = arith.select %ne3A_946, %gather3A_1580, %gather3A_1576 : vector<16xi1>, vector<16xf32>
      %select_n3A_1669 = arith.select %ne3A_953, %gather3A_1580, %gather3A_1576 : vector<16xi1>, vector<16xf32>
      %select_n3A_1670 = arith.select %ne3A_960, %gather3A_1580, %gather3A_1576 : vector<16xi1>, vector<16xf32>
      %select_n3A_1671 = arith.select %ne3A_967, %gather3A_1580, %gather3A_1576 : vector<16xi1>, vector<16xf32>
      %select_n3A_1672 = arith.select %ne3A_974, %gather3A_1580, %gather3A_1576 : vector<16xi1>, vector<16xf32>
      %select_n3A_1673 = arith.select %ne3A_981, %gather3A_1580, %gather3A_1576 : vector<16xi1>, vector<16xf32>
      %select_n3A_1674 = arith.select %ne3A_988, %gather3A_1580, %gather3A_1576 : vector<16xi1>, vector<16xf32>
      %select_n3A_1675 = arith.select %ne3A_995, %gather3A_1580, %gather3A_1576 : vector<16xi1>, vector<16xf32>
      %swap3A_1676 = arith.constant 9 : i32
      %swap3A_1677 = arith.index_cast %swap3A_1676 : i32 to index
      %swap3A_1678 = arith.constant 768 : index
      %swap3A_1679 = tpu.vector_load %arg12[%swap3A_1677, %swap3A_1678] {strides = array<i32>} : memref<10x1024xf32, #tpu.memory_space<vmem>>, vector<16xf32>,
      tpu.vector_store %arg12[%swap3A_1677, %swap3A_1678], %select_n3A_1668 {strides = array<i32>} : memref<10x1024xf32, #tpu.memory_space<vmem>>, vector<16xf32>,
      %swap3A_1680 = arith.constant 9 : i32
      %swap3A_1681 = arith.index_cast %swap3A_1680 : i32 to index
      %swap3A_1682 = arith.constant 784 : index
      %swap3A_1683 = tpu.vector_load %arg12[%swap3A_1681, %swap3A_1682] {strides = array<i32>} : memref<10x1024xf32, #tpu.memory_space<vmem>>, vector<16xf32>,
      tpu.vector_store %arg12[%swap3A_1681, %swap3A_1682], %select_n3A_1669 {strides = array<i32>} : memref<10x1024xf32, #tpu.memory_space<vmem>>, vector<16xf32>,
      %swap3A_1684 = arith.constant 9 : i32
      %swap3A_1685 = arith.index_cast %swap3A_1684 : i32 to index
      %swap3A_1686 = arith.constant 800 : index
      %swap3A_1687 = tpu.vector_load %arg12[%swap3A_1685, %swap3A_1686] {strides = array<i32>} : memref<10x1024xf32, #tpu.memory_space<vmem>>, vector<16xf32>,
      tpu.vector_store %arg12[%swap3A_1685, %swap3A_1686], %select_n3A_1670 {strides = array<i32>} : memref<10x1024xf32, #tpu.memory_space<vmem>>, vector<16xf32>,
      %swap3A_1688 = arith.constant 9 : i32
      %swap3A_1689 = arith.index_cast %swap3A_1688 : i32 to index
      %swap3A_1690 = arith.constant 816 : index
      %swap3A_1691 = tpu.vector_load %arg12[%swap3A_1689, %swap3A_1690] {strides = array<i32>} : memref<10x1024xf32, #tpu.memory_space<vmem>>, vector<16xf32>,
      tpu.vector_store %arg12[%swap3A_1689, %swap3A_1690], %select_n3A_1671 {strides = array<i32>} : memref<10x1024xf32, #tpu.memory_space<vmem>>, vector<16xf32>,
      %swap3A_1692 = arith.constant 9 : i32
      %swap3A_1693 = arith.index_cast %swap3A_1692 : i32 to index
      %swap3A_1694 = arith.constant 832 : index
      %swap3A_1695 = tpu.vector_load %arg12[%swap3A_1693, %swap3A_1694] {strides = array<i32>} : memref<10x1024xf32, #tpu.memory_space<vmem>>, vector<16xf32>,
      tpu.vector_store %arg12[%swap3A_1693, %swap3A_1694], %select_n3A_1672 {strides = array<i32>} : memref<10x1024xf32, #tpu.memory_space<vmem>>, vector<16xf32>,
      %swap3A_1696 = arith.constant 9 : i32
      %swap3A_1697 = arith.index_cast %swap3A_1696 : i32 to index
      %swap3A_1698 = arith.constant 848 : index
      %swap3A_1699 = tpu.vector_load %arg12[%swap3A_1697, %swap3A_1698] {strides = array<i32>} : memref<10x1024xf32, #tpu.memory_space<vmem>>, vector<16xf32>,
      tpu.vector_store %arg12[%swap3A_1697, %swap3A_1698], %select_n3A_1673 {strides = array<i32>} : memref<10x1024xf32, #tpu.memory_space<vmem>>, vector<16xf32>,
      %swap3A_1700 = arith.constant 9 : i32
      %swap3A_1701 = arith.index_cast %swap3A_1700 : i32 to index
      %swap3A_1702 = arith.constant 864 : index
      %swap3A_1703 = tpu.vector_load %arg12[%swap3A_1701, %swap3A_1702] {strides = array<i32>} : memref<10x1024xf32, #tpu.memory_space<vmem>>, vector<16xf32>,
      tpu.vector_store %arg12[%swap3A_1701, %swap3A_1702], %select_n3A_1674 {strides = array<i32>} : memref<10x1024xf32, #tpu.memory_space<vmem>>, vector<16xf32>,
      %swap3A_1704 = arith.constant 9 : i32
      %swap3A_1705 = arith.index_cast %swap3A_1704 : i32 to index
      %swap3A_1706 = arith.constant 880 : index
      %swap3A_1707 = tpu.vector_load %arg12[%swap3A_1705, %swap3A_1706] {strides = array<i32>} : memref<10x1024xf32, #tpu.memory_space<vmem>>, vector<16xf32>,
      tpu.vector_store %arg12[%swap3A_1705, %swap3A_1706], %select_n3A_1675 {strides = array<i32>} : memref<10x1024xf32, #tpu.memory_space<vmem>>, vector<16xf32>,
      %select_n3A_1708 = arith.select %ne3A_946, %gather3A_1587, %gather3A_1583 : vector<16xi1>, vector<16xf32>
      %select_n3A_1709 = arith.select %ne3A_953, %gather3A_1587, %gather3A_1583 : vector<16xi1>, vector<16xf32>
      %select_n3A_1710 = arith.select %ne3A_960, %gather3A_1587, %gather3A_1583 : vector<16xi1>, vector<16xf32>
      %select_n3A_1711 = arith.select %ne3A_967, %gather3A_1587, %gather3A_1583 : vector<16xi1>, vector<16xf32>
      %select_n3A_1712 = arith.select %ne3A_974, %gather3A_1587, %gather3A_1583 : vector<16xi1>, vector<16xf32>
      %select_n3A_1713 = arith.select %ne3A_981, %gather3A_1587, %gather3A_1583 : vector<16xi1>, vector<16xf32>
      %select_n3A_1714 = arith.select %ne3A_988, %gather3A_1587, %gather3A_1583 : vector<16xi1>, vector<16xf32>
      %select_n3A_1715 = arith.select %ne3A_995, %gather3A_1587, %gather3A_1583 : vector<16xi1>, vector<16xf32>
      %swap3A_1716 = arith.constant 9 : i32
      %swap3A_1717 = arith.index_cast %swap3A_1716 : i32 to index
      %swap3A_1718 = arith.constant 896 : index
      %swap3A_1719 = tpu.vector_load %arg12[%swap3A_1717, %swap3A_1718] {strides = array<i32>} : memref<10x1024xf32, #tpu.memory_space<vmem>>, vector<16xf32>,
      tpu.vector_store %arg12[%swap3A_1717, %swap3A_1718], %select_n3A_1708 {strides = array<i32>} : memref<10x1024xf32, #tpu.memory_space<vmem>>, vector<16xf32>,
      %swap3A_1720 = arith.constant 9 : i32
      %swap3A_1721 = arith.index_cast %swap3A_1720 : i32 to index
      %swap3A_1722 = arith.constant 912 : index
      %swap3A_1723 = tpu.vector_load %arg12[%swap3A_1721, %swap3A_1722] {strides = array<i32>} : memref<10x1024xf32, #tpu.memory_space<vmem>>, vector<16xf32>,
      tpu.vector_store %arg12[%swap3A_1721, %swap3A_1722], %select_n3A_1709 {strides = array<i32>} : memref<10x1024xf32, #tpu.memory_space<vmem>>, vector<16xf32>,
      %swap3A_1724 = arith.constant 9 : i32
      %swap3A_1725 = arith.index_cast %swap3A_1724 : i32 to index
      %swap3A_1726 = arith.constant 928 : index
      %swap3A_1727 = tpu.vector_load %arg12[%swap3A_1725, %swap3A_1726] {strides = array<i32>} : memref<10x1024xf32, #tpu.memory_space<vmem>>, vector<16xf32>,
      tpu.vector_store %arg12[%swap3A_1725, %swap3A_1726], %select_n3A_1710 {strides = array<i32>} : memref<10x1024xf32, #tpu.memory_space<vmem>>, vector<16xf32>,
      %swap3A_1728 = arith.constant 9 : i32
      %swap3A_1729 = arith.index_cast %swap3A_1728 : i32 to index
      %swap3A_1730 = arith.constant 944 : index
      %swap3A_1731 = tpu.vector_load %arg12[%swap3A_1729, %swap3A_1730] {strides = array<i32>} : memref<10x1024xf32, #tpu.memory_space<vmem>>, vector<16xf32>,
      tpu.vector_store %arg12[%swap3A_1729, %swap3A_1730], %select_n3A_1711 {strides = array<i32>} : memref<10x1024xf32, #tpu.memory_space<vmem>>, vector<16xf32>,
      %swap3A_1732 = arith.constant 9 : i32
      %swap3A_1733 = arith.index_cast %swap3A_1732 : i32 to index
      %swap3A_1734 = arith.constant 960 : index
      %swap3A_1735 = tpu.vector_load %arg12[%swap3A_1733, %swap3A_1734] {strides = array<i32>} : memref<10x1024xf32, #tpu.memory_space<vmem>>, vector<16xf32>,
      tpu.vector_store %arg12[%swap3A_1733, %swap3A_1734], %select_n3A_1712 {strides = array<i32>} : memref<10x1024xf32, #tpu.memory_space<vmem>>, vector<16xf32>,
      %swap3A_1736 = arith.constant 9 : i32
      %swap3A_1737 = arith.index_cast %swap3A_1736 : i32 to index
      %swap3A_1738 = arith.constant 976 : index
      %swap3A_1739 = tpu.vector_load %arg12[%swap3A_1737, %swap3A_1738] {strides = array<i32>} : memref<10x1024xf32, #tpu.memory_space<vmem>>, vector<16xf32>,
      tpu.vector_store %arg12[%swap3A_1737, %swap3A_1738], %select_n3A_1713 {strides = array<i32>} : memref<10x1024xf32, #tpu.memory_space<vmem>>, vector<16xf32>,
      %swap3A_1740 = arith.constant 9 : i32
      %swap3A_1741 = arith.index_cast %swap3A_1740 : i32 to index
      %swap3A_1742 = arith.constant 992 : index
      %swap3A_1743 = tpu.vector_load %arg12[%swap3A_1741, %swap3A_1742] {strides = array<i32>} : memref<10x1024xf32, #tpu.memory_space<vmem>>, vector<16xf32>,
      tpu.vector_store %arg12[%swap3A_1741, %swap3A_1742], %select_n3A_1714 {strides = array<i32>} : memref<10x1024xf32, #tpu.memory_space<vmem>>, vector<16xf32>,
      %swap3A_1744 = arith.constant 9 : i32
      %swap3A_1745 = arith.index_cast %swap3A_1744 : i32 to index
      %swap3A_1746 = arith.constant 1008 : index
      %swap3A_1747 = tpu.vector_load %arg12[%swap3A_1745, %swap3A_1746] {strides = array<i32>} : memref<10x1024xf32, #tpu.memory_space<vmem>>, vector<16xf32>,
      tpu.vector_store %arg12[%swap3A_1745, %swap3A_1746], %select_n3A_1715 {strides = array<i32>} : memref<10x1024xf32, #tpu.memory_space<vmem>>, vector<16xf32>,
      %lt3A_1748 = arith.constant 99 : i32
      %lt3A_1749 = arith.cmpi slt, %scan3A_77, %lt3A_1748 : i32
      %convert_element_type3A_1750 = arith.extui %lt3A_1749 : i1 to i32
      %cond3A_1751 = arith.constant 0 : i32
      %cond3A_1752 = arith.cmpi ne, %convert_element_type3A_1750, %cond3A_1751 : i32
      scf.if %cond3A_1752 {
        %add3A_1761 = arith.constant 2 : i32
        %add3A_1762 = arith.addi %add3A_918, %add3A_1761 : i32
        %div3A_1763 = arith.constant 8 : i32
        %div3A_1764 = arith.divsi %add3A_1762, %div3A_1763 : i32
        %rem3A_1765 = arith.constant 8 : i32
        %rem3A_1766 = arith.remsi %add3A_1762, %rem3A_1765 : i32
        %dma_start3A_1767 = arith.constant 0 : i32
        %dma_start3A_1768 = tpu.memref_slice %arg7[%div3A_1764, %rem3A_1766, %dma_start3A_1767] : memref<25x8x128xi32, #tpu.memory_space<vmem>> -> memref<1x1x128xi32, #tpu.memory_space<vmem>>
        %dma_start3A_1769 = tpu.memref_squeeze %dma_start3A_1768 : memref<1x1x128xi32, #tpu.memory_space<vmem>> -> memref<128xi32, #tpu.memory_space<vmem>>
        %dma_start3A_1770 = arith.constant 0 : i32
        %dma_start3A_1771 = arith.constant 0 : i32
        %dma_start3A_1772 = tpu.memref_slice %arg4[%dma_start3A_1770, %dma_start3A_1771] : memref<1000000x64xf32, #tpu.memory_space<hbm>> -> memref<1000000x64xf32, #tpu.memory_space<hbm>>
        tpu.enqueue_indirect_dma source(%dma_start3A_1772 : memref<1000000x64xf32, #tpu.memory_space<hbm>>) target(%arg10 : memref<128x64xf32, #tpu.memory_space<vmem>>) offsets(%dma_start3A_1769 : memref<128xi32, #tpu.memory_space<vmem>>) semaphore(%arg15 : memref<!tpu.dma_semaphore, #tpu.memory_space<semaphore_mem>>)
      } else {
      }
      %dma_start3A_1753 = arith.constant 0 : i32
      %dma_start3A_1754 = arith.constant 0 : i32
      %dma_start3A_1755 = tpu.memref_slice %arg6[%add3A_918, %dma_start3A_1753, %add3A, %dma_start3A_1754] : memref<200x10x32x1024xf32, #tpu.memory_space<hbm>> -> memref<1x10x1x1024xf32, #tpu.memory_space<hbm>>
      %dma_start3A_1756 = tpu.memref_squeeze %dma_start3A_1755 : memref<1x10x1x1024xf32, #tpu.memory_space<hbm>> -> memref<10x1024xf32, #tpu.memory_space<hbm>>
      %dma_start3A_1757 = arith.constant 0 : i32
      %dma_start3A_1758 = arith.constant 0 : i32
      %dma_start3A_1759 = tpu.memref_slice %arg6[%add3A_918, %dma_start3A_1757, %add3A, %dma_start3A_1758] : memref<200x10x32x1024xf32, #tpu.memory_space<hbm>> -> memref<1x10x1x1024xf32, #tpu.memory_space<hbm>>
      %dma_start3A_1760 = tpu.memref_squeeze %dma_start3A_1759 : memref<1x10x1x1024xf32, #tpu.memory_space<hbm>> -> memref<10x1024xf32, #tpu.memory_space<hbm>>
      tpu.enqueue_dma source(%arg12 : memref<10x1024xf32, #tpu.memory_space<vmem>>) target(%dma_start3A_1760 : memref<10x1024xf32, #tpu.memory_space<hbm>>) target_semaphore(%arg17 : memref<!tpu.dma_semaphore, #tpu.memory_space<semaphore_mem>>)
    }
    %scan3A_59 = arith.constant 100 : i32
    %dma_wait3A = arith.constant 198 : i32
    %dma_wait3A_60 = arith.constant 0 : i32
    %dma_wait3A_61 = arith.constant 0 : i32
    %dma_wait3A_62 = tpu.memref_slice %arg6[%dma_wait3A, %dma_wait3A_60, %add3A, %dma_wait3A_61] : memref<200x10x32x1024xf32, #tpu.memory_space<hbm>> -> memref<1x10x1x1024xf32, #tpu.memory_space<hbm>>
    %dma_wait3A_63 = tpu.memref_squeeze %dma_wait3A_62 : memref<1x10x1x1024xf32, #tpu.memory_space<hbm>> -> memref<10x1024xf32, #tpu.memory_space<hbm>>
    %dma_wait3A_64 = arith.constant 0 : i32
    %dma_wait3A_65 = arith.constant 0 : i32
    %dma_wait3A_66 = tpu.memref_slice %arg6[%dma_wait3A, %dma_wait3A_64, %add3A, %dma_wait3A_65] : memref<200x10x32x1024xf32, #tpu.memory_space<hbm>> -> memref<1x10x1x1024xf32, #tpu.memory_space<hbm>>
    %dma_wait3A_67 = tpu.memref_squeeze %dma_wait3A_66 : memref<1x10x1x1024xf32, #tpu.memory_space<hbm>> -> memref<10x1024xf32, #tpu.memory_space<hbm>>
    tpu.wait_dma2 semaphore(%arg16 : memref<!tpu.dma_semaphore, #tpu.memory_space<semaphore_mem>>) src(%arg11 : memref<10x1024xf32, #tpu.memory_space<vmem>>) dst(%dma_wait3A_67 : memref<10x1024xf32, #tpu.memory_space<hbm>>)
    %dma_wait3A_68 = arith.constant 199 : i32
    %dma_wait3A_69 = arith.constant 0 : i32
    %dma_wait3A_70 = arith.constant 0 : i32
    %dma_wait3A_71 = tpu.memref_slice %arg6[%dma_wait3A_68, %dma_wait3A_69, %add3A, %dma_wait3A_70] : memref<200x10x32x1024xf32, #tpu.memory_space<hbm>> -> memref<1x10x1x1024xf32, #tpu.memory_space<hbm>>
    %dma_wait3A_72 = tpu.memref_squeeze %dma_wait3A_71 : memref<1x10x1x1024xf32, #tpu.memory_space<hbm>> -> memref<10x1024xf32, #tpu.memory_space<hbm>>
    %dma_wait3A_73 = arith.constant 0 : i32
    %dma_wait3A_74 = arith.constant 0 : i32
    %dma_wait3A_75 = tpu.memref_slice %arg6[%dma_wait3A_68, %dma_wait3A_73, %add3A, %dma_wait3A_74] : memref<200x10x32x1024xf32, #tpu.memory_space<hbm>> -> memref<1x10x1x1024xf32, #tpu.memory_space<hbm>>
    %dma_wait3A_76 = tpu.memref_squeeze %dma_wait3A_75 : memref<1x10x1x1024xf32, #tpu.memory_space<hbm>> -> memref<10x1024xf32, #tpu.memory_space<hbm>>
    tpu.wait_dma2 semaphore(%arg17 : memref<!tpu.dma_semaphore, #tpu.memory_space<semaphore_mem>>) src(%arg12 : memref<10x1024xf32, #tpu.memory_space<vmem>>) dst(%dma_wait3A_76 : memref<10x1024xf32, #tpu.memory_space<hbm>>)
    return
  }
}

</mosaic_0001>

<sc_bundles>
// kernel: kernel.3.cloned.1.call-start
scs
__scs_entry_jumppad:
0x0: {  	(pc) =	sbr.rel $0x88, $3  }
0x1: {  	(tag) =	ssettag $0x0;
	lr =	simm.s32 $0x1  }
0x2: {  	[smem:$0x3F9D] =	sst lr;
	_ =	strace $0xD0000000  }
0x3: {  	_ = 	snop  }
0x4: {  	_ = 	snop  }
0x5: {  	_ = 	snop  }
0x6: {  	_ = 	snop  }
0x7: {  	_ = 	snop  }
__scs_overlays_trampoline_lowered:
0x8: {  	[smem:$0x3FAC] =	sst s0  }
0x9: {  	[smem:$0x3FAD] =	sst s1  }
0xa: {  	[smem:$0x3FAE] =	sst s2  }
0xb: {  	[smem:$0x3FAF] =	sst s3  }
0xc: {  	[smem:$0x3FB0] =	sst s4  }
0xd: {  	[smem:$0x3FB1] =	sst s5  }
0xe: {  	[smem:$0x3FB2] =	sst s6  }
0xf: {  	[smem:$0x3FB3] =	sst s7  }
0x10: {  	[smem:$0x3FB4] =	sst s8  }
0x11: {  	[smem:$0x3FB5] =	sst s9;
	s0 =	simm.s32 @!p0 $0x0  }
0x12: {  	s1 =	sld [smem:$0x3F9B];
	s0 =	simm.s32 @p0 $0x1  }
0x13: {  	[smem:$0x3FB6] =	sst s0;
	s0 =	simm.s32 @!p1 $0x0  }
0x14: {  	s2 =	sld [smem:$0x3F9A];
	s0 =	simm.s32 @p1 $0x1  }
0x15: {  	[smem:$0x3FB7] =	sst s0;
	s0 =	simm.s32 @!p2 $0x0  }
0x16: {  	s3 =	sld [smem:$0x3FDB];
	s0 =	simm.s32 @p2 $0x1  }
0x17: {  	s4 =	simm.s32 $0x1BF5;
	[smem:$0x3FB9] =	sst s0  }
0x18: {  	s0 =	sld [smem:$0x3F9C];
	_ =	swait.ge [sflag:s4], $0x0  }
0x19: {  	s7 =	sld [smem:$0x3F9D]  }
0x1a: {  	s8 =	sadd.s32 $0xFFFFE003, lr  }
0x1b: {  	s9 =	sadd.s32 $0xFFFFFEF7, lr;
	s5 =	simm.s32 $0xFFFFFFFF;
	p2 =	slt.u32 s8, $0xFFFFF086  }
0x1c: {  	p1 =	slt.u32 s9, $0xF7A;
	s5 =	simm.s32 @!p2 $0x0  }
0x1d: {  	s5 =	simm.s32 @p1 $0x1;
	p0 =	seq.s32 s7, s2  }
0x1e: {  	s7 =	smul.u32 @!p0 $0xF7A, s2;
	p2 =	seq.s32 @!p0 s5, $0x0  }
0x1f: {  	s9 =	smul.u32 $0xF7A, s1;
	s8 =	simm.s32 @!p0 $0x1BF5;
	p2 =	por !p2, p0  }
0x20: {  	[sflag:s8] =	ssyncset.s32 @!p0 $0xFFFFF086;
	s6 =	sadd.s32 @!p0 s3, s7;
	s7 =	simm.s32 @!p0 $0x108  }
0x21: {  	s3 =	sadd.s32 s3, s9;
	s6 =	sadd.s32 @!p0 $0x88, s6;
	s7 =	simm.s32 @p2 $0x1082  }
0x22: {  	[simem:s7], [sflag:s8] =	dma.local @!p0 [hbm:s6], $0xF7A  }
0x23: {  	s9 =	sor.u32 $0xD0000000, s2;
	s6 =	simm.s32 $0x108;
	_ =	swait.ge @!p0 [sflag:s8], $0x0  }
0x24: {  	s3 =	sadd.s32 $0x88, s3;
	s6 =	simm.s32 @!p1 $0x1082;
	[sflag:s4] =	ssyncset.s32 $0xFFFFF086  }
0x25: {  	[simem:s6], [sflag:s4] =	dma.local [hbm:s3], $0xF7A  }
0x26: {  	[smem:$0x3F9D] =	sst s1;
	(tag) =	ssettag s2;
	_ =	strace s9  }
0x27: {  	s1 =	sld [smem:$0x3FAD]  }
0x28: {  	s2 =	sld [smem:$0x3FAE]  }
0x29: {  	s4 =	sld [smem:$0x3FB0]  }
0x2a: {  	p0 =	seq.s32 s5, $0x0;
	s5 =	sld [smem:$0x3FB1]  }
0x2b: {  	s6 =	sld [smem:$0x3FB2]  }
0x2c: {  	s7 =	sld [smem:$0x3FB3]  }
0x2d: {  	s3 =	simm.s32 $0x108;
	s8 =	sld [smem:$0x3FB4]  }
0x2e: {  	s3 =	simm.s32 @!p0 $0x1082;
	s9 =	sld [smem:$0x3FB5]  }
0x2f: {  	lr =	sadd.s32 s0, s3;
	s0 =	sld [smem:$0x3FAC]  }
0x30: {  	s3 =	sld [smem:$0x3FAF]  }
0x31: {  	[smem:$0x3FB8] =	sst s10  }
0x32: {  	s10 =	sld [smem:$0x3FB6];
	_ =	sdelay $0x3  }
0x33: {  	p0 =	seq.s32 s10, $0x1;
	s10 =	sld [smem:$0x3FB8];
	_ =	sdelay $0x3  }
0x34: {  	[smem:$0x3FB8] =	sst s10  }
0x35: {  	s10 =	sld [smem:$0x3FB7];
	_ =	sdelay $0x3  }
0x36: {  	p1 =	seq.s32 s10, $0x1;
	s10 =	sld [smem:$0x3FB8];
	_ =	sdelay $0x3  }
0x37: {  	[smem:$0x3FB8] =	sst s10  }
0x38: {  	s10 =	sld [smem:$0x3FB9]  }
0x39: {  	_ = 	snop;
	(pc) =	sbr.ind lr, $3  }
0x3a: {  	_ = 	snop  }
0x3b: {  	_ = 	snop  }
0x3c: {  	p2 =	seq.s32 s10, $0x1;
	s10 =	sld [smem:$0x3FB8]  }
0x3d: {  	_ =	shalt  }
0x3e: {  	_ =	shalt  }
0x3f: {  	_ =	shalt  }
0x40: {  	_ =	shalt  }
0x41: {  	_ =	shalt  }
0x42: {  	_ =	shalt  }
0x43: {  	_ =	shalt  }
0x44: {  	_ =	shalt  }
0x45: {  	_ =	shalt  }
0x46: {  	_ =	shalt  }
0x47: {  	_ =	shalt  }
0x48: {  	_ =	shalt  }
0x49: {  	_ =	shalt  }
0x4a: {  	_ =	shalt  }
0x4b: {  	_ =	shalt  }
0x4c: {  	_ =	shalt  }
0x4d: {  	_ =	shalt  }
0x4e: {  	_ =	shalt  }
0x4f: {  	_ =	shalt  }
0x50: {  	_ =	shalt  }
0x51: {  	_ =	shalt  }
0x52: {  	_ =	shalt  }
0x53: {  	_ =	shalt  }
0x54: {  	_ =	shalt  }
0x55: {  	_ =	shalt  }
0x56: {  	_ =	shalt  }
0x57: {  	_ =	shalt  }
0x58: {  	_ =	shalt  }
0x59: {  	_ =	shalt  }
0x5a: {  	_ =	shalt  }
0x5b: {  	_ =	shalt  }
0x5c: {  	_ =	shalt  }
0x5d: {  	_ =	shalt  }
0x5e: {  	_ =	shalt  }
0x5f: {  	_ =	shalt  }
0x60: {  	_ =	shalt  }
0x61: {  	_ =	shalt  }
0x62: {  	_ =	shalt  }
0x63: {  	_ =	shalt  }
0x64: {  	_ =	shalt  }
0x65: {  	_ =	shalt  }
0x66: {  	_ =	shalt  }
0x67: {  	_ =	shalt  }
0x68: {  	_ =	shalt  }
0x69: {  	_ =	shalt  }
0x6a: {  	_ =	shalt  }
0x6b: {  	_ =	shalt  }
0x6c: {  	_ =	shalt  }
0x6d: {  	_ =	shalt  }
0x6e: {  	_ =	shalt  }
0x6f: {  	_ =	shalt  }
0x70: {  	_ =	shalt  }
0x71: {  	_ =	shalt  }
0x72: {  	_ =	shalt  }
0x73: {  	_ =	shalt  }
0x74: {  	_ =	shalt  }
0x75: {  	_ =	shalt  }
0x76: {  	_ =	shalt  }
0x77: {  	_ =	shalt  }
0x78: {  	_ =	shalt  }
0x79: {  	_ =	shalt  }
0x7a: {  	_ =	shalt  }
0x7b: {  	_ =	shalt  }
0x7c: {  	_ =	shalt  }
0x7d: {  	_ =	shalt  }
0x7e: {  	_ =	shalt  }
0x7f: {  	_ =	shalt  }
0x80: {  	_ =	shalt  }
0x81: {  	_ =	shalt  }
0x82: {  	_ =	shalt  }
0x83: {  	_ =	shalt  }
0x84: {  	_ =	shalt  }
0x85: {  	_ =	shalt  }
0x86: {  	_ =	shalt  }
0x87: {  	_ =	shalt  }
.Lfunc_end0:
.L_simem_size_0:
called_computation_lowered:
.L_overlay_start_0:
0x88: {  	s2 =	sld [smem:$0x3FD9]  }
0x89: {  	s3 =	sld [smem:$0x3FFE];
	_ =	sdelay $0x1  }
0x8a: {  	s1 =	srdreg.scid  }
0x8b: {  	s0 =	sand.u32 $0x1, s1  }
0x8c: {  	s17 =	sshll.u32 s0, $0xA;
	s2 =	sadd.s32 s3, s2  }
0x8d: {  	s2 =	sadd.s32 s2, s17  }
0x8e: {  	[smem:$0x3FC4] =	sst s2  }
0x8f: {  	_ = 	snop  }
0x90: {  	s2 =	sld [smem:$0x3FC9]  }
0x91: {  	s18 =	sld [smem:$0x3FC8]  }
0x92: {  	s4 =	sld [smem:$0x3FD0];
	(tm) =	ssettm $0x1  }
0x93: {  	s5 =	sld [smem:$0x3FFB];
	_ =	sdelay $0x3  }
0x94: {  	_ =	strace s5  }
0x95: {  	s5 =	sld [smem:$0x3FFC];
	_ =	sdelay $0x3  }
0x96: {  	_ =	strace s5  }
0x97: {  	s5 =	sld [smem:$0x3FFD];
	_ =	sdelay $0x3  }
0x98: {  	_ =	strace s5  }
0x99: {  	_ =	strace $0x8FFFFFFF  }
0x9a: {  	s19 =	sld [smem:$0x3FDB];
	_ =	sdelay $0x1  }
0x9b: {  	s6 =	simm.s32 $_scs_section_size  }
0x9c: {  	s7 =	simm.s32 $_size__tile_overlayer_lowered;
	s8 =	simm.s32 $_tile_overlayer_lowered  }
0x9d: {  	s22 =	simm.s32 $0x1BFF;
	s21 =	sshll.u32 s8, $0x1;
	s5 =	sadd.s32 s6, s19  }
0x9e: {  	s9 =	simm.s32 $0x0;
	s20 =	sshll.u32 s7, $0x1;
	s7 =	sadd.s32 s21, s5  }
0x9f: {  	[timem:s9], [sflag:s22] =	dma.local [hbm:s7], s20  }
0xa0: {  	_ =	swait.ge [sflag:s22], s20  }
0xa1: {  	s6 =	ssub.s32 $0x0, s20;
	[sflag:s22] =	ssyncset.done $0x0  }
0xa2: {  	[sflag:s22] =	ssyncadd.s32 s6;
	_ =	sdelay $0x1  }
0xa3: {  	s23 =	simm.s32 $0x1B8B  }
0xa4: {  	_ =	swait.ge [sflag:s23], $0x1  }
0xa5: {  	[sflag:s23] =	ssyncset.done $0x0  }
0xa6: {  	s25 =	simm.s32 $0x1B8E;
	s24 =	sld [smem:$0x3FFE];
	[sflag:s23] =	ssyncadd.s32 $0xFFFFFFFF  }
0xa7: {  	s26 =	simm.s32 $execute0_lowered;
	[smem:$0x3FD2] =	sst s25  }
0xa8: {  	s7 =	sshll.u32 s26, $0x1;
	_ =	strace $0x80000046;
	[dreg:$0x1] =	wrdreg $0xFFFFFFFF  }
0xa9: {  	s28 =	simm.s32 $_size_execute0_lowered;
	s5 =	sadd.s32 s5, s7;
	[dreg:$0x0] =	wrdreg $0x0  }
0xaa: {  	s7 =	sshll.u32 s28, $0x1;
	[dreg:$0x2] =	wrdreg s5  }
0xab: {  	[dreg:$0x3] =	wrdreg s7  }
0xac: {  	[dreg:$0x4] =	wrdreg $0xC0  }
0xad: {  	_ =	task [dreg:s9], $0x5FFFF  }
0xae: {  	[dreg:$0x1] =	wrdreg $0xFFFFFFFF  }
0xaf: {  	[dreg:$0x0] =	wrdreg $0x60  }
0xb0: {  	[dreg:$0x2] =	wrdreg s2  }
0xb1: {  	[dreg:$0x3] =	wrdreg s18  }
0xb2: {  	[dreg:$0x4] =	wrdreg s24  }
0xb3: {  	[dreg:$0x5] =	wrdreg s4  }
0xb4: {  	[dreg:$0x6] =	wrdreg $0x9  }
0xb5: {  	_ =	task.clear_ibuf [dreg:s9], $0x7FFFF;
	_ =	strace $0x90000046  }
0xb6: {  	s29 =	simm.s32 $0x9;
	_ =	strace $0x80000048  }
0xb7: {  	_ =	swait.ge [sflag:s29], $0x1  }
0xb8: {  	[sflag:s29] =	ssyncadd.s32 $0xFFFFFFFF  }
0xb9: {  	_ =	strace $0x90000048  }
0xba: {  	_ =	sfence  }
0xbb: {  	s30 =	sld [smem:$0x0];
	_ =	sdelay $0x2  }
0xbc: {  	s31 =	sshll.u32 s1, $0xD;
	s1 =	sshrl.u32 s1, $0x2  }
0xbd: {  	s3 =	sand.u32 $0x4000, s31;
	s1 =	sadd.s32 s1, s30  }
0xbe: {  	s0 =	sor.u32 s3, s0;
	s1 =	sshll.u32 s1, $0x11  }
0xbf: {  	s0 =	sor.u32 s1, s0  }
0xc0: {  	s0 =	sadd.s32 $0x8F2B, s0  }
0xc1: {  	[sflag:s0] =	ssyncadd.remote.s32 $0x1  }
0xc2: {  	_ =	sfence.sel $0xFFFF  }
0xc3: {  	[dreg:$0x0] =	wrdreg $0xFFFFFFFF;
	(pc) =	sbr.abs _section_cstart, $3  }
0xc4: {  	[dreg:$0x1] =	wrdreg $0xFFFFFFFF  }
0xc5: {  	_ =	task.clear_ibuf [dreg:s9], $0x2FFFF;
	_ =	strace $0x9FFFFFFF  }
0xc6: {  	(tm) =	ssettm $0x7FFFFFFF  }
0xc7: {  	_ =	shalt  }
tec
execute0_lowered:
.L_overlay_start_1:
0x0: {  	(tag) =	ssettag $0x1  }
0x1: {  	v0 =	vimm.s32 $0x38F;
	vm14 =	vcmask $0x300  }
0x2: {  	vm13 =	vcmask $0x704;
	vm12 =	vcmask $0xB08;
	vm11 =	vcmask $0xF0C  }
0x3: {  	vm2 =	vcmask $0x1310;
	vm3 =	vcmask $0x1714;
	vm4 =	vcmask $0x1B18  }
0x4: {  	vm5 =	vcmask $0x1F1C;
	vm6 =	vcmask $0x2320;
	vm7 =	vcmask $0x2724  }
0x5: {  	vm8 =	vcmask $0x2B28;
	vm9 =	vcmask $0x2F2C;
	vm10 =	vcmask $0x3330  }
0x6: {  	vm0 =	vcmask $0x3734;
	vm1 =	vcmask $0x3B38;
	v11 =	vimm.s32 $0x3AF  }
0x7: {  	v12 =	vimm.s32 $0x3CF;
	v13 =	vimm.s32 $0x3EF;
	v0 =	vsel vm14, $0x0, v0  }
0x8: {  	v11 =	vsel vm14, $0x20, v11;
	v12 =	vsel vm14, $0x40, v12;
	v13 =	vsel vm14, $0x60, v13  }
0x9: {  	v0 =	vsel vm13, $0x81, v0;
	v11 =	vsel vm13, $0xA1, v11;
	v12 =	vsel vm13, $0xC1, v12  }
0xa: {  	v13 =	vsel vm13, $0xE1, v13;
	v0 =	vsel vm12, $0x102, v0;
	v11 =	vsel vm12, $0x122, v11  }
0xb: {  	v12 =	vsel vm12, $0x142, v12;
	v13 =	vsel vm12, $0x162, v13;
	v1 =	vsel vm11, $0x183, v0  }
0xc: {  	v0 =	vlaneseq.u32;
	v11 =	vsel vm11, $0x1A3, v11;
	v12 =	vsel vm11, $0x1C3, v12  }
0xd: {  	v13 =	vsel vm11, $0x1E3, v13;
	v2 =	vsel vm2, $0x204, v1;
	v45 =	vor.u32 $0x400, v0  }
0xe: {  	v17 =	vor.u32 $0x1C00, v0;
	v9 =	vand.u32 $0x7, v0;
	v11 =	vsel vm2, $0x224, v11  }
0xf: {  	v12 =	vsel vm2, $0x244, v12;
	v13 =	vsel vm2, $0x264, v13;
	v27 =	vor.u32 $0x10, v0  }
0x10: {  	v28 =	vor.u32 $0x410, v0;
	v29 =	vor.u32 $0x810, v0;
	v30 =	vor.u32 $0xC10, v0  }
0x11: {  	v31 =	vor.u32 $0x1010, v0;
	v32 =	vor.u32 $0x1410, v0;
	v33 =	vor.u32 $0x1810, v0  }
0x12: {  	v34 =	vor.u32 $0x1C10, v0;
	v36 =	vor.u32 $0x20, v0;
	v37 =	vor.u32 $0x420, v0  }
0x13: {  	v38 =	vor.u32 $0x820, v0;
	v39 =	vor.u32 $0xC20, v0;
	v40 =	vor.u32 $0x1020, v0  }
0x14: {  	v41 =	vor.u32 $0x1420, v0;
	v42 =	vor.u32 $0x1820, v0;
	v43 =	vor.u32 $0x1C20, v0  }
0x15: {  	v1 =	vor.u32 $0x1C30, v0;
	v3 =	vsel vm3, $0x285, v2;
	v2 =	vor.u32 $0x800, v0  }
0x16: {  	v16 =	vmul.u32 $0x80, v9;
	v9 =	vshrl.u32 v0, $0x3;
	v11 =	vsel vm3, $0x2A5, v11  }
0x17: {  	v12 =	vsel vm3, $0x2C5, v12;
	v13 =	vsel vm3, $0x2E5, v13;
	v4 =	vsel vm4, $0x306, v3  }
0x18: {  	v3 =	vor.u32 $0xC00, v0;
	v19 =	vmul.u32 $0x400, v9;
	v11 =	vsel vm4, $0x326, v11  }
0x19: {  	v12 =	vsel vm4, $0x346, v12;
	v13 =	vsel vm4, $0x366, v13;
	v9 =	vor.u32 $0xC30, v0  }
0x1a: {  	s0 =	rddreg [dreg:$0x0];
	v5 =	vsel vm5, $0x387, v4;
	v4 =	vor.u32 $0x1000, v0;
	v20 =	vor.u32 $0x10, v16  }
0x1b: {  	s8 =	rddreg [dreg:$0x1];
	v11 =	vsel vm5, $0x3A7, v11;
	v12 =	vsel vm5, $0x3C7, v12;
	v13 =	vsel vm5, $0x3E7, v13  }
0x1c: {  	s6 =	rddreg [dreg:$0x2];
	s3 =	simm.s32 $0x0;
	v22 =	vor.u32 $0x30, v16;
	v24 =	vor.u32 $0x50, v16;
	v10 =	vor.u32 $0x1800, v19  }
0x1d: {  	[smem:$0x7FF] =	sst s3;
	v26 =	vor.u32 $0x70, v16;
	v6 =	vsel vm6, $0x8, v5;
	v5 =	vor.u32 $0x1400, v0;
	[tilespmem:$0x1FF30] =	vst v10  }
0x1e: {  	s1 =	rddreg [dreg:$0x3];
	v11 =	vsel vm6, $0x28, v11;
	v12 =	vsel vm6, $0x48, v12;
	v13 =	vsel vm6, $0x68, v13;
	_ =	strace $0x80000047;
	[tilespmem:$0x1FF70] =	vst v1  }
0x1f: {  	v35 =	vor.u32 $0x800, v19;
	v7 =	vsel vm7, $0x89, v6;
	v6 =	vor.u32 $0x1800, v0;
	[tilespmem:$0x1FF80] =	vst v2  }
0x20: {  	s4 =	srdreg.scid;
	s2 =	stileid.u32;
	s11 =	simm.s32 $0x8000;
	v11 =	vsel vm7, $0xA9, v11;
	v12 =	vsel vm7, $0xC9, v12;
	v13 =	vsel vm7, $0xE9, v13;
	[tilespmem:$0x1FF90] =	vst v4  }
0x21: {  	s12 =	simm.s32 $0x5;
	s14 =	simm.s32 $0x15808;
	s15 =	simm.s32 $0x80;
	v8 =	vsel vm8, $0x10A, v7;
	v11 =	vsel vm8, $0x12A, v11;
	v12 =	vsel vm8, $0x14A, v12;
	[tilespmem:$0x1FFC0] =	vst v9  }
0x22: {  	s16 =	simm.s32 $0xC800;
	s17 =	simm.s32 $0xE800;
	s18 =	simm.s32 $0x1;
	v13 =	vsel vm8, $0x16A, v13;
	v7 =	vor.u32 $0x1000, v19;
	[tilespmem:$0x1FFD0] =	vst v6;
	v8 =	vsel vm9, $0x18B, v8  }
0x23: {  	s19 =	simm.s32 $0x10800;
	s20 =	simm.s32 $0x15800;
	s21 =	simm.s32 $0x2;
	[tilespmem:$0x1FFE0] =	vst v45;
	v11 =	vsel vm9, $0x1AB, v11;
	v12 =	vsel vm9, $0x1CB, v12;
	v13 =	vsel vm9, $0x1EB, v13  }
0x24: {  	s22 =	simm.s32 $0x13000;
	s23 =	simm.s32 $0x3;
	s4 =	sand.u32 $0x1, s4;
	[tilespmem:$0x1FFF0] =	vst v20;
	v8 =	vsel vm10, $0x20C, v8;
	v11 =	vsel vm10, $0x22C, v11;
	v13 =	vsel vm10, $0x26C, v13  }
0x25: {  	s24 =	simm.s32 $0x4;
	s5 =	sshll.u32 s2, $0xB;
	s7 =	sshll.u32 s4, $0xA;
	[tilespmem:$0x1FFA0] =	vst v7;
	v11 =	vsel vm0, $0x2AD, v11;
	v15 =	vsel vm0, $0x2ED, v13;
	v13 =	vor.u32 $0x1430, v0  }
0x26: {  	s25 =	simm.s32 $0x0;
	s9 =	ssub.s32 $0x2, s4;
	s4 =	sor.u32 s7, s5;
	v14 =	vsel vm10, $0x24C, v12;
	v21 =	vsel vm1, $0x32E, v11;
	v11 =	vor.u32 $0x1030, v0;
	[tilespmem:$0x1FF50] =	vst v13  }
0x27: {  	s5 =	sadd.s32 $0xF42A00, s6;
	s31 =	sshrl.u32 s9, $0x1;
	s10 =	sshrl.u32 s4, $0x3;
	v8 =	vsel vm0, $0x28D, v8;
	v25 =	vsel vm1, $0x36E, v15;
	v15 =	vor.u32 $0x1830, v0;
	[tilespmem:$0x1FF40] =	vst v11  }
0x28: {  	s6 =	sadd.s32 $0x600, s6;
	s9 =	ssub.s32 s9, s31;
	s7 =	sadd.s32 s0, s10;
	v14 =	vsel vm0, $0x2CD, v14;
	v18 =	vsel vm1, $0x30E, v8;
	v8 =	vor.u32 $0x430, v0;
	[tilespmem:$0x1FF60] =	vst v15  }
0x29: {  	s8 =	sadd.s32 s8, s10;
	s9 =	smax.u32 s9, $0x1;
	s10 =	simm.s32 $0x400;
	v12 =	vor.u32 $0x30, v0;
	v23 =	vsel vm1, $0x34E, v14;
	v14 =	vor.u32 $0x830, v0;
	[tilespmem:$0x1FFB0] =	vst v8  }
.LBB2_1:
0x2a: {  	[tilespmem:s3], [sflag:$0x5] =	stream.strided.gather [hbm4b:s7+s10], $0x6400, s11, s10, $0x38;
	[tilespmem:$0x15828] =	vst v63  }
0x2b: {  	_ =	swait.ge [sflag:s12], $0x6400  }
0x2c: {  	[sflag:s12] =	ssyncset.done $0x0  }
0x2d: {  	s0 =	simm.s32 $0x6400;
	[sflag:s12] =	ssyncadd.s32 $0xFFFF9C00  }
0x2e: {  	[tilespmem:s0], [sflag:$0x5] =	stream.strided.gather [hbm4b:s8+s10], $0x6400, s11, s10, $0x38;
	[tilespmem:$0x15828] =	vst v63  }
0x2f: {  	_ =	swait.ge [sflag:s12], $0x6400  }
0x30: {  	[sflag:s12] =	ssyncset.done $0x0  }
0x31: {  	[sflag:s12] =	ssyncadd.s32 $0xFFFF9C00  }
0x32: {  	[tilespmem:s14], [sflag:$0x5] =	stream.linear.gather [hbm4b:s6+s3], $0x20, $0x38;
	[tilespmem:$0x15828] =	vst v63  }
0x33: {  	_ =	swait.ge [sflag:s12], $0x20  }
0x34: {  	[sflag:s12] =	ssyncset.done $0x0  }
0x35: {  	[sflag:s12] =	ssyncadd.s32 $0xFFFFFFE0  }
0x36: {  	[tilespmem:s16], [sflag:$0x1] =	stream.indirect.gather [hbm4b:s5+s15], $0x40, s3, s15, $0xb8;
	[tilespmem:$0x15828] =	vst v63  }
0x37: {  	s26 =	simm.s32 $0x0  }
0x38: {  	[tilespmem:s17], [sflag:$0x2] =	stream.indirect.gather [hbm4b:s5+s15], $0x40, s15, s15, $0xb8;
	[tilespmem:$0x15828] =	vst v63  }
.LBB2_2:
0x39: {  	s0 =	simm.s32 $0x0  }
0x3a: {  	v46 =	vadd.s32 s0, v0  }
0x3b: {  	_ =	swait.ge [sflag:s18], $0x2000;
	v44 =	vshll.u32 v46, $0x6  }
0x3c: {  	p1 =	seq.s32 s26, $0x0;
	[sflag:s18] =	ssyncset.done $0x0;
	v47 =	vor.u32 v45, v44  }
0x3d: {  	s28 =	simm.s32 @!p1 $0x3;
	[sflag:s18] =	ssyncadd.s32 $0xFFFFE000;
	v48 =	vor.u32 v3, v44  }
0x3e: {  	v10 =	vlaneseq.u32;
	v45 =	vand.u32 $0x3C0, v44;
	_ =	swait.ge @!p1 [sflag:s28], $0x2800;
	v51 =	vor.u32 v17, v44  }
0x3f: {  	v49 =	vor.u32 v10, v45;
	[sflag:s28] =	ssyncset.done @!p1 $0x0  }
0x40: {  	v50 =	vor.u32 v2, v45;
	[sflag:s28] =	ssyncadd.s32 @!p1 $0xFFFFD800  }
0x41: {  	v56 =	vor.u32 v4, v45;
	v55 =	vld.idx.msk [tilespmem:v47+s16+$0x0], $0xffff  }
0x42: {  	v59 =	vadd.s32 s0, v18;
	v2 =	vand.u32 $0x7, v46;
	v58 =	vor.u32 v6, v45;
	v6 =	vld.idx.msk [tilespmem:v48+s16+$0x0], $0xffff  }
0x43: {  	v59 =	vand.u32 $0x388, v59;
	v60 =	vor.u32 v5, v44;
	v61 =	vor.u32 v19, v2;
	v51 =	vld.idx.msk [tilespmem:v51+s16+$0x0], $0xffff  }
0x44: {  	v63 =	vadd.s32 s0, v23;
	v53 =	vor.u32 v22, v46;
	v62 =	vor.u32 v59, v61;
	v52 =	vld.idx.msk [tilespmem:v49+s16+$0x0], $0xffff  }
0x45: {  	v63 =	vand.u32 $0x3C8, v63;
	v0 =	vand.u32 $0x3B8, v53;
	v57 =	vor.u32 v20, v46;
	v50 =	vld.idx.msk [tilespmem:v50+s16+$0x0], $0xffff  }
0x46: {  	v53 =	vor.u32 v24, v46;
	v4 =	vand.u32 $0x398, v57;
	v47 =	vadd.s32 s0, v21;
	v56 =	vld.idx.msk [tilespmem:v56+s16+$0x0], $0xffff  }
0x47: {  	v16 =	vand.u32 $0x3D8, v53;
	v20 =	vmovc v19;
	v54 =	vor.u32 v4, v61;
	v58 =	vld.idx.msk [tilespmem:v58+s16+$0x0], $0xffff;
	[tilespmem:$0x1FF20] =	vst v6;
	v6 =	vand.u32 $0x3A8, v47  }
0x48: {  	v19 =	vmovc v18;
	v18 =	vmovc v17;
	v17 =	vmov v5;
	v5 =	vmov v3;
	v47 =	vld.idx.msk [tilespmem:v60+s16+$0x0], $0xffff;
	v57 =	vor.u32 v6, v61  }
0x49: {  	v3 =	vmov v16;
	v49 =	vor.u32 v0, v61;
	[tilespmem:v62+s19+$0x0] =	vst.idx.msk $0xffff, v52;
	v52 =	vor.u32 v16, v61;
	v16 =	vld [tilespmem:$0x1FF20]  }
0x4a: {  	v48 =	vadd.s32 s0, v25;
	v60 =	vor.u32 v63, v61  }
0x4b: {  	v46 =	vor.u32 v26, v46;
	v62 =	vand.u32 $0x3E8, v48  }
0x4c: {  	[tilespmem:v54+s19+$0x0] =	vst.idx.msk $0xffff, v55;
	v48 =	vor.u32 v62, v61;
	v55 =	vand.u32 $0x3F8, v46  }
0x4d: {  	v61 =	vor.u32 v55, v61;
	[tilespmem:v57+s19+$0x0] =	vst.idx.msk $0xffff, v50  }
0x4e: {  	[tilespmem:v49+s19+$0x0] =	vst.idx.msk $0xffff, v16;
	v49 =	vor.u32 v29, v45  }
0x4f: {  	v57 =	vor.u32 v27, v45;
	[tilespmem:v60+s19+$0x0] =	vst.idx.msk $0xffff, v56  }
0x50: {  	v54 =	vor.u32 v28, v44;
	[tilespmem:v52+s19+$0x0] =	vst.idx.msk $0xffff, v47  }
0x51: {  	v60 =	vor.u32 v30, v44;
	[tilespmem:v48+s19+$0x0] =	vst.idx.msk $0xffff, v58  }
0x52: {  	[tilespmem:v61+s19+$0x0] =	vst.idx.msk $0xffff, v51;
	v61 =	vor.u32 v31, v45  }
0x53: {  	v46 =	vor.u32 v33, v45;
	v53 =	vld.idx.msk [tilespmem:v49+s16+$0x0], $0xffff  }
0x54: {  	v56 =	vor.u32 v34, v44;
	v49 =	vld.idx.msk [tilespmem:v57+s16+$0x0], $0xffff;
	v57 =	vor.u32 v35, v2  }
0x55: {  	v51 =	vor.u32 v32, v44;
	v52 =	vld.idx.msk [tilespmem:v54+s16+$0x0], $0xffff;
	v58 =	vor.u32 v59, v57  }
0x56: {  	v48 =	vld.idx.msk [tilespmem:v60+s16+$0x0], $0xffff;
	v60 =	vor.u32 v4, v57  }
0x57: {  	v50 =	vld.idx.msk [tilespmem:v61+s16+$0x0], $0xffff;
	v61 =	vor.u32 v6, v57  }
0x58: {  	v54 =	vld.idx.msk [tilespmem:v46+s16+$0x0], $0xffff;
	v46 =	vor.u32 v0, v57  }
0x59: {  	v56 =	vld.idx.msk [tilespmem:v56+s16+$0x0], $0xffff;
	v47 =	vor.u32 v63, v57  }
0x5a: {  	v51 =	vld.idx.msk [tilespmem:v51+s16+$0x0], $0xffff;
	[tilespmem:v58+s19+$0x0] =	vst.idx.msk $0xffff, v49;
	v49 =	vor.u32 v3, v57  }
0x5b: {  	v58 =	vor.u32 v62, v57;
	[tilespmem:v60+s19+$0x0] =	vst.idx.msk $0xffff, v52  }
0x5c: {  	[tilespmem:v61+s19+$0x0] =	vst.idx.msk $0xffff, v53;
	v53 =	vor.u32 v55, v57  }
0x5d: {  	v60 =	vor.u32 v38, v45;
	[tilespmem:v46+s19+$0x0] =	vst.idx.msk $0xffff, v48  }
0x5e: {  	v61 =	vor.u32 v37, v44;
	[tilespmem:v47+s19+$0x0] =	vst.idx.msk $0xffff, v50  }
0x5f: {  	v57 =	vor.u32 v36, v45;
	[tilespmem:v49+s19+$0x0] =	vst.idx.msk $0xffff, v51  }
0x60: {  	v50 =	vor.u32 v40, v45;
	[tilespmem:v58+s19+$0x0] =	vst.idx.msk $0xffff, v54  }
0x61: {  	v58 =	vor.u32 v39, v44;
	[tilespmem:v53+s19+$0x0] =	vst.idx.msk $0xffff, v56  }
0x62: {  	v46 =	vld.idx.msk [tilespmem:v60+s16+$0x0], $0xffff;
	v60 =	vor.u32 v41, v44  }
0x63: {  	v54 =	vor.u32 v7, v2;
	v47 =	vld.idx.msk [tilespmem:v61+s16+$0x0], $0xffff;
	v61 =	vor.u32 v43, v44  }
0x64: {  	v53 =	vor.u32 v42, v45;
	v56 =	vor.u32 v59, v54;
	v48 =	vld.idx.msk [tilespmem:v57+s16+$0x0], $0xffff  }
0x65: {  	v57 =	vor.u32 v4, v54;
	v50 =	vld.idx.msk [tilespmem:v50+s16+$0x0], $0xffff  }
0x66: {  	v7 =	vor.u32 v6, v54;
	v49 =	vld.idx.msk [tilespmem:v58+s16+$0x0], $0xffff  }
0x67: {  	v51 =	vld.idx.msk [tilespmem:v60+s16+$0x0], $0xffff;
	v60 =	vor.u32 v0, v54  }
0x68: {  	v52 =	vld.idx.msk [tilespmem:v61+s16+$0x0], $0xffff;
	v61 =	vor.u32 v63, v54  }
0x69: {  	v53 =	vld.idx.msk [tilespmem:v53+s16+$0x0], $0xffff;
	[tilespmem:v56+s19+$0x0] =	vst.idx.msk $0xffff, v48;
	v48 =	vor.u32 v3, v54  }
0x6a: {  	[tilespmem:v57+s19+$0x0] =	vst.idx.msk $0xffff, v47;
	v47 =	vor.u32 v62, v54  }
0x6b: {  	[tilespmem:v7+s19+$0x0] =	vst.idx.msk $0xffff, v46;
	v7 =	vor.u32 v55, v54  }
0x6c: {  	[tilespmem:v60+s19+$0x0] =	vst.idx.msk $0xffff, v49  }
0x6d: {  	v56 =	vor.u32 v14, v45;
	[tilespmem:v61+s19+$0x0] =	vst.idx.msk $0xffff, v50  }
0x6e: {  	v58 =	vor.u32 v12, v45;
	v57 =	vor.u32 v8, v44;
	[tilespmem:v48+s19+$0x0] =	vst.idx.msk $0xffff, v51  }
0x6f: {  	v16 =	vld [tilespmem:$0x1FF30];
	v60 =	vor.u32 v9, v44;
	v61 =	vor.u32 v11, v45;
	[tilespmem:v47+s19+$0x0] =	vst.idx.msk $0xffff, v53  }
0x70: {  	v11 =	vld [tilespmem:$0x1FFE0];
	[tilespmem:v7+s19+$0x0] =	vst.idx.msk $0xffff, v52;
	v52 =	vor.u32 v13, v44;
	v44 =	vor.u32 v1, v44  }
0x71: {  	v1 =	vor.u32 v15, v45;
	v15 =	vmovc v17;
	v17 =	vmovc v18;
	v18 =	vmov v19;
	v19 =	vmov v20;
	v20 =	vld [tilespmem:$0x1FFF0]  }
0x72: {  	v48 =	vld.idx.msk [tilespmem:v56+s16+$0x0], $0xffff  }
0x73: {  	v47 =	vld.idx.msk [tilespmem:v57+s16+$0x0], $0xffff  }
0x74: {  	v57 =	vld.idx.msk [tilespmem:v58+s16+$0x0], $0xffff  }
0x75: {  	v7 =	vor.u32 v16, v2;
	v50 =	vld.idx.msk [tilespmem:v60+s16+$0x0], $0xffff  }
0x76: {  	v49 =	vld.idx.msk [tilespmem:v61+s16+$0x0], $0xffff;
	v61 =	vor.u32 v59, v7  }
0x77: {  	v13 =	vmov v5;
	v45 =	vor.u32 v4, v7;
	v51 =	vld.idx.msk [tilespmem:v52+s16+$0x0], $0xffff  }
0x78: {  	v56 =	vor.u32 v62, v7;
	v58 =	vor.u32 v6, v7;
	v63 =	vor.u32 v63, v7;
	v60 =	vld.idx.msk [tilespmem:v44+s16+$0x0], $0xffff  }
0x79: {  	s29 =	sshll.u32 s26, $0x1;
	s28 =	simm.s32 $0x1;
	v59 =	vor.u32 v55, v7;
	v52 =	vor.u32 v0, v7;
	v44 =	vor.u32 v3, v7;
	v62 =	vld.idx.msk [tilespmem:v1+s16+$0x0], $0xffff  }
.LBB2_3:
0x7a: {  	_ = 	snop  }
0x7b: {  	[tilespmem:v61+s19+$0x0] =	vst.idx.msk $0xffff, v57;
	s30 =	smov.u32 s28  }
0x7c: {  	v0 =	vld [tilespmem:$0x1FF80];
	v46 =	vadd.s32 s30, v10;
	[tilespmem:v45+s19+$0x0] =	vst.idx.msk $0xffff, v47  }
0x7d: {  	v6 =	vld [tilespmem:$0x1FF90];
	v57 =	vshll.u32 v46, $0x6;
	[tilespmem:v58+s19+$0x0] =	vst.idx.msk $0xffff, v48  }
0x7e: {  	v5 =	vld [tilespmem:$0x1FFD0];
	v4 =	vor.u32 v11, v57;
	[tilespmem:v52+s19+$0x0] =	vst.idx.msk $0xffff, v50  }
0x7f: {  	v55 =	vor.u32 v22, v46;
	v53 =	vor.u32 v13, v57;
	v58 =	vand.u32 $0x3C0, v57;
	[tilespmem:v63+s19+$0x0] =	vst.idx.msk $0xffff, v49  }
0x80: {  	v61 =	vor.u32 v26, v46;
	v50 =	vor.u32 v10, v58;
	[tilespmem:v44+s19+$0x0] =	vst.idx.msk $0xffff, v51  }
0x81: {  	v45 =	vor.u32 v20, v46;
	v52 =	vor.u32 v0, v58;
	[tilespmem:v56+s19+$0x0] =	vst.idx.msk $0xffff, v62  }
0x82: {  	v47 =	vand.u32 $0x7, v46;
	v1 =	vand.u32 $0x398, v45;
	v7 =	vor.u32 v6, v58;
	[tilespmem:v59+s19+$0x0] =	vst.idx.msk $0xffff, v60  }
0x83: {  	v54 =	vor.u32 v5, v58;
	v5 =	vadd.s32 s30, v21;
	v48 =	vld.idx.msk [tilespmem:v4+s16+$0x0], $0xffff;
	v4 =	vadd.s32 s30, v18  }
0x84: {  	v44 =	vor.u32 v17, v57;
	v51 =	vor.u32 v19, v47;
	v53 =	vld.idx.msk [tilespmem:v53+s16+$0x0], $0xffff;
	v0 =	vand.u32 $0x388, v4  }
0x85: {  	v49 =	vor.u32 v15, v57;
	v56 =	vor.u32 v24, v46;
	v46 =	vld.idx.msk [tilespmem:v50+s16+$0x0], $0xffff;
	v50 =	vor.u32 v0, v51  }
0x86: {  	v60 =	vand.u32 $0x3A8, v5;
	v45 =	vld.idx.msk [tilespmem:v52+s16+$0x0], $0xffff;
	v52 =	vor.u32 v1, v51  }
0x87: {  	v6 =	vadd.s32 s30, v23;
	v62 =	vand.u32 $0x3B8, v55;
	v3 =	vld.idx.msk [tilespmem:v7+s16+$0x0], $0xffff;
	v59 =	vor.u32 v60, v51  }
0x88: {  	v63 =	vand.u32 $0x3C8, v6;
	v55 =	vor.u32 v62, v51;
	v54 =	vld.idx.msk [tilespmem:v54+s16+$0x0], $0xffff  }
0x89: {  	v7 =	vadd.s32 s30, v25;
	v4 =	vor.u32 v63, v51;
	v2 =	vld.idx.msk [tilespmem:v44+s16+$0x0], $0xffff;
	v44 =	vand.u32 $0x3D8, v56  }
0x8a: {  	v49 =	vld.idx.msk [tilespmem:v49+s16+$0x0], $0xffff;
	v5 =	vand.u32 $0x3E8, v7;
	[tilespmem:v50+s19+$0x0] =	vst.idx.msk $0xffff, v46;
	v50 =	vor.u32 v44, v51  }
0x8b: {  	[tilespmem:v52+s19+$0x0] =	vst.idx.msk $0xffff, v48;
	v48 =	vor.u32 v5, v51;
	v52 =	vand.u32 $0x3F8, v61  }
0x8c: {  	[tilespmem:v59+s19+$0x0] =	vst.idx.msk $0xffff, v45;
	v51 =	vor.u32 v52, v51  }
0x8d: {  	[tilespmem:v55+s19+$0x0] =	vst.idx.msk $0xffff, v53;
	v53 =	vor.u32 v29, v58  }
0x8e: {  	v55 =	vor.u32 v27, v58;
	[tilespmem:v4+s19+$0x0] =	vst.idx.msk $0xffff, v3  }
0x8f: {  	v3 =	vor.u32 v28, v57;
	[tilespmem:v50+s19+$0x0] =	vst.idx.msk $0xffff, v49  }
0x90: {  	v50 =	vor.u32 v32, v57;
	[tilespmem:v48+s19+$0x0] =	vst.idx.msk $0xffff, v54  }
0x91: {  	v48 =	vor.u32 v30, v57;
	[tilespmem:v51+s19+$0x0] =	vst.idx.msk $0xffff, v2  }
0x92: {  	v2 =	vor.u32 v31, v58;
	v49 =	vld.idx.msk [tilespmem:v53+s16+$0x0], $0xffff  }
0x93: {  	v54 =	vor.u32 v35, v47;
	v51 =	vor.u32 v33, v58;
	v4 =	vld.idx.msk [tilespmem:v55+s16+$0x0], $0xffff  }
0x94: {  	v53 =	vor.u32 v34, v57;
	v55 =	vor.u32 v0, v54;
	v3 =	vld.idx.msk [tilespmem:v3+s16+$0x0], $0xffff  }
0x95: {  	v6 =	vor.u32 v1, v54;
	v50 =	vld.idx.msk [tilespmem:v50+s16+$0x0], $0xffff  }
0x96: {  	v7 =	vor.u32 v60, v54;
	v48 =	vld.idx.msk [tilespmem:v48+s16+$0x0], $0xffff  }
0x97: {  	v8 =	vor.u32 v62, v54;
	v2 =	vld.idx.msk [tilespmem:v2+s16+$0x0], $0xffff  }
0x98: {  	v9 =	vor.u32 v63, v54;
	v51 =	vld.idx.msk [tilespmem:v51+s16+$0x0], $0xffff  }
0x99: {  	v53 =	vld.idx.msk [tilespmem:v53+s16+$0x0], $0xffff;
	[tilespmem:v55+s19+$0x0] =	vst.idx.msk $0xffff, v4;
	v4 =	vor.u32 v44, v54  }
0x9a: {  	[tilespmem:v6+s19+$0x0] =	vst.idx.msk $0xffff, v3;
	v3 =	vor.u32 v5, v54  }
0x9b: {  	v55 =	vor.u32 v52, v54;
	[tilespmem:v7+s19+$0x0] =	vst.idx.msk $0xffff, v49  }
0x9c: {  	[tilespmem:v8+s19+$0x0] =	vst.idx.msk $0xffff, v48  }
0x9d: {  	[tilespmem:v9+s19+$0x0] =	vst.idx.msk $0xffff, v2  }
0x9e: {  	[tilespmem:v4+s19+$0x0] =	vst.idx.msk $0xffff, v50  }
0x9f: {  	v48 =	vor.u32 v38, v58;
	[tilespmem:v3+s19+$0x0] =	vst.idx.msk $0xffff, v51  }
0xa0: {  	v49 =	vor.u32 v37, v57;
	[tilespmem:v55+s19+$0x0] =	vst.idx.msk $0xffff, v53;
	v53 =	vld [tilespmem:$0x1FFA0]  }
0xa1: {  	v50 =	vor.u32 v36, v58  }
0xa2: {  	v54 =	vor.u32 v40, v58  }
0xa3: {  	v8 =	vor.u32 v41, v57  }
0xa4: {  	v3 =	vor.u32 v39, v57;
	v7 =	vld.idx.msk [tilespmem:v48+s16+$0x0], $0xffff  }
0xa5: {  	v46 =	vor.u32 v16, v47;
	v55 =	vor.u32 v42, v58;
	v2 =	vld.idx.msk [tilespmem:v49+s16+$0x0], $0xffff;
	v47 =	vor.u32 v53, v47  }
0xa6: {  	v61 =	vor.u32 v0, v46;
	v9 =	vor.u32 v43, v57;
	v4 =	vld.idx.msk [tilespmem:v50+s16+$0x0], $0xffff;
	v0 =	vor.u32 v0, v47  }
0xa7: {  	v45 =	vor.u32 v1, v46;
	v6 =	vld.idx.msk [tilespmem:v54+s16+$0x0], $0xffff;
	v1 =	vor.u32 v1, v47  }
0xa8: {  	v8 =	vld.idx.msk [tilespmem:v8+s16+$0x0], $0xffff;
	v49 =	vor.u32 v60, v47  }
0xa9: {  	v3 =	vld.idx.msk [tilespmem:v3+s16+$0x0], $0xffff;
	v54 =	vor.u32 v62, v47  }
0xaa: {  	v48 =	vld.idx.msk [tilespmem:v55+s16+$0x0], $0xffff;
	v55 =	vor.u32 v63, v47  }
0xab: {  	v9 =	vld.idx.msk [tilespmem:v9+s16+$0x0], $0xffff;
	[tilespmem:v0+s19+$0x0] =	vst.idx.msk $0xffff, v4;
	v0 =	vor.u32 v44, v47  }
0xac: {  	[tilespmem:v1+s19+$0x0] =	vst.idx.msk $0xffff, v2;
	v1 =	vor.u32 v5, v47  }
0xad: {  	v53 =	vor.u32 v52, v47;
	[tilespmem:v49+s19+$0x0] =	vst.idx.msk $0xffff, v7  }
0xae: {  	[tilespmem:v54+s19+$0x0] =	vst.idx.msk $0xffff, v3;
	v54 =	vor.u32 v14, v58  }
0xaf: {  	[tilespmem:v55+s19+$0x0] =	vst.idx.msk $0xffff, v6  }
0xb0: {  	v51 =	vld [tilespmem:$0x1FFC0];
	[tilespmem:v0+s19+$0x0] =	vst.idx.msk $0xffff, v8  }
0xb1: {  	v50 =	vld [tilespmem:$0x1FFB0];
	[tilespmem:v1+s19+$0x0] =	vst.idx.msk $0xffff, v48  }
0xb2: {  	[tilespmem:v53+s19+$0x0] =	vst.idx.msk $0xffff, v9;
	v53 =	vld [tilespmem:$0x1FF50]  }
0xb3: {  	v48 =	vld.idx.msk [tilespmem:v54+s16+$0x0], $0xffff  }
0xb4: {  	v55 =	vor.u32 v12, v58;
	v54 =	vld [tilespmem:$0x1FF70];
	_ =	sdelay $0x2  }
0xb5: {  	v59 =	vor.u32 v52, v46;
	v52 =	vld [tilespmem:$0x1FF40]  }
0xb6: {  	v56 =	vor.u32 v5, v46;
	v5 =	vor.u32 v50, v57  }
0xb7: {  	v0 =	vor.u32 v51, v57;
	v2 =	vor.u32 v53, v57;
	v3 =	vor.u32 v54, v57;
	v57 =	vld.idx.msk [tilespmem:v55+s16+$0x0], $0xffff  }
0xb8: {  	v55 =	vld [tilespmem:$0x1FF60];
	_ =	sdelay $0x1  }
0xb9: {  	v1 =	vor.u32 v52, v58;
	_ =	sdelay $0x2  }
0xba: {  	p0 =	sne.s32 s28, $0xF;
	v47 =	vld.idx.msk [tilespmem:v5+s16+$0x0], $0xffff;
	v4 =	vor.u32 v55, v58  }
.Ltmp0:
0xbb: {  	v50 =	vld.idx.msk [tilespmem:v0+s16+$0x0], $0xffff;
	(pc) =	sbr.rel @p0 .LBB2_3-.Ltmp0, $4  }
0xbc: {  	v49 =	vld.idx.msk [tilespmem:v1+s16+$0x0], $0xffff  }
0xbd: {  	v51 =	vld.idx.msk [tilespmem:v2+s16+$0x0], $0xffff  }
0xbe: {  	v58 =	vor.u32 v60, v46;
	v60 =	vld.idx.msk [tilespmem:v3+s16+$0x0], $0xffff  }
0xbf: {  	s28 =	sadd.s32 $0x1, s28;
	v63 =	vor.u32 v63, v46;
	v44 =	vor.u32 v44, v46;
	v52 =	vor.u32 v62, v46;
	v62 =	vld.idx.msk [tilespmem:v4+s16+$0x0], $0xffff  }
0xc0: {  	_ =	sdelay $0x3  }
0xc1: {  	[tilespmem:v61+s19+$0x0] =	vst.idx.msk $0xffff, v57  }
0xc2: {  	[tilespmem:v45+s19+$0x0] =	vst.idx.msk $0xffff, v47  }
0xc3: {  	[tilespmem:v58+s19+$0x0] =	vst.idx.msk $0xffff, v48  }
0xc4: {  	[tilespmem:v52+s19+$0x0] =	vst.idx.msk $0xffff, v50  }
0xc5: {  	[tilespmem:v63+s19+$0x0] =	vst.idx.msk $0xffff, v49  }
0xc6: {  	[tilespmem:v44+s19+$0x0] =	vst.idx.msk $0xffff, v51  }
0xc7: {  	[tilespmem:v56+s19+$0x0] =	vst.idx.msk $0xffff, v62  }
0xc8: {  	s30 =	sshll.u32 s26, $0x8;
	[tilespmem:v59+s19+$0x0] =	vst.idx.msk $0xffff, v60  }
0xc9: {  	v0 =	vld [tilespmem:s30+$0x6400]  }
0xca: {  	v1 =	vld [tilespmem:s30+$0x6410]  }
0xcb: {  	v2 =	vld [tilespmem:s30+$0x6420]  }
0xcc: {  	v8 =	vimm.s32 $0x8;
	v3 =	vld [tilespmem:s30+$0x6430]  }
0xcd: {  	v9 =	vimm.s32 $0x18;
	v4 =	vld [tilespmem:s30+$0x6440]  }
0xce: {  	v48 =	vimm.s32 $0x19;
	v5 =	vld [tilespmem:s30+$0x6450]  }
0xcf: {  	v46 =	vimm.s32 $0xA;
	v6 =	vld [tilespmem:s30+$0x6460]  }
0xd0: {  	v63 =	vimm.s32 $0x9;
	v7 =	vld [tilespmem:s30+$0x6470]  }
0xd1: {  	v49 =	vimm.s32 $0x1A;
	v8 =	vld.idx.msk [tilespmem:v8+s20+$0x0], $0xffff  }
0xd2: {  	v50 =	vimm.s32 $0xB;
	v9 =	vld.idx.msk [tilespmem:v9+s20+$0x0], $0xffff  }
0xd3: {  	v51 =	vimm.s32 $0x1B;
	v45 =	vld.idx.msk [tilespmem:v48+s20+$0x0], $0xffff  }
0xd4: {  	v46 =	vld.idx.msk [tilespmem:v46+s20+$0x0], $0xffff  }
0xd5: {  	v44 =	vld.idx.msk [tilespmem:v63+s20+$0x0], $0xffff  }
0xd6: {  	v47 =	vld.idx.msk [tilespmem:v49+s20+$0x0], $0xffff;
	vm0 =	veq.s32 v0, $0x0  }
0xd7: {  	v0 =	vld.idx.msk [tilespmem:v50+s20+$0x0], $0xffff;
	vm1 =	veq.s32 v1, $0x0;
	v52 =	vsel vm0, v8, v9  }
0xd8: {  	v1 =	vld.idx.msk [tilespmem:v51+s20+$0x0], $0xffff;
	vm2 =	veq.s32 v2, $0x0;
	v53 =	vsel vm1, v8, v9;
	[tilespmem:$0x12800] =	vst v52  }
0xd9: {  	vm3 =	veq.s32 v3, $0x0;
	v54 =	vsel vm2, v8, v9;
	[tilespmem:$0x12810] =	vst v53  }
0xda: {  	vm4 =	veq.s32 v4, $0x0;
	v55 =	vsel vm3, v8, v9;
	[tilespmem:$0x12820] =	vst v54  }
0xdb: {  	vm5 =	veq.s32 v5, $0x0;
	v56 =	vsel vm4, v8, v9;
	[tilespmem:$0x12830] =	vst v55  }
0xdc: {  	vm6 =	veq.s32 v6, $0x0;
	v57 =	vsel vm5, v8, v9;
	[tilespmem:$0x12840] =	vst v56  }
0xdd: {  	vm7 =	veq.s32 v7, $0x0;
	v58 =	vsel vm6, v8, v9;
	[tilespmem:$0x12850] =	vst v57  }
0xde: {  	v59 =	vsel vm7, v8, v9;
	[tilespmem:$0x12860] =	vst v58  }
0xdf: {  	v60 =	vsel vm0, v44, v45;
	[tilespmem:$0x12870] =	vst v59  }
0xe0: {  	v61 =	vsel vm1, v44, v45;
	[tilespmem:$0x12880] =	vst v60  }
0xe1: {  	v62 =	vsel vm2, v44, v45;
	[tilespmem:$0x12890] =	vst v61  }
0xe2: {  	v63 =	vsel vm3, v44, v45;
	[tilespmem:$0x128A0] =	vst v62  }
0xe3: {  	v6 =	vsel vm4, v44, v45;
	[tilespmem:$0x128B0] =	vst v63  }
0xe4: {  	v7 =	vsel vm5, v44, v45;
	[tilespmem:$0x128C0] =	vst v6  }
0xe5: {  	v48 =	vsel vm6, v44, v45;
	[tilespmem:$0x128D0] =	vst v7  }
0xe6: {  	v49 =	vsel vm7, v44, v45;
	[tilespmem:$0x128E0] =	vst v48  }
0xe7: {  	v50 =	vsel vm0, v46, v47;
	[tilespmem:$0x128F0] =	vst v49  }
0xe8: {  	v51 =	vsel vm1, v46, v47;
	[tilespmem:$0x12900] =	vst v50  }
0xe9: {  	v52 =	vsel vm2, v46, v47;
	[tilespmem:$0x12910] =	vst v51  }
0xea: {  	v53 =	vsel vm3, v46, v47;
	[tilespmem:$0x12920] =	vst v52  }
0xeb: {  	v54 =	vsel vm4, v46, v47;
	[tilespmem:$0x12930] =	vst v53  }
0xec: {  	v55 =	vsel vm5, v46, v47;
	[tilespmem:$0x12940] =	vst v54  }
0xed: {  	v56 =	vsel vm6, v46, v47;
	[tilespmem:$0x12950] =	vst v55  }
0xee: {  	v57 =	vsel vm7, v46, v47;
	[tilespmem:$0x12960] =	vst v56  }
0xef: {  	[tilespmem:$0x12970] =	vst v57;
	v58 =	vsel vm0, v0, v1  }
0xf0: {  	v59 =	vsel vm1, v0, v1;
	[tilespmem:$0x12980] =	vst v58  }
0xf1: {  	v60 =	vsel vm2, v0, v1;
	[tilespmem:$0x12990] =	vst v59  }
0xf2: {  	v61 =	vsel vm3, v0, v1;
	[tilespmem:$0x129A0] =	vst v60  }
0xf3: {  	v6 =	vimm.s32 $0xC;
	v62 =	vsel vm4, v0, v1;
	[tilespmem:$0x129B0] =	vst v61  }
0xf4: {  	v7 =	vimm.s32 $0x1C;
	v63 =	vsel vm5, v0, v1;
	[tilespmem:$0x129C0] =	vst v62  }
0xf5: {  	v44 =	vimm.s32 $0xD;
	v5 =	vsel vm6, v0, v1;
	[tilespmem:$0x129D0] =	vst v63  }
0xf6: {  	v45 =	vimm.s32 $0x1D;
	v0 =	vsel vm7, v0, v1;
	[tilespmem:$0x129E0] =	vst v5  }
0xf7: {  	v46 =	vimm.s32 $0xE;
	[tilespmem:$0x129F0] =	vst v0  }
0xf8: {  	v47 =	vimm.s32 $0x1E;
	v0 =	vld.idx.msk [tilespmem:v6+s20+$0x0], $0xffff  }
0xf9: {  	v48 =	vimm.s32 $0xF;
	v1 =	vld.idx.msk [tilespmem:v7+s20+$0x0], $0xffff  }
0xfa: {  	v49 =	vimm.s32 $0x1F;
	v2 =	vld.idx.msk [tilespmem:v44+s20+$0x0], $0xffff  }
0xfb: {  	v3 =	vld.idx.msk [tilespmem:v45+s20+$0x0], $0xffff  }
0xfc: {  	v4 =	vld.idx.msk [tilespmem:v46+s20+$0x0], $0xffff  }
0xfd: {  	v5 =	vld.idx.msk [tilespmem:v47+s20+$0x0], $0xffff  }
0xfe: {  	v6 =	vld.idx.msk [tilespmem:v48+s20+$0x0], $0xffff;
	v8 =	vsel vm0, v0, v1  }
0xff: {  	v7 =	vld.idx.msk [tilespmem:v49+s20+$0x0], $0xffff;
	v9 =	vsel vm1, v0, v1;
	[tilespmem:$0x12A00] =	vst v8  }
0x100: {  	v50 =	vsel vm0, v2, v3;
	[tilespmem:$0x12A10] =	vst v9  }
0x101: {  	v51 =	vsel vm1, v2, v3;
	[tilespmem:$0x12A80] =	vst v50  }
0x102: {  	v52 =	vsel vm2, v2, v3;
	[tilespmem:$0x12A90] =	vst v51  }
0x103: {  	v53 =	vsel vm3, v2, v3;
	[tilespmem:$0x12AA0] =	vst v52  }
0x104: {  	v54 =	vsel vm4, v2, v3;
	[tilespmem:$0x12AB0] =	vst v53  }
0x105: {  	v55 =	vsel vm5, v2, v3;
	[tilespmem:$0x12AC0] =	vst v54  }
0x106: {  	v56 =	vsel vm6, v2, v3;
	[tilespmem:$0x12AD0] =	vst v55  }
0x107: {  	v57 =	vsel vm7, v2, v3;
	[tilespmem:$0x12AE0] =	vst v56  }
0x108: {  	v58 =	vsel vm0, v4, v5;
	[tilespmem:$0x12AF0] =	vst v57  }
0x109: {  	v59 =	vsel vm1, v4, v5;
	[tilespmem:$0x12B00] =	vst v58  }
0x10a: {  	v60 =	vsel vm2, v4, v5;
	[tilespmem:$0x12B10] =	vst v59  }
0x10b: {  	v61 =	vsel vm3, v4, v5;
	[tilespmem:$0x12B20] =	vst v60  }
0x10c: {  	v62 =	vsel vm4, v4, v5;
	[tilespmem:$0x12B30] =	vst v61  }
0x10d: {  	v63 =	vsel vm5, v4, v5;
	[tilespmem:$0x12B40] =	vst v62  }
0x10e: {  	v44 =	vsel vm6, v4, v5;
	[tilespmem:$0x12B50] =	vst v63  }
0x10f: {  	v45 =	vsel vm7, v4, v5;
	[tilespmem:$0x12B60] =	vst v44  }
0x110: {  	v46 =	vsel vm0, v6, v7;
	[tilespmem:$0x12B70] =	vst v45  }
0x111: {  	v47 =	vsel vm1, v6, v7;
	[tilespmem:$0x12B80] =	vst v46  }
0x112: {  	v48 =	vsel vm2, v6, v7;
	[tilespmem:$0x12B90] =	vst v47  }
0x113: {  	v49 =	vsel vm3, v6, v7;
	[tilespmem:$0x12BA0] =	vst v48  }
0x114: {  	v8 =	vsel vm2, v0, v1;
	[tilespmem:$0x12BB0] =	vst v49  }
0x115: {  	v9 =	vsel vm3, v0, v1;
	[tilespmem:$0x12A20] =	vst v8  }
0x116: {  	v50 =	vsel vm4, v6, v7;
	[tilespmem:$0x12A30] =	vst v9  }
0x117: {  	v51 =	vsel vm5, v6, v7;
	[tilespmem:$0x12BC0] =	vst v50  }
0x118: {  	v52 =	vsel vm6, v6, v7;
	[tilespmem:$0x12BD0] =	vst v51  }
0x119: {  	v53 =	vsel vm7, v6, v7;
	[tilespmem:$0x12BE0] =	vst v52  }
0x11a: {  	v54 =	vimm.s32 $0x10;
	v8 =	vsel vm4, v0, v1;
	[tilespmem:$0x12BF0] =	vst v53  }
0x11b: {  	v55 =	vimm.s32 $0x20;
	v9 =	vsel vm5, v0, v1;
	[tilespmem:$0x12A40] =	vst v8  }
0x11c: {  	v56 =	vimm.s32 $0x11;
	v8 =	vsel vm6, v0, v1;
	[tilespmem:$0x12A50] =	vst v9  }
0x11d: {  	v57 =	vimm.s32 $0x21;
	v0 =	vsel vm7, v0, v1;
	[tilespmem:$0x12A60] =	vst v8  }
0x11e: {  	v58 =	vimm.s32 $0x12;
	[tilespmem:$0x12A70] =	vst v0  }
0x11f: {  	v59 =	vimm.s32 $0x22;
	v0 =	vld.idx.msk [tilespmem:v54+s20+$0x0], $0xffff  }
0x120: {  	v60 =	vimm.s32 $0x13;
	v1 =	vld.idx.msk [tilespmem:v55+s20+$0x0], $0xffff  }
0x121: {  	v61 =	vimm.s32 $0x23;
	v2 =	vld.idx.msk [tilespmem:v56+s20+$0x0], $0xffff  }
0x122: {  	v3 =	vld.idx.msk [tilespmem:v57+s20+$0x0], $0xffff  }
0x123: {  	v4 =	vld.idx.msk [tilespmem:v58+s20+$0x0], $0xffff  }
0x124: {  	v5 =	vld.idx.msk [tilespmem:v59+s20+$0x0], $0xffff  }
0x125: {  	v6 =	vld.idx.msk [tilespmem:v60+s20+$0x0], $0xffff;
	v8 =	vsel vm0, v0, v1  }
0x126: {  	v7 =	vld.idx.msk [tilespmem:v61+s20+$0x0], $0xffff;
	v9 =	vsel vm1, v0, v1;
	[tilespmem:$0x12C00] =	vst v8  }
0x127: {  	v62 =	vsel vm0, v2, v3;
	[tilespmem:$0x12C10] =	vst v9  }
0x128: {  	v63 =	vsel vm1, v2, v3;
	[tilespmem:$0x12C80] =	vst v62  }
0x129: {  	v44 =	vsel vm2, v2, v3;
	[tilespmem:$0x12C90] =	vst v63  }
0x12a: {  	v45 =	vsel vm3, v2, v3;
	[tilespmem:$0x12CA0] =	vst v44  }
0x12b: {  	v46 =	vsel vm4, v2, v3;
	[tilespmem:$0x12CB0] =	vst v45  }
0x12c: {  	v47 =	vsel vm5, v2, v3;
	[tilespmem:$0x12CC0] =	vst v46  }
0x12d: {  	v48 =	vsel vm6, v2, v3;
	[tilespmem:$0x12CD0] =	vst v47  }
0x12e: {  	v49 =	vsel vm7, v2, v3;
	[tilespmem:$0x12CE0] =	vst v48  }
0x12f: {  	v50 =	vsel vm0, v4, v5;
	[tilespmem:$0x12CF0] =	vst v49  }
0x130: {  	v51 =	vsel vm1, v4, v5;
	[tilespmem:$0x12D00] =	vst v50  }
0x131: {  	v52 =	vsel vm2, v4, v5;
	[tilespmem:$0x12D10] =	vst v51  }
0x132: {  	v53 =	vsel vm3, v4, v5;
	[tilespmem:$0x12D20] =	vst v52  }
0x133: {  	v54 =	vsel vm4, v4, v5;
	[tilespmem:$0x12D30] =	vst v53  }
0x134: {  	v55 =	vsel vm5, v4, v5;
	[tilespmem:$0x12D40] =	vst v54  }
0x135: {  	v56 =	vsel vm6, v4, v5;
	[tilespmem:$0x12D50] =	vst v55  }
0x136: {  	v57 =	vsel vm7, v4, v5;
	[tilespmem:$0x12D60] =	vst v56  }
0x137: {  	v58 =	vsel vm0, v6, v7;
	[tilespmem:$0x12D70] =	vst v57  }
0x138: {  	v59 =	vsel vm1, v6, v7;
	[tilespmem:$0x12D80] =	vst v58  }
0x139: {  	v60 =	vsel vm2, v6, v7;
	[tilespmem:$0x12D90] =	vst v59  }
0x13a: {  	v61 =	vsel vm3, v6, v7;
	[tilespmem:$0x12DA0] =	vst v60  }
0x13b: {  	v4 =	vsel vm6, v6, v7;
	[tilespmem:$0x12DB0] =	vst v61  }
0x13c: {  	v5 =	vsel vm7, v6, v7;
	[tilespmem:$0x12DE0] =	vst v4  }
0x13d: {  	v8 =	vsel vm2, v0, v1;
	[tilespmem:$0x12DF0] =	vst v5  }
0x13e: {  	v9 =	vsel vm3, v0, v1;
	[tilespmem:$0x12C20] =	vst v8  }
0x13f: {  	v62 =	vsel vm4, v6, v7;
	[tilespmem:$0x12C30] =	vst v9  }
0x140: {  	v63 =	vsel vm5, v6, v7;
	[tilespmem:$0x12DC0] =	vst v62  }
0x141: {  	v6 =	vimm.s32 $0x14;
	v8 =	vsel vm4, v0, v1;
	[tilespmem:$0x12DD0] =	vst v63  }
0x142: {  	v7 =	vimm.s32 $0x24;
	v9 =	vsel vm5, v0, v1;
	[tilespmem:$0x12C40] =	vst v8  }
0x143: {  	v44 =	vimm.s32 $0x15;
	v8 =	vsel vm6, v0, v1;
	[tilespmem:$0x12C50] =	vst v9  }
0x144: {  	v45 =	vimm.s32 $0x25;
	v0 =	vsel vm7, v0, v1;
	[tilespmem:$0x12C60] =	vst v8  }
0x145: {  	v46 =	vimm.s32 $0x16;
	[tilespmem:$0x12C70] =	vst v0  }
0x146: {  	v47 =	vimm.s32 $0x26;
	v0 =	vld.idx.msk [tilespmem:v6+s20+$0x0], $0xffff  }
0x147: {  	v48 =	vimm.s32 $0x17;
	v1 =	vld.idx.msk [tilespmem:v7+s20+$0x0], $0xffff  }
0x148: {  	v49 =	vimm.s32 $0x27;
	v2 =	vld.idx.msk [tilespmem:v44+s20+$0x0], $0xffff  }
0x149: {  	v3 =	vld.idx.msk [tilespmem:v45+s20+$0x0], $0xffff  }
0x14a: {  	v4 =	vld.idx.msk [tilespmem:v46+s20+$0x0], $0xffff  }
0x14b: {  	v5 =	vld.idx.msk [tilespmem:v47+s20+$0x0], $0xffff  }
0x14c: {  	v6 =	vld.idx.msk [tilespmem:v48+s20+$0x0], $0xffff;
	v8 =	vsel vm0, v0, v1  }
0x14d: {  	v7 =	vld.idx.msk [tilespmem:v49+s20+$0x0], $0xffff;
	v9 =	vsel vm1, v0, v1;
	[tilespmem:$0x12E00] =	vst v8  }
0x14e: {  	v50 =	vsel vm0, v2, v3;
	[tilespmem:$0x12E10] =	vst v9  }
0x14f: {  	v51 =	vsel vm1, v2, v3;
	[tilespmem:$0x12E80] =	vst v50  }
0x150: {  	v52 =	vsel vm2, v2, v3;
	[tilespmem:$0x12E90] =	vst v51  }
0x151: {  	v53 =	vsel vm3, v2, v3;
	[tilespmem:$0x12EA0] =	vst v52  }
0x152: {  	v54 =	vsel vm4, v2, v3;
	[tilespmem:$0x12EB0] =	vst v53  }
0x153: {  	v55 =	vsel vm5, v2, v3;
	[tilespmem:$0x12EC0] =	vst v54  }
0x154: {  	v56 =	vsel vm6, v2, v3;
	[tilespmem:$0x12ED0] =	vst v55  }
0x155: {  	v57 =	vsel vm7, v2, v3;
	[tilespmem:$0x12EE0] =	vst v56  }
0x156: {  	v58 =	vsel vm0, v4, v5;
	[tilespmem:$0x12EF0] =	vst v57  }
0x157: {  	v59 =	vsel vm1, v4, v5;
	[tilespmem:$0x12F00] =	vst v58  }
0x158: {  	v60 =	vsel vm2, v4, v5;
	[tilespmem:$0x12F10] =	vst v59  }
0x159: {  	v61 =	vsel vm3, v4, v5;
	[tilespmem:$0x12F20] =	vst v60  }
0x15a: {  	v62 =	vsel vm4, v4, v5;
	[tilespmem:$0x12F30] =	vst v61  }
0x15b: {  	v63 =	vsel vm5, v4, v5;
	[tilespmem:$0x12F40] =	vst v62  }
0x15c: {  	v44 =	vsel vm6, v4, v5;
	[tilespmem:$0x12F50] =	vst v63  }
0x15d: {  	v45 =	vsel vm7, v4, v5;
	[tilespmem:$0x12F60] =	vst v44  }
0x15e: {  	v46 =	vsel vm0, v6, v7;
	[tilespmem:$0x12F70] =	vst v45  }
0x15f: {  	v47 =	vsel vm1, v6, v7;
	[tilespmem:$0x12F80] =	vst v46  }
0x160: {  	v48 =	vsel vm2, v6, v7;
	[tilespmem:$0x12F90] =	vst v47  }
0x161: {  	v49 =	vsel vm3, v6, v7;
	[tilespmem:$0x12FA0] =	vst v48  }
0x162: {  	v8 =	vsel vm2, v0, v1;
	[tilespmem:$0x12FB0] =	vst v49  }
0x163: {  	v9 =	vsel vm3, v0, v1;
	[tilespmem:$0x12E20] =	vst v8  }
0x164: {  	v50 =	vsel vm4, v6, v7;
	[tilespmem:$0x12E30] =	vst v9  }
0x165: {  	v51 =	vsel vm5, v6, v7;
	[tilespmem:$0x12FC0] =	vst v50  }
0x166: {  	v52 =	vsel vm6, v6, v7;
	[tilespmem:$0x12FD0] =	vst v51  }
0x167: {  	v53 =	vsel vm7, v6, v7;
	[tilespmem:$0x12FE0] =	vst v52  }
0x168: {  	p0 =	seq.s32 s26, $0x63;
	v8 =	vsel vm4, v0, v1;
	[tilespmem:$0x12FF0] =	vst v53  }
0x169: {  	s28 =	sshll.u32 @!p0 s26, $0xA;
	v9 =	vsel vm5, v0, v1;
	[tilespmem:$0x12E40] =	vst v8  }
0x16a: {  	s0 =	sadd.s32 @!p0 $0x400, s28;
	v8 =	vsel vm6, v0, v1;
	[tilespmem:$0x12E50] =	vst v9  }
0x16b: {  	s13 =	smul.u32 $0xA0000, s26;
	s0 =	sand.u32 @!p0 $0x3FC00, s0;
	v0 =	vsel vm7, v0, v1;
	[tilespmem:$0x12E60] =	vst v8  }
0x16c: {  	s31 =	simm.s32 @!p0 $0x80;
	s2 =	simm.s32 @!p0 $0xC800;
	s0 =	sshrl.u32 @!p0 s0, $0x2;
	[tilespmem:$0x12E70] =	vst v0  }
0x16d: {  	[tilespmem:s2], [sflag:$0x1] =	stream.indirect.gather @!p0 [hbm4b:s5+s31], $0x40, s0, s31, $0xb8;
	[tilespmem:$0x15828] =	vst v63  }
0x16e: {  	s2 =	sor.u32 s4, s13  }
0x16f: {  	s0 =	sshrl.u32 s2, $0x3  }
0x170: {  	s0 =	sadd.s32 s1, s0  }
0x171: {  	[hbm4b:s0+s10] =	stream.strided.scatter [tilespmem:s19], [sflag:$0x3], $0x2800, s11, s10, $0x38;
	[tilespmem:$0x15828] =	vst v63  }
0x172: {  	_ =	swait.ge [sflag:s21], $0x2000  }
0x173: {  	[sflag:s21] =	ssyncset.done $0x0  }
0x174: {  	s13 =	simm.s32 $0x0;
	s0 =	simm.s32 @!p1 $0x4;
	[sflag:s21] =	ssyncadd.s32 $0xFFFFE000  }
0x175: {  	v0 =	vadd.s32 s13, v10;
	_ =	swait.ge @!p1 [sflag:s0], $0x2800  }
0x176: {  	v44 =	vshll.u32 v0, $0x6;
	v57 =	vld [tilespmem:$0x1FF80]  }
0x177: {  	v54 =	vor.u32 v11, v44  }
0x178: {  	v45 =	vand.u32 $0x3C0, v44;
	v55 =	vor.u32 v13, v44;
	v59 =	vld [tilespmem:$0x1FF90]  }
0x179: {  	v56 =	vor.u32 v10, v45;
	v9 =	vld [tilespmem:$0x1FFD0]  }
0x17a: {  	v60 =	vadd.s32 s13, v18;
	v58 =	vor.u32 v17, v44;
	[sflag:s0] =	ssyncset.done @!p1 $0x0  }
0x17b: {  	v61 =	vadd.s32 s13, v21;
	v63 =	vadd.s32 s13, v23;
	[sflag:s0] =	ssyncadd.s32 @!p1 $0xFFFFD800;
	v4 =	vor.u32 v57, v45  }
0x17c: {  	v6 =	vand.u32 $0x7, v0;
	v8 =	vor.u32 v20, v0;
	v47 =	vor.u32 v15, v44;
	v1 =	vld.idx.msk [tilespmem:v54+s17+$0x0], $0xffff  }
0x17d: {  	v46 =	vand.u32 $0x388, v60;
	v48 =	vor.u32 v19, v6;
	v2 =	vld.idx.msk [tilespmem:v55+s17+$0x0], $0xffff;
	v7 =	vor.u32 v59, v45  }
0x17e: {  	v8 =	vand.u32 $0x398, v8;
	v49 =	vor.u32 v46, v48;
	v3 =	vld.idx.msk [tilespmem:v56+s17+$0x0], $0xffff;
	v9 =	vor.u32 v9, v45  }
0x17f: {  	v62 =	vor.u32 v22, v0;
	v53 =	vand.u32 $0x3A8, v61;
	v52 =	vor.u32 v8, v48;
	v5 =	vld.idx.msk [tilespmem:v58+s17+$0x0], $0xffff  }
0x180: {  	v60 =	vadd.s32 s13, v25;
	v50 =	vor.u32 v53, v48;
	v54 =	vand.u32 $0x3B8, v62;
	v4 =	vld.idx.msk [tilespmem:v4+s17+$0x0], $0xffff  }
0x181: {  	v55 =	vor.u32 v24, v0;
	v62 =	vand.u32 $0x3C8, v63;
	v47 =	vld.idx.msk [tilespmem:v47+s17+$0x0], $0xffff;
	v56 =	vor.u32 v54, v48  }
0x182: {  	v0 =	vor.u32 v26, v0;
	v51 =	vor.u32 v62, v48;
	v55 =	vand.u32 $0x3D8, v55;
	v7 =	vld.idx.msk [tilespmem:v7+s17+$0x0], $0xffff  }
0x183: {  	v58 =	vand.u32 $0x3E8, v60;
	v61 =	vor.u32 v55, v48;
	v9 =	vld.idx.msk [tilespmem:v9+s17+$0x0], $0xffff;
	[tilespmem:v49+s22+$0x0] =	vst.idx.msk $0xffff, v3  }
0x184: {  	v63 =	vor.u32 v58, v48;
	v0 =	vand.u32 $0x3F8, v0;
	[tilespmem:v52+s22+$0x0] =	vst.idx.msk $0xffff, v1  }
0x185: {  	v49 =	vor.u32 v0, v48;
	[tilespmem:v50+s22+$0x0] =	vst.idx.msk $0xffff, v4  }
0x186: {  	v50 =	vor.u32 v29, v45;
	[tilespmem:v56+s22+$0x0] =	vst.idx.msk $0xffff, v2  }
0x187: {  	v52 =	vor.u32 v27, v45;
	[tilespmem:v51+s22+$0x0] =	vst.idx.msk $0xffff, v7  }
0x188: {  	v56 =	vor.u32 v30, v44;
	[tilespmem:v61+s22+$0x0] =	vst.idx.msk $0xffff, v47  }
0x189: {  	v51 =	vor.u32 v28, v44;
	[tilespmem:v63+s22+$0x0] =	vst.idx.msk $0xffff, v9  }
0x18a: {  	v57 =	vor.u32 v31, v45;
	[tilespmem:v49+s22+$0x0] =	vst.idx.msk $0xffff, v5  }
0x18b: {  	v59 =	vor.u32 v32, v44;
	v2 =	vld.idx.msk [tilespmem:v50+s17+$0x0], $0xffff  }
0x18c: {  	v60 =	vor.u32 v34, v44;
	v48 =	vor.u32 v35, v6;
	v3 =	vld.idx.msk [tilespmem:v52+s17+$0x0], $0xffff  }
0x18d: {  	v61 =	vor.u32 v46, v48;
	v9 =	vor.u32 v33, v45;
	v1 =	vld.idx.msk [tilespmem:v56+s17+$0x0], $0xffff  }
0x18e: {  	v63 =	vor.u32 v8, v48;
	v7 =	vld.idx.msk [tilespmem:v51+s17+$0x0], $0xffff  }
0x18f: {  	v4 =	vld.idx.msk [tilespmem:v57+s17+$0x0], $0xffff;
	v51 =	vor.u32 v53, v48  }
0x190: {  	v5 =	vld.idx.msk [tilespmem:v59+s17+$0x0], $0xffff;
	v52 =	vor.u32 v54, v48  }
0x191: {  	v47 =	vld.idx.msk [tilespmem:v60+s17+$0x0], $0xffff;
	v60 =	vor.u32 v62, v48  }
0x192: {  	v9 =	vld.idx.msk [tilespmem:v9+s17+$0x0], $0xffff;
	[tilespmem:v61+s22+$0x0] =	vst.idx.msk $0xffff, v3;
	v61 =	vor.u32 v55, v48  }
0x193: {  	[tilespmem:v63+s22+$0x0] =	vst.idx.msk $0xffff, v7;
	v63 =	vor.u32 v58, v48  }
0x194: {  	v48 =	vor.u32 v0, v48;
	[tilespmem:v51+s22+$0x0] =	vst.idx.msk $0xffff, v2  }
0x195: {  	v49 =	vor.u32 v38, v45;
	[tilespmem:v52+s22+$0x0] =	vst.idx.msk $0xffff, v1  }
0x196: {  	v50 =	vor.u32 v37, v44;
	[tilespmem:v60+s22+$0x0] =	vst.idx.msk $0xffff, v4  }
0x197: {  	v51 =	vor.u32 v36, v45;
	[tilespmem:v61+s22+$0x0] =	vst.idx.msk $0xffff, v5;
	v61 =	vld [tilespmem:$0x1FFA0]  }
0x198: {  	v52 =	vor.u32 v39, v44;
	[tilespmem:v63+s22+$0x0] =	vst.idx.msk $0xffff, v9  }
0x199: {  	v56 =	vor.u32 v40, v45;
	[tilespmem:v48+s22+$0x0] =	vst.idx.msk $0xffff, v47  }
0x19a: {  	v57 =	vor.u32 v41, v44;
	v1 =	vld.idx.msk [tilespmem:v49+s17+$0x0], $0xffff  }
0x19b: {  	v59 =	vor.u32 v42, v45;
	v4 =	vld.idx.msk [tilespmem:v50+s17+$0x0], $0xffff  }
0x19c: {  	v3 =	vld.idx.msk [tilespmem:v51+s17+$0x0], $0xffff;
	v48 =	vor.u32 v61, v6  }
0x19d: {  	v9 =	vor.u32 v43, v44;
	v5 =	vld.idx.msk [tilespmem:v52+s17+$0x0], $0xffff;
	v63 =	vor.u32 v46, v48  }
0x19e: {  	v2 =	vld.idx.msk [tilespmem:v56+s17+$0x0], $0xffff;
	v50 =	vor.u32 v8, v48  }
0x19f: {  	v7 =	vld.idx.msk [tilespmem:v57+s17+$0x0], $0xffff;
	v51 =	vor.u32 v53, v48  }
0x1a0: {  	v47 =	vld.idx.msk [tilespmem:v59+s17+$0x0], $0xffff;
	v60 =	vor.u32 v54, v48  }
0x1a1: {  	v52 =	vld [tilespmem:$0x1FFB0];
	v61 =	vor.u32 v62, v48  }
0x1a2: {  	v9 =	vld.idx.msk [tilespmem:v9+s17+$0x0], $0xffff;
	[tilespmem:v63+s22+$0x0] =	vst.idx.msk $0xffff, v3;
	v63 =	vor.u32 v55, v48  }
0x1a3: {  	v57 =	vld [tilespmem:$0x1FFC0];
	v49 =	vor.u32 v58, v48;
	[tilespmem:v50+s22+$0x0] =	vst.idx.msk $0xffff, v4  }
0x1a4: {  	v59 =	vld [tilespmem:$0x1FF40];
	v50 =	vor.u32 v0, v48;
	[tilespmem:v51+s22+$0x0] =	vst.idx.msk $0xffff, v1  }
0x1a5: {  	v51 =	vor.u32 v14, v45;
	[tilespmem:v60+s22+$0x0] =	vst.idx.msk $0xffff, v5;
	v60 =	vld [tilespmem:$0x1FF50]  }
0x1a6: {  	[tilespmem:v61+s22+$0x0] =	vst.idx.msk $0xffff, v2;
	v2 =	vor.u32 v52, v44;
	v61 =	vld [tilespmem:$0x1FF70]  }
0x1a7: {  	v56 =	vor.u32 v12, v45;
	[tilespmem:v63+s22+$0x0] =	vst.idx.msk $0xffff, v7;
	v63 =	vld [tilespmem:$0x1FF60]  }
0x1a8: {  	v4 =	vor.u32 v57, v44;
	[tilespmem:v49+s22+$0x0] =	vst.idx.msk $0xffff, v47  }
0x1a9: {  	v1 =	vor.u32 v59, v45;
	[tilespmem:v50+s22+$0x0] =	vst.idx.msk $0xffff, v9  }
0x1aa: {  	v48 =	vld.idx.msk [tilespmem:v51+s17+$0x0], $0xffff;
	v5 =	vor.u32 v60, v44  }
0x1ab: {  	v47 =	vld.idx.msk [tilespmem:v2+s17+$0x0], $0xffff;
	v2 =	vor.u32 v61, v44  }
0x1ac: {  	v57 =	vld.idx.msk [tilespmem:v56+s17+$0x0], $0xffff;
	v3 =	vor.u32 v63, v45  }
0x1ad: {  	v50 =	vld.idx.msk [tilespmem:v4+s17+$0x0], $0xffff;
	v4 =	vor.u32 v16, v6  }
0x1ae: {  	v49 =	vld.idx.msk [tilespmem:v1+s17+$0x0], $0xffff;
	v60 =	vor.u32 v46, v4  }
0x1af: {  	v45 =	vor.u32 v8, v4;
	v51 =	vld.idx.msk [tilespmem:v5+s17+$0x0], $0xffff  }
0x1b0: {  	v56 =	vor.u32 v58, v4;
	v58 =	vor.u32 v0, v4;
	v59 =	vor.u32 v53, v4;
	v61 =	vld.idx.msk [tilespmem:v2+s17+$0x0], $0xffff  }
0x1b1: {  	s29 =	sor.u32 $0x1, s29;
	s30 =	sand.u32 $0x7C00, s30;
	s31 =	simm.s32 $0x1;
	v52 =	vor.u32 v54, v4;
	v44 =	vor.u32 v55, v4;
	v63 =	vor.u32 v62, v4;
	v62 =	vld.idx.msk [tilespmem:v3+s17+$0x0], $0xffff  }
.LBB2_5:
0x1b2: {  	_ = 	snop  }
0x1b3: {  	[tilespmem:v60+s22+$0x0] =	vst.idx.msk $0xffff, v57;
	s0 =	smov.u32 s31  }
0x1b4: {  	v5 =	vld [tilespmem:$0x1FF80];
	v0 =	vadd.s32 s0, v10;
	[tilespmem:v45+s22+$0x0] =	vst.idx.msk $0xffff, v47  }
0x1b5: {  	v57 =	vshll.u32 v0, $0x6;
	[tilespmem:v59+s22+$0x0] =	vst.idx.msk $0xffff, v48  }
0x1b6: {  	v46 =	vld [tilespmem:$0x1FF90];
	v2 =	vor.u32 v11, v57;
	[tilespmem:v52+s22+$0x0] =	vst.idx.msk $0xffff, v50  }
0x1b7: {  	v7 =	vld [tilespmem:$0x1FFD0];
	v3 =	vor.u32 v13, v57;
	v59 =	vand.u32 $0x3C0, v57;
	[tilespmem:v63+s22+$0x0] =	vst.idx.msk $0xffff, v49  }
0x1b8: {  	v4 =	vor.u32 v10, v59;
	[tilespmem:v44+s22+$0x0] =	vst.idx.msk $0xffff, v51  }
0x1b9: {  	v55 =	vadd.s32 s0, v18;
	v5 =	vor.u32 v5, v59;
	[tilespmem:v56+s22+$0x0] =	vst.idx.msk $0xffff, v62  }
0x1ba: {  	v60 =	vadd.s32 s0, v25;
	v1 =	vor.u32 v20, v0;
	v8 =	vor.u32 v17, v57;
	[tilespmem:v58+s22+$0x0] =	vst.idx.msk $0xffff, v61  }
0x1bb: {  	v6 =	vor.u32 v15, v57;
	v47 =	vand.u32 $0x7, v0;
	v46 =	vor.u32 v46, v59;
	v2 =	vld.idx.msk [tilespmem:v2+s17+$0x0], $0xffff  }
0x1bc: {  	v9 =	vor.u32 v19, v47;
	v48 =	vand.u32 $0x388, v55;
	v7 =	vor.u32 v7, v59;
	v3 =	vld.idx.msk [tilespmem:v3+s17+$0x0], $0xffff  }
0x1bd: {  	v1 =	vand.u32 $0x398, v1;
	v49 =	vor.u32 v48, v9;
	v56 =	vadd.s32 s0, v21;
	v4 =	vld.idx.msk [tilespmem:v4+s17+$0x0], $0xffff  }
0x1be: {  	v50 =	vor.u32 v1, v9;
	v44 =	vor.u32 v22, v0;
	v61 =	vand.u32 $0x3A8, v56;
	v5 =	vld.idx.msk [tilespmem:v5+s17+$0x0], $0xffff  }
0x1bf: {  	v62 =	vand.u32 $0x3B8, v44;
	v58 =	vadd.s32 s0, v23;
	v8 =	vld.idx.msk [tilespmem:v8+s17+$0x0], $0xffff;
	v52 =	vor.u32 v61, v9  }
0x1c0: {  	v45 =	vor.u32 v24, v0;
	v53 =	vor.u32 v62, v9;
	v51 =	vld.idx.msk [tilespmem:v46+s17+$0x0], $0xffff;
	v63 =	vand.u32 $0x3C8, v58  }
0x1c1: {  	v0 =	vor.u32 v26, v0;
	v44 =	vand.u32 $0x3D8, v45;
	v7 =	vld.idx.msk [tilespmem:v7+s17+$0x0], $0xffff;
	v54 =	vor.u32 v63, v9  }
0x1c2: {  	v6 =	vld.idx.msk [tilespmem:v6+s17+$0x0], $0xffff;
	[tilespmem:v49+s22+$0x0] =	vst.idx.msk $0xffff, v4;
	v4 =	vor.u32 v44, v9;
	v49 =	vand.u32 $0x3E8, v60  }
0x1c3: {  	v0 =	vand.u32 $0x3F8, v0;
	[tilespmem:v50+s22+$0x0] =	vst.idx.msk $0xffff, v2;
	v2 =	vor.u32 v49, v9  }
0x1c4: {  	v50 =	vor.u32 v0, v9;
	[tilespmem:v52+s22+$0x0] =	vst.idx.msk $0xffff, v5  }
0x1c5: {  	v52 =	vor.u32 v29, v59;
	[tilespmem:v53+s22+$0x0] =	vst.idx.msk $0xffff, v3  }
0x1c6: {  	v9 =	vor.u32 v28, v57;
	[tilespmem:v54+s22+$0x0] =	vst.idx.msk $0xffff, v51  }
0x1c7: {  	v53 =	vor.u32 v27, v59;
	[tilespmem:v4+s22+$0x0] =	vst.idx.msk $0xffff, v6  }
0x1c8: {  	v55 =	vor.u32 v31, v59;
	[tilespmem:v2+s22+$0x0] =	vst.idx.msk $0xffff, v7  }
0x1c9: {  	v54 =	vor.u32 v30, v57;
	[tilespmem:v50+s22+$0x0] =	vst.idx.msk $0xffff, v8  }
0x1ca: {  	v6 =	vor.u32 v32, v57;
	v3 =	vld.idx.msk [tilespmem:v52+s17+$0x0], $0xffff  }
0x1cb: {  	v8 =	vor.u32 v33, v59;
	v50 =	vor.u32 v35, v47;
	v7 =	vld.idx.msk [tilespmem:v9+s17+$0x0], $0xffff  }
0x1cc: {  	v4 =	vld.idx.msk [tilespmem:v53+s17+$0x0], $0xffff;
	v9 =	vor.u32 v34, v57;
	v51 =	vor.u32 v48, v50  }
0x1cd: {  	v5 =	vld.idx.msk [tilespmem:v55+s17+$0x0], $0xffff;
	v52 =	vor.u32 v1, v50  }
0x1ce: {  	v53 =	vor.u32 v61, v50;
	v2 =	vld.idx.msk [tilespmem:v54+s17+$0x0], $0xffff  }
0x1cf: {  	v54 =	vor.u32 v62, v50;
	v6 =	vld.idx.msk [tilespmem:v6+s17+$0x0], $0xffff  }
0x1d0: {  	v55 =	vor.u32 v63, v50;
	v8 =	vld.idx.msk [tilespmem:v8+s17+$0x0], $0xffff  }
0x1d1: {  	v9 =	vld.idx.msk [tilespmem:v9+s17+$0x0], $0xffff;
	[tilespmem:v51+s22+$0x0] =	vst.idx.msk $0xffff, v4;
	v51 =	vor.u32 v44, v50  }
0x1d2: {  	[tilespmem:v52+s22+$0x0] =	vst.idx.msk $0xffff, v7;
	v52 =	vor.u32 v49, v50  }
0x1d3: {  	[tilespmem:v53+s22+$0x0] =	vst.idx.msk $0xffff, v3;
	v53 =	vor.u32 v0, v50  }
0x1d4: {  	[tilespmem:v54+s22+$0x0] =	vst.idx.msk $0xffff, v2;
	v54 =	vor.u32 v38, v59  }
0x1d5: {  	v50 =	vor.u32 v37, v57;
	[tilespmem:v55+s22+$0x0] =	vst.idx.msk $0xffff, v5;
	v55 =	vld [tilespmem:$0x1FFA0]  }
0x1d6: {  	[tilespmem:v51+s22+$0x0] =	vst.idx.msk $0xffff, v6;
	v51 =	vor.u32 v36, v59  }
0x1d7: {  	[tilespmem:v52+s22+$0x0] =	vst.idx.msk $0xffff, v8;
	v52 =	vor.u32 v39, v57  }
0x1d8: {  	v8 =	vor.u32 v43, v57;
	[tilespmem:v53+s22+$0x0] =	vst.idx.msk $0xffff, v9  }
0x1d9: {  	v53 =	vor.u32 v40, v59;
	v2 =	vld.idx.msk [tilespmem:v54+s17+$0x0], $0xffff  }
0x1da: {  	v46 =	vor.u32 v16, v47;
	v9 =	vor.u32 v42, v59;
	v5 =	vld.idx.msk [tilespmem:v50+s17+$0x0], $0xffff;
	v47 =	vor.u32 v55, v47  }
0x1db: {  	v60 =	vor.u32 v48, v46;
	v54 =	vor.u32 v41, v57;
	v4 =	vld.idx.msk [tilespmem:v51+s17+$0x0], $0xffff;
	v48 =	vor.u32 v48, v47  }
0x1dc: {  	v45 =	vor.u32 v1, v46;
	v1 =	vor.u32 v1, v47;
	v6 =	vld.idx.msk [tilespmem:v52+s17+$0x0], $0xffff  }
0x1dd: {  	v50 =	vor.u32 v61, v47;
	v8 =	vld.idx.msk [tilespmem:v8+s17+$0x0], $0xffff  }
0x1de: {  	v51 =	vor.u32 v62, v47;
	v3 =	vld.idx.msk [tilespmem:v53+s17+$0x0], $0xffff  }
0x1df: {  	v52 =	vor.u32 v63, v47;
	v9 =	vld.idx.msk [tilespmem:v9+s17+$0x0], $0xffff  }
0x1e0: {  	v7 =	vld.idx.msk [tilespmem:v54+s17+$0x0], $0xffff;
	[tilespmem:v48+s22+$0x0] =	vst.idx.msk $0xffff, v4;
	v48 =	vor.u32 v44, v47  }
0x1e1: {  	v53 =	vor.u32 v49, v47;
	[tilespmem:v1+s22+$0x0] =	vst.idx.msk $0xffff, v5  }
0x1e2: {  	v58 =	vor.u32 v0, v46;
	v0 =	vor.u32 v0, v47;
	[tilespmem:v50+s22+$0x0] =	vst.idx.msk $0xffff, v2  }
0x1e3: {  	v54 =	vor.u32 v14, v59;
	[tilespmem:v51+s22+$0x0] =	vst.idx.msk $0xffff, v6  }
0x1e4: {  	[tilespmem:v52+s22+$0x0] =	vst.idx.msk $0xffff, v3  }
0x1e5: {  	v50 =	vld [tilespmem:$0x1FFB0];
	[tilespmem:v48+s22+$0x0] =	vst.idx.msk $0xffff, v7  }
0x1e6: {  	v51 =	vld [tilespmem:$0x1FFC0];
	[tilespmem:v53+s22+$0x0] =	vst.idx.msk $0xffff, v9  }
0x1e7: {  	v53 =	vld [tilespmem:$0x1FF50];
	[tilespmem:v0+s22+$0x0] =	vst.idx.msk $0xffff, v8  }
0x1e8: {  	v48 =	vld.idx.msk [tilespmem:v54+s17+$0x0], $0xffff  }
0x1e9: {  	v55 =	vor.u32 v12, v59;
	v54 =	vld [tilespmem:$0x1FF70];
	_ =	sdelay $0x2  }
0x1ea: {  	v52 =	vld [tilespmem:$0x1FF40]  }
0x1eb: {  	v5 =	vor.u32 v50, v57  }
0x1ec: {  	v1 =	vor.u32 v51, v57;
	v2 =	vor.u32 v53, v57;
	v4 =	vor.u32 v54, v57;
	v57 =	vld.idx.msk [tilespmem:v55+s17+$0x0], $0xffff  }
0x1ed: {  	v55 =	vld [tilespmem:$0x1FF60];
	_ =	sdelay $0x1  }
0x1ee: {  	v0 =	vor.u32 v52, v59;
	_ =	sdelay $0x2  }
0x1ef: {  	p1 =	sne.s32 s31, $0xF;
	v47 =	vld.idx.msk [tilespmem:v5+s17+$0x0], $0xffff;
	v3 =	vor.u32 v55, v59  }
.Ltmp1:
0x1f0: {  	v50 =	vld.idx.msk [tilespmem:v1+s17+$0x0], $0xffff;
	(pc) =	sbr.rel @p1 .LBB2_5-.Ltmp1, $4  }
0x1f1: {  	v56 =	vor.u32 v49, v46;
	v49 =	vld.idx.msk [tilespmem:v0+s17+$0x0], $0xffff  }
0x1f2: {  	v51 =	vld.idx.msk [tilespmem:v2+s17+$0x0], $0xffff  }
0x1f3: {  	v59 =	vor.u32 v61, v46;
	v61 =	vld.idx.msk [tilespmem:v4+s17+$0x0], $0xffff  }
0x1f4: {  	s31 =	sadd.s32 $0x1, s31;
	v63 =	vor.u32 v63, v46;
	v44 =	vor.u32 v44, v46;
	v52 =	vor.u32 v62, v46;
	v62 =	vld.idx.msk [tilespmem:v3+s17+$0x0], $0xffff  }
0x1f5: {  	_ =	sdelay $0x3  }
0x1f6: {  	[tilespmem:v60+s22+$0x0] =	vst.idx.msk $0xffff, v57  }
0x1f7: {  	[tilespmem:v45+s22+$0x0] =	vst.idx.msk $0xffff, v47  }
0x1f8: {  	[tilespmem:v59+s22+$0x0] =	vst.idx.msk $0xffff, v48  }
0x1f9: {  	v10 =	vimm.s32 $0x9;
	[tilespmem:v52+s22+$0x0] =	vst.idx.msk $0xffff, v50  }
0x1fa: {  	[tilespmem:v63+s22+$0x0] =	vst.idx.msk $0xffff, v49  }
0x1fb: {  	[tilespmem:v44+s22+$0x0] =	vst.idx.msk $0xffff, v51  }
0x1fc: {  	s0 =	sshll.u32 s29, $0x7;
	[tilespmem:v56+s22+$0x0] =	vst.idx.msk $0xffff, v62  }
0x1fd: {  	s0 =	sand.u32 $0x380, s0;
	[tilespmem:v58+s22+$0x0] =	vst.idx.msk $0xffff, v61  }
0x1fe: {  	s0 =	sadd.s32 s0, s30;
	v44 =	vld.idx.msk [tilespmem:v10+s20+$0x0], $0xffff;
	v10 =	vimm.s32 $0x19  }
0x1ff: {  	v0 =	vld [tilespmem:s0+$0x6400]  }
0x200: {  	v1 =	vld [tilespmem:s0+$0x6410]  }
0x201: {  	v8 =	vimm.s32 $0x8;
	v2 =	vld [tilespmem:s0+$0x6420]  }
0x202: {  	v9 =	vimm.s32 $0x18;
	v3 =	vld [tilespmem:s0+$0x6430]  }
0x203: {  	v45 =	vld.idx.msk [tilespmem:v10+s20+$0x0], $0xffff;
	v10 =	vimm.s32 $0xA  }
0x204: {  	v4 =	vld [tilespmem:s0+$0x6440]  }
0x205: {  	v5 =	vld [tilespmem:s0+$0x6450]  }
0x206: {  	v8 =	vld.idx.msk [tilespmem:v8+s20+$0x0], $0xffff;
	vm0 =	veq.s32 v0, $0x0;
	v0 =	vimm.s32 $0xB  }
0x207: {  	v9 =	vld.idx.msk [tilespmem:v9+s20+$0x0], $0xffff;
	vm1 =	veq.s32 v1, $0x0;
	v1 =	vimm.s32 $0x1B  }
0x208: {  	v46 =	vld.idx.msk [tilespmem:v10+s20+$0x0], $0xffff;
	v10 =	vimm.s32 $0x1A  }
0x209: {  	v6 =	vld [tilespmem:s0+$0x6460]  }
0x20a: {  	v7 =	vld [tilespmem:s0+$0x6470]  }
0x20b: {  	v0 =	vld.idx.msk [tilespmem:v0+s20+$0x0], $0xffff  }
0x20c: {  	vm2 =	veq.s32 v2, $0x0;
	v2 =	vsel vm1, v8, v9;
	v1 =	vld.idx.msk [tilespmem:v1+s20+$0x0], $0xffff  }
0x20d: {  	vm3 =	veq.s32 v3, $0x0;
	v3 =	vsel vm2, v8, v9;
	v47 =	vld.idx.msk [tilespmem:v10+s20+$0x0], $0xffff;
	[tilespmem:$0x15010] =	vst v2  }
0x20e: {  	vm4 =	veq.s32 v4, $0x0;
	v2 =	vsel vm3, v8, v9;
	[tilespmem:$0x15020] =	vst v3  }
0x20f: {  	vm5 =	veq.s32 v5, $0x0;
	v3 =	vsel vm4, v8, v9;
	[tilespmem:$0x15030] =	vst v2  }
0x210: {  	vm6 =	veq.s32 v6, $0x0;
	v2 =	vsel vm5, v8, v9;
	[tilespmem:$0x15040] =	vst v3  }
0x211: {  	vm7 =	veq.s32 v7, $0x0;
	v3 =	vsel vm6, v8, v9;
	[tilespmem:$0x15050] =	vst v2  }
0x212: {  	v2 =	vsel vm7, v8, v9;
	[tilespmem:$0x15060] =	vst v3  }
0x213: {  	v3 =	vsel vm1, v44, v45;
	[tilespmem:$0x15070] =	vst v2  }
0x214: {  	v2 =	vsel vm0, v44, v45;
	[tilespmem:$0x15090] =	vst v3  }
0x215: {  	v3 =	vsel vm3, v44, v45;
	[tilespmem:$0x15080] =	vst v2  }
0x216: {  	v2 =	vsel vm2, v44, v45;
	[tilespmem:$0x150B0] =	vst v3  }
0x217: {  	v3 =	vsel vm5, v44, v45;
	[tilespmem:$0x150A0] =	vst v2  }
0x218: {  	v2 =	vsel vm4, v44, v45;
	[tilespmem:$0x150D0] =	vst v3  }
0x219: {  	v3 =	vsel vm7, v44, v45;
	[tilespmem:$0x150C0] =	vst v2  }
0x21a: {  	v2 =	vsel vm6, v44, v45;
	[tilespmem:$0x150F0] =	vst v3  }
0x21b: {  	v3 =	vsel vm1, v46, v47;
	[tilespmem:$0x150E0] =	vst v2  }
0x21c: {  	v2 =	vsel vm0, v46, v47;
	[tilespmem:$0x15110] =	vst v3  }
0x21d: {  	v3 =	vsel vm3, v46, v47;
	[tilespmem:$0x15100] =	vst v2  }
0x21e: {  	v2 =	vsel vm2, v46, v47;
	[tilespmem:$0x15130] =	vst v3  }
0x21f: {  	v3 =	vsel vm5, v46, v47;
	[tilespmem:$0x15120] =	vst v2  }
0x220: {  	v2 =	vsel vm4, v46, v47;
	[tilespmem:$0x15150] =	vst v3  }
0x221: {  	v3 =	vsel vm7, v46, v47;
	[tilespmem:$0x15140] =	vst v2  }
0x222: {  	v2 =	vsel vm6, v46, v47;
	[tilespmem:$0x15170] =	vst v3  }
0x223: {  	v3 =	vsel vm1, v0, v1;
	[tilespmem:$0x15160] =	vst v2  }
0x224: {  	v2 =	vsel vm0, v0, v1;
	[tilespmem:$0x15190] =	vst v3  }
0x225: {  	v3 =	vsel vm3, v0, v1;
	[tilespmem:$0x15180] =	vst v2  }
0x226: {  	v2 =	vsel vm2, v0, v1;
	[tilespmem:$0x151B0] =	vst v3  }
0x227: {  	v3 =	vsel vm5, v0, v1;
	[tilespmem:$0x151A0] =	vst v2;
	v2 =	vsel vm4, v0, v1  }
0x228: {  	[tilespmem:$0x151C0] =	vst v2;
	v2 =	vsel vm6, v0, v1;
	v0 =	vsel vm7, v0, v1;
	v1 =	vimm.s32 $0x1C  }
0x229: {  	v63 =	vsel vm0, v8, v9;
	[tilespmem:$0x151F0] =	vst v0;
	v0 =	vimm.s32 $0xC  }
0x22a: {  	v4 =	vimm.s32 $0xE;
	[tilespmem:$0x15000] =	vst v63  }
0x22b: {  	v5 =	vimm.s32 $0x1E;
	[tilespmem:$0x151D0] =	vst v3  }
0x22c: {  	v6 =	vimm.s32 $0xF;
	[tilespmem:$0x151E0] =	vst v2  }
0x22d: {  	v7 =	vimm.s32 $0x1F;
	v1 =	vld.idx.msk [tilespmem:v1+s20+$0x0], $0xffff  }
0x22e: {  	v3 =	vimm.s32 $0x1D;
	v0 =	vld.idx.msk [tilespmem:v0+s20+$0x0], $0xffff  }
0x22f: {  	v2 =	vimm.s32 $0xD;
	v4 =	vld.idx.msk [tilespmem:v4+s20+$0x0], $0xffff  }
0x230: {  	v5 =	vld.idx.msk [tilespmem:v5+s20+$0x0], $0xffff  }
0x231: {  	v6 =	vld.idx.msk [tilespmem:v6+s20+$0x0], $0xffff  }
0x232: {  	v7 =	vld.idx.msk [tilespmem:v7+s20+$0x0], $0xffff  }
0x233: {  	v3 =	vld.idx.msk [tilespmem:v3+s20+$0x0], $0xffff;
	v8 =	vsel vm0, v0, v1  }
0x234: {  	v2 =	vld.idx.msk [tilespmem:v2+s20+$0x0], $0xffff;
	v9 =	vsel vm1, v0, v1;
	[tilespmem:$0x15200] =	vst v8  }
0x235: {  	v8 =	vsel vm2, v0, v1;
	[tilespmem:$0x15210] =	vst v9  }
0x236: {  	v9 =	vsel vm3, v0, v1;
	[tilespmem:$0x15220] =	vst v8  }
0x237: {  	v8 =	vsel vm4, v0, v1;
	[tilespmem:$0x15230] =	vst v9  }
0x238: {  	v9 =	vsel vm5, v0, v1;
	[tilespmem:$0x15240] =	vst v8;
	v8 =	vsel vm6, v0, v1;
	v0 =	vsel vm7, v0, v1  }
0x239: {  	v1 =	vsel vm1, v2, v3;
	[tilespmem:$0x15270] =	vst v0  }
0x23a: {  	v0 =	vsel vm0, v2, v3;
	[tilespmem:$0x15290] =	vst v1  }
0x23b: {  	v1 =	vsel vm3, v2, v3;
	[tilespmem:$0x15280] =	vst v0  }
0x23c: {  	v0 =	vsel vm2, v2, v3;
	[tilespmem:$0x152B0] =	vst v1  }
0x23d: {  	v1 =	vsel vm5, v2, v3;
	[tilespmem:$0x152A0] =	vst v0  }
0x23e: {  	v0 =	vsel vm4, v2, v3;
	[tilespmem:$0x152D0] =	vst v1  }
0x23f: {  	v1 =	vsel vm7, v2, v3;
	[tilespmem:$0x152C0] =	vst v0  }
0x240: {  	v0 =	vsel vm6, v2, v3;
	[tilespmem:$0x152F0] =	vst v1  }
0x241: {  	v1 =	vsel vm1, v4, v5;
	[tilespmem:$0x152E0] =	vst v0  }
0x242: {  	v0 =	vsel vm0, v4, v5;
	[tilespmem:$0x15310] =	vst v1  }
0x243: {  	v1 =	vsel vm3, v4, v5;
	[tilespmem:$0x15300] =	vst v0  }
0x244: {  	v0 =	vsel vm2, v4, v5;
	[tilespmem:$0x15330] =	vst v1  }
0x245: {  	v1 =	vsel vm5, v4, v5;
	[tilespmem:$0x15320] =	vst v0  }
0x246: {  	v0 =	vsel vm4, v4, v5;
	[tilespmem:$0x15350] =	vst v1  }
0x247: {  	v1 =	vsel vm7, v4, v5;
	[tilespmem:$0x15340] =	vst v0  }
0x248: {  	v0 =	vsel vm6, v4, v5;
	[tilespmem:$0x15370] =	vst v1  }
0x249: {  	v1 =	vsel vm1, v6, v7;
	[tilespmem:$0x15360] =	vst v0  }
0x24a: {  	v0 =	vsel vm0, v6, v7;
	[tilespmem:$0x15390] =	vst v1  }
0x24b: {  	v1 =	vsel vm3, v6, v7;
	[tilespmem:$0x15380] =	vst v0  }
0x24c: {  	v0 =	vsel vm2, v6, v7;
	[tilespmem:$0x153B0] =	vst v1  }
0x24d: {  	v1 =	vsel vm5, v6, v7;
	[tilespmem:$0x153A0] =	vst v0  }
0x24e: {  	v0 =	vsel vm4, v6, v7;
	[tilespmem:$0x153D0] =	vst v1  }
0x24f: {  	v1 =	vsel vm7, v6, v7;
	[tilespmem:$0x153C0] =	vst v0  }
0x250: {  	v0 =	vsel vm6, v6, v7;
	[tilespmem:$0x153F0] =	vst v1;
	v1 =	vimm.s32 $0x20  }
0x251: {  	[tilespmem:$0x153E0] =	vst v0;
	v0 =	vimm.s32 $0x10  }
0x252: {  	v2 =	vimm.s32 $0x11  }
0x253: {  	[tilespmem:$0x15250] =	vst v9;
	v3 =	vimm.s32 $0x21  }
0x254: {  	[tilespmem:$0x15260] =	vst v8;
	v4 =	vimm.s32 $0x12  }
0x255: {  	v5 =	vimm.s32 $0x22;
	v1 =	vld.idx.msk [tilespmem:v1+s20+$0x0], $0xffff  }
0x256: {  	v6 =	vimm.s32 $0x13;
	v0 =	vld.idx.msk [tilespmem:v0+s20+$0x0], $0xffff  }
0x257: {  	v7 =	vimm.s32 $0x23;
	v2 =	vld.idx.msk [tilespmem:v2+s20+$0x0], $0xffff  }
0x258: {  	v3 =	vld.idx.msk [tilespmem:v3+s20+$0x0], $0xffff  }
0x259: {  	v4 =	vld.idx.msk [tilespmem:v4+s20+$0x0], $0xffff  }
0x25a: {  	v5 =	vld.idx.msk [tilespmem:v5+s20+$0x0], $0xffff  }
0x25b: {  	v6 =	vld.idx.msk [tilespmem:v6+s20+$0x0], $0xffff;
	v8 =	vsel vm0, v0, v1  }
0x25c: {  	v7 =	vld.idx.msk [tilespmem:v7+s20+$0x0], $0xffff;
	v9 =	vsel vm1, v0, v1;
	[tilespmem:$0x15400] =	vst v8  }
0x25d: {  	v8 =	vsel vm2, v0, v1;
	[tilespmem:$0x15410] =	vst v9  }
0x25e: {  	v9 =	vsel vm3, v0, v1;
	[tilespmem:$0x15420] =	vst v8  }
0x25f: {  	v8 =	vsel vm4, v0, v1;
	[tilespmem:$0x15430] =	vst v9  }
0x260: {  	v9 =	vsel vm5, v0, v1;
	[tilespmem:$0x15440] =	vst v8;
	v8 =	vsel vm6, v0, v1;
	v0 =	vsel vm7, v0, v1  }
0x261: {  	v1 =	vsel vm1, v2, v3;
	[tilespmem:$0x15470] =	vst v0  }
0x262: {  	v0 =	vsel vm0, v2, v3;
	[tilespmem:$0x15490] =	vst v1  }
0x263: {  	v1 =	vsel vm3, v2, v3;
	[tilespmem:$0x15480] =	vst v0  }
0x264: {  	v0 =	vsel vm2, v2, v3;
	[tilespmem:$0x154B0] =	vst v1  }
0x265: {  	v1 =	vsel vm5, v2, v3;
	[tilespmem:$0x154A0] =	vst v0  }
0x266: {  	v0 =	vsel vm4, v2, v3;
	[tilespmem:$0x154D0] =	vst v1  }
0x267: {  	v1 =	vsel vm7, v2, v3;
	[tilespmem:$0x154C0] =	vst v0  }
0x268: {  	v0 =	vsel vm6, v2, v3;
	[tilespmem:$0x154F0] =	vst v1  }
0x269: {  	v1 =	vsel vm1, v4, v5;
	[tilespmem:$0x154E0] =	vst v0  }
0x26a: {  	v0 =	vsel vm0, v4, v5;
	[tilespmem:$0x15510] =	vst v1  }
0x26b: {  	v1 =	vsel vm3, v4, v5;
	[tilespmem:$0x15500] =	vst v0  }
0x26c: {  	v0 =	vsel vm2, v4, v5;
	[tilespmem:$0x15530] =	vst v1  }
0x26d: {  	v1 =	vsel vm5, v4, v5;
	[tilespmem:$0x15520] =	vst v0  }
0x26e: {  	v0 =	vsel vm4, v4, v5;
	[tilespmem:$0x15550] =	vst v1  }
0x26f: {  	v1 =	vsel vm7, v4, v5;
	[tilespmem:$0x15540] =	vst v0  }
0x270: {  	v0 =	vsel vm6, v4, v5;
	[tilespmem:$0x15570] =	vst v1  }
0x271: {  	v1 =	vsel vm1, v6, v7;
	[tilespmem:$0x15560] =	vst v0  }
0x272: {  	v0 =	vsel vm0, v6, v7;
	[tilespmem:$0x15590] =	vst v1  }
0x273: {  	v1 =	vsel vm3, v6, v7;
	[tilespmem:$0x15580] =	vst v0  }
0x274: {  	v0 =	vsel vm2, v6, v7;
	[tilespmem:$0x155B0] =	vst v1  }
0x275: {  	v1 =	vsel vm5, v6, v7;
	[tilespmem:$0x155A0] =	vst v0  }
0x276: {  	v0 =	vsel vm4, v6, v7;
	[tilespmem:$0x155D0] =	vst v1  }
0x277: {  	v1 =	vsel vm7, v6, v7;
	[tilespmem:$0x155C0] =	vst v0  }
0x278: {  	v0 =	vsel vm6, v6, v7;
	[tilespmem:$0x155F0] =	vst v1;
	v1 =	vimm.s32 $0x24  }
0x279: {  	[tilespmem:$0x155E0] =	vst v0;
	v0 =	vimm.s32 $0x14  }
0x27a: {  	v2 =	vimm.s32 $0x15  }
0x27b: {  	[tilespmem:$0x15450] =	vst v9;
	v3 =	vimm.s32 $0x25  }
0x27c: {  	[tilespmem:$0x15460] =	vst v8;
	v4 =	vimm.s32 $0x16  }
0x27d: {  	v5 =	vimm.s32 $0x26;
	v1 =	vld.idx.msk [tilespmem:v1+s20+$0x0], $0xffff  }
0x27e: {  	v6 =	vimm.s32 $0x17;
	v0 =	vld.idx.msk [tilespmem:v0+s20+$0x0], $0xffff  }
0x27f: {  	v7 =	vimm.s32 $0x27;
	v2 =	vld.idx.msk [tilespmem:v2+s20+$0x0], $0xffff  }
0x280: {  	v3 =	vld.idx.msk [tilespmem:v3+s20+$0x0], $0xffff  }
0x281: {  	v4 =	vld.idx.msk [tilespmem:v4+s20+$0x0], $0xffff  }
0x282: {  	v5 =	vld.idx.msk [tilespmem:v5+s20+$0x0], $0xffff  }
0x283: {  	v6 =	vld.idx.msk [tilespmem:v6+s20+$0x0], $0xffff;
	v8 =	vsel vm0, v0, v1  }
0x284: {  	v7 =	vld.idx.msk [tilespmem:v7+s20+$0x0], $0xffff;
	v9 =	vsel vm1, v0, v1;
	[tilespmem:$0x15600] =	vst v8  }
0x285: {  	v8 =	vsel vm2, v0, v1;
	[tilespmem:$0x15610] =	vst v9  }
0x286: {  	v9 =	vsel vm3, v0, v1;
	[tilespmem:$0x15620] =	vst v8  }
0x287: {  	v8 =	vsel vm4, v0, v1;
	[tilespmem:$0x15630] =	vst v9  }
0x288: {  	v9 =	vsel vm5, v0, v1;
	[tilespmem:$0x15640] =	vst v8  }
0x289: {  	v8 =	vsel vm6, v0, v1;
	[tilespmem:$0x15650] =	vst v9  }
0x28a: {  	v0 =	vsel vm7, v0, v1;
	[tilespmem:$0x15660] =	vst v8  }
0x28b: {  	v1 =	vsel vm1, v2, v3;
	[tilespmem:$0x15670] =	vst v0  }
0x28c: {  	v0 =	vsel vm0, v2, v3;
	[tilespmem:$0x15690] =	vst v1  }
0x28d: {  	v1 =	vsel vm3, v2, v3;
	[tilespmem:$0x15680] =	vst v0  }
0x28e: {  	v0 =	vsel vm2, v2, v3;
	[tilespmem:$0x156B0] =	vst v1  }
0x28f: {  	v1 =	vsel vm5, v2, v3;
	[tilespmem:$0x156A0] =	vst v0  }
0x290: {  	v0 =	vsel vm4, v2, v3;
	[tilespmem:$0x156D0] =	vst v1  }
0x291: {  	v1 =	vsel vm7, v2, v3;
	[tilespmem:$0x156C0] =	vst v0  }
0x292: {  	v0 =	vsel vm6, v2, v3;
	[tilespmem:$0x156F0] =	vst v1  }
0x293: {  	v1 =	vsel vm1, v4, v5;
	[tilespmem:$0x156E0] =	vst v0  }
0x294: {  	v0 =	vsel vm0, v4, v5;
	[tilespmem:$0x15710] =	vst v1  }
0x295: {  	v1 =	vsel vm3, v4, v5;
	[tilespmem:$0x15700] =	vst v0  }
0x296: {  	v0 =	vsel vm2, v4, v5;
	[tilespmem:$0x15730] =	vst v1  }
0x297: {  	v1 =	vsel vm5, v4, v5;
	[tilespmem:$0x15720] =	vst v0  }
0x298: {  	v0 =	vsel vm4, v4, v5;
	[tilespmem:$0x15750] =	vst v1  }
0x299: {  	v1 =	vsel vm7, v4, v5;
	[tilespmem:$0x15740] =	vst v0  }
0x29a: {  	v0 =	vsel vm6, v4, v5;
	[tilespmem:$0x15770] =	vst v1  }
0x29b: {  	v1 =	vsel vm1, v6, v7;
	[tilespmem:$0x15760] =	vst v0  }
0x29c: {  	v0 =	vsel vm0, v6, v7;
	[tilespmem:$0x15790] =	vst v1  }
0x29d: {  	v1 =	vsel vm3, v6, v7;
	[tilespmem:$0x15780] =	vst v0  }
0x29e: {  	v0 =	vsel vm2, v6, v7;
	[tilespmem:$0x157B0] =	vst v1  }
0x29f: {  	v1 =	vsel vm5, v6, v7;
	[tilespmem:$0x157A0] =	vst v0  }
0x2a0: {  	v0 =	vsel vm4, v6, v7;
	[tilespmem:$0x157D0] =	vst v1  }
0x2a1: {  	s0 =	sadd.s32 @!p0 $0x600, s28;
	v45 =	vmov v11;
	v11 =	vld [tilespmem:$0x1FF40];
	v1 =	vsel vm7, v6, v7;
	[tilespmem:$0x157C0] =	vst v0  }
0x2a2: {  	s2 =	simm.s32 @!p0 $0x80;
	s0 =	sand.u32 @!p0 $0x3FE00, s0;
	v9 =	vld [tilespmem:$0x1FFC0];
	v0 =	vsel vm6, v6, v7;
	[tilespmem:$0x157F0] =	vst v1  }
0x2a3: {  	s13 =	simm.s32 @!p0 $0xE800;
	s26 =	sadd.s32 $0x1, s26;
	s0 =	sshrl.u32 @!p0 s0, $0x2;
	v8 =	vld [tilespmem:$0x1FFB0];
	[tilespmem:$0x157E0] =	vst v0  }
0x2a4: {  	v2 =	vld [tilespmem:$0x1FF80];
	[tilespmem:s13], [sflag:$0x2] =	stream.indirect.gather @!p0 [hbm4b:s5+s2], $0x40, s0, s2, $0xb8  }
0x2a5: {  	s30 =	smul.u32 $0x50000, s29;
	v3 =	vmov v13;
	v13 =	vld [tilespmem:$0x1FF50];
	p0 =	sne.s32 s26, $0x64  }
.Ltmp2:
0x2a6: {  	v4 =	vld [tilespmem:$0x1FF90];
	(pc) =	sbr.rel @p0 .LBB2_2-.Ltmp2, $4  }
0x2a7: {  	s31 =	sor.u32 s4, s30;
	v5 =	vmov v15;
	v15 =	vld [tilespmem:$0x1FF60]  }
0x2a8: {  	v6 =	vld [tilespmem:$0x1FFD0];
	s0 =	sshrl.u32 s31, $0x3  }
0x2a9: {  	v7 =	vld [tilespmem:$0x1FFA0];
	s0 =	sadd.s32 s1, s0  }
0x2aa: {  	v1 =	vld [tilespmem:$0x1FF70];
	v0 =	vlaneseq.u32;
	[hbm4b:s0+s10] =	stream.strided.scatter [tilespmem:s22], [sflag:$0x4], $0x2800, s11, s10, $0x38  }
0x2ab: {  	s25 =	sadd.s32 $0x1, s25  }
0x2ac: {  	_ =	swait.ge [sflag:s23], $0x2800;
	p0 =	sne.s32 s25, s9  }
.Ltmp3:
0x2ad: {  	[sflag:s23] =	ssyncset.done $0x0;
	(pc) =	sbr.rel @p0 .LBB2_1-.Ltmp3, $4  }
0x2ae: {  	[sflag:s23] =	ssyncadd.s32 $0xFFFFD800  }
0x2af: {  	_ =	swait.ge [sflag:s24], $0x2800  }
0x2b0: {  	[sflag:s24] =	ssyncset.done $0x0  }
0x2b1: {  	[sflag:s24] =	ssyncadd.s32 $0xFFFFD800  }
0x2b2: {  	_ =	sfence.sel $0x180000  }
0x2b3: {  	[bflag:$0x0] =	sbarrier.arrive $0xFFFF  }
0x2b4: {  	_ =	strace $0x90000047  }
0x2b5: {  	s0 =	stileid.u32;
	[bflag:$0x2] =	sbarrier.arrive $0xFFFF  }
0x2b6: {  	p0 =	sne.s32 s0, $0x0;
	s0 =	rddreg [dreg:$0x4]  }
0x2b7: {  	s0 =	sadd.s32 @!p0 $0x100000, s0  }
0x2b8: {  	[sflag:s0] =	ssyncadd.tile.s32 @!p0 $0x1;
	_ =	shalt  }
.Lfunc_end2:
_tile_overlayer_lowered:
.L_overlay_start_2:
0x2b9: {  	(tag) =	ssettag $0x2  }
0x2ba: {  	s0 =	rddreg [dreg:$0x0];
	s2 =	stileid.u32  }
0x2bb: {  	s1 =	rddreg [dreg:$0x1];
	p0 =	sne.s32 s2, $0x0  }
0x2bc: {  	s3 =	rddreg [dreg:$0x2];
	[bflag:$0x3] =	sbarrier.arrive $0xFFFF;
	s2 =	simm.s32 @!p0 $0x1C05  }
0x2bd: {  	[timem:s3], [sflag:s2] =	dma.local @!p0 [hbm:s0], s1  }
0x2be: {  	s0 =	simm.s32 @!p0 $0x5  }
0x2bf: {  	_ =	swait.ge @!p0 [sflag:s0], s1  }
0x2c0: {  	s1 =	ssub.s32 @!p0 $0x0, s1;
	[sflag:s0] =	ssyncset.done @!p0 $0x0  }
0x2c1: {  	[sflag:s0] =	ssyncadd.s32 @!p0 s1  }
0x2c2: {  	[bflag:$0x3] =	sbarrier.arrive $0xFFFF  }
0x2c3: {  	_ =	shalt  }

</sc_bundles>
